<compile_context>
chip_gen: v7x
topology: tpu7x:2x2x1
jax: 0.10.2.dev20260603
libtpu: 0.0.44.dev20260713+nightly
codegen_flags: <defaults>
</compile_context>

<pallas_src>
import jax
import jax.numpy as jnp
from jax import lax
from jax.experimental import pallas as pl
from jax.experimental.pallas import tpu as pltpu
from jax.experimental.pallas import tpu_sc as plsc

NC = 2
NS = 16
NW = NC * NS
G = 64
GZ = 32
CW = 64
LANES = 16


def _make_sc_agg(with_deg, n_pad, d, K):
    RT = n_pad // NS
    P = d // CW

    def body(*refs):
        h_hbms = refs[0:P]
        srcw_hbm, dstw_hbm = refs[P], refs[P + 1]
        agg_hbms = refs[P + 2:2 * P + 2]
        k = 2 * P + 2
        if with_deg:
            deg_hbm = refs[k]
            k += 1
        src_v, dst_v, gbuf, zbuf = refs[k:k + 4]
        k += 4
        if with_deg:
            ones_v, zdeg_v = refs[k:k + 2]
            k += 2
        agg_sp = refs[k]
        k += 1
        if with_deg:
            deg_sp = refs[k]
            k += 1
        gsem = refs[k]

        c = lax.axis_index("c")
        s = lax.axis_index("s")
        w = c * NS + s

        pltpu.sync_copy(srcw_hbm.at[w], src_v)
        pltpu.sync_copy(dstw_hbm.at[w], dst_v)

        def zrow(r, carry):
            for j in range(CW // LANES):
                zbuf[r, pl.ds(j * LANES, LANES)] = jnp.zeros((LANES,), jnp.float32)
            return carry
        lax.fori_loop(0, GZ, zrow, 0)
        if with_deg:
            def zdrow(r, carry):
                zdeg_v[pl.ds(r * LANES, LANES)] = jnp.zeros((LANES,), jnp.float32)
                return carry
            lax.fori_loop(0, RT // LANES, zdrow, 0)

            def orow(r, carry):
                ones_v[pl.ds(r * LANES, LANES)] = jnp.ones((LANES,), jnp.float32)
                return carry
            lax.fori_loop(0, G // LANES, orow, 0)

        for j in range(P):
            h_hbm = h_hbms[j]
            agg_hbm = agg_hbms[j]
            deg_pass = with_deg and j == 0

            for t in range(RT // GZ):
                pltpu.sync_copy(zbuf, agg_sp.at[pl.ds(s * RT + t * GZ, GZ)])
            if deg_pass:
                pltpu.sync_copy(zdeg_v, deg_sp.at[pl.ds(s * RT, RT)])
            plsc.subcore_barrier()

            pltpu.async_copy(h_hbm.at[src_v.at[0]], gbuf.at[0], gsem)

            def step(i, carry):
                pltpu.async_copy(h_hbm.at[src_v.at[i + 1]],
                                 gbuf.at[lax.rem(i + 1, 2)], gsem)
                pltpu.make_async_copy(h_hbm.at[src_v.at[i]],
                                      gbuf.at[lax.rem(i, 2)], gsem).wait()
                pltpu.sync_copy(gbuf.at[lax.rem(i, 2)],
                                agg_sp.at[dst_v.at[i]], add=True)
                if deg_pass:
                    pltpu.sync_copy(ones_v, deg_sp.at[dst_v.at[i]], add=True)
                return carry
            lax.fori_loop(0, K - 1, step, 0)
            last = K - 1
            pltpu.make_async_copy(h_hbm.at[src_v.at[last]],
                                  gbuf.at[lax.rem(last, 2)], gsem).wait()
            pltpu.sync_copy(gbuf.at[lax.rem(last, 2)],
                            agg_sp.at[dst_v.at[last]], add=True)
            if deg_pass:
                pltpu.sync_copy(ones_v, deg_sp.at[dst_v.at[last]], add=True)

            plsc.subcore_barrier()
            pltpu.sync_copy(agg_sp.at[pl.ds(s * RT, RT)],
                            agg_hbm.at[c, pl.ds(s * RT, RT)])
            if deg_pass:
                pltpu.sync_copy(deg_sp.at[pl.ds(s * RT, RT)],
                                deg_hbm.at[c, pl.ds(s * RT, RT)])

    out_type = [jax.ShapeDtypeStruct((NC, n_pad, CW), jnp.float32)
                for _ in range(P)]
    if with_deg:
        out_type.append(jax.ShapeDtypeStruct((NC, n_pad), jnp.float32))
    scratch = [
        pltpu.VMEM((K, G), jnp.int32),
        pltpu.VMEM((K, G), jnp.int32),
        pltpu.VMEM((2, G, CW), jnp.float32),
        pltpu.VMEM((GZ, CW), jnp.float32),
    ]
    if with_deg:
        scratch.append(pltpu.VMEM((G,), jnp.float32))
        scratch.append(pltpu.VMEM((RT,), jnp.float32))
    scratch.append(pltpu.VMEM_SHARED((n_pad, CW), jnp.float32))
    if with_deg:
        scratch.append(pltpu.VMEM_SHARED((n_pad,), jnp.float32))
    scratch.append(pltpu.SemaphoreType.DMA)

    mesh = plsc.VectorSubcoreMesh(core_axis_name="c", subcore_axis_name="s",
                                  num_cores=NC, num_subcores=NS)
    return pl.kernel(
        body, out_type=out_type, mesh=mesh, scratch_types=scratch,
        compiler_params=pltpu.CompilerParams(use_tc_tiling_on_sc=False))


def _tc_combine(h_slabs, agg_slabs, deg3, wst, wnt, brow, relu, split_out,
                n_pad, d):
    BN = 2048
    grid = (n_pad // BN,)
    nh = len(h_slabs)
    P = len(agg_slabs)

    def body(*refs):
        h_refs = refs[0:nh]
        agg_refs = refs[nh:nh + P]
        deg_ref, ws_ref, wn_ref, b_ref = refs[nh + P:nh + P + 4]
        out_refs = refs[nh + P + 4:]

        if nh == 1:
            h = h_refs[0][...]
        else:
            h = jnp.concatenate([r[...] for r in h_refs], axis=1)
        deg = deg_ref[0]
        for q in range(1, NC):
            deg = deg + deg_ref[q]
        scale = 1.0 / jnp.maximum(deg, 1.0)
        parts = []
        for j in range(P):
            a = agg_refs[j][0]
            for q in range(1, NC):
                a = a + agg_refs[j][q]
            parts.append(a)
        hn = jnp.concatenate(parts, axis=1) * scale
        acc = (jnp.dot(h, ws_ref[...], preferred_element_type=jnp.float32)
               + jnp.dot(hn, wn_ref[...], preferred_element_type=jnp.float32)
               + b_ref[...])
        if relu:
            acc = jnp.maximum(acc, 0.0)
        if split_out:
            for j in range(P):
                out_refs[j][...] = acc[:, j * CW:(j + 1) * CW]
        else:
            out_refs[0][...] = acc

    h_specs = [pl.BlockSpec((BN, a.shape[1]), lambda i: (i, 0)) for a in h_slabs]
    agg_specs = [pl.BlockSpec((NC, BN, CW), lambda i: (0, i, 0))
                 for _ in range(P)]
    rest_specs = [
        pl.BlockSpec((NC, BN, 1), lambda i: (0, i, 0)),
        pl.BlockSpec((d, d), lambda i: (0, 0)),
        pl.BlockSpec((d, d), lambda i: (0, 0)),
        pl.BlockSpec((1, d), lambda i: (0, 0)),
    ]
    if split_out:
        out_shape = [jax.ShapeDtypeStruct((n_pad, CW), jnp.float32)
                     for _ in range(P)]
        out_specs = [pl.BlockSpec((BN, CW), lambda i: (i, 0)) for _ in range(P)]
    else:
        out_shape = [jax.ShapeDtypeStruct((n_pad, d), jnp.float32)]
        out_specs = [pl.BlockSpec((BN, d), lambda i: (i, 0))]

    outs = pl.pallas_call(
        body,
        grid=grid,
        in_specs=h_specs + agg_specs + rest_specs,
        out_specs=out_specs,
        out_shape=out_shape,
    )(*h_slabs, *agg_slabs, deg3, wst, wnt, brow)
    return outs


def kernel(inputs, edge_index, W_self1, W_neigh1, b1, W_self2, W_neigh2, b2):
    n, d = inputs.shape
    e = edge_index.shape[1]
    chunk_rows = NS * GZ
    n_pad = ((n + chunk_rows - 1) // chunk_rows) * chunk_rows
    ew = ((e + NW * G - 1) // (NW * G)) * G
    K = ew // G
    e_pad = ew * NW
    P = d // CW

    src = edge_index[0]
    dst = edge_index[1]
    if e_pad > e:
        pad_dst = min(n, n_pad - 1)
        src = jnp.concatenate([src, jnp.zeros((e_pad - e,), jnp.int32)])
        dst = jnp.concatenate([dst, jnp.full((e_pad - e,), pad_dst, jnp.int32)])
    srcw = src.reshape(NW, K, G)
    dstw = dst.reshape(NW, K, G)

    h0 = inputs
    if n_pad > n:
        h0 = jnp.concatenate([inputs, jnp.zeros((n_pad - n, d), jnp.float32)])
    x_slabs = [h0[:, j * CW:(j + 1) * CW] for j in range(P)]

    sc_agg_deg = _make_sc_agg(True, n_pad, d, K)
    sc_agg = _make_sc_agg(False, n_pad, d, K)

    *agg1, deg = sc_agg_deg(*x_slabs, srcw, dstw)
    deg3 = deg[..., None]
    h1_slabs = _tc_combine([h0], agg1, deg3, W_self1.T, W_neigh1.T, b1[None, :],
                           True, True, n_pad, d)
    agg2 = sc_agg(*h1_slabs, srcw, dstw)
    (out,) = _tc_combine(h1_slabs, agg2, deg3, W_self2.T, W_neigh2.T,
                         b2[None, :], False, False, n_pad, d)
    return out[:n]

# --- scband reference (transcript-rebuilt; emitter-appended) ---
"""Pipeline reference for scband-sage-6571299963288 (READ-ONLY COPY).

The authoritative reference and input builder live on the scoring server;
editing this copy changes nothing except your own understanding.
"""

import jax, jax.numpy as jnp
import numpy as np

N = 10000
E = 320000
D_IN = 128
D_HID = 128
D_OUT = 128


def setup_inputs(seed: int = 0) -> dict:
    key = jax.random.key(seed)
    ks = jax.random.split(key, 9)
    x = jax.random.normal(ks[0], (N, D_IN), dtype=jnp.float32)
    edge_index = jax.random.randint(ks[1], (2, E), 0, N, dtype=jnp.int32)
    s1 = 1.0 / np.sqrt(D_IN)
    s2 = 1.0 / np.sqrt(D_HID)
    W_self1 = jax.random.normal(ks[2], (D_HID, D_IN), dtype=jnp.float32) * s1
    W_neigh1 = jax.random.normal(ks[3], (D_HID, D_IN), dtype=jnp.float32) * s1
    b1 = jnp.zeros((D_HID,), dtype=jnp.float32)
    W_self2 = jax.random.normal(ks[4], (D_OUT, D_HID), dtype=jnp.float32) * s2
    W_neigh2 = jax.random.normal(ks[5], (D_OUT, D_HID), dtype=jnp.float32) * s2
    b2 = jnp.zeros((D_OUT,), dtype=jnp.float32)
    return {"inputs": x, "edge_index": edge_index,
            "W_self1": W_self1, "W_neigh1": W_neigh1, "b1": b1,
            "W_self2": W_self2, "W_neigh2": W_neigh2, "b2": b2}


def _sage_conv(h, src, dst, W_self, W_neigh, b):
    # DGL SAGEConv with aggregator_type='mean':
    # rst = fc_self(h_dst) + fc_neigh(mean_{u in N(v)} h_u)
    msg = jnp.take(h, src, axis=0)
    agg = jax.ops.segment_sum(msg, dst, num_segments=N)
    deg = jax.ops.segment_sum(jnp.ones((src.shape[0],), dtype=h.dtype), dst, num_segments=N)
    h_neigh = agg / jnp.clip(deg, 1.0)[:, None]
    return h @ W_self.T + h_neigh @ W_neigh.T + b


def reference(inputs, edge_index, W_self1, W_neigh1, b1, W_self2, W_neigh2, b2):
    src = edge_index[0]
    dst = edge_index[1]
    h = _sage_conv(inputs, src, dst, W_self1, W_neigh1, b1)
    h = jax.nn.relu(h)
    h = _sage_conv(h, src, dst, W_self2, W_neigh2, b2)
    return h

if __name__ == "__main__":
    import jax
    _d = setup_inputs()
    print(jax.jit(kernel)(*tuple(_d.values())))

</pallas_src>

<mosaic_0001>
#map = affine_map<(d0, d1) -> (0, 0)>
#map1 = affine_map<(d0, d1) -> (0, 0, 0)>
module attributes {stable_mosaic.version = 14 : i64} {
  func.func @body(%arg0: i32, %arg1: i32, %arg2: memref<10240x64xf32, #tpu.memory_space<hbm>>, %arg3: memref<10240x64xf32, #tpu.memory_space<hbm>>, %arg4: memref<32x157x64xi32, #tpu.memory_space<hbm>>, %arg5: memref<32x157x64xi32, #tpu.memory_space<hbm>>, %arg6: memref<2x10240x64xf32, #tpu.memory_space<hbm>>, %arg7: memref<2x10240x64xf32, #tpu.memory_space<hbm>>, %arg8: memref<157x64xi32, #tpu.memory_space<vmem>>, %arg9: memref<157x64xi32, #tpu.memory_space<vmem>>, %arg10: memref<2x64x64xf32, #tpu.memory_space<vmem>>, %arg11: memref<32x64xf32, #tpu.memory_space<vmem>>, %arg12: memref<10240x64xf32, #tpu.memory_space<vmem_shared>>, %arg13: memref<!tpu.dma_semaphore, #tpu.memory_space<semaphore_mem>>) attributes {dimension_semantics = [#tpu.dimension_semantics<core_parallel>, #tpu.dimension_semantics<subcore_parallel>], iteration_bounds = array<i64: 2, 16>, scalar_prefetch = 0 : i64, scratch_operands = 6 : i64, tpu.core_type = #tpu.core_type<sc_vector_subcore>, window_params = [{transform_indices = #map}, {transform_indices = #map}, {transform_indices = #map1}, {transform_indices = #map1}, {transform_indices = #map1}, {transform_indices = #map1}]} {
    %mul3A = arith.constant 16 : i32
    %mul3A_0 = arith.muli %arg0, %mul3A : i32
    %add3A = arith.addi %mul3A_0, %arg1 : i32
    "tpu.region"() ({
      %run_scoped3A_245 = tpu.sem_alloc : memref<!tpu.dma_semaphore, #tpu.memory_space<semaphore_mem>>
      %dma_start3A_246 = arith.constant 0 : i32
      %dma_start3A_247 = arith.constant 0 : i32
      %dma_start3A_248 = tpu.memref_slice %arg4[%add3A, %dma_start3A_246, %dma_start3A_247] : memref<32x157x64xi32, #tpu.memory_space<hbm>> -> memref<1x157x64xi32, #tpu.memory_space<hbm>>
      %dma_start3A_249 = tpu.memref_squeeze %dma_start3A_248 : memref<1x157x64xi32, #tpu.memory_space<hbm>> -> memref<157x64xi32, #tpu.memory_space<hbm>>
      %dma_start3A_250 = arith.constant 0 : i32
      %dma_start3A_251 = arith.constant 0 : i32
      %dma_start3A_252 = tpu.memref_slice %arg4[%add3A, %dma_start3A_250, %dma_start3A_251] : memref<32x157x64xi32, #tpu.memory_space<hbm>> -> memref<1x157x64xi32, #tpu.memory_space<hbm>>
      %dma_start3A_253 = tpu.memref_squeeze %dma_start3A_252 : memref<1x157x64xi32, #tpu.memory_space<hbm>> -> memref<157x64xi32, #tpu.memory_space<hbm>>
      tpu.enqueue_dma source(%dma_start3A_253 : memref<157x64xi32, #tpu.memory_space<hbm>>) target(%arg8 : memref<157x64xi32, #tpu.memory_space<vmem>>) target_semaphore(%run_scoped3A_245 : memref<!tpu.dma_semaphore, #tpu.memory_space<semaphore_mem>>)
      %dma_wait3A_254 = arith.constant 0 : i32
      %dma_wait3A_255 = arith.constant 0 : i32
      %dma_wait3A_256 = tpu.memref_slice %arg4[%add3A, %dma_wait3A_254, %dma_wait3A_255] : memref<32x157x64xi32, #tpu.memory_space<hbm>> -> memref<1x157x64xi32, #tpu.memory_space<hbm>>
      %dma_wait3A_257 = tpu.memref_squeeze %dma_wait3A_256 : memref<1x157x64xi32, #tpu.memory_space<hbm>> -> memref<157x64xi32, #tpu.memory_space<hbm>>
      %dma_wait3A_258 = arith.constant 0 : i32
      %dma_wait3A_259 = arith.constant 0 : i32
      %dma_wait3A_260 = tpu.memref_slice %arg4[%add3A, %dma_wait3A_258, %dma_wait3A_259] : memref<32x157x64xi32, #tpu.memory_space<hbm>> -> memref<1x157x64xi32, #tpu.memory_space<hbm>>
      %dma_wait3A_261 = tpu.memref_squeeze %dma_wait3A_260 : memref<1x157x64xi32, #tpu.memory_space<hbm>> -> memref<157x64xi32, #tpu.memory_space<hbm>>
      tpu.wait_dma2 semaphore(%run_scoped3A_245 : memref<!tpu.dma_semaphore, #tpu.memory_space<semaphore_mem>>) src(%dma_wait3A_261 : memref<157x64xi32, #tpu.memory_space<hbm>>) dst(%arg8 : memref<157x64xi32, #tpu.memory_space<vmem>>)
      tpu.yield
    }) : () -> ()
    "tpu.region"() ({
      %run_scoped3A_245 = tpu.sem_alloc : memref<!tpu.dma_semaphore, #tpu.memory_space<semaphore_mem>>
      %dma_start3A_246 = arith.constant 0 : i32
      %dma_start3A_247 = arith.constant 0 : i32
      %dma_start3A_248 = tpu.memref_slice %arg5[%add3A, %dma_start3A_246, %dma_start3A_247] : memref<32x157x64xi32, #tpu.memory_space<hbm>> -> memref<1x157x64xi32, #tpu.memory_space<hbm>>
      %dma_start3A_249 = tpu.memref_squeeze %dma_start3A_248 : memref<1x157x64xi32, #tpu.memory_space<hbm>> -> memref<157x64xi32, #tpu.memory_space<hbm>>
      %dma_start3A_250 = arith.constant 0 : i32
      %dma_start3A_251 = arith.constant 0 : i32
      %dma_start3A_252 = tpu.memref_slice %arg5[%add3A, %dma_start3A_250, %dma_start3A_251] : memref<32x157x64xi32, #tpu.memory_space<hbm>> -> memref<1x157x64xi32, #tpu.memory_space<hbm>>
      %dma_start3A_253 = tpu.memref_squeeze %dma_start3A_252 : memref<1x157x64xi32, #tpu.memory_space<hbm>> -> memref<157x64xi32, #tpu.memory_space<hbm>>
      tpu.enqueue_dma source(%dma_start3A_253 : memref<157x64xi32, #tpu.memory_space<hbm>>) target(%arg9 : memref<157x64xi32, #tpu.memory_space<vmem>>) target_semaphore(%run_scoped3A_245 : memref<!tpu.dma_semaphore, #tpu.memory_space<semaphore_mem>>)
      %dma_wait3A_254 = arith.constant 0 : i32
      %dma_wait3A_255 = arith.constant 0 : i32
      %dma_wait3A_256 = tpu.memref_slice %arg5[%add3A, %dma_wait3A_254, %dma_wait3A_255] : memref<32x157x64xi32, #tpu.memory_space<hbm>> -> memref<1x157x64xi32, #tpu.memory_space<hbm>>
      %dma_wait3A_257 = tpu.memref_squeeze %dma_wait3A_256 : memref<1x157x64xi32, #tpu.memory_space<hbm>> -> memref<157x64xi32, #tpu.memory_space<hbm>>
      %dma_wait3A_258 = arith.constant 0 : i32
      %dma_wait3A_259 = arith.constant 0 : i32
      %dma_wait3A_260 = tpu.memref_slice %arg5[%add3A, %dma_wait3A_258, %dma_wait3A_259] : memref<32x157x64xi32, #tpu.memory_space<hbm>> -> memref<1x157x64xi32, #tpu.memory_space<hbm>>
      %dma_wait3A_261 = tpu.memref_squeeze %dma_wait3A_260 : memref<1x157x64xi32, #tpu.memory_space<hbm>> -> memref<157x64xi32, #tpu.memory_space<hbm>>
      tpu.wait_dma2 semaphore(%run_scoped3A_245 : memref<!tpu.dma_semaphore, #tpu.memory_space<semaphore_mem>>) src(%dma_wait3A_261 : memref<157x64xi32, #tpu.memory_space<hbm>>) dst(%arg9 : memref<157x64xi32, #tpu.memory_space<vmem>>)
      tpu.yield
    }) : () -> ()
    %scan3A = arith.constant 0 : i32
    %scan3A_1 = arith.constant 0 : i32
    %scan3A_2 = arith.constant 32 : i32
    %scan3A_3 = arith.addi %scan3A_1, %scan3A_2 : i32
    %scan3A_4 = arith.constant 1 : i32
    scf.for %scan3A_245 = %scan3A_1 to %scan3A_3 step %scan3A_4  : i32 {
      %broadcast_in_dim3A = arith.constant 0.000000e+00 : f32
      %broadcast_in_dim3A_246 = vector.broadcast %broadcast_in_dim3A : f32 to vector<16xf32>
      %swap3A = arith.index_cast %scan3A_245 : i32 to index
      %swap3A_247 = arith.constant 0 : index
      %swap3A_248 = tpu.vector_load %arg11[%swap3A, %swap3A_247] {strides = array<i32>} : memref<32x64xf32, #tpu.memory_space<vmem>>, vector<1x16xf32>,
      %swap3A_249 = vector.shape_cast %swap3A_248 : vector<1x16xf32> to vector<16xf32>
      %swap3A_250 = vector.shape_cast %broadcast_in_dim3A_246 : vector<16xf32> to vector<1x16xf32>
      tpu.vector_store %arg11[%swap3A, %swap3A_247], %swap3A_250 {strides = array<i32>} : memref<32x64xf32, #tpu.memory_space<vmem>>, vector<1x16xf32>,
      %broadcast_in_dim3A_251 = arith.constant 0.000000e+00 : f32
      %broadcast_in_dim3A_252 = vector.broadcast %broadcast_in_dim3A_251 : f32 to vector<16xf32>
      %swap3A_253 = arith.index_cast %scan3A_245 : i32 to index
      %swap3A_254 = arith.constant 16 : index
      %swap3A_255 = tpu.vector_load %arg11[%swap3A_253, %swap3A_254] {strides = array<i32>} : memref<32x64xf32, #tpu.memory_space<vmem>>, vector<1x16xf32>,
      %swap3A_256 = vector.shape_cast %swap3A_255 : vector<1x16xf32> to vector<16xf32>
      %swap3A_257 = vector.shape_cast %broadcast_in_dim3A_252 : vector<16xf32> to vector<1x16xf32>
      tpu.vector_store %arg11[%swap3A_253, %swap3A_254], %swap3A_257 {strides = array<i32>} : memref<32x64xf32, #tpu.memory_space<vmem>>, vector<1x16xf32>,
      %broadcast_in_dim3A_258 = arith.constant 0.000000e+00 : f32
      %broadcast_in_dim3A_259 = vector.broadcast %broadcast_in_dim3A_258 : f32 to vector<16xf32>
      %swap3A_260 = arith.index_cast %scan3A_245 : i32 to index
      %swap3A_261 = arith.constant 32 : index
      %swap3A_262 = tpu.vector_load %arg11[%swap3A_260, %swap3A_261] {strides = array<i32>} : memref<32x64xf32, #tpu.memory_space<vmem>>, vector<1x16xf32>,
      %swap3A_263 = vector.shape_cast %swap3A_262 : vector<1x16xf32> to vector<16xf32>
      %swap3A_264 = vector.shape_cast %broadcast_in_dim3A_259 : vector<16xf32> to vector<1x16xf32>
      tpu.vector_store %arg11[%swap3A_260, %swap3A_261], %swap3A_264 {strides = array<i32>} : memref<32x64xf32, #tpu.memory_space<vmem>>, vector<1x16xf32>,
      %broadcast_in_dim3A_265 = arith.constant 0.000000e+00 : f32
      %broadcast_in_dim3A_266 = vector.broadcast %broadcast_in_dim3A_265 : f32 to vector<16xf32>
      %swap3A_267 = arith.index_cast %scan3A_245 : i32 to index
      %swap3A_268 = arith.constant 48 : index
      %swap3A_269 = tpu.vector_load %arg11[%swap3A_267, %swap3A_268] {strides = array<i32>} : memref<32x64xf32, #tpu.memory_space<vmem>>, vector<1x16xf32>,
      %swap3A_270 = vector.shape_cast %swap3A_269 : vector<1x16xf32> to vector<16xf32>
      %swap3A_271 = vector.shape_cast %broadcast_in_dim3A_266 : vector<16xf32> to vector<1x16xf32>
      tpu.vector_store %arg11[%swap3A_267, %swap3A_268], %swap3A_271 {strides = array<i32>} : memref<32x64xf32, #tpu.memory_space<vmem>>, vector<1x16xf32>,
    }
    %scan3A_5 = arith.constant 32 : i32
    %mul3A_6 = arith.constant 640 : i32
    %mul3A_7 = arith.muli %arg1, %mul3A_6 : i32
    %add3A_8 = arith.constant 0 : i32
    %add3A_9 = arith.addi %mul3A_7, %add3A_8 : i32
    "tpu.region"() ({
      %run_scoped3A_245 = tpu.sem_alloc : memref<!tpu.dma_semaphore, #tpu.memory_space<semaphore_mem>>
      %dma_start3A_246 = arith.constant 0 : i32
      %dma_start3A_247 = tpu.memref_slice %arg12[%add3A_9, %dma_start3A_246] : memref<10240x64xf32, #tpu.memory_space<vmem_shared>> -> memref<32x64xf32, #tpu.memory_space<vmem_shared>>
      %dma_start3A_248 = arith.constant 0 : i32
      %dma_start3A_249 = tpu.memref_slice %arg12[%add3A_9, %dma_start3A_248] : memref<10240x64xf32, #tpu.memory_space<vmem_shared>> -> memref<32x64xf32, #tpu.memory_space<vmem_shared>>
      tpu.enqueue_dma source(%arg11 : memref<32x64xf32, #tpu.memory_space<vmem>>) target(%dma_start3A_249 : memref<32x64xf32, #tpu.memory_space<vmem_shared>>) target_semaphore(%run_scoped3A_245 : memref<!tpu.dma_semaphore, #tpu.memory_space<semaphore_mem>>)
      %dma_wait3A_250 = arith.constant 0 : i32
      %dma_wait3A_251 = tpu.memref_slice %arg12[%add3A_9, %dma_wait3A_250] : memref<10240x64xf32, #tpu.memory_space<vmem_shared>> -> memref<32x64xf32, #tpu.memory_space<vmem_shared>>
      %dma_wait3A_252 = arith.constant 0 : i32
      %dma_wait3A_253 = tpu.memref_slice %arg12[%add3A_9, %dma_wait3A_252] : memref<10240x64xf32, #tpu.memory_space<vmem_shared>> -> memref<32x64xf32, #tpu.memory_space<vmem_shared>>
      tpu.wait_dma2 semaphore(%run_scoped3A_245 : memref<!tpu.dma_semaphore, #tpu.memory_space<semaphore_mem>>) src(%arg11 : memref<32x64xf32, #tpu.memory_space<vmem>>) dst(%dma_wait3A_253 : memref<32x64xf32, #tpu.memory_space<vmem_shared>>)
      tpu.yield
    }) : () -> ()
    %mul3A_10 = arith.constant 640 : i32
    %mul3A_11 = arith.muli %arg1, %mul3A_10 : i32
    %add3A_12 = arith.constant 32 : i32
    %add3A_13 = arith.addi %mul3A_11, %add3A_12 : i32
    "tpu.region"() ({
      %run_scoped3A_245 = tpu.sem_alloc : memref<!tpu.dma_semaphore, #tpu.memory_space<semaphore_mem>>
      %dma_start3A_246 = arith.constant 0 : i32
      %dma_start3A_247 = tpu.memref_slice %arg12[%add3A_13, %dma_start3A_246] : memref<10240x64xf32, #tpu.memory_space<vmem_shared>> -> memref<32x64xf32, #tpu.memory_space<vmem_shared>>
      %dma_start3A_248 = arith.constant 0 : i32
      %dma_start3A_249 = tpu.memref_slice %arg12[%add3A_13, %dma_start3A_248] : memref<10240x64xf32, #tpu.memory_space<vmem_shared>> -> memref<32x64xf32, #tpu.memory_space<vmem_shared>>
      tpu.enqueue_dma source(%arg11 : memref<32x64xf32, #tpu.memory_space<vmem>>) target(%dma_start3A_249 : memref<32x64xf32, #tpu.memory_space<vmem_shared>>) target_semaphore(%run_scoped3A_245 : memref<!tpu.dma_semaphore, #tpu.memory_space<semaphore_mem>>)
      %dma_wait3A_250 = arith.constant 0 : i32
      %dma_wait3A_251 = tpu.memref_slice %arg12[%add3A_13, %dma_wait3A_250] : memref<10240x64xf32, #tpu.memory_space<vmem_shared>> -> memref<32x64xf32, #tpu.memory_space<vmem_shared>>
      %dma_wait3A_252 = arith.constant 0 : i32
      %dma_wait3A_253 = tpu.memref_slice %arg12[%add3A_13, %dma_wait3A_252] : memref<10240x64xf32, #tpu.memory_space<vmem_shared>> -> memref<32x64xf32, #tpu.memory_space<vmem_shared>>
      tpu.wait_dma2 semaphore(%run_scoped3A_245 : memref<!tpu.dma_semaphore, #tpu.memory_space<semaphore_mem>>) src(%arg11 : memref<32x64xf32, #tpu.memory_space<vmem>>) dst(%dma_wait3A_253 : memref<32x64xf32, #tpu.memory_space<vmem_shared>>)
      tpu.yield
    }) : () -> ()
    %mul3A_14 = arith.constant 640 : i32
    %mul3A_15 = arith.muli %arg1, %mul3A_14 : i32
    %add3A_16 = arith.constant 64 : i32
    %add3A_17 = arith.addi %mul3A_15, %add3A_16 : i32
    "tpu.region"() ({
      %run_scoped3A_245 = tpu.sem_alloc : memref<!tpu.dma_semaphore, #tpu.memory_space<semaphore_mem>>
      %dma_start3A_246 = arith.constant 0 : i32
      %dma_start3A_247 = tpu.memref_slice %arg12[%add3A_17, %dma_start3A_246] : memref<10240x64xf32, #tpu.memory_space<vmem_shared>> -> memref<32x64xf32, #tpu.memory_space<vmem_shared>>
      %dma_start3A_248 = arith.constant 0 : i32
      %dma_start3A_249 = tpu.memref_slice %arg12[%add3A_17, %dma_start3A_248] : memref<10240x64xf32, #tpu.memory_space<vmem_shared>> -> memref<32x64xf32, #tpu.memory_space<vmem_shared>>
      tpu.enqueue_dma source(%arg11 : memref<32x64xf32, #tpu.memory_space<vmem>>) target(%dma_start3A_249 : memref<32x64xf32, #tpu.memory_space<vmem_shared>>) target_semaphore(%run_scoped3A_245 : memref<!tpu.dma_semaphore, #tpu.memory_space<semaphore_mem>>)
      %dma_wait3A_250 = arith.constant 0 : i32
      %dma_wait3A_251 = tpu.memref_slice %arg12[%add3A_17, %dma_wait3A_250] : memref<10240x64xf32, #tpu.memory_space<vmem_shared>> -> memref<32x64xf32, #tpu.memory_space<vmem_shared>>
      %dma_wait3A_252 = arith.constant 0 : i32
      %dma_wait3A_253 = tpu.memref_slice %arg12[%add3A_17, %dma_wait3A_252] : memref<10240x64xf32, #tpu.memory_space<vmem_shared>> -> memref<32x64xf32, #tpu.memory_space<vmem_shared>>
      tpu.wait_dma2 semaphore(%run_scoped3A_245 : memref<!tpu.dma_semaphore, #tpu.memory_space<semaphore_mem>>) src(%arg11 : memref<32x64xf32, #tpu.memory_space<vmem>>) dst(%dma_wait3A_253 : memref<32x64xf32, #tpu.memory_space<vmem_shared>>)
      tpu.yield
    }) : () -> ()
    %mul3A_18 = arith.constant 640 : i32
    %mul3A_19 = arith.muli %arg1, %mul3A_18 : i32
    %add3A_20 = arith.constant 96 : i32
    %add3A_21 = arith.addi %mul3A_19, %add3A_20 : i32
    "tpu.region"() ({
      %run_scoped3A_245 = tpu.sem_alloc : memref<!tpu.dma_semaphore, #tpu.memory_space<semaphore_mem>>
      %dma_start3A_246 = arith.constant 0 : i32
      %dma_start3A_247 = tpu.memref_slice %arg12[%add3A_21, %dma_start3A_246] : memref<10240x64xf32, #tpu.memory_space<vmem_shared>> -> memref<32x64xf32, #tpu.memory_space<vmem_shared>>
      %dma_start3A_248 = arith.constant 0 : i32
      %dma_start3A_249 = tpu.memref_slice %arg12[%add3A_21, %dma_start3A_248] : memref<10240x64xf32, #tpu.memory_space<vmem_shared>> -> memref<32x64xf32, #tpu.memory_space<vmem_shared>>
      tpu.enqueue_dma source(%arg11 : memref<32x64xf32, #tpu.memory_space<vmem>>) target(%dma_start3A_249 : memref<32x64xf32, #tpu.memory_space<vmem_shared>>) target_semaphore(%run_scoped3A_245 : memref<!tpu.dma_semaphore, #tpu.memory_space<semaphore_mem>>)
      %dma_wait3A_250 = arith.constant 0 : i32
      %dma_wait3A_251 = tpu.memref_slice %arg12[%add3A_21, %dma_wait3A_250] : memref<10240x64xf32, #tpu.memory_space<vmem_shared>> -> memref<32x64xf32, #tpu.memory_space<vmem_shared>>
      %dma_wait3A_252 = arith.constant 0 : i32
      %dma_wait3A_253 = tpu.memref_slice %arg12[%add3A_21, %dma_wait3A_252] : memref<10240x64xf32, #tpu.memory_space<vmem_shared>> -> memref<32x64xf32, #tpu.memory_space<vmem_shared>>
      tpu.wait_dma2 semaphore(%run_scoped3A_245 : memref<!tpu.dma_semaphore, #tpu.memory_space<semaphore_mem>>) src(%arg11 : memref<32x64xf32, #tpu.memory_space<vmem>>) dst(%dma_wait3A_253 : memref<32x64xf32, #tpu.memory_space<vmem_shared>>)
      tpu.yield
    }) : () -> ()
    %mul3A_22 = arith.constant 640 : i32
    %mul3A_23 = arith.muli %arg1, %mul3A_22 : i32
    %add3A_24 = arith.constant 128 : i32
    %add3A_25 = arith.addi %mul3A_23, %add3A_24 : i32
    "tpu.region"() ({
      %run_scoped3A_245 = tpu.sem_alloc : memref<!tpu.dma_semaphore, #tpu.memory_space<semaphore_mem>>
      %dma_start3A_246 = arith.constant 0 : i32
      %dma_start3A_247 = tpu.memref_slice %arg12[%add3A_25, %dma_start3A_246] : memref<10240x64xf32, #tpu.memory_space<vmem_shared>> -> memref<32x64xf32, #tpu.memory_space<vmem_shared>>
      %dma_start3A_248 = arith.constant 0 : i32
      %dma_start3A_249 = tpu.memref_slice %arg12[%add3A_25, %dma_start3A_248] : memref<10240x64xf32, #tpu.memory_space<vmem_shared>> -> memref<32x64xf32, #tpu.memory_space<vmem_shared>>
      tpu.enqueue_dma source(%arg11 : memref<32x64xf32, #tpu.memory_space<vmem>>) target(%dma_start3A_249 : memref<32x64xf32, #tpu.memory_space<vmem_shared>>) target_semaphore(%run_scoped3A_245 : memref<!tpu.dma_semaphore, #tpu.memory_space<semaphore_mem>>)
      %dma_wait3A_250 = arith.constant 0 : i32
      %dma_wait3A_251 = tpu.memref_slice %arg12[%add3A_25, %dma_wait3A_250] : memref<10240x64xf32, #tpu.memory_space<vmem_shared>> -> memref<32x64xf32, #tpu.memory_space<vmem_shared>>
      %dma_wait3A_252 = arith.constant 0 : i32
      %dma_wait3A_253 = tpu.memref_slice %arg12[%add3A_25, %dma_wait3A_252] : memref<10240x64xf32, #tpu.memory_space<vmem_shared>> -> memref<32x64xf32, #tpu.memory_space<vmem_shared>>
      tpu.wait_dma2 semaphore(%run_scoped3A_245 : memref<!tpu.dma_semaphore, #tpu.memory_space<semaphore_mem>>) src(%arg11 : memref<32x64xf32, #tpu.memory_space<vmem>>) dst(%dma_wait3A_253 : memref<32x64xf32, #tpu.memory_space<vmem_shared>>)
      tpu.yield
    }) : () -> ()
    %mul3A_26 = arith.constant 640 : i32
    %mul3A_27 = arith.muli %arg1, %mul3A_26 : i32
    %add3A_28 = arith.constant 160 : i32
    %add3A_29 = arith.addi %mul3A_27, %add3A_28 : i32
    "tpu.region"() ({
      %run_scoped3A_245 = tpu.sem_alloc : memref<!tpu.dma_semaphore, #tpu.memory_space<semaphore_mem>>
      %dma_start3A_246 = arith.constant 0 : i32
      %dma_start3A_247 = tpu.memref_slice %arg12[%add3A_29, %dma_start3A_246] : memref<10240x64xf32, #tpu.memory_space<vmem_shared>> -> memref<32x64xf32, #tpu.memory_space<vmem_shared>>
      %dma_start3A_248 = arith.constant 0 : i32
      %dma_start3A_249 = tpu.memref_slice %arg12[%add3A_29, %dma_start3A_248] : memref<10240x64xf32, #tpu.memory_space<vmem_shared>> -> memref<32x64xf32, #tpu.memory_space<vmem_shared>>
      tpu.enqueue_dma source(%arg11 : memref<32x64xf32, #tpu.memory_space<vmem>>) target(%dma_start3A_249 : memref<32x64xf32, #tpu.memory_space<vmem_shared>>) target_semaphore(%run_scoped3A_245 : memref<!tpu.dma_semaphore, #tpu.memory_space<semaphore_mem>>)
      %dma_wait3A_250 = arith.constant 0 : i32
      %dma_wait3A_251 = tpu.memref_slice %arg12[%add3A_29, %dma_wait3A_250] : memref<10240x64xf32, #tpu.memory_space<vmem_shared>> -> memref<32x64xf32, #tpu.memory_space<vmem_shared>>
      %dma_wait3A_252 = arith.constant 0 : i32
      %dma_wait3A_253 = tpu.memref_slice %arg12[%add3A_29, %dma_wait3A_252] : memref<10240x64xf32, #tpu.memory_space<vmem_shared>> -> memref<32x64xf32, #tpu.memory_space<vmem_shared>>
      tpu.wait_dma2 semaphore(%run_scoped3A_245 : memref<!tpu.dma_semaphore, #tpu.memory_space<semaphore_mem>>) src(%arg11 : memref<32x64xf32, #tpu.memory_space<vmem>>) dst(%dma_wait3A_253 : memref<32x64xf32, #tpu.memory_space<vmem_shared>>)
      tpu.yield
    }) : () -> ()
    %mul3A_30 = arith.constant 640 : i32
    %mul3A_31 = arith.muli %arg1, %mul3A_30 : i32
    %add3A_32 = arith.constant 192 : i32
    %add3A_33 = arith.addi %mul3A_31, %add3A_32 : i32
    "tpu.region"() ({
      %run_scoped3A_245 = tpu.sem_alloc : memref<!tpu.dma_semaphore, #tpu.memory_space<semaphore_mem>>
      %dma_start3A_246 = arith.constant 0 : i32
      %dma_start3A_247 = tpu.memref_slice %arg12[%add3A_33, %dma_start3A_246] : memref<10240x64xf32, #tpu.memory_space<vmem_shared>> -> memref<32x64xf32, #tpu.memory_space<vmem_shared>>
      %dma_start3A_248 = arith.constant 0 : i32
      %dma_start3A_249 = tpu.memref_slice %arg12[%add3A_33, %dma_start3A_248] : memref<10240x64xf32, #tpu.memory_space<vmem_shared>> -> memref<32x64xf32, #tpu.memory_space<vmem_shared>>
      tpu.enqueue_dma source(%arg11 : memref<32x64xf32, #tpu.memory_space<vmem>>) target(%dma_start3A_249 : memref<32x64xf32, #tpu.memory_space<vmem_shared>>) target_semaphore(%run_scoped3A_245 : memref<!tpu.dma_semaphore, #tpu.memory_space<semaphore_mem>>)
      %dma_wait3A_250 = arith.constant 0 : i32
      %dma_wait3A_251 = tpu.memref_slice %arg12[%add3A_33, %dma_wait3A_250] : memref<10240x64xf32, #tpu.memory_space<vmem_shared>> -> memref<32x64xf32, #tpu.memory_space<vmem_shared>>
      %dma_wait3A_252 = arith.constant 0 : i32
      %dma_wait3A_253 = tpu.memref_slice %arg12[%add3A_33, %dma_wait3A_252] : memref<10240x64xf32, #tpu.memory_space<vmem_shared>> -> memref<32x64xf32, #tpu.memory_space<vmem_shared>>
      tpu.wait_dma2 semaphore(%run_scoped3A_245 : memref<!tpu.dma_semaphore, #tpu.memory_space<semaphore_mem>>) src(%arg11 : memref<32x64xf32, #tpu.memory_space<vmem>>) dst(%dma_wait3A_253 : memref<32x64xf32, #tpu.memory_space<vmem_shared>>)
      tpu.yield
    }) : () -> ()
    %mul3A_34 = arith.constant 640 : i32
    %mul3A_35 = arith.muli %arg1, %mul3A_34 : i32
    %add3A_36 = arith.constant 224 : i32
    %add3A_37 = arith.addi %mul3A_35, %add3A_36 : i32
    "tpu.region"() ({
      %run_scoped3A_245 = tpu.sem_alloc : memref<!tpu.dma_semaphore, #tpu.memory_space<semaphore_mem>>
      %dma_start3A_246 = arith.constant 0 : i32
      %dma_start3A_247 = tpu.memref_slice %arg12[%add3A_37, %dma_start3A_246] : memref<10240x64xf32, #tpu.memory_space<vmem_shared>> -> memref<32x64xf32, #tpu.memory_space<vmem_shared>>
      %dma_start3A_248 = arith.constant 0 : i32
      %dma_start3A_249 = tpu.memref_slice %arg12[%add3A_37, %dma_start3A_248] : memref<10240x64xf32, #tpu.memory_space<vmem_shared>> -> memref<32x64xf32, #tpu.memory_space<vmem_shared>>
      tpu.enqueue_dma source(%arg11 : memref<32x64xf32, #tpu.memory_space<vmem>>) target(%dma_start3A_249 : memref<32x64xf32, #tpu.memory_space<vmem_shared>>) target_semaphore(%run_scoped3A_245 : memref<!tpu.dma_semaphore, #tpu.memory_space<semaphore_mem>>)
      %dma_wait3A_250 = arith.constant 0 : i32
      %dma_wait3A_251 = tpu.memref_slice %arg12[%add3A_37, %dma_wait3A_250] : memref<10240x64xf32, #tpu.memory_space<vmem_shared>> -> memref<32x64xf32, #tpu.memory_space<vmem_shared>>
      %dma_wait3A_252 = arith.constant 0 : i32
      %dma_wait3A_253 = tpu.memref_slice %arg12[%add3A_37, %dma_wait3A_252] : memref<10240x64xf32, #tpu.memory_space<vmem_shared>> -> memref<32x64xf32, #tpu.memory_space<vmem_shared>>
      tpu.wait_dma2 semaphore(%run_scoped3A_245 : memref<!tpu.dma_semaphore, #tpu.memory_space<semaphore_mem>>) src(%arg11 : memref<32x64xf32, #tpu.memory_space<vmem>>) dst(%dma_wait3A_253 : memref<32x64xf32, #tpu.memory_space<vmem_shared>>)
      tpu.yield
    }) : () -> ()
    %mul3A_38 = arith.constant 640 : i32
    %mul3A_39 = arith.muli %arg1, %mul3A_38 : i32
    %add3A_40 = arith.constant 256 : i32
    %add3A_41 = arith.addi %mul3A_39, %add3A_40 : i32
    "tpu.region"() ({
      %run_scoped3A_245 = tpu.sem_alloc : memref<!tpu.dma_semaphore, #tpu.memory_space<semaphore_mem>>
      %dma_start3A_246 = arith.constant 0 : i32
      %dma_start3A_247 = tpu.memref_slice %arg12[%add3A_41, %dma_start3A_246] : memref<10240x64xf32, #tpu.memory_space<vmem_shared>> -> memref<32x64xf32, #tpu.memory_space<vmem_shared>>
      %dma_start3A_248 = arith.constant 0 : i32
      %dma_start3A_249 = tpu.memref_slice %arg12[%add3A_41, %dma_start3A_248] : memref<10240x64xf32, #tpu.memory_space<vmem_shared>> -> memref<32x64xf32, #tpu.memory_space<vmem_shared>>
      tpu.enqueue_dma source(%arg11 : memref<32x64xf32, #tpu.memory_space<vmem>>) target(%dma_start3A_249 : memref<32x64xf32, #tpu.memory_space<vmem_shared>>) target_semaphore(%run_scoped3A_245 : memref<!tpu.dma_semaphore, #tpu.memory_space<semaphore_mem>>)
      %dma_wait3A_250 = arith.constant 0 : i32
      %dma_wait3A_251 = tpu.memref_slice %arg12[%add3A_41, %dma_wait3A_250] : memref<10240x64xf32, #tpu.memory_space<vmem_shared>> -> memref<32x64xf32, #tpu.memory_space<vmem_shared>>
      %dma_wait3A_252 = arith.constant 0 : i32
      %dma_wait3A_253 = tpu.memref_slice %arg12[%add3A_41, %dma_wait3A_252] : memref<10240x64xf32, #tpu.memory_space<vmem_shared>> -> memref<32x64xf32, #tpu.memory_space<vmem_shared>>
      tpu.wait_dma2 semaphore(%run_scoped3A_245 : memref<!tpu.dma_semaphore, #tpu.memory_space<semaphore_mem>>) src(%arg11 : memref<32x64xf32, #tpu.memory_space<vmem>>) dst(%dma_wait3A_253 : memref<32x64xf32, #tpu.memory_space<vmem_shared>>)
      tpu.yield
    }) : () -> ()
    %mul3A_42 = arith.constant 640 : i32
    %mul3A_43 = arith.muli %arg1, %mul3A_42 : i32
    %add3A_44 = arith.constant 288 : i32
    %add3A_45 = arith.addi %mul3A_43, %add3A_44 : i32
    "tpu.region"() ({
      %run_scoped3A_245 = tpu.sem_alloc : memref<!tpu.dma_semaphore, #tpu.memory_space<semaphore_mem>>
      %dma_start3A_246 = arith.constant 0 : i32
      %dma_start3A_247 = tpu.memref_slice %arg12[%add3A_45, %dma_start3A_246] : memref<10240x64xf32, #tpu.memory_space<vmem_shared>> -> memref<32x64xf32, #tpu.memory_space<vmem_shared>>
      %dma_start3A_248 = arith.constant 0 : i32
      %dma_start3A_249 = tpu.memref_slice %arg12[%add3A_45, %dma_start3A_248] : memref<10240x64xf32, #tpu.memory_space<vmem_shared>> -> memref<32x64xf32, #tpu.memory_space<vmem_shared>>
      tpu.enqueue_dma source(%arg11 : memref<32x64xf32, #tpu.memory_space<vmem>>) target(%dma_start3A_249 : memref<32x64xf32, #tpu.memory_space<vmem_shared>>) target_semaphore(%run_scoped3A_245 : memref<!tpu.dma_semaphore, #tpu.memory_space<semaphore_mem>>)
      %dma_wait3A_250 = arith.constant 0 : i32
      %dma_wait3A_251 = tpu.memref_slice %arg12[%add3A_45, %dma_wait3A_250] : memref<10240x64xf32, #tpu.memory_space<vmem_shared>> -> memref<32x64xf32, #tpu.memory_space<vmem_shared>>
      %dma_wait3A_252 = arith.constant 0 : i32
      %dma_wait3A_253 = tpu.memref_slice %arg12[%add3A_45, %dma_wait3A_252] : memref<10240x64xf32, #tpu.memory_space<vmem_shared>> -> memref<32x64xf32, #tpu.memory_space<vmem_shared>>
      tpu.wait_dma2 semaphore(%run_scoped3A_245 : memref<!tpu.dma_semaphore, #tpu.memory_space<semaphore_mem>>) src(%arg11 : memref<32x64xf32, #tpu.memory_space<vmem>>) dst(%dma_wait3A_253 : memref<32x64xf32, #tpu.memory_space<vmem_shared>>)
      tpu.yield
    }) : () -> ()
    %mul3A_46 = arith.constant 640 : i32
    %mul3A_47 = arith.muli %arg1, %mul3A_46 : i32
    %add3A_48 = arith.constant 320 : i32
    %add3A_49 = arith.addi %mul3A_47, %add3A_48 : i32
    "tpu.region"() ({
      %run_scoped3A_245 = tpu.sem_alloc : memref<!tpu.dma_semaphore, #tpu.memory_space<semaphore_mem>>
      %dma_start3A_246 = arith.constant 0 : i32
      %dma_start3A_247 = tpu.memref_slice %arg12[%add3A_49, %dma_start3A_246] : memref<10240x64xf32, #tpu.memory_space<vmem_shared>> -> memref<32x64xf32, #tpu.memory_space<vmem_shared>>
      %dma_start3A_248 = arith.constant 0 : i32
      %dma_start3A_249 = tpu.memref_slice %arg12[%add3A_49, %dma_start3A_248] : memref<10240x64xf32, #tpu.memory_space<vmem_shared>> -> memref<32x64xf32, #tpu.memory_space<vmem_shared>>
      tpu.enqueue_dma source(%arg11 : memref<32x64xf32, #tpu.memory_space<vmem>>) target(%dma_start3A_249 : memref<32x64xf32, #tpu.memory_space<vmem_shared>>) target_semaphore(%run_scoped3A_245 : memref<!tpu.dma_semaphore, #tpu.memory_space<semaphore_mem>>)
      %dma_wait3A_250 = arith.constant 0 : i32
      %dma_wait3A_251 = tpu.memref_slice %arg12[%add3A_49, %dma_wait3A_250] : memref<10240x64xf32, #tpu.memory_space<vmem_shared>> -> memref<32x64xf32, #tpu.memory_space<vmem_shared>>
      %dma_wait3A_252 = arith.constant 0 : i32
      %dma_wait3A_253 = tpu.memref_slice %arg12[%add3A_49, %dma_wait3A_252] : memref<10240x64xf32, #tpu.memory_space<vmem_shared>> -> memref<32x64xf32, #tpu.memory_space<vmem_shared>>
      tpu.wait_dma2 semaphore(%run_scoped3A_245 : memref<!tpu.dma_semaphore, #tpu.memory_space<semaphore_mem>>) src(%arg11 : memref<32x64xf32, #tpu.memory_space<vmem>>) dst(%dma_wait3A_253 : memref<32x64xf32, #tpu.memory_space<vmem_shared>>)
      tpu.yield
    }) : () -> ()
    %mul3A_50 = arith.constant 640 : i32
    %mul3A_51 = arith.muli %arg1, %mul3A_50 : i32
    %add3A_52 = arith.constant 352 : i32
    %add3A_53 = arith.addi %mul3A_51, %add3A_52 : i32
    "tpu.region"() ({
      %run_scoped3A_245 = tpu.sem_alloc : memref<!tpu.dma_semaphore, #tpu.memory_space<semaphore_mem>>
      %dma_start3A_246 = arith.constant 0 : i32
      %dma_start3A_247 = tpu.memref_slice %arg12[%add3A_53, %dma_start3A_246] : memref<10240x64xf32, #tpu.memory_space<vmem_shared>> -> memref<32x64xf32, #tpu.memory_space<vmem_shared>>
      %dma_start3A_248 = arith.constant 0 : i32
      %dma_start3A_249 = tpu.memref_slice %arg12[%add3A_53, %dma_start3A_248] : memref<10240x64xf32, #tpu.memory_space<vmem_shared>> -> memref<32x64xf32, #tpu.memory_space<vmem_shared>>
      tpu.enqueue_dma source(%arg11 : memref<32x64xf32, #tpu.memory_space<vmem>>) target(%dma_start3A_249 : memref<32x64xf32, #tpu.memory_space<vmem_shared>>) target_semaphore(%run_scoped3A_245 : memref<!tpu.dma_semaphore, #tpu.memory_space<semaphore_mem>>)
      %dma_wait3A_250 = arith.constant 0 : i32
      %dma_wait3A_251 = tpu.memref_slice %arg12[%add3A_53, %dma_wait3A_250] : memref<10240x64xf32, #tpu.memory_space<vmem_shared>> -> memref<32x64xf32, #tpu.memory_space<vmem_shared>>
      %dma_wait3A_252 = arith.constant 0 : i32
      %dma_wait3A_253 = tpu.memref_slice %arg12[%add3A_53, %dma_wait3A_252] : memref<10240x64xf32, #tpu.memory_space<vmem_shared>> -> memref<32x64xf32, #tpu.memory_space<vmem_shared>>
      tpu.wait_dma2 semaphore(%run_scoped3A_245 : memref<!tpu.dma_semaphore, #tpu.memory_space<semaphore_mem>>) src(%arg11 : memref<32x64xf32, #tpu.memory_space<vmem>>) dst(%dma_wait3A_253 : memref<32x64xf32, #tpu.memory_space<vmem_shared>>)
      tpu.yield
    }) : () -> ()
    %mul3A_54 = arith.constant 640 : i32
    %mul3A_55 = arith.muli %arg1, %mul3A_54 : i32
    %add3A_56 = arith.constant 384 : i32
    %add3A_57 = arith.addi %mul3A_55, %add3A_56 : i32
    "tpu.region"() ({
      %run_scoped3A_245 = tpu.sem_alloc : memref<!tpu.dma_semaphore, #tpu.memory_space<semaphore_mem>>
      %dma_start3A_246 = arith.constant 0 : i32
      %dma_start3A_247 = tpu.memref_slice %arg12[%add3A_57, %dma_start3A_246] : memref<10240x64xf32, #tpu.memory_space<vmem_shared>> -> memref<32x64xf32, #tpu.memory_space<vmem_shared>>
      %dma_start3A_248 = arith.constant 0 : i32
      %dma_start3A_249 = tpu.memref_slice %arg12[%add3A_57, %dma_start3A_248] : memref<10240x64xf32, #tpu.memory_space<vmem_shared>> -> memref<32x64xf32, #tpu.memory_space<vmem_shared>>
      tpu.enqueue_dma source(%arg11 : memref<32x64xf32, #tpu.memory_space<vmem>>) target(%dma_start3A_249 : memref<32x64xf32, #tpu.memory_space<vmem_shared>>) target_semaphore(%run_scoped3A_245 : memref<!tpu.dma_semaphore, #tpu.memory_space<semaphore_mem>>)
      %dma_wait3A_250 = arith.constant 0 : i32
      %dma_wait3A_251 = tpu.memref_slice %arg12[%add3A_57, %dma_wait3A_250] : memref<10240x64xf32, #tpu.memory_space<vmem_shared>> -> memref<32x64xf32, #tpu.memory_space<vmem_shared>>
      %dma_wait3A_252 = arith.constant 0 : i32
      %dma_wait3A_253 = tpu.memref_slice %arg12[%add3A_57, %dma_wait3A_252] : memref<10240x64xf32, #tpu.memory_space<vmem_shared>> -> memref<32x64xf32, #tpu.memory_space<vmem_shared>>
      tpu.wait_dma2 semaphore(%run_scoped3A_245 : memref<!tpu.dma_semaphore, #tpu.memory_space<semaphore_mem>>) src(%arg11 : memref<32x64xf32, #tpu.memory_space<vmem>>) dst(%dma_wait3A_253 : memref<32x64xf32, #tpu.memory_space<vmem_shared>>)
      tpu.yield
    }) : () -> ()
    %mul3A_58 = arith.constant 640 : i32
    %mul3A_59 = arith.muli %arg1, %mul3A_58 : i32
    %add3A_60 = arith.constant 416 : i32
    %add3A_61 = arith.addi %mul3A_59, %add3A_60 : i32
    "tpu.region"() ({
      %run_scoped3A_245 = tpu.sem_alloc : memref<!tpu.dma_semaphore, #tpu.memory_space<semaphore_mem>>
      %dma_start3A_246 = arith.constant 0 : i32
      %dma_start3A_247 = tpu.memref_slice %arg12[%add3A_61, %dma_start3A_246] : memref<10240x64xf32, #tpu.memory_space<vmem_shared>> -> memref<32x64xf32, #tpu.memory_space<vmem_shared>>
      %dma_start3A_248 = arith.constant 0 : i32
      %dma_start3A_249 = tpu.memref_slice %arg12[%add3A_61, %dma_start3A_248] : memref<10240x64xf32, #tpu.memory_space<vmem_shared>> -> memref<32x64xf32, #tpu.memory_space<vmem_shared>>
      tpu.enqueue_dma source(%arg11 : memref<32x64xf32, #tpu.memory_space<vmem>>) target(%dma_start3A_249 : memref<32x64xf32, #tpu.memory_space<vmem_shared>>) target_semaphore(%run_scoped3A_245 : memref<!tpu.dma_semaphore, #tpu.memory_space<semaphore_mem>>)
      %dma_wait3A_250 = arith.constant 0 : i32
      %dma_wait3A_251 = tpu.memref_slice %arg12[%add3A_61, %dma_wait3A_250] : memref<10240x64xf32, #tpu.memory_space<vmem_shared>> -> memref<32x64xf32, #tpu.memory_space<vmem_shared>>
      %dma_wait3A_252 = arith.constant 0 : i32
      %dma_wait3A_253 = tpu.memref_slice %arg12[%add3A_61, %dma_wait3A_252] : memref<10240x64xf32, #tpu.memory_space<vmem_shared>> -> memref<32x64xf32, #tpu.memory_space<vmem_shared>>
      tpu.wait_dma2 semaphore(%run_scoped3A_245 : memref<!tpu.dma_semaphore, #tpu.memory_space<semaphore_mem>>) src(%arg11 : memref<32x64xf32, #tpu.memory_space<vmem>>) dst(%dma_wait3A_253 : memref<32x64xf32, #tpu.memory_space<vmem_shared>>)
      tpu.yield
    }) : () -> ()
    %mul3A_62 = arith.constant 640 : i32
    %mul3A_63 = arith.muli %arg1, %mul3A_62 : i32
    %add3A_64 = arith.constant 448 : i32
    %add3A_65 = arith.addi %mul3A_63, %add3A_64 : i32
    "tpu.region"() ({
      %run_scoped3A_245 = tpu.sem_alloc : memref<!tpu.dma_semaphore, #tpu.memory_space<semaphore_mem>>
      %dma_start3A_246 = arith.constant 0 : i32
      %dma_start3A_247 = tpu.memref_slice %arg12[%add3A_65, %dma_start3A_246] : memref<10240x64xf32, #tpu.memory_space<vmem_shared>> -> memref<32x64xf32, #tpu.memory_space<vmem_shared>>
      %dma_start3A_248 = arith.constant 0 : i32
      %dma_start3A_249 = tpu.memref_slice %arg12[%add3A_65, %dma_start3A_248] : memref<10240x64xf32, #tpu.memory_space<vmem_shared>> -> memref<32x64xf32, #tpu.memory_space<vmem_shared>>
      tpu.enqueue_dma source(%arg11 : memref<32x64xf32, #tpu.memory_space<vmem>>) target(%dma_start3A_249 : memref<32x64xf32, #tpu.memory_space<vmem_shared>>) target_semaphore(%run_scoped3A_245 : memref<!tpu.dma_semaphore, #tpu.memory_space<semaphore_mem>>)
      %dma_wait3A_250 = arith.constant 0 : i32
      %dma_wait3A_251 = tpu.memref_slice %arg12[%add3A_65, %dma_wait3A_250] : memref<10240x64xf32, #tpu.memory_space<vmem_shared>> -> memref<32x64xf32, #tpu.memory_space<vmem_shared>>
      %dma_wait3A_252 = arith.constant 0 : i32
      %dma_wait3A_253 = tpu.memref_slice %arg12[%add3A_65, %dma_wait3A_252] : memref<10240x64xf32, #tpu.memory_space<vmem_shared>> -> memref<32x64xf32, #tpu.memory_space<vmem_shared>>
      tpu.wait_dma2 semaphore(%run_scoped3A_245 : memref<!tpu.dma_semaphore, #tpu.memory_space<semaphore_mem>>) src(%arg11 : memref<32x64xf32, #tpu.memory_space<vmem>>) dst(%dma_wait3A_253 : memref<32x64xf32, #tpu.memory_space<vmem_shared>>)
      tpu.yield
    }) : () -> ()
    %mul3A_66 = arith.constant 640 : i32
    %mul3A_67 = arith.muli %arg1, %mul3A_66 : i32
    %add3A_68 = arith.constant 480 : i32
    %add3A_69 = arith.addi %mul3A_67, %add3A_68 : i32
    "tpu.region"() ({
      %run_scoped3A_245 = tpu.sem_alloc : memref<!tpu.dma_semaphore, #tpu.memory_space<semaphore_mem>>
      %dma_start3A_246 = arith.constant 0 : i32
      %dma_start3A_247 = tpu.memref_slice %arg12[%add3A_69, %dma_start3A_246] : memref<10240x64xf32, #tpu.memory_space<vmem_shared>> -> memref<32x64xf32, #tpu.memory_space<vmem_shared>>
      %dma_start3A_248 = arith.constant 0 : i32
      %dma_start3A_249 = tpu.memref_slice %arg12[%add3A_69, %dma_start3A_248] : memref<10240x64xf32, #tpu.memory_space<vmem_shared>> -> memref<32x64xf32, #tpu.memory_space<vmem_shared>>
      tpu.enqueue_dma source(%arg11 : memref<32x64xf32, #tpu.memory_space<vmem>>) target(%dma_start3A_249 : memref<32x64xf32, #tpu.memory_space<vmem_shared>>) target_semaphore(%run_scoped3A_245 : memref<!tpu.dma_semaphore, #tpu.memory_space<semaphore_mem>>)
      %dma_wait3A_250 = arith.constant 0 : i32
      %dma_wait3A_251 = tpu.memref_slice %arg12[%add3A_69, %dma_wait3A_250] : memref<10240x64xf32, #tpu.memory_space<vmem_shared>> -> memref<32x64xf32, #tpu.memory_space<vmem_shared>>
      %dma_wait3A_252 = arith.constant 0 : i32
      %dma_wait3A_253 = tpu.memref_slice %arg12[%add3A_69, %dma_wait3A_252] : memref<10240x64xf32, #tpu.memory_space<vmem_shared>> -> memref<32x64xf32, #tpu.memory_space<vmem_shared>>
      tpu.wait_dma2 semaphore(%run_scoped3A_245 : memref<!tpu.dma_semaphore, #tpu.memory_space<semaphore_mem>>) src(%arg11 : memref<32x64xf32, #tpu.memory_space<vmem>>) dst(%dma_wait3A_253 : memref<32x64xf32, #tpu.memory_space<vmem_shared>>)
      tpu.yield
    }) : () -> ()
    %mul3A_70 = arith.constant 640 : i32
    %mul3A_71 = arith.muli %arg1, %mul3A_70 : i32
    %add3A_72 = arith.constant 512 : i32
    %add3A_73 = arith.addi %mul3A_71, %add3A_72 : i32
    "tpu.region"() ({
      %run_scoped3A_245 = tpu.sem_alloc : memref<!tpu.dma_semaphore, #tpu.memory_space<semaphore_mem>>
      %dma_start3A_246 = arith.constant 0 : i32
      %dma_start3A_247 = tpu.memref_slice %arg12[%add3A_73, %dma_start3A_246] : memref<10240x64xf32, #tpu.memory_space<vmem_shared>> -> memref<32x64xf32, #tpu.memory_space<vmem_shared>>
      %dma_start3A_248 = arith.constant 0 : i32
      %dma_start3A_249 = tpu.memref_slice %arg12[%add3A_73, %dma_start3A_248] : memref<10240x64xf32, #tpu.memory_space<vmem_shared>> -> memref<32x64xf32, #tpu.memory_space<vmem_shared>>
      tpu.enqueue_dma source(%arg11 : memref<32x64xf32, #tpu.memory_space<vmem>>) target(%dma_start3A_249 : memref<32x64xf32, #tpu.memory_space<vmem_shared>>) target_semaphore(%run_scoped3A_245 : memref<!tpu.dma_semaphore, #tpu.memory_space<semaphore_mem>>)
      %dma_wait3A_250 = arith.constant 0 : i32
      %dma_wait3A_251 = tpu.memref_slice %arg12[%add3A_73, %dma_wait3A_250] : memref<10240x64xf32, #tpu.memory_space<vmem_shared>> -> memref<32x64xf32, #tpu.memory_space<vmem_shared>>
      %dma_wait3A_252 = arith.constant 0 : i32
      %dma_wait3A_253 = tpu.memref_slice %arg12[%add3A_73, %dma_wait3A_252] : memref<10240x64xf32, #tpu.memory_space<vmem_shared>> -> memref<32x64xf32, #tpu.memory_space<vmem_shared>>
      tpu.wait_dma2 semaphore(%run_scoped3A_245 : memref<!tpu.dma_semaphore, #tpu.memory_space<semaphore_mem>>) src(%arg11 : memref<32x64xf32, #tpu.memory_space<vmem>>) dst(%dma_wait3A_253 : memref<32x64xf32, #tpu.memory_space<vmem_shared>>)
      tpu.yield
    }) : () -> ()
    %mul3A_74 = arith.constant 640 : i32
    %mul3A_75 = arith.muli %arg1, %mul3A_74 : i32
    %add3A_76 = arith.constant 544 : i32
    %add3A_77 = arith.addi %mul3A_75, %add3A_76 : i32
    "tpu.region"() ({
      %run_scoped3A_245 = tpu.sem_alloc : memref<!tpu.dma_semaphore, #tpu.memory_space<semaphore_mem>>
      %dma_start3A_246 = arith.constant 0 : i32
      %dma_start3A_247 = tpu.memref_slice %arg12[%add3A_77, %dma_start3A_246] : memref<10240x64xf32, #tpu.memory_space<vmem_shared>> -> memref<32x64xf32, #tpu.memory_space<vmem_shared>>
      %dma_start3A_248 = arith.constant 0 : i32
      %dma_start3A_249 = tpu.memref_slice %arg12[%add3A_77, %dma_start3A_248] : memref<10240x64xf32, #tpu.memory_space<vmem_shared>> -> memref<32x64xf32, #tpu.memory_space<vmem_shared>>
      tpu.enqueue_dma source(%arg11 : memref<32x64xf32, #tpu.memory_space<vmem>>) target(%dma_start3A_249 : memref<32x64xf32, #tpu.memory_space<vmem_shared>>) target_semaphore(%run_scoped3A_245 : memref<!tpu.dma_semaphore, #tpu.memory_space<semaphore_mem>>)
      %dma_wait3A_250 = arith.constant 0 : i32
      %dma_wait3A_251 = tpu.memref_slice %arg12[%add3A_77, %dma_wait3A_250] : memref<10240x64xf32, #tpu.memory_space<vmem_shared>> -> memref<32x64xf32, #tpu.memory_space<vmem_shared>>
      %dma_wait3A_252 = arith.constant 0 : i32
      %dma_wait3A_253 = tpu.memref_slice %arg12[%add3A_77, %dma_wait3A_252] : memref<10240x64xf32, #tpu.memory_space<vmem_shared>> -> memref<32x64xf32, #tpu.memory_space<vmem_shared>>
      tpu.wait_dma2 semaphore(%run_scoped3A_245 : memref<!tpu.dma_semaphore, #tpu.memory_space<semaphore_mem>>) src(%arg11 : memref<32x64xf32, #tpu.memory_space<vmem>>) dst(%dma_wait3A_253 : memref<32x64xf32, #tpu.memory_space<vmem_shared>>)
      tpu.yield
    }) : () -> ()
    %mul3A_78 = arith.constant 640 : i32
    %mul3A_79 = arith.muli %arg1, %mul3A_78 : i32
    %add3A_80 = arith.constant 576 : i32
    %add3A_81 = arith.addi %mul3A_79, %add3A_80 : i32
    "tpu.region"() ({
      %run_scoped3A_245 = tpu.sem_alloc : memref<!tpu.dma_semaphore, #tpu.memory_space<semaphore_mem>>
      %dma_start3A_246 = arith.constant 0 : i32
      %dma_start3A_247 = tpu.memref_slice %arg12[%add3A_81, %dma_start3A_246] : memref<10240x64xf32, #tpu.memory_space<vmem_shared>> -> memref<32x64xf32, #tpu.memory_space<vmem_shared>>
      %dma_start3A_248 = arith.constant 0 : i32
      %dma_start3A_249 = tpu.memref_slice %arg12[%add3A_81, %dma_start3A_248] : memref<10240x64xf32, #tpu.memory_space<vmem_shared>> -> memref<32x64xf32, #tpu.memory_space<vmem_shared>>
      tpu.enqueue_dma source(%arg11 : memref<32x64xf32, #tpu.memory_space<vmem>>) target(%dma_start3A_249 : memref<32x64xf32, #tpu.memory_space<vmem_shared>>) target_semaphore(%run_scoped3A_245 : memref<!tpu.dma_semaphore, #tpu.memory_space<semaphore_mem>>)
      %dma_wait3A_250 = arith.constant 0 : i32
      %dma_wait3A_251 = tpu.memref_slice %arg12[%add3A_81, %dma_wait3A_250] : memref<10240x64xf32, #tpu.memory_space<vmem_shared>> -> memref<32x64xf32, #tpu.memory_space<vmem_shared>>
      %dma_wait3A_252 = arith.constant 0 : i32
      %dma_wait3A_253 = tpu.memref_slice %arg12[%add3A_81, %dma_wait3A_252] : memref<10240x64xf32, #tpu.memory_space<vmem_shared>> -> memref<32x64xf32, #tpu.memory_space<vmem_shared>>
      tpu.wait_dma2 semaphore(%run_scoped3A_245 : memref<!tpu.dma_semaphore, #tpu.memory_space<semaphore_mem>>) src(%arg11 : memref<32x64xf32, #tpu.memory_space<vmem>>) dst(%dma_wait3A_253 : memref<32x64xf32, #tpu.memory_space<vmem_shared>>)
      tpu.yield
    }) : () -> ()
    %mul3A_82 = arith.constant 640 : i32
    %mul3A_83 = arith.muli %arg1, %mul3A_82 : i32
    %add3A_84 = arith.constant 608 : i32
    %add3A_85 = arith.addi %mul3A_83, %add3A_84 : i32
    "tpu.region"() ({
      %run_scoped3A_245 = tpu.sem_alloc : memref<!tpu.dma_semaphore, #tpu.memory_space<semaphore_mem>>
      %dma_start3A_246 = arith.constant 0 : i32
      %dma_start3A_247 = tpu.memref_slice %arg12[%add3A_85, %dma_start3A_246] : memref<10240x64xf32, #tpu.memory_space<vmem_shared>> -> memref<32x64xf32, #tpu.memory_space<vmem_shared>>
      %dma_start3A_248 = arith.constant 0 : i32
      %dma_start3A_249 = tpu.memref_slice %arg12[%add3A_85, %dma_start3A_248] : memref<10240x64xf32, #tpu.memory_space<vmem_shared>> -> memref<32x64xf32, #tpu.memory_space<vmem_shared>>
      tpu.enqueue_dma source(%arg11 : memref<32x64xf32, #tpu.memory_space<vmem>>) target(%dma_start3A_249 : memref<32x64xf32, #tpu.memory_space<vmem_shared>>) target_semaphore(%run_scoped3A_245 : memref<!tpu.dma_semaphore, #tpu.memory_space<semaphore_mem>>)
      %dma_wait3A_250 = arith.constant 0 : i32
      %dma_wait3A_251 = tpu.memref_slice %arg12[%add3A_85, %dma_wait3A_250] : memref<10240x64xf32, #tpu.memory_space<vmem_shared>> -> memref<32x64xf32, #tpu.memory_space<vmem_shared>>
      %dma_wait3A_252 = arith.constant 0 : i32
      %dma_wait3A_253 = tpu.memref_slice %arg12[%add3A_85, %dma_wait3A_252] : memref<10240x64xf32, #tpu.memory_space<vmem_shared>> -> memref<32x64xf32, #tpu.memory_space<vmem_shared>>
      tpu.wait_dma2 semaphore(%run_scoped3A_245 : memref<!tpu.dma_semaphore, #tpu.memory_space<semaphore_mem>>) src(%arg11 : memref<32x64xf32, #tpu.memory_space<vmem>>) dst(%dma_wait3A_253 : memref<32x64xf32, #tpu.memory_space<vmem_shared>>)
      tpu.yield
    }) : () -> ()
    %barrier3A = arith.constant 0 : index
    tpu.barrier barrier_id(%barrier3A)
    %dma_start3A = arith.constant 0 : i32
    %dma_start3A_86 = arith.constant 0 : i32
    %dma_start3A_87 = arith.constant 0 : i32
    %dma_start3A_88 = arith.constant 0 : i32
    %dma_start3A_89 = tpu.memref_slice %arg10[%dma_start3A_86, %dma_start3A_87, %dma_start3A_88] : memref<2x64x64xf32, #tpu.memory_space<vmem>> -> memref<1x64x64xf32, #tpu.memory_space<vmem>>
    %dma_start3A_90 = tpu.memref_squeeze %dma_start3A_89 : memref<1x64x64xf32, #tpu.memory_space<vmem>> -> memref<64x64xf32, #tpu.memory_space<vmem>>
    %dma_start3A_91 = arith.constant 0 : i32
    %dma_start3A_92 = tpu.memref_slice %arg8[%dma_start3A, %dma_start3A_91] : memref<157x64xi32, #tpu.memory_space<vmem>> -> memref<1x64xi32, #tpu.memory_space<vmem>>
    %dma_start3A_93 = tpu.memref_squeeze %dma_start3A_92 : memref<1x64xi32, #tpu.memory_space<vmem>> -> memref<64xi32, #tpu.memory_space<vmem>>
    %dma_start3A_94 = arith.constant 0 : i32
    %dma_start3A_95 = arith.constant 0 : i32
    %dma_start3A_96 = tpu.memref_slice %arg2[%dma_start3A_94, %dma_start3A_95] : memref<10240x64xf32, #tpu.memory_space<hbm>> -> memref<10240x64xf32, #tpu.memory_space<hbm>>
    tpu.enqueue_indirect_dma source(%dma_start3A_96 : memref<10240x64xf32, #tpu.memory_space<hbm>>) target(%dma_start3A_90 : memref<64x64xf32, #tpu.memory_space<vmem>>) offsets(%dma_start3A_93 : memref<64xi32, #tpu.memory_space<vmem>>) semaphore(%arg13 : memref<!tpu.dma_semaphore, #tpu.memory_space<semaphore_mem>>)
    %scan3A_97 = arith.constant 0 : i32
    %scan3A_98 = arith.constant 0 : i32
    %scan3A_99 = arith.constant 156 : i32
    %scan3A_100 = arith.addi %scan3A_98, %scan3A_99 : i32
    %scan3A_101 = arith.constant 1 : i32
    scf.for %scan3A_245 = %scan3A_98 to %scan3A_100 step %scan3A_101  : i32 {
      %add3A_246 = arith.constant 1 : i32
      %add3A_247 = arith.addi %scan3A_245, %add3A_246 : i32
      %add3A_248 = arith.constant 1 : i32
      %add3A_249 = arith.addi %scan3A_245, %add3A_248 : i32
      %rem3A_250 = arith.constant 2 : i32
      %rem3A_251 = arith.remsi %add3A_249, %rem3A_250 : i32
      %dma_start3A_252 = arith.constant 0 : i32
      %dma_start3A_253 = arith.constant 0 : i32
      %dma_start3A_254 = tpu.memref_slice %arg10[%rem3A_251, %dma_start3A_252, %dma_start3A_253] : memref<2x64x64xf32, #tpu.memory_space<vmem>> -> memref<1x64x64xf32, #tpu.memory_space<vmem>>
      %dma_start3A_255 = tpu.memref_squeeze %dma_start3A_254 : memref<1x64x64xf32, #tpu.memory_space<vmem>> -> memref<64x64xf32, #tpu.memory_space<vmem>>
      %dma_start3A_256 = arith.constant 0 : i32
      %dma_start3A_257 = tpu.memref_slice %arg8[%add3A_247, %dma_start3A_256] : memref<157x64xi32, #tpu.memory_space<vmem>> -> memref<1x64xi32, #tpu.memory_space<vmem>>
      %dma_start3A_258 = tpu.memref_squeeze %dma_start3A_257 : memref<1x64xi32, #tpu.memory_space<vmem>> -> memref<64xi32, #tpu.memory_space<vmem>>
      %dma_start3A_259 = arith.constant 0 : i32
      %dma_start3A_260 = arith.constant 0 : i32
      %dma_start3A_261 = tpu.memref_slice %arg2[%dma_start3A_259, %dma_start3A_260] : memref<10240x64xf32, #tpu.memory_space<hbm>> -> memref<10240x64xf32, #tpu.memory_space<hbm>>
      tpu.enqueue_indirect_dma source(%dma_start3A_261 : memref<10240x64xf32, #tpu.memory_space<hbm>>) target(%dma_start3A_255 : memref<64x64xf32, #tpu.memory_space<vmem>>) offsets(%dma_start3A_258 : memref<64xi32, #tpu.memory_space<vmem>>) semaphore(%arg13 : memref<!tpu.dma_semaphore, #tpu.memory_space<semaphore_mem>>)
      %rem3A_262 = arith.constant 2 : i32
      %rem3A_263 = arith.remsi %scan3A_245, %rem3A_262 : i32
      %dma_wait3A_264 = arith.constant 0 : i32
      %dma_wait3A_265 = arith.constant 0 : i32
      %dma_wait3A_266 = tpu.memref_slice %arg10[%rem3A_263, %dma_wait3A_264, %dma_wait3A_265] : memref<2x64x64xf32, #tpu.memory_space<vmem>> -> memref<1x64x64xf32, #tpu.memory_space<vmem>>
      %dma_wait3A_267 = tpu.memref_squeeze %dma_wait3A_266 : memref<1x64x64xf32, #tpu.memory_space<vmem>> -> memref<64x64xf32, #tpu.memory_space<vmem>>
      %dma_wait3A_268 = arith.constant 0 : i32
      %dma_wait3A_269 = tpu.memref_slice %arg8[%scan3A_245, %dma_wait3A_268] : memref<157x64xi32, #tpu.memory_space<vmem>> -> memref<1x64xi32, #tpu.memory_space<vmem>>
      %dma_wait3A_270 = tpu.memref_squeeze %dma_wait3A_269 : memref<1x64xi32, #tpu.memory_space<vmem>> -> memref<64xi32, #tpu.memory_space<vmem>>
      %dma_wait3A_271 = arith.constant 0 : i32
      %dma_wait3A_272 = arith.constant 0 : i32
      %dma_wait3A_273 = tpu.memref_slice %arg2[%dma_wait3A_271, %dma_wait3A_272] : memref<10240x64xf32, #tpu.memory_space<hbm>> -> memref<10240x64xf32, #tpu.memory_space<hbm>>
      tpu.wait_indirect_dma semaphore(%arg13 : memref<!tpu.dma_semaphore, #tpu.memory_space<semaphore_mem>>) src(%dma_wait3A_273 : memref<10240x64xf32, #tpu.memory_space<hbm>>) dst(%dma_wait3A_267 : memref<64x64xf32, #tpu.memory_space<vmem>>)
      %rem3A_274 = arith.constant 2 : i32
      %rem3A_275 = arith.remsi %scan3A_245, %rem3A_274 : i32
      "tpu.region"() ({
        %run_scoped3A_276 = tpu.sem_alloc : memref<!tpu.dma_semaphore, #tpu.memory_space<semaphore_mem>>
        %dma_start3A_277 = arith.constant 0 : i32
        %dma_start3A_278 = arith.constant 0 : i32
        %dma_start3A_279 = tpu.memref_slice %arg10[%rem3A_275, %dma_start3A_277, %dma_start3A_278] : memref<2x64x64xf32, #tpu.memory_space<vmem>> -> memref<1x64x64xf32, #tpu.memory_space<vmem>>
        %dma_start3A_280 = tpu.memref_squeeze %dma_start3A_279 : memref<1x64x64xf32, #tpu.memory_space<vmem>> -> memref<64x64xf32, #tpu.memory_space<vmem>>
        %dma_start3A_281 = arith.constant 0 : i32
        %dma_start3A_282 = tpu.memref_slice %arg9[%scan3A_245, %dma_start3A_281] : memref<157x64xi32, #tpu.memory_space<vmem>> -> memref<1x64xi32, #tpu.memory_space<vmem>>
        %dma_start3A_283 = tpu.memref_squeeze %dma_start3A_282 : memref<1x64xi32, #tpu.memory_space<vmem>> -> memref<64xi32, #tpu.memory_space<vmem>>
        %dma_start3A_284 = arith.constant 0 : i32
        %dma_start3A_285 = arith.constant 0 : i32
        %dma_start3A_286 = tpu.memref_slice %arg12[%dma_start3A_284, %dma_start3A_285] : memref<10240x64xf32, #tpu.memory_space<vmem_shared>> -> memref<10240x64xf32, #tpu.memory_space<vmem_shared>>
        tpu.enqueue_indirect_dma source(%dma_start3A_280 : memref<64x64xf32, #tpu.memory_space<vmem>>) target(%dma_start3A_286 : memref<10240x64xf32, #tpu.memory_space<vmem_shared>>) offsets(%dma_start3A_283 : memref<64xi32, #tpu.memory_space<vmem>>) semaphore(%run_scoped3A_276 : memref<!tpu.dma_semaphore, #tpu.memory_space<semaphore_mem>>) {add = true}
        %dma_wait3A_287 = arith.constant 0 : i32
        %dma_wait3A_288 = arith.constant 0 : i32
        %dma_wait3A_289 = tpu.memref_slice %arg10[%rem3A_275, %dma_wait3A_287, %dma_wait3A_288] : memref<2x64x64xf32, #tpu.memory_space<vmem>> -> memref<1x64x64xf32, #tpu.memory_space<vmem>>
        %dma_wait3A_290 = tpu.memref_squeeze %dma_wait3A_289 : memref<1x64x64xf32, #tpu.memory_space<vmem>> -> memref<64x64xf32, #tpu.memory_space<vmem>>
        %dma_wait3A_291 = arith.constant 0 : i32
        %dma_wait3A_292 = tpu.memref_slice %arg9[%scan3A_245, %dma_wait3A_291] : memref<157x64xi32, #tpu.memory_space<vmem>> -> memref<1x64xi32, #tpu.memory_space<vmem>>
        %dma_wait3A_293 = tpu.memref_squeeze %dma_wait3A_292 : memref<1x64xi32, #tpu.memory_space<vmem>> -> memref<64xi32, #tpu.memory_space<vmem>>
        %dma_wait3A_294 = arith.constant 0 : i32
        %dma_wait3A_295 = arith.constant 0 : i32
        %dma_wait3A_296 = tpu.memref_slice %arg12[%dma_wait3A_294, %dma_wait3A_295] : memref<10240x64xf32, #tpu.memory_space<vmem_shared>> -> memref<10240x64xf32, #tpu.memory_space<vmem_shared>>
        tpu.wait_indirect_dma semaphore(%run_scoped3A_276 : memref<!tpu.dma_semaphore, #tpu.memory_space<semaphore_mem>>) src(%dma_wait3A_290 : memref<64x64xf32, #tpu.memory_space<vmem>>) dst(%dma_wait3A_296 : memref<10240x64xf32, #tpu.memory_space<vmem_shared>>)
        tpu.yield
      }) : () -> ()
    }
    %scan3A_102 = arith.constant 156 : i32
    %rem3A = arith.constant 156 : i32
    %rem3A_103 = arith.constant 2 : i32
    %rem3A_104 = arith.remsi %rem3A, %rem3A_103 : i32
    %dma_wait3A = arith.constant 156 : i32
    %dma_wait3A_105 = arith.constant 0 : i32
    %dma_wait3A_106 = arith.constant 0 : i32
    %dma_wait3A_107 = tpu.memref_slice %arg10[%rem3A_104, %dma_wait3A_105, %dma_wait3A_106] : memref<2x64x64xf32, #tpu.memory_space<vmem>> -> memref<1x64x64xf32, #tpu.memory_space<vmem>>
    %dma_wait3A_108 = tpu.memref_squeeze %dma_wait3A_107 : memref<1x64x64xf32, #tpu.memory_space<vmem>> -> memref<64x64xf32, #tpu.memory_space<vmem>>
    %dma_wait3A_109 = arith.constant 0 : i32
    %dma_wait3A_110 = tpu.memref_slice %arg8[%dma_wait3A, %dma_wait3A_109] : memref<157x64xi32, #tpu.memory_space<vmem>> -> memref<1x64xi32, #tpu.memory_space<vmem>>
    %dma_wait3A_111 = tpu.memref_squeeze %dma_wait3A_110 : memref<1x64xi32, #tpu.memory_space<vmem>> -> memref<64xi32, #tpu.memory_space<vmem>>
    %dma_wait3A_112 = arith.constant 0 : i32
    %dma_wait3A_113 = arith.constant 0 : i32
    %dma_wait3A_114 = tpu.memref_slice %arg2[%dma_wait3A_112, %dma_wait3A_113] : memref<10240x64xf32, #tpu.memory_space<hbm>> -> memref<10240x64xf32, #tpu.memory_space<hbm>>
    tpu.wait_indirect_dma semaphore(%arg13 : memref<!tpu.dma_semaphore, #tpu.memory_space<semaphore_mem>>) src(%dma_wait3A_114 : memref<10240x64xf32, #tpu.memory_space<hbm>>) dst(%dma_wait3A_108 : memref<64x64xf32, #tpu.memory_space<vmem>>)
    %rem3A_115 = arith.constant 156 : i32
    %rem3A_116 = arith.constant 2 : i32
    %rem3A_117 = arith.remsi %rem3A_115, %rem3A_116 : i32
    %run_scoped3A = arith.constant 156 : i32
    "tpu.region"() ({
      %run_scoped3A_245 = tpu.sem_alloc : memref<!tpu.dma_semaphore, #tpu.memory_space<semaphore_mem>>
      %dma_start3A_246 = arith.constant 0 : i32
      %dma_start3A_247 = arith.constant 0 : i32
      %dma_start3A_248 = tpu.memref_slice %arg10[%rem3A_117, %dma_start3A_246, %dma_start3A_247] : memref<2x64x64xf32, #tpu.memory_space<vmem>> -> memref<1x64x64xf32, #tpu.memory_space<vmem>>
      %dma_start3A_249 = tpu.memref_squeeze %dma_start3A_248 : memref<1x64x64xf32, #tpu.memory_space<vmem>> -> memref<64x64xf32, #tpu.memory_space<vmem>>
      %dma_start3A_250 = arith.constant 0 : i32
      %dma_start3A_251 = tpu.memref_slice %arg9[%run_scoped3A, %dma_start3A_250] : memref<157x64xi32, #tpu.memory_space<vmem>> -> memref<1x64xi32, #tpu.memory_space<vmem>>
      %dma_start3A_252 = tpu.memref_squeeze %dma_start3A_251 : memref<1x64xi32, #tpu.memory_space<vmem>> -> memref<64xi32, #tpu.memory_space<vmem>>
      %dma_start3A_253 = arith.constant 0 : i32
      %dma_start3A_254 = arith.constant 0 : i32
      %dma_start3A_255 = tpu.memref_slice %arg12[%dma_start3A_253, %dma_start3A_254] : memref<10240x64xf32, #tpu.memory_space<vmem_shared>> -> memref<10240x64xf32, #tpu.memory_space<vmem_shared>>
      tpu.enqueue_indirect_dma source(%dma_start3A_249 : memref<64x64xf32, #tpu.memory_space<vmem>>) target(%dma_start3A_255 : memref<10240x64xf32, #tpu.memory_space<vmem_shared>>) offsets(%dma_start3A_252 : memref<64xi32, #tpu.memory_space<vmem>>) semaphore(%run_scoped3A_245 : memref<!tpu.dma_semaphore, #tpu.memory_space<semaphore_mem>>) {add = true}
      %dma_wait3A_256 = arith.constant 0 : i32
      %dma_wait3A_257 = arith.constant 0 : i32
      %dma_wait3A_258 = tpu.memref_slice %arg10[%rem3A_117, %dma_wait3A_256, %dma_wait3A_257] : memref<2x64x64xf32, #tpu.memory_space<vmem>> -> memref<1x64x64xf32, #tpu.memory_space<vmem>>
      %dma_wait3A_259 = tpu.memref_squeeze %dma_wait3A_258 : memref<1x64x64xf32, #tpu.memory_space<vmem>> -> memref<64x64xf32, #tpu.memory_space<vmem>>
      %dma_wait3A_260 = arith.constant 0 : i32
      %dma_wait3A_261 = tpu.memref_slice %arg9[%run_scoped3A, %dma_wait3A_260] : memref<157x64xi32, #tpu.memory_space<vmem>> -> memref<1x64xi32, #tpu.memory_space<vmem>>
      %dma_wait3A_262 = tpu.memref_squeeze %dma_wait3A_261 : memref<1x64xi32, #tpu.memory_space<vmem>> -> memref<64xi32, #tpu.memory_space<vmem>>
      %dma_wait3A_263 = arith.constant 0 : i32
      %dma_wait3A_264 = arith.constant 0 : i32
      %dma_wait3A_265 = tpu.memref_slice %arg12[%dma_wait3A_263, %dma_wait3A_264] : memref<10240x64xf32, #tpu.memory_space<vmem_shared>> -> memref<10240x64xf32, #tpu.memory_space<vmem_shared>>
      tpu.wait_indirect_dma semaphore(%run_scoped3A_245 : memref<!tpu.dma_semaphore, #tpu.memory_space<semaphore_mem>>) src(%dma_wait3A_259 : memref<64x64xf32, #tpu.memory_space<vmem>>) dst(%dma_wait3A_265 : memref<10240x64xf32, #tpu.memory_space<vmem_shared>>)
      tpu.yield
    }) : () -> ()
    %barrier3A_118 = arith.constant 0 : index
    tpu.barrier barrier_id(%barrier3A_118)
    %mul3A_119 = arith.constant 640 : i32
    %mul3A_120 = arith.muli %arg1, %mul3A_119 : i32
    %mul3A_121 = arith.constant 640 : i32
    %mul3A_122 = arith.muli %arg1, %mul3A_121 : i32
    "tpu.region"() ({
      %run_scoped3A_245 = tpu.sem_alloc : memref<!tpu.dma_semaphore, #tpu.memory_space<semaphore_mem>>
      %dma_start3A_246 = arith.constant 0 : i32
      %dma_start3A_247 = tpu.memref_slice %arg6[%arg0, %mul3A_122, %dma_start3A_246] : memref<2x10240x64xf32, #tpu.memory_space<hbm>> -> memref<1x640x64xf32, #tpu.memory_space<hbm>>
      %dma_start3A_248 = tpu.memref_squeeze %dma_start3A_247 : memref<1x640x64xf32, #tpu.memory_space<hbm>> -> memref<640x64xf32, #tpu.memory_space<hbm>>
      %dma_start3A_249 = arith.constant 0 : i32
      %dma_start3A_250 = tpu.memref_slice %arg12[%mul3A_120, %dma_start3A_249] : memref<10240x64xf32, #tpu.memory_space<vmem_shared>> -> memref<640x64xf32, #tpu.memory_space<vmem_shared>>
      tpu.enqueue_dma source(%dma_start3A_250 : memref<640x64xf32, #tpu.memory_space<vmem_shared>>) target(%dma_start3A_248 : memref<640x64xf32, #tpu.memory_space<hbm>>) target_semaphore(%run_scoped3A_245 : memref<!tpu.dma_semaphore, #tpu.memory_space<semaphore_mem>>)
      %dma_wait3A_251 = arith.constant 0 : i32
      %dma_wait3A_252 = tpu.memref_slice %arg6[%arg0, %mul3A_122, %dma_wait3A_251] : memref<2x10240x64xf32, #tpu.memory_space<hbm>> -> memref<1x640x64xf32, #tpu.memory_space<hbm>>
      %dma_wait3A_253 = tpu.memref_squeeze %dma_wait3A_252 : memref<1x640x64xf32, #tpu.memory_space<hbm>> -> memref<640x64xf32, #tpu.memory_space<hbm>>
      %dma_wait3A_254 = arith.constant 0 : i32
      %dma_wait3A_255 = tpu.memref_slice %arg12[%mul3A_120, %dma_wait3A_254] : memref<10240x64xf32, #tpu.memory_space<vmem_shared>> -> memref<640x64xf32, #tpu.memory_space<vmem_shared>>
      tpu.wait_dma2 semaphore(%run_scoped3A_245 : memref<!tpu.dma_semaphore, #tpu.memory_space<semaphore_mem>>) src(%dma_wait3A_255 : memref<640x64xf32, #tpu.memory_space<vmem_shared>>) dst(%dma_wait3A_253 : memref<640x64xf32, #tpu.memory_space<hbm>>)
      tpu.yield
    }) : () -> ()
    %mul3A_123 = arith.constant 640 : i32
    %mul3A_124 = arith.muli %arg1, %mul3A_123 : i32
    %add3A_125 = arith.constant 0 : i32
    %add3A_126 = arith.addi %mul3A_124, %add3A_125 : i32
    "tpu.region"() ({
      %run_scoped3A_245 = tpu.sem_alloc : memref<!tpu.dma_semaphore, #tpu.memory_space<semaphore_mem>>
      %dma_start3A_246 = arith.constant 0 : i32
      %dma_start3A_247 = tpu.memref_slice %arg12[%add3A_126, %dma_start3A_246] : memref<10240x64xf32, #tpu.memory_space<vmem_shared>> -> memref<32x64xf32, #tpu.memory_space<vmem_shared>>
      %dma_start3A_248 = arith.constant 0 : i32
      %dma_start3A_249 = tpu.memref_slice %arg12[%add3A_126, %dma_start3A_248] : memref<10240x64xf32, #tpu.memory_space<vmem_shared>> -> memref<32x64xf32, #tpu.memory_space<vmem_shared>>
      tpu.enqueue_dma source(%arg11 : memref<32x64xf32, #tpu.memory_space<vmem>>) target(%dma_start3A_249 : memref<32x64xf32, #tpu.memory_space<vmem_shared>>) target_semaphore(%run_scoped3A_245 : memref<!tpu.dma_semaphore, #tpu.memory_space<semaphore_mem>>)
      %dma_wait3A_250 = arith.constant 0 : i32
      %dma_wait3A_251 = tpu.memref_slice %arg12[%add3A_126, %dma_wait3A_250] : memref<10240x64xf32, #tpu.memory_space<vmem_shared>> -> memref<32x64xf32, #tpu.memory_space<vmem_shared>>
      %dma_wait3A_252 = arith.constant 0 : i32
      %dma_wait3A_253 = tpu.memref_slice %arg12[%add3A_126, %dma_wait3A_252] : memref<10240x64xf32, #tpu.memory_space<vmem_shared>> -> memref<32x64xf32, #tpu.memory_space<vmem_shared>>
      tpu.wait_dma2 semaphore(%run_scoped3A_245 : memref<!tpu.dma_semaphore, #tpu.memory_space<semaphore_mem>>) src(%arg11 : memref<32x64xf32, #tpu.memory_space<vmem>>) dst(%dma_wait3A_253 : memref<32x64xf32, #tpu.memory_space<vmem_shared>>)
      tpu.yield
    }) : () -> ()
    %mul3A_127 = arith.constant 640 : i32
    %mul3A_128 = arith.muli %arg1, %mul3A_127 : i32
    %add3A_129 = arith.constant 32 : i32
    %add3A_130 = arith.addi %mul3A_128, %add3A_129 : i32
    "tpu.region"() ({
      %run_scoped3A_245 = tpu.sem_alloc : memref<!tpu.dma_semaphore, #tpu.memory_space<semaphore_mem>>
      %dma_start3A_246 = arith.constant 0 : i32
      %dma_start3A_247 = tpu.memref_slice %arg12[%add3A_130, %dma_start3A_246] : memref<10240x64xf32, #tpu.memory_space<vmem_shared>> -> memref<32x64xf32, #tpu.memory_space<vmem_shared>>
      %dma_start3A_248 = arith.constant 0 : i32
      %dma_start3A_249 = tpu.memref_slice %arg12[%add3A_130, %dma_start3A_248] : memref<10240x64xf32, #tpu.memory_space<vmem_shared>> -> memref<32x64xf32, #tpu.memory_space<vmem_shared>>
      tpu.enqueue_dma source(%arg11 : memref<32x64xf32, #tpu.memory_space<vmem>>) target(%dma_start3A_249 : memref<32x64xf32, #tpu.memory_space<vmem_shared>>) target_semaphore(%run_scoped3A_245 : memref<!tpu.dma_semaphore, #tpu.memory_space<semaphore_mem>>)
      %dma_wait3A_250 = arith.constant 0 : i32
      %dma_wait3A_251 = tpu.memref_slice %arg12[%add3A_130, %dma_wait3A_250] : memref<10240x64xf32, #tpu.memory_space<vmem_shared>> -> memref<32x64xf32, #tpu.memory_space<vmem_shared>>
      %dma_wait3A_252 = arith.constant 0 : i32
      %dma_wait3A_253 = tpu.memref_slice %arg12[%add3A_130, %dma_wait3A_252] : memref<10240x64xf32, #tpu.memory_space<vmem_shared>> -> memref<32x64xf32, #tpu.memory_space<vmem_shared>>
      tpu.wait_dma2 semaphore(%run_scoped3A_245 : memref<!tpu.dma_semaphore, #tpu.memory_space<semaphore_mem>>) src(%arg11 : memref<32x64xf32, #tpu.memory_space<vmem>>) dst(%dma_wait3A_253 : memref<32x64xf32, #tpu.memory_space<vmem_shared>>)
      tpu.yield
    }) : () -> ()
    %mul3A_131 = arith.constant 640 : i32
    %mul3A_132 = arith.muli %arg1, %mul3A_131 : i32
    %add3A_133 = arith.constant 64 : i32
    %add3A_134 = arith.addi %mul3A_132, %add3A_133 : i32
    "tpu.region"() ({
      %run_scoped3A_245 = tpu.sem_alloc : memref<!tpu.dma_semaphore, #tpu.memory_space<semaphore_mem>>
      %dma_start3A_246 = arith.constant 0 : i32
      %dma_start3A_247 = tpu.memref_slice %arg12[%add3A_134, %dma_start3A_246] : memref<10240x64xf32, #tpu.memory_space<vmem_shared>> -> memref<32x64xf32, #tpu.memory_space<vmem_shared>>
      %dma_start3A_248 = arith.constant 0 : i32
      %dma_start3A_249 = tpu.memref_slice %arg12[%add3A_134, %dma_start3A_248] : memref<10240x64xf32, #tpu.memory_space<vmem_shared>> -> memref<32x64xf32, #tpu.memory_space<vmem_shared>>
      tpu.enqueue_dma source(%arg11 : memref<32x64xf32, #tpu.memory_space<vmem>>) target(%dma_start3A_249 : memref<32x64xf32, #tpu.memory_space<vmem_shared>>) target_semaphore(%run_scoped3A_245 : memref<!tpu.dma_semaphore, #tpu.memory_space<semaphore_mem>>)
      %dma_wait3A_250 = arith.constant 0 : i32
      %dma_wait3A_251 = tpu.memref_slice %arg12[%add3A_134, %dma_wait3A_250] : memref<10240x64xf32, #tpu.memory_space<vmem_shared>> -> memref<32x64xf32, #tpu.memory_space<vmem_shared>>
      %dma_wait3A_252 = arith.constant 0 : i32
      %dma_wait3A_253 = tpu.memref_slice %arg12[%add3A_134, %dma_wait3A_252] : memref<10240x64xf32, #tpu.memory_space<vmem_shared>> -> memref<32x64xf32, #tpu.memory_space<vmem_shared>>
      tpu.wait_dma2 semaphore(%run_scoped3A_245 : memref<!tpu.dma_semaphore, #tpu.memory_space<semaphore_mem>>) src(%arg11 : memref<32x64xf32, #tpu.memory_space<vmem>>) dst(%dma_wait3A_253 : memref<32x64xf32, #tpu.memory_space<vmem_shared>>)
      tpu.yield
    }) : () -> ()
    %mul3A_135 = arith.constant 640 : i32
    %mul3A_136 = arith.muli %arg1, %mul3A_135 : i32
    %add3A_137 = arith.constant 96 : i32
    %add3A_138 = arith.addi %mul3A_136, %add3A_137 : i32
    "tpu.region"() ({
      %run_scoped3A_245 = tpu.sem_alloc : memref<!tpu.dma_semaphore, #tpu.memory_space<semaphore_mem>>
      %dma_start3A_246 = arith.constant 0 : i32
      %dma_start3A_247 = tpu.memref_slice %arg12[%add3A_138, %dma_start3A_246] : memref<10240x64xf32, #tpu.memory_space<vmem_shared>> -> memref<32x64xf32, #tpu.memory_space<vmem_shared>>
      %dma_start3A_248 = arith.constant 0 : i32
      %dma_start3A_249 = tpu.memref_slice %arg12[%add3A_138, %dma_start3A_248] : memref<10240x64xf32, #tpu.memory_space<vmem_shared>> -> memref<32x64xf32, #tpu.memory_space<vmem_shared>>
      tpu.enqueue_dma source(%arg11 : memref<32x64xf32, #tpu.memory_space<vmem>>) target(%dma_start3A_249 : memref<32x64xf32, #tpu.memory_space<vmem_shared>>) target_semaphore(%run_scoped3A_245 : memref<!tpu.dma_semaphore, #tpu.memory_space<semaphore_mem>>)
      %dma_wait3A_250 = arith.constant 0 : i32
      %dma_wait3A_251 = tpu.memref_slice %arg12[%add3A_138, %dma_wait3A_250] : memref<10240x64xf32, #tpu.memory_space<vmem_shared>> -> memref<32x64xf32, #tpu.memory_space<vmem_shared>>
      %dma_wait3A_252 = arith.constant 0 : i32
      %dma_wait3A_253 = tpu.memref_slice %arg12[%add3A_138, %dma_wait3A_252] : memref<10240x64xf32, #tpu.memory_space<vmem_shared>> -> memref<32x64xf32, #tpu.memory_space<vmem_shared>>
      tpu.wait_dma2 semaphore(%run_scoped3A_245 : memref<!tpu.dma_semaphore, #tpu.memory_space<semaphore_mem>>) src(%arg11 : memref<32x64xf32, #tpu.memory_space<vmem>>) dst(%dma_wait3A_253 : memref<32x64xf32, #tpu.memory_space<vmem_shared>>)
      tpu.yield
    }) : () -> ()
    %mul3A_139 = arith.constant 640 : i32
    %mul3A_140 = arith.muli %arg1, %mul3A_139 : i32
    %add3A_141 = arith.constant 128 : i32
    %add3A_142 = arith.addi %mul3A_140, %add3A_141 : i32
    "tpu.region"() ({
      %run_scoped3A_245 = tpu.sem_alloc : memref<!tpu.dma_semaphore, #tpu.memory_space<semaphore_mem>>
      %dma_start3A_246 = arith.constant 0 : i32
      %dma_start3A_247 = tpu.memref_slice %arg12[%add3A_142, %dma_start3A_246] : memref<10240x64xf32, #tpu.memory_space<vmem_shared>> -> memref<32x64xf32, #tpu.memory_space<vmem_shared>>
      %dma_start3A_248 = arith.constant 0 : i32
      %dma_start3A_249 = tpu.memref_slice %arg12[%add3A_142, %dma_start3A_248] : memref<10240x64xf32, #tpu.memory_space<vmem_shared>> -> memref<32x64xf32, #tpu.memory_space<vmem_shared>>
      tpu.enqueue_dma source(%arg11 : memref<32x64xf32, #tpu.memory_space<vmem>>) target(%dma_start3A_249 : memref<32x64xf32, #tpu.memory_space<vmem_shared>>) target_semaphore(%run_scoped3A_245 : memref<!tpu.dma_semaphore, #tpu.memory_space<semaphore_mem>>)
      %dma_wait3A_250 = arith.constant 0 : i32
      %dma_wait3A_251 = tpu.memref_slice %arg12[%add3A_142, %dma_wait3A_250] : memref<10240x64xf32, #tpu.memory_space<vmem_shared>> -> memref<32x64xf32, #tpu.memory_space<vmem_shared>>
      %dma_wait3A_252 = arith.constant 0 : i32
      %dma_wait3A_253 = tpu.memref_slice %arg12[%add3A_142, %dma_wait3A_252] : memref<10240x64xf32, #tpu.memory_space<vmem_shared>> -> memref<32x64xf32, #tpu.memory_space<vmem_shared>>
      tpu.wait_dma2 semaphore(%run_scoped3A_245 : memref<!tpu.dma_semaphore, #tpu.memory_space<semaphore_mem>>) src(%arg11 : memref<32x64xf32, #tpu.memory_space<vmem>>) dst(%dma_wait3A_253 : memref<32x64xf32, #tpu.memory_space<vmem_shared>>)
      tpu.yield
    }) : () -> ()
    %mul3A_143 = arith.constant 640 : i32
    %mul3A_144 = arith.muli %arg1, %mul3A_143 : i32
    %add3A_145 = arith.constant 160 : i32
    %add3A_146 = arith.addi %mul3A_144, %add3A_145 : i32
    "tpu.region"() ({
      %run_scoped3A_245 = tpu.sem_alloc : memref<!tpu.dma_semaphore, #tpu.memory_space<semaphore_mem>>
      %dma_start3A_246 = arith.constant 0 : i32
      %dma_start3A_247 = tpu.memref_slice %arg12[%add3A_146, %dma_start3A_246] : memref<10240x64xf32, #tpu.memory_space<vmem_shared>> -> memref<32x64xf32, #tpu.memory_space<vmem_shared>>
      %dma_start3A_248 = arith.constant 0 : i32
      %dma_start3A_249 = tpu.memref_slice %arg12[%add3A_146, %dma_start3A_248] : memref<10240x64xf32, #tpu.memory_space<vmem_shared>> -> memref<32x64xf32, #tpu.memory_space<vmem_shared>>
      tpu.enqueue_dma source(%arg11 : memref<32x64xf32, #tpu.memory_space<vmem>>) target(%dma_start3A_249 : memref<32x64xf32, #tpu.memory_space<vmem_shared>>) target_semaphore(%run_scoped3A_245 : memref<!tpu.dma_semaphore, #tpu.memory_space<semaphore_mem>>)
      %dma_wait3A_250 = arith.constant 0 : i32
      %dma_wait3A_251 = tpu.memref_slice %arg12[%add3A_146, %dma_wait3A_250] : memref<10240x64xf32, #tpu.memory_space<vmem_shared>> -> memref<32x64xf32, #tpu.memory_space<vmem_shared>>
      %dma_wait3A_252 = arith.constant 0 : i32
      %dma_wait3A_253 = tpu.memref_slice %arg12[%add3A_146, %dma_wait3A_252] : memref<10240x64xf32, #tpu.memory_space<vmem_shared>> -> memref<32x64xf32, #tpu.memory_space<vmem_shared>>
      tpu.wait_dma2 semaphore(%run_scoped3A_245 : memref<!tpu.dma_semaphore, #tpu.memory_space<semaphore_mem>>) src(%arg11 : memref<32x64xf32, #tpu.memory_space<vmem>>) dst(%dma_wait3A_253 : memref<32x64xf32, #tpu.memory_space<vmem_shared>>)
      tpu.yield
    }) : () -> ()
    %mul3A_147 = arith.constant 640 : i32
    %mul3A_148 = arith.muli %arg1, %mul3A_147 : i32
    %add3A_149 = arith.constant 192 : i32
    %add3A_150 = arith.addi %mul3A_148, %add3A_149 : i32
    "tpu.region"() ({
      %run_scoped3A_245 = tpu.sem_alloc : memref<!tpu.dma_semaphore, #tpu.memory_space<semaphore_mem>>
      %dma_start3A_246 = arith.constant 0 : i32
      %dma_start3A_247 = tpu.memref_slice %arg12[%add3A_150, %dma_start3A_246] : memref<10240x64xf32, #tpu.memory_space<vmem_shared>> -> memref<32x64xf32, #tpu.memory_space<vmem_shared>>
      %dma_start3A_248 = arith.constant 0 : i32
      %dma_start3A_249 = tpu.memref_slice %arg12[%add3A_150, %dma_start3A_248] : memref<10240x64xf32, #tpu.memory_space<vmem_shared>> -> memref<32x64xf32, #tpu.memory_space<vmem_shared>>
      tpu.enqueue_dma source(%arg11 : memref<32x64xf32, #tpu.memory_space<vmem>>) target(%dma_start3A_249 : memref<32x64xf32, #tpu.memory_space<vmem_shared>>) target_semaphore(%run_scoped3A_245 : memref<!tpu.dma_semaphore, #tpu.memory_space<semaphore_mem>>)
      %dma_wait3A_250 = arith.constant 0 : i32
      %dma_wait3A_251 = tpu.memref_slice %arg12[%add3A_150, %dma_wait3A_250] : memref<10240x64xf32, #tpu.memory_space<vmem_shared>> -> memref<32x64xf32, #tpu.memory_space<vmem_shared>>
      %dma_wait3A_252 = arith.constant 0 : i32
      %dma_wait3A_253 = tpu.memref_slice %arg12[%add3A_150, %dma_wait3A_252] : memref<10240x64xf32, #tpu.memory_space<vmem_shared>> -> memref<32x64xf32, #tpu.memory_space<vmem_shared>>
      tpu.wait_dma2 semaphore(%run_scoped3A_245 : memref<!tpu.dma_semaphore, #tpu.memory_space<semaphore_mem>>) src(%arg11 : memref<32x64xf32, #tpu.memory_space<vmem>>) dst(%dma_wait3A_253 : memref<32x64xf32, #tpu.memory_space<vmem_shared>>)
      tpu.yield
    }) : () -> ()
    %mul3A_151 = arith.constant 640 : i32
    %mul3A_152 = arith.muli %arg1, %mul3A_151 : i32
    %add3A_153 = arith.constant 224 : i32
    %add3A_154 = arith.addi %mul3A_152, %add3A_153 : i32
    "tpu.region"() ({
      %run_scoped3A_245 = tpu.sem_alloc : memref<!tpu.dma_semaphore, #tpu.memory_space<semaphore_mem>>
      %dma_start3A_246 = arith.constant 0 : i32
      %dma_start3A_247 = tpu.memref_slice %arg12[%add3A_154, %dma_start3A_246] : memref<10240x64xf32, #tpu.memory_space<vmem_shared>> -> memref<32x64xf32, #tpu.memory_space<vmem_shared>>
      %dma_start3A_248 = arith.constant 0 : i32
      %dma_start3A_249 = tpu.memref_slice %arg12[%add3A_154, %dma_start3A_248] : memref<10240x64xf32, #tpu.memory_space<vmem_shared>> -> memref<32x64xf32, #tpu.memory_space<vmem_shared>>
      tpu.enqueue_dma source(%arg11 : memref<32x64xf32, #tpu.memory_space<vmem>>) target(%dma_start3A_249 : memref<32x64xf32, #tpu.memory_space<vmem_shared>>) target_semaphore(%run_scoped3A_245 : memref<!tpu.dma_semaphore, #tpu.memory_space<semaphore_mem>>)
      %dma_wait3A_250 = arith.constant 0 : i32
      %dma_wait3A_251 = tpu.memref_slice %arg12[%add3A_154, %dma_wait3A_250] : memref<10240x64xf32, #tpu.memory_space<vmem_shared>> -> memref<32x64xf32, #tpu.memory_space<vmem_shared>>
      %dma_wait3A_252 = arith.constant 0 : i32
      %dma_wait3A_253 = tpu.memref_slice %arg12[%add3A_154, %dma_wait3A_252] : memref<10240x64xf32, #tpu.memory_space<vmem_shared>> -> memref<32x64xf32, #tpu.memory_space<vmem_shared>>
      tpu.wait_dma2 semaphore(%run_scoped3A_245 : memref<!tpu.dma_semaphore, #tpu.memory_space<semaphore_mem>>) src(%arg11 : memref<32x64xf32, #tpu.memory_space<vmem>>) dst(%dma_wait3A_253 : memref<32x64xf32, #tpu.memory_space<vmem_shared>>)
      tpu.yield
    }) : () -> ()
    %mul3A_155 = arith.constant 640 : i32
    %mul3A_156 = arith.muli %arg1, %mul3A_155 : i32
    %add3A_157 = arith.constant 256 : i32
    %add3A_158 = arith.addi %mul3A_156, %add3A_157 : i32
    "tpu.region"() ({
      %run_scoped3A_245 = tpu.sem_alloc : memref<!tpu.dma_semaphore, #tpu.memory_space<semaphore_mem>>
      %dma_start3A_246 = arith.constant 0 : i32
      %dma_start3A_247 = tpu.memref_slice %arg12[%add3A_158, %dma_start3A_246] : memref<10240x64xf32, #tpu.memory_space<vmem_shared>> -> memref<32x64xf32, #tpu.memory_space<vmem_shared>>
      %dma_start3A_248 = arith.constant 0 : i32
      %dma_start3A_249 = tpu.memref_slice %arg12[%add3A_158, %dma_start3A_248] : memref<10240x64xf32, #tpu.memory_space<vmem_shared>> -> memref<32x64xf32, #tpu.memory_space<vmem_shared>>
      tpu.enqueue_dma source(%arg11 : memref<32x64xf32, #tpu.memory_space<vmem>>) target(%dma_start3A_249 : memref<32x64xf32, #tpu.memory_space<vmem_shared>>) target_semaphore(%run_scoped3A_245 : memref<!tpu.dma_semaphore, #tpu.memory_space<semaphore_mem>>)
      %dma_wait3A_250 = arith.constant 0 : i32
      %dma_wait3A_251 = tpu.memref_slice %arg12[%add3A_158, %dma_wait3A_250] : memref<10240x64xf32, #tpu.memory_space<vmem_shared>> -> memref<32x64xf32, #tpu.memory_space<vmem_shared>>
      %dma_wait3A_252 = arith.constant 0 : i32
      %dma_wait3A_253 = tpu.memref_slice %arg12[%add3A_158, %dma_wait3A_252] : memref<10240x64xf32, #tpu.memory_space<vmem_shared>> -> memref<32x64xf32, #tpu.memory_space<vmem_shared>>
      tpu.wait_dma2 semaphore(%run_scoped3A_245 : memref<!tpu.dma_semaphore, #tpu.memory_space<semaphore_mem>>) src(%arg11 : memref<32x64xf32, #tpu.memory_space<vmem>>) dst(%dma_wait3A_253 : memref<32x64xf32, #tpu.memory_space<vmem_shared>>)
      tpu.yield
    }) : () -> ()
    %mul3A_159 = arith.constant 640 : i32
    %mul3A_160 = arith.muli %arg1, %mul3A_159 : i32
    %add3A_161 = arith.constant 288 : i32
    %add3A_162 = arith.addi %mul3A_160, %add3A_161 : i32
    "tpu.region"() ({
      %run_scoped3A_245 = tpu.sem_alloc : memref<!tpu.dma_semaphore, #tpu.memory_space<semaphore_mem>>
      %dma_start3A_246 = arith.constant 0 : i32
      %dma_start3A_247 = tpu.memref_slice %arg12[%add3A_162, %dma_start3A_246] : memref<10240x64xf32, #tpu.memory_space<vmem_shared>> -> memref<32x64xf32, #tpu.memory_space<vmem_shared>>
      %dma_start3A_248 = arith.constant 0 : i32
      %dma_start3A_249 = tpu.memref_slice %arg12[%add3A_162, %dma_start3A_248] : memref<10240x64xf32, #tpu.memory_space<vmem_shared>> -> memref<32x64xf32, #tpu.memory_space<vmem_shared>>
      tpu.enqueue_dma source(%arg11 : memref<32x64xf32, #tpu.memory_space<vmem>>) target(%dma_start3A_249 : memref<32x64xf32, #tpu.memory_space<vmem_shared>>) target_semaphore(%run_scoped3A_245 : memref<!tpu.dma_semaphore, #tpu.memory_space<semaphore_mem>>)
      %dma_wait3A_250 = arith.constant 0 : i32
      %dma_wait3A_251 = tpu.memref_slice %arg12[%add3A_162, %dma_wait3A_250] : memref<10240x64xf32, #tpu.memory_space<vmem_shared>> -> memref<32x64xf32, #tpu.memory_space<vmem_shared>>
      %dma_wait3A_252 = arith.constant 0 : i32
      %dma_wait3A_253 = tpu.memref_slice %arg12[%add3A_162, %dma_wait3A_252] : memref<10240x64xf32, #tpu.memory_space<vmem_shared>> -> memref<32x64xf32, #tpu.memory_space<vmem_shared>>
      tpu.wait_dma2 semaphore(%run_scoped3A_245 : memref<!tpu.dma_semaphore, #tpu.memory_space<semaphore_mem>>) src(%arg11 : memref<32x64xf32, #tpu.memory_space<vmem>>) dst(%dma_wait3A_253 : memref<32x64xf32, #tpu.memory_space<vmem_shared>>)
      tpu.yield
    }) : () -> ()
    %mul3A_163 = arith.constant 640 : i32
    %mul3A_164 = arith.muli %arg1, %mul3A_163 : i32
    %add3A_165 = arith.constant 320 : i32
    %add3A_166 = arith.addi %mul3A_164, %add3A_165 : i32
    "tpu.region"() ({
      %run_scoped3A_245 = tpu.sem_alloc : memref<!tpu.dma_semaphore, #tpu.memory_space<semaphore_mem>>
      %dma_start3A_246 = arith.constant 0 : i32
      %dma_start3A_247 = tpu.memref_slice %arg12[%add3A_166, %dma_start3A_246] : memref<10240x64xf32, #tpu.memory_space<vmem_shared>> -> memref<32x64xf32, #tpu.memory_space<vmem_shared>>
      %dma_start3A_248 = arith.constant 0 : i32
      %dma_start3A_249 = tpu.memref_slice %arg12[%add3A_166, %dma_start3A_248] : memref<10240x64xf32, #tpu.memory_space<vmem_shared>> -> memref<32x64xf32, #tpu.memory_space<vmem_shared>>
      tpu.enqueue_dma source(%arg11 : memref<32x64xf32, #tpu.memory_space<vmem>>) target(%dma_start3A_249 : memref<32x64xf32, #tpu.memory_space<vmem_shared>>) target_semaphore(%run_scoped3A_245 : memref<!tpu.dma_semaphore, #tpu.memory_space<semaphore_mem>>)
      %dma_wait3A_250 = arith.constant 0 : i32
      %dma_wait3A_251 = tpu.memref_slice %arg12[%add3A_166, %dma_wait3A_250] : memref<10240x64xf32, #tpu.memory_space<vmem_shared>> -> memref<32x64xf32, #tpu.memory_space<vmem_shared>>
      %dma_wait3A_252 = arith.constant 0 : i32
      %dma_wait3A_253 = tpu.memref_slice %arg12[%add3A_166, %dma_wait3A_252] : memref<10240x64xf32, #tpu.memory_space<vmem_shared>> -> memref<32x64xf32, #tpu.memory_space<vmem_shared>>
      tpu.wait_dma2 semaphore(%run_scoped3A_245 : memref<!tpu.dma_semaphore, #tpu.memory_space<semaphore_mem>>) src(%arg11 : memref<32x64xf32, #tpu.memory_space<vmem>>) dst(%dma_wait3A_253 : memref<32x64xf32, #tpu.memory_space<vmem_shared>>)
      tpu.yield
    }) : () -> ()
    %mul3A_167 = arith.constant 640 : i32
    %mul3A_168 = arith.muli %arg1, %mul3A_167 : i32
    %add3A_169 = arith.constant 352 : i32
    %add3A_170 = arith.addi %mul3A_168, %add3A_169 : i32
    "tpu.region"() ({
      %run_scoped3A_245 = tpu.sem_alloc : memref<!tpu.dma_semaphore, #tpu.memory_space<semaphore_mem>>
      %dma_start3A_246 = arith.constant 0 : i32
      %dma_start3A_247 = tpu.memref_slice %arg12[%add3A_170, %dma_start3A_246] : memref<10240x64xf32, #tpu.memory_space<vmem_shared>> -> memref<32x64xf32, #tpu.memory_space<vmem_shared>>
      %dma_start3A_248 = arith.constant 0 : i32
      %dma_start3A_249 = tpu.memref_slice %arg12[%add3A_170, %dma_start3A_248] : memref<10240x64xf32, #tpu.memory_space<vmem_shared>> -> memref<32x64xf32, #tpu.memory_space<vmem_shared>>
      tpu.enqueue_dma source(%arg11 : memref<32x64xf32, #tpu.memory_space<vmem>>) target(%dma_start3A_249 : memref<32x64xf32, #tpu.memory_space<vmem_shared>>) target_semaphore(%run_scoped3A_245 : memref<!tpu.dma_semaphore, #tpu.memory_space<semaphore_mem>>)
      %dma_wait3A_250 = arith.constant 0 : i32
      %dma_wait3A_251 = tpu.memref_slice %arg12[%add3A_170, %dma_wait3A_250] : memref<10240x64xf32, #tpu.memory_space<vmem_shared>> -> memref<32x64xf32, #tpu.memory_space<vmem_shared>>
      %dma_wait3A_252 = arith.constant 0 : i32
      %dma_wait3A_253 = tpu.memref_slice %arg12[%add3A_170, %dma_wait3A_252] : memref<10240x64xf32, #tpu.memory_space<vmem_shared>> -> memref<32x64xf32, #tpu.memory_space<vmem_shared>>
      tpu.wait_dma2 semaphore(%run_scoped3A_245 : memref<!tpu.dma_semaphore, #tpu.memory_space<semaphore_mem>>) src(%arg11 : memref<32x64xf32, #tpu.memory_space<vmem>>) dst(%dma_wait3A_253 : memref<32x64xf32, #tpu.memory_space<vmem_shared>>)
      tpu.yield
    }) : () -> ()
    %mul3A_171 = arith.constant 640 : i32
    %mul3A_172 = arith.muli %arg1, %mul3A_171 : i32
    %add3A_173 = arith.constant 384 : i32
    %add3A_174 = arith.addi %mul3A_172, %add3A_173 : i32
    "tpu.region"() ({
      %run_scoped3A_245 = tpu.sem_alloc : memref<!tpu.dma_semaphore, #tpu.memory_space<semaphore_mem>>
      %dma_start3A_246 = arith.constant 0 : i32
      %dma_start3A_247 = tpu.memref_slice %arg12[%add3A_174, %dma_start3A_246] : memref<10240x64xf32, #tpu.memory_space<vmem_shared>> -> memref<32x64xf32, #tpu.memory_space<vmem_shared>>
      %dma_start3A_248 = arith.constant 0 : i32
      %dma_start3A_249 = tpu.memref_slice %arg12[%add3A_174, %dma_start3A_248] : memref<10240x64xf32, #tpu.memory_space<vmem_shared>> -> memref<32x64xf32, #tpu.memory_space<vmem_shared>>
      tpu.enqueue_dma source(%arg11 : memref<32x64xf32, #tpu.memory_space<vmem>>) target(%dma_start3A_249 : memref<32x64xf32, #tpu.memory_space<vmem_shared>>) target_semaphore(%run_scoped3A_245 : memref<!tpu.dma_semaphore, #tpu.memory_space<semaphore_mem>>)
      %dma_wait3A_250 = arith.constant 0 : i32
      %dma_wait3A_251 = tpu.memref_slice %arg12[%add3A_174, %dma_wait3A_250] : memref<10240x64xf32, #tpu.memory_space<vmem_shared>> -> memref<32x64xf32, #tpu.memory_space<vmem_shared>>
      %dma_wait3A_252 = arith.constant 0 : i32
      %dma_wait3A_253 = tpu.memref_slice %arg12[%add3A_174, %dma_wait3A_252] : memref<10240x64xf32, #tpu.memory_space<vmem_shared>> -> memref<32x64xf32, #tpu.memory_space<vmem_shared>>
      tpu.wait_dma2 semaphore(%run_scoped3A_245 : memref<!tpu.dma_semaphore, #tpu.memory_space<semaphore_mem>>) src(%arg11 : memref<32x64xf32, #tpu.memory_space<vmem>>) dst(%dma_wait3A_253 : memref<32x64xf32, #tpu.memory_space<vmem_shared>>)
      tpu.yield
    }) : () -> ()
    %mul3A_175 = arith.constant 640 : i32
    %mul3A_176 = arith.muli %arg1, %mul3A_175 : i32
    %add3A_177 = arith.constant 416 : i32
    %add3A_178 = arith.addi %mul3A_176, %add3A_177 : i32
    "tpu.region"() ({
      %run_scoped3A_245 = tpu.sem_alloc : memref<!tpu.dma_semaphore, #tpu.memory_space<semaphore_mem>>
      %dma_start3A_246 = arith.constant 0 : i32
      %dma_start3A_247 = tpu.memref_slice %arg12[%add3A_178, %dma_start3A_246] : memref<10240x64xf32, #tpu.memory_space<vmem_shared>> -> memref<32x64xf32, #tpu.memory_space<vmem_shared>>
      %dma_start3A_248 = arith.constant 0 : i32
      %dma_start3A_249 = tpu.memref_slice %arg12[%add3A_178, %dma_start3A_248] : memref<10240x64xf32, #tpu.memory_space<vmem_shared>> -> memref<32x64xf32, #tpu.memory_space<vmem_shared>>
      tpu.enqueue_dma source(%arg11 : memref<32x64xf32, #tpu.memory_space<vmem>>) target(%dma_start3A_249 : memref<32x64xf32, #tpu.memory_space<vmem_shared>>) target_semaphore(%run_scoped3A_245 : memref<!tpu.dma_semaphore, #tpu.memory_space<semaphore_mem>>)
      %dma_wait3A_250 = arith.constant 0 : i32
      %dma_wait3A_251 = tpu.memref_slice %arg12[%add3A_178, %dma_wait3A_250] : memref<10240x64xf32, #tpu.memory_space<vmem_shared>> -> memref<32x64xf32, #tpu.memory_space<vmem_shared>>
      %dma_wait3A_252 = arith.constant 0 : i32
      %dma_wait3A_253 = tpu.memref_slice %arg12[%add3A_178, %dma_wait3A_252] : memref<10240x64xf32, #tpu.memory_space<vmem_shared>> -> memref<32x64xf32, #tpu.memory_space<vmem_shared>>
      tpu.wait_dma2 semaphore(%run_scoped3A_245 : memref<!tpu.dma_semaphore, #tpu.memory_space<semaphore_mem>>) src(%arg11 : memref<32x64xf32, #tpu.memory_space<vmem>>) dst(%dma_wait3A_253 : memref<32x64xf32, #tpu.memory_space<vmem_shared>>)
      tpu.yield
    }) : () -> ()
    %mul3A_179 = arith.constant 640 : i32
    %mul3A_180 = arith.muli %arg1, %mul3A_179 : i32
    %add3A_181 = arith.constant 448 : i32
    %add3A_182 = arith.addi %mul3A_180, %add3A_181 : i32
    "tpu.region"() ({
      %run_scoped3A_245 = tpu.sem_alloc : memref<!tpu.dma_semaphore, #tpu.memory_space<semaphore_mem>>
      %dma_start3A_246 = arith.constant 0 : i32
      %dma_start3A_247 = tpu.memref_slice %arg12[%add3A_182, %dma_start3A_246] : memref<10240x64xf32, #tpu.memory_space<vmem_shared>> -> memref<32x64xf32, #tpu.memory_space<vmem_shared>>
      %dma_start3A_248 = arith.constant 0 : i32
      %dma_start3A_249 = tpu.memref_slice %arg12[%add3A_182, %dma_start3A_248] : memref<10240x64xf32, #tpu.memory_space<vmem_shared>> -> memref<32x64xf32, #tpu.memory_space<vmem_shared>>
      tpu.enqueue_dma source(%arg11 : memref<32x64xf32, #tpu.memory_space<vmem>>) target(%dma_start3A_249 : memref<32x64xf32, #tpu.memory_space<vmem_shared>>) target_semaphore(%run_scoped3A_245 : memref<!tpu.dma_semaphore, #tpu.memory_space<semaphore_mem>>)
      %dma_wait3A_250 = arith.constant 0 : i32
      %dma_wait3A_251 = tpu.memref_slice %arg12[%add3A_182, %dma_wait3A_250] : memref<10240x64xf32, #tpu.memory_space<vmem_shared>> -> memref<32x64xf32, #tpu.memory_space<vmem_shared>>
      %dma_wait3A_252 = arith.constant 0 : i32
      %dma_wait3A_253 = tpu.memref_slice %arg12[%add3A_182, %dma_wait3A_252] : memref<10240x64xf32, #tpu.memory_space<vmem_shared>> -> memref<32x64xf32, #tpu.memory_space<vmem_shared>>
      tpu.wait_dma2 semaphore(%run_scoped3A_245 : memref<!tpu.dma_semaphore, #tpu.memory_space<semaphore_mem>>) src(%arg11 : memref<32x64xf32, #tpu.memory_space<vmem>>) dst(%dma_wait3A_253 : memref<32x64xf32, #tpu.memory_space<vmem_shared>>)
      tpu.yield
    }) : () -> ()
    %mul3A_183 = arith.constant 640 : i32
    %mul3A_184 = arith.muli %arg1, %mul3A_183 : i32
    %add3A_185 = arith.constant 480 : i32
    %add3A_186 = arith.addi %mul3A_184, %add3A_185 : i32
    "tpu.region"() ({
      %run_scoped3A_245 = tpu.sem_alloc : memref<!tpu.dma_semaphore, #tpu.memory_space<semaphore_mem>>
      %dma_start3A_246 = arith.constant 0 : i32
      %dma_start3A_247 = tpu.memref_slice %arg12[%add3A_186, %dma_start3A_246] : memref<10240x64xf32, #tpu.memory_space<vmem_shared>> -> memref<32x64xf32, #tpu.memory_space<vmem_shared>>
      %dma_start3A_248 = arith.constant 0 : i32
      %dma_start3A_249 = tpu.memref_slice %arg12[%add3A_186, %dma_start3A_248] : memref<10240x64xf32, #tpu.memory_space<vmem_shared>> -> memref<32x64xf32, #tpu.memory_space<vmem_shared>>
      tpu.enqueue_dma source(%arg11 : memref<32x64xf32, #tpu.memory_space<vmem>>) target(%dma_start3A_249 : memref<32x64xf32, #tpu.memory_space<vmem_shared>>) target_semaphore(%run_scoped3A_245 : memref<!tpu.dma_semaphore, #tpu.memory_space<semaphore_mem>>)
      %dma_wait3A_250 = arith.constant 0 : i32
      %dma_wait3A_251 = tpu.memref_slice %arg12[%add3A_186, %dma_wait3A_250] : memref<10240x64xf32, #tpu.memory_space<vmem_shared>> -> memref<32x64xf32, #tpu.memory_space<vmem_shared>>
      %dma_wait3A_252 = arith.constant 0 : i32
      %dma_wait3A_253 = tpu.memref_slice %arg12[%add3A_186, %dma_wait3A_252] : memref<10240x64xf32, #tpu.memory_space<vmem_shared>> -> memref<32x64xf32, #tpu.memory_space<vmem_shared>>
      tpu.wait_dma2 semaphore(%run_scoped3A_245 : memref<!tpu.dma_semaphore, #tpu.memory_space<semaphore_mem>>) src(%arg11 : memref<32x64xf32, #tpu.memory_space<vmem>>) dst(%dma_wait3A_253 : memref<32x64xf32, #tpu.memory_space<vmem_shared>>)
      tpu.yield
    }) : () -> ()
    %mul3A_187 = arith.constant 640 : i32
    %mul3A_188 = arith.muli %arg1, %mul3A_187 : i32
    %add3A_189 = arith.constant 512 : i32
    %add3A_190 = arith.addi %mul3A_188, %add3A_189 : i32
    "tpu.region"() ({
      %run_scoped3A_245 = tpu.sem_alloc : memref<!tpu.dma_semaphore, #tpu.memory_space<semaphore_mem>>
      %dma_start3A_246 = arith.constant 0 : i32
      %dma_start3A_247 = tpu.memref_slice %arg12[%add3A_190, %dma_start3A_246] : memref<10240x64xf32, #tpu.memory_space<vmem_shared>> -> memref<32x64xf32, #tpu.memory_space<vmem_shared>>
      %dma_start3A_248 = arith.constant 0 : i32
      %dma_start3A_249 = tpu.memref_slice %arg12[%add3A_190, %dma_start3A_248] : memref<10240x64xf32, #tpu.memory_space<vmem_shared>> -> memref<32x64xf32, #tpu.memory_space<vmem_shared>>
      tpu.enqueue_dma source(%arg11 : memref<32x64xf32, #tpu.memory_space<vmem>>) target(%dma_start3A_249 : memref<32x64xf32, #tpu.memory_space<vmem_shared>>) target_semaphore(%run_scoped3A_245 : memref<!tpu.dma_semaphore, #tpu.memory_space<semaphore_mem>>)
      %dma_wait3A_250 = arith.constant 0 : i32
      %dma_wait3A_251 = tpu.memref_slice %arg12[%add3A_190, %dma_wait3A_250] : memref<10240x64xf32, #tpu.memory_space<vmem_shared>> -> memref<32x64xf32, #tpu.memory_space<vmem_shared>>
      %dma_wait3A_252 = arith.constant 0 : i32
      %dma_wait3A_253 = tpu.memref_slice %arg12[%add3A_190, %dma_wait3A_252] : memref<10240x64xf32, #tpu.memory_space<vmem_shared>> -> memref<32x64xf32, #tpu.memory_space<vmem_shared>>
      tpu.wait_dma2 semaphore(%run_scoped3A_245 : memref<!tpu.dma_semaphore, #tpu.memory_space<semaphore_mem>>) src(%arg11 : memref<32x64xf32, #tpu.memory_space<vmem>>) dst(%dma_wait3A_253 : memref<32x64xf32, #tpu.memory_space<vmem_shared>>)
      tpu.yield
    }) : () -> ()
    %mul3A_191 = arith.constant 640 : i32
    %mul3A_192 = arith.muli %arg1, %mul3A_191 : i32
    %add3A_193 = arith.constant 544 : i32
    %add3A_194 = arith.addi %mul3A_192, %add3A_193 : i32
    "tpu.region"() ({
      %run_scoped3A_245 = tpu.sem_alloc : memref<!tpu.dma_semaphore, #tpu.memory_space<semaphore_mem>>
      %dma_start3A_246 = arith.constant 0 : i32
      %dma_start3A_247 = tpu.memref_slice %arg12[%add3A_194, %dma_start3A_246] : memref<10240x64xf32, #tpu.memory_space<vmem_shared>> -> memref<32x64xf32, #tpu.memory_space<vmem_shared>>
      %dma_start3A_248 = arith.constant 0 : i32
      %dma_start3A_249 = tpu.memref_slice %arg12[%add3A_194, %dma_start3A_248] : memref<10240x64xf32, #tpu.memory_space<vmem_shared>> -> memref<32x64xf32, #tpu.memory_space<vmem_shared>>
      tpu.enqueue_dma source(%arg11 : memref<32x64xf32, #tpu.memory_space<vmem>>) target(%dma_start3A_249 : memref<32x64xf32, #tpu.memory_space<vmem_shared>>) target_semaphore(%run_scoped3A_245 : memref<!tpu.dma_semaphore, #tpu.memory_space<semaphore_mem>>)
      %dma_wait3A_250 = arith.constant 0 : i32
      %dma_wait3A_251 = tpu.memref_slice %arg12[%add3A_194, %dma_wait3A_250] : memref<10240x64xf32, #tpu.memory_space<vmem_shared>> -> memref<32x64xf32, #tpu.memory_space<vmem_shared>>
      %dma_wait3A_252 = arith.constant 0 : i32
      %dma_wait3A_253 = tpu.memref_slice %arg12[%add3A_194, %dma_wait3A_252] : memref<10240x64xf32, #tpu.memory_space<vmem_shared>> -> memref<32x64xf32, #tpu.memory_space<vmem_shared>>
      tpu.wait_dma2 semaphore(%run_scoped3A_245 : memref<!tpu.dma_semaphore, #tpu.memory_space<semaphore_mem>>) src(%arg11 : memref<32x64xf32, #tpu.memory_space<vmem>>) dst(%dma_wait3A_253 : memref<32x64xf32, #tpu.memory_space<vmem_shared>>)
      tpu.yield
    }) : () -> ()
    %mul3A_195 = arith.constant 640 : i32
    %mul3A_196 = arith.muli %arg1, %mul3A_195 : i32
    %add3A_197 = arith.constant 576 : i32
    %add3A_198 = arith.addi %mul3A_196, %add3A_197 : i32
    "tpu.region"() ({
      %run_scoped3A_245 = tpu.sem_alloc : memref<!tpu.dma_semaphore, #tpu.memory_space<semaphore_mem>>
      %dma_start3A_246 = arith.constant 0 : i32
      %dma_start3A_247 = tpu.memref_slice %arg12[%add3A_198, %dma_start3A_246] : memref<10240x64xf32, #tpu.memory_space<vmem_shared>> -> memref<32x64xf32, #tpu.memory_space<vmem_shared>>
      %dma_start3A_248 = arith.constant 0 : i32
      %dma_start3A_249 = tpu.memref_slice %arg12[%add3A_198, %dma_start3A_248] : memref<10240x64xf32, #tpu.memory_space<vmem_shared>> -> memref<32x64xf32, #tpu.memory_space<vmem_shared>>
      tpu.enqueue_dma source(%arg11 : memref<32x64xf32, #tpu.memory_space<vmem>>) target(%dma_start3A_249 : memref<32x64xf32, #tpu.memory_space<vmem_shared>>) target_semaphore(%run_scoped3A_245 : memref<!tpu.dma_semaphore, #tpu.memory_space<semaphore_mem>>)
      %dma_wait3A_250 = arith.constant 0 : i32
      %dma_wait3A_251 = tpu.memref_slice %arg12[%add3A_198, %dma_wait3A_250] : memref<10240x64xf32, #tpu.memory_space<vmem_shared>> -> memref<32x64xf32, #tpu.memory_space<vmem_shared>>
      %dma_wait3A_252 = arith.constant 0 : i32
      %dma_wait3A_253 = tpu.memref_slice %arg12[%add3A_198, %dma_wait3A_252] : memref<10240x64xf32, #tpu.memory_space<vmem_shared>> -> memref<32x64xf32, #tpu.memory_space<vmem_shared>>
      tpu.wait_dma2 semaphore(%run_scoped3A_245 : memref<!tpu.dma_semaphore, #tpu.memory_space<semaphore_mem>>) src(%arg11 : memref<32x64xf32, #tpu.memory_space<vmem>>) dst(%dma_wait3A_253 : memref<32x64xf32, #tpu.memory_space<vmem_shared>>)
      tpu.yield
    }) : () -> ()
    %mul3A_199 = arith.constant 640 : i32
    %mul3A_200 = arith.muli %arg1, %mul3A_199 : i32
    %add3A_201 = arith.constant 608 : i32
    %add3A_202 = arith.addi %mul3A_200, %add3A_201 : i32
    "tpu.region"() ({
      %run_scoped3A_245 = tpu.sem_alloc : memref<!tpu.dma_semaphore, #tpu.memory_space<semaphore_mem>>
      %dma_start3A_246 = arith.constant 0 : i32
      %dma_start3A_247 = tpu.memref_slice %arg12[%add3A_202, %dma_start3A_246] : memref<10240x64xf32, #tpu.memory_space<vmem_shared>> -> memref<32x64xf32, #tpu.memory_space<vmem_shared>>
      %dma_start3A_248 = arith.constant 0 : i32
      %dma_start3A_249 = tpu.memref_slice %arg12[%add3A_202, %dma_start3A_248] : memref<10240x64xf32, #tpu.memory_space<vmem_shared>> -> memref<32x64xf32, #tpu.memory_space<vmem_shared>>
      tpu.enqueue_dma source(%arg11 : memref<32x64xf32, #tpu.memory_space<vmem>>) target(%dma_start3A_249 : memref<32x64xf32, #tpu.memory_space<vmem_shared>>) target_semaphore(%run_scoped3A_245 : memref<!tpu.dma_semaphore, #tpu.memory_space<semaphore_mem>>)
      %dma_wait3A_250 = arith.constant 0 : i32
      %dma_wait3A_251 = tpu.memref_slice %arg12[%add3A_202, %dma_wait3A_250] : memref<10240x64xf32, #tpu.memory_space<vmem_shared>> -> memref<32x64xf32, #tpu.memory_space<vmem_shared>>
      %dma_wait3A_252 = arith.constant 0 : i32
      %dma_wait3A_253 = tpu.memref_slice %arg12[%add3A_202, %dma_wait3A_252] : memref<10240x64xf32, #tpu.memory_space<vmem_shared>> -> memref<32x64xf32, #tpu.memory_space<vmem_shared>>
      tpu.wait_dma2 semaphore(%run_scoped3A_245 : memref<!tpu.dma_semaphore, #tpu.memory_space<semaphore_mem>>) src(%arg11 : memref<32x64xf32, #tpu.memory_space<vmem>>) dst(%dma_wait3A_253 : memref<32x64xf32, #tpu.memory_space<vmem_shared>>)
      tpu.yield
    }) : () -> ()
    %barrier3A_203 = arith.constant 0 : index
    tpu.barrier barrier_id(%barrier3A_203)
    %dma_start3A_204 = arith.constant 0 : i32
    %dma_start3A_205 = arith.constant 0 : i32
    %dma_start3A_206 = arith.constant 0 : i32
    %dma_start3A_207 = arith.constant 0 : i32
    %dma_start3A_208 = tpu.memref_slice %arg10[%dma_start3A_205, %dma_start3A_206, %dma_start3A_207] : memref<2x64x64xf32, #tpu.memory_space<vmem>> -> memref<1x64x64xf32, #tpu.memory_space<vmem>>
    %dma_start3A_209 = tpu.memref_squeeze %dma_start3A_208 : memref<1x64x64xf32, #tpu.memory_space<vmem>> -> memref<64x64xf32, #tpu.memory_space<vmem>>
    %dma_start3A_210 = arith.constant 0 : i32
    %dma_start3A_211 = tpu.memref_slice %arg8[%dma_start3A_204, %dma_start3A_210] : memref<157x64xi32, #tpu.memory_space<vmem>> -> memref<1x64xi32, #tpu.memory_space<vmem>>
    %dma_start3A_212 = tpu.memref_squeeze %dma_start3A_211 : memref<1x64xi32, #tpu.memory_space<vmem>> -> memref<64xi32, #tpu.memory_space<vmem>>
    %dma_start3A_213 = arith.constant 0 : i32
    %dma_start3A_214 = arith.constant 0 : i32
    %dma_start3A_215 = tpu.memref_slice %arg3[%dma_start3A_213, %dma_start3A_214] : memref<10240x64xf32, #tpu.memory_space<hbm>> -> memref<10240x64xf32, #tpu.memory_space<hbm>>
    tpu.enqueue_indirect_dma source(%dma_start3A_215 : memref<10240x64xf32, #tpu.memory_space<hbm>>) target(%dma_start3A_209 : memref<64x64xf32, #tpu.memory_space<vmem>>) offsets(%dma_start3A_212 : memref<64xi32, #tpu.memory_space<vmem>>) semaphore(%arg13 : memref<!tpu.dma_semaphore, #tpu.memory_space<semaphore_mem>>)
    %scan3A_216 = arith.constant 0 : i32
    %scan3A_217 = arith.constant 0 : i32
    %scan3A_218 = arith.constant 156 : i32
    %scan3A_219 = arith.addi %scan3A_217, %scan3A_218 : i32
    %scan3A_220 = arith.constant 1 : i32
    scf.for %scan3A_245 = %scan3A_217 to %scan3A_219 step %scan3A_220  : i32 {
      %add3A_246 = arith.constant 1 : i32
      %add3A_247 = arith.addi %scan3A_245, %add3A_246 : i32
      %add3A_248 = arith.constant 1 : i32
      %add3A_249 = arith.addi %scan3A_245, %add3A_248 : i32
      %rem3A_250 = arith.constant 2 : i32
      %rem3A_251 = arith.remsi %add3A_249, %rem3A_250 : i32
      %dma_start3A_252 = arith.constant 0 : i32
      %dma_start3A_253 = arith.constant 0 : i32
      %dma_start3A_254 = tpu.memref_slice %arg10[%rem3A_251, %dma_start3A_252, %dma_start3A_253] : memref<2x64x64xf32, #tpu.memory_space<vmem>> -> memref<1x64x64xf32, #tpu.memory_space<vmem>>
      %dma_start3A_255 = tpu.memref_squeeze %dma_start3A_254 : memref<1x64x64xf32, #tpu.memory_space<vmem>> -> memref<64x64xf32, #tpu.memory_space<vmem>>
      %dma_start3A_256 = arith.constant 0 : i32
      %dma_start3A_257 = tpu.memref_slice %arg8[%add3A_247, %dma_start3A_256] : memref<157x64xi32, #tpu.memory_space<vmem>> -> memref<1x64xi32, #tpu.memory_space<vmem>>
      %dma_start3A_258 = tpu.memref_squeeze %dma_start3A_257 : memref<1x64xi32, #tpu.memory_space<vmem>> -> memref<64xi32, #tpu.memory_space<vmem>>
      %dma_start3A_259 = arith.constant 0 : i32
      %dma_start3A_260 = arith.constant 0 : i32
      %dma_start3A_261 = tpu.memref_slice %arg3[%dma_start3A_259, %dma_start3A_260] : memref<10240x64xf32, #tpu.memory_space<hbm>> -> memref<10240x64xf32, #tpu.memory_space<hbm>>
      tpu.enqueue_indirect_dma source(%dma_start3A_261 : memref<10240x64xf32, #tpu.memory_space<hbm>>) target(%dma_start3A_255 : memref<64x64xf32, #tpu.memory_space<vmem>>) offsets(%dma_start3A_258 : memref<64xi32, #tpu.memory_space<vmem>>) semaphore(%arg13 : memref<!tpu.dma_semaphore, #tpu.memory_space<semaphore_mem>>)
      %rem3A_262 = arith.constant 2 : i32
      %rem3A_263 = arith.remsi %scan3A_245, %rem3A_262 : i32
      %dma_wait3A_264 = arith.constant 0 : i32
      %dma_wait3A_265 = arith.constant 0 : i32
      %dma_wait3A_266 = tpu.memref_slice %arg10[%rem3A_263, %dma_wait3A_264, %dma_wait3A_265] : memref<2x64x64xf32, #tpu.memory_space<vmem>> -> memref<1x64x64xf32, #tpu.memory_space<vmem>>
      %dma_wait3A_267 = tpu.memref_squeeze %dma_wait3A_266 : memref<1x64x64xf32, #tpu.memory_space<vmem>> -> memref<64x64xf32, #tpu.memory_space<vmem>>
      %dma_wait3A_268 = arith.constant 0 : i32
      %dma_wait3A_269 = tpu.memref_slice %arg8[%scan3A_245, %dma_wait3A_268] : memref<157x64xi32, #tpu.memory_space<vmem>> -> memref<1x64xi32, #tpu.memory_space<vmem>>
      %dma_wait3A_270 = tpu.memref_squeeze %dma_wait3A_269 : memref<1x64xi32, #tpu.memory_space<vmem>> -> memref<64xi32, #tpu.memory_space<vmem>>
      %dma_wait3A_271 = arith.constant 0 : i32
      %dma_wait3A_272 = arith.constant 0 : i32
      %dma_wait3A_273 = tpu.memref_slice %arg3[%dma_wait3A_271, %dma_wait3A_272] : memref<10240x64xf32, #tpu.memory_space<hbm>> -> memref<10240x64xf32, #tpu.memory_space<hbm>>
      tpu.wait_indirect_dma semaphore(%arg13 : memref<!tpu.dma_semaphore, #tpu.memory_space<semaphore_mem>>) src(%dma_wait3A_273 : memref<10240x64xf32, #tpu.memory_space<hbm>>) dst(%dma_wait3A_267 : memref<64x64xf32, #tpu.memory_space<vmem>>)
      %rem3A_274 = arith.constant 2 : i32
      %rem3A_275 = arith.remsi %scan3A_245, %rem3A_274 : i32
      "tpu.region"() ({
        %run_scoped3A_276 = tpu.sem_alloc : memref<!tpu.dma_semaphore, #tpu.memory_space<semaphore_mem>>
        %dma_start3A_277 = arith.constant 0 : i32
        %dma_start3A_278 = arith.constant 0 : i32
        %dma_start3A_279 = tpu.memref_slice %arg10[%rem3A_275, %dma_start3A_277, %dma_start3A_278] : memref<2x64x64xf32, #tpu.memory_space<vmem>> -> memref<1x64x64xf32, #tpu.memory_space<vmem>>
        %dma_start3A_280 = tpu.memref_squeeze %dma_start3A_279 : memref<1x64x64xf32, #tpu.memory_space<vmem>> -> memref<64x64xf32, #tpu.memory_space<vmem>>
        %dma_start3A_281 = arith.constant 0 : i32
        %dma_start3A_282 = tpu.memref_slice %arg9[%scan3A_245, %dma_start3A_281] : memref<157x64xi32, #tpu.memory_space<vmem>> -> memref<1x64xi32, #tpu.memory_space<vmem>>
        %dma_start3A_283 = tpu.memref_squeeze %dma_start3A_282 : memref<1x64xi32, #tpu.memory_space<vmem>> -> memref<64xi32, #tpu.memory_space<vmem>>
        %dma_start3A_284 = arith.constant 0 : i32
        %dma_start3A_285 = arith.constant 0 : i32
        %dma_start3A_286 = tpu.memref_slice %arg12[%dma_start3A_284, %dma_start3A_285] : memref<10240x64xf32, #tpu.memory_space<vmem_shared>> -> memref<10240x64xf32, #tpu.memory_space<vmem_shared>>
        tpu.enqueue_indirect_dma source(%dma_start3A_280 : memref<64x64xf32, #tpu.memory_space<vmem>>) target(%dma_start3A_286 : memref<10240x64xf32, #tpu.memory_space<vmem_shared>>) offsets(%dma_start3A_283 : memref<64xi32, #tpu.memory_space<vmem>>) semaphore(%run_scoped3A_276 : memref<!tpu.dma_semaphore, #tpu.memory_space<semaphore_mem>>) {add = true}
        %dma_wait3A_287 = arith.constant 0 : i32
        %dma_wait3A_288 = arith.constant 0 : i32
        %dma_wait3A_289 = tpu.memref_slice %arg10[%rem3A_275, %dma_wait3A_287, %dma_wait3A_288] : memref<2x64x64xf32, #tpu.memory_space<vmem>> -> memref<1x64x64xf32, #tpu.memory_space<vmem>>
        %dma_wait3A_290 = tpu.memref_squeeze %dma_wait3A_289 : memref<1x64x64xf32, #tpu.memory_space<vmem>> -> memref<64x64xf32, #tpu.memory_space<vmem>>
        %dma_wait3A_291 = arith.constant 0 : i32
        %dma_wait3A_292 = tpu.memref_slice %arg9[%scan3A_245, %dma_wait3A_291] : memref<157x64xi32, #tpu.memory_space<vmem>> -> memref<1x64xi32, #tpu.memory_space<vmem>>
        %dma_wait3A_293 = tpu.memref_squeeze %dma_wait3A_292 : memref<1x64xi32, #tpu.memory_space<vmem>> -> memref<64xi32, #tpu.memory_space<vmem>>
        %dma_wait3A_294 = arith.constant 0 : i32
        %dma_wait3A_295 = arith.constant 0 : i32
        %dma_wait3A_296 = tpu.memref_slice %arg12[%dma_wait3A_294, %dma_wait3A_295] : memref<10240x64xf32, #tpu.memory_space<vmem_shared>> -> memref<10240x64xf32, #tpu.memory_space<vmem_shared>>
        tpu.wait_indirect_dma semaphore(%run_scoped3A_276 : memref<!tpu.dma_semaphore, #tpu.memory_space<semaphore_mem>>) src(%dma_wait3A_290 : memref<64x64xf32, #tpu.memory_space<vmem>>) dst(%dma_wait3A_296 : memref<10240x64xf32, #tpu.memory_space<vmem_shared>>)
        tpu.yield
      }) : () -> ()
    }
    %scan3A_221 = arith.constant 156 : i32
    %rem3A_222 = arith.constant 156 : i32
    %rem3A_223 = arith.constant 2 : i32
    %rem3A_224 = arith.remsi %rem3A_222, %rem3A_223 : i32
    %dma_wait3A_225 = arith.constant 156 : i32
    %dma_wait3A_226 = arith.constant 0 : i32
    %dma_wait3A_227 = arith.constant 0 : i32
    %dma_wait3A_228 = tpu.memref_slice %arg10[%rem3A_224, %dma_wait3A_226, %dma_wait3A_227] : memref<2x64x64xf32, #tpu.memory_space<vmem>> -> memref<1x64x64xf32, #tpu.memory_space<vmem>>
    %dma_wait3A_229 = tpu.memref_squeeze %dma_wait3A_228 : memref<1x64x64xf32, #tpu.memory_space<vmem>> -> memref<64x64xf32, #tpu.memory_space<vmem>>
    %dma_wait3A_230 = arith.constant 0 : i32
    %dma_wait3A_231 = tpu.memref_slice %arg8[%dma_wait3A_225, %dma_wait3A_230] : memref<157x64xi32, #tpu.memory_space<vmem>> -> memref<1x64xi32, #tpu.memory_space<vmem>>
    %dma_wait3A_232 = tpu.memref_squeeze %dma_wait3A_231 : memref<1x64xi32, #tpu.memory_space<vmem>> -> memref<64xi32, #tpu.memory_space<vmem>>
    %dma_wait3A_233 = arith.constant 0 : i32
    %dma_wait3A_234 = arith.constant 0 : i32
    %dma_wait3A_235 = tpu.memref_slice %arg3[%dma_wait3A_233, %dma_wait3A_234] : memref<10240x64xf32, #tpu.memory_space<hbm>> -> memref<10240x64xf32, #tpu.memory_space<hbm>>
    tpu.wait_indirect_dma semaphore(%arg13 : memref<!tpu.dma_semaphore, #tpu.memory_space<semaphore_mem>>) src(%dma_wait3A_235 : memref<10240x64xf32, #tpu.memory_space<hbm>>) dst(%dma_wait3A_229 : memref<64x64xf32, #tpu.memory_space<vmem>>)
    %rem3A_236 = arith.constant 156 : i32
    %rem3A_237 = arith.constant 2 : i32
    %rem3A_238 = arith.remsi %rem3A_236, %rem3A_237 : i32
    %run_scoped3A_239 = arith.constant 156 : i32
    "tpu.region"() ({
      %run_scoped3A_245 = tpu.sem_alloc : memref<!tpu.dma_semaphore, #tpu.memory_space<semaphore_mem>>
      %dma_start3A_246 = arith.constant 0 : i32
      %dma_start3A_247 = arith.constant 0 : i32
      %dma_start3A_248 = tpu.memref_slice %arg10[%rem3A_238, %dma_start3A_246, %dma_start3A_247] : memref<2x64x64xf32, #tpu.memory_space<vmem>> -> memref<1x64x64xf32, #tpu.memory_space<vmem>>
      %dma_start3A_249 = tpu.memref_squeeze %dma_start3A_248 : memref<1x64x64xf32, #tpu.memory_space<vmem>> -> memref<64x64xf32, #tpu.memory_space<vmem>>
      %dma_start3A_250 = arith.constant 0 : i32
      %dma_start3A_251 = tpu.memref_slice %arg9[%run_scoped3A_239, %dma_start3A_250] : memref<157x64xi32, #tpu.memory_space<vmem>> -> memref<1x64xi32, #tpu.memory_space<vmem>>
      %dma_start3A_252 = tpu.memref_squeeze %dma_start3A_251 : memref<1x64xi32, #tpu.memory_space<vmem>> -> memref<64xi32, #tpu.memory_space<vmem>>
      %dma_start3A_253 = arith.constant 0 : i32
      %dma_start3A_254 = arith.constant 0 : i32
      %dma_start3A_255 = tpu.memref_slice %arg12[%dma_start3A_253, %dma_start3A_254] : memref<10240x64xf32, #tpu.memory_space<vmem_shared>> -> memref<10240x64xf32, #tpu.memory_space<vmem_shared>>
      tpu.enqueue_indirect_dma source(%dma_start3A_249 : memref<64x64xf32, #tpu.memory_space<vmem>>) target(%dma_start3A_255 : memref<10240x64xf32, #tpu.memory_space<vmem_shared>>) offsets(%dma_start3A_252 : memref<64xi32, #tpu.memory_space<vmem>>) semaphore(%run_scoped3A_245 : memref<!tpu.dma_semaphore, #tpu.memory_space<semaphore_mem>>) {add = true}
      %dma_wait3A_256 = arith.constant 0 : i32
      %dma_wait3A_257 = arith.constant 0 : i32
      %dma_wait3A_258 = tpu.memref_slice %arg10[%rem3A_238, %dma_wait3A_256, %dma_wait3A_257] : memref<2x64x64xf32, #tpu.memory_space<vmem>> -> memref<1x64x64xf32, #tpu.memory_space<vmem>>
      %dma_wait3A_259 = tpu.memref_squeeze %dma_wait3A_258 : memref<1x64x64xf32, #tpu.memory_space<vmem>> -> memref<64x64xf32, #tpu.memory_space<vmem>>
      %dma_wait3A_260 = arith.constant 0 : i32
      %dma_wait3A_261 = tpu.memref_slice %arg9[%run_scoped3A_239, %dma_wait3A_260] : memref<157x64xi32, #tpu.memory_space<vmem>> -> memref<1x64xi32, #tpu.memory_space<vmem>>
      %dma_wait3A_262 = tpu.memref_squeeze %dma_wait3A_261 : memref<1x64xi32, #tpu.memory_space<vmem>> -> memref<64xi32, #tpu.memory_space<vmem>>
      %dma_wait3A_263 = arith.constant 0 : i32
      %dma_wait3A_264 = arith.constant 0 : i32
      %dma_wait3A_265 = tpu.memref_slice %arg12[%dma_wait3A_263, %dma_wait3A_264] : memref<10240x64xf32, #tpu.memory_space<vmem_shared>> -> memref<10240x64xf32, #tpu.memory_space<vmem_shared>>
      tpu.wait_indirect_dma semaphore(%run_scoped3A_245 : memref<!tpu.dma_semaphore, #tpu.memory_space<semaphore_mem>>) src(%dma_wait3A_259 : memref<64x64xf32, #tpu.memory_space<vmem>>) dst(%dma_wait3A_265 : memref<10240x64xf32, #tpu.memory_space<vmem_shared>>)
      tpu.yield
    }) : () -> ()
    %barrier3A_240 = arith.constant 0 : index
    tpu.barrier barrier_id(%barrier3A_240)
    %mul3A_241 = arith.constant 640 : i32
    %mul3A_242 = arith.muli %arg1, %mul3A_241 : i32
    %mul3A_243 = arith.constant 640 : i32
    %mul3A_244 = arith.muli %arg1, %mul3A_243 : i32
    "tpu.region"() ({
      %run_scoped3A_245 = tpu.sem_alloc : memref<!tpu.dma_semaphore, #tpu.memory_space<semaphore_mem>>
      %dma_start3A_246 = arith.constant 0 : i32
      %dma_start3A_247 = tpu.memref_slice %arg7[%arg0, %mul3A_244, %dma_start3A_246] : memref<2x10240x64xf32, #tpu.memory_space<hbm>> -> memref<1x640x64xf32, #tpu.memory_space<hbm>>
      %dma_start3A_248 = tpu.memref_squeeze %dma_start3A_247 : memref<1x640x64xf32, #tpu.memory_space<hbm>> -> memref<640x64xf32, #tpu.memory_space<hbm>>
      %dma_start3A_249 = arith.constant 0 : i32
      %dma_start3A_250 = tpu.memref_slice %arg12[%mul3A_242, %dma_start3A_249] : memref<10240x64xf32, #tpu.memory_space<vmem_shared>> -> memref<640x64xf32, #tpu.memory_space<vmem_shared>>
      tpu.enqueue_dma source(%dma_start3A_250 : memref<640x64xf32, #tpu.memory_space<vmem_shared>>) target(%dma_start3A_248 : memref<640x64xf32, #tpu.memory_space<hbm>>) target_semaphore(%run_scoped3A_245 : memref<!tpu.dma_semaphore, #tpu.memory_space<semaphore_mem>>)
      %dma_wait3A_251 = arith.constant 0 : i32
      %dma_wait3A_252 = tpu.memref_slice %arg7[%arg0, %mul3A_244, %dma_wait3A_251] : memref<2x10240x64xf32, #tpu.memory_space<hbm>> -> memref<1x640x64xf32, #tpu.memory_space<hbm>>
      %dma_wait3A_253 = tpu.memref_squeeze %dma_wait3A_252 : memref<1x640x64xf32, #tpu.memory_space<hbm>> -> memref<640x64xf32, #tpu.memory_space<hbm>>
      %dma_wait3A_254 = arith.constant 0 : i32
      %dma_wait3A_255 = tpu.memref_slice %arg12[%mul3A_242, %dma_wait3A_254] : memref<10240x64xf32, #tpu.memory_space<vmem_shared>> -> memref<640x64xf32, #tpu.memory_space<vmem_shared>>
      tpu.wait_dma2 semaphore(%run_scoped3A_245 : memref<!tpu.dma_semaphore, #tpu.memory_space<semaphore_mem>>) src(%dma_wait3A_255 : memref<640x64xf32, #tpu.memory_space<vmem_shared>>) dst(%dma_wait3A_253 : memref<640x64xf32, #tpu.memory_space<hbm>>)
      tpu.yield
    }) : () -> ()
    return
  }
}

#map = affine_map<(d0, d1) -> (0, 0)>
#map1 = affine_map<(d0, d1) -> (0, 0, 0)>
module attributes {stable_mosaic.version = 14 : i64} {
  func.func @body(%arg0: i32, %arg1: i32, %arg2: memref<10240x64xf32, #tpu.memory_space<hbm>>, %arg3: memref<10240x64xf32, #tpu.memory_space<hbm>>, %arg4: memref<32x157x64xi32, #tpu.memory_space<hbm>>, %arg5: memref<32x157x64xi32, #tpu.memory_space<hbm>>, %arg6: memref<2x10240x64xf32, #tpu.memory_space<hbm>>, %arg7: memref<2x10240x64xf32, #tpu.memory_space<hbm>>, %arg8: memref<2x10240xf32, #tpu.memory_space<hbm>>, %arg9: memref<157x64xi32, #tpu.memory_space<vmem>>, %arg10: memref<157x64xi32, #tpu.memory_space<vmem>>, %arg11: memref<2x64x64xf32, #tpu.memory_space<vmem>>, %arg12: memref<32x64xf32, #tpu.memory_space<vmem>>, %arg13: memref<64xf32, #tpu.memory_space<vmem>>, %arg14: memref<640xf32, #tpu.memory_space<vmem>>, %arg15: memref<10240x64xf32, #tpu.memory_space<vmem_shared>>, %arg16: memref<10240xf32, #tpu.memory_space<vmem_shared>>, %arg17: memref<!tpu.dma_semaphore, #tpu.memory_space<semaphore_mem>>) attributes {dimension_semantics = [#tpu.dimension_semantics<core_parallel>, #tpu.dimension_semantics<subcore_parallel>], iteration_bounds = array<i64: 2, 16>, scalar_prefetch = 0 : i64, scratch_operands = 9 : i64, tpu.core_type = #tpu.core_type<sc_vector_subcore>, window_params = [{transform_indices = #map}, {transform_indices = #map}, {transform_indices = #map1}, {transform_indices = #map1}, {transform_indices = #map1}, {transform_indices = #map1}, {transform_indices = #map}]} {
    %mul3A = arith.constant 16 : i32
    %mul3A_0 = arith.muli %arg0, %mul3A : i32
    %add3A = arith.addi %mul3A_0, %arg1 : i32
    "tpu.region"() ({
      %run_scoped3A_264 = tpu.sem_alloc : memref<!tpu.dma_semaphore, #tpu.memory_space<semaphore_mem>>
      %dma_start3A_265 = arith.constant 0 : i32
      %dma_start3A_266 = arith.constant 0 : i32
      %dma_start3A_267 = tpu.memref_slice %arg4[%add3A, %dma_start3A_265, %dma_start3A_266] : memref<32x157x64xi32, #tpu.memory_space<hbm>> -> memref<1x157x64xi32, #tpu.memory_space<hbm>>
      %dma_start3A_268 = tpu.memref_squeeze %dma_start3A_267 : memref<1x157x64xi32, #tpu.memory_space<hbm>> -> memref<157x64xi32, #tpu.memory_space<hbm>>
      %dma_start3A_269 = arith.constant 0 : i32
      %dma_start3A_270 = arith.constant 0 : i32
      %dma_start3A_271 = tpu.memref_slice %arg4[%add3A, %dma_start3A_269, %dma_start3A_270] : memref<32x157x64xi32, #tpu.memory_space<hbm>> -> memref<1x157x64xi32, #tpu.memory_space<hbm>>
      %dma_start3A_272 = tpu.memref_squeeze %dma_start3A_271 : memref<1x157x64xi32, #tpu.memory_space<hbm>> -> memref<157x64xi32, #tpu.memory_space<hbm>>
      tpu.enqueue_dma source(%dma_start3A_272 : memref<157x64xi32, #tpu.memory_space<hbm>>) target(%arg9 : memref<157x64xi32, #tpu.memory_space<vmem>>) target_semaphore(%run_scoped3A_264 : memref<!tpu.dma_semaphore, #tpu.memory_space<semaphore_mem>>)
      %dma_wait3A_273 = arith.constant 0 : i32
      %dma_wait3A_274 = arith.constant 0 : i32
      %dma_wait3A_275 = tpu.memref_slice %arg4[%add3A, %dma_wait3A_273, %dma_wait3A_274] : memref<32x157x64xi32, #tpu.memory_space<hbm>> -> memref<1x157x64xi32, #tpu.memory_space<hbm>>
      %dma_wait3A_276 = tpu.memref_squeeze %dma_wait3A_275 : memref<1x157x64xi32, #tpu.memory_space<hbm>> -> memref<157x64xi32, #tpu.memory_space<hbm>>
      %dma_wait3A_277 = arith.constant 0 : i32
      %dma_wait3A_278 = arith.constant 0 : i32
      %dma_wait3A_279 = tpu.memref_slice %arg4[%add3A, %dma_wait3A_277, %dma_wait3A_278] : memref<32x157x64xi32, #tpu.memory_space<hbm>> -> memref<1x157x64xi32, #tpu.memory_space<hbm>>
      %dma_wait3A_280 = tpu.memref_squeeze %dma_wait3A_279 : memref<1x157x64xi32, #tpu.memory_space<hbm>> -> memref<157x64xi32, #tpu.memory_space<hbm>>
      tpu.wait_dma2 semaphore(%run_scoped3A_264 : memref<!tpu.dma_semaphore, #tpu.memory_space<semaphore_mem>>) src(%dma_wait3A_280 : memref<157x64xi32, #tpu.memory_space<hbm>>) dst(%arg9 : memref<157x64xi32, #tpu.memory_space<vmem>>)
      tpu.yield
    }) : () -> ()
    "tpu.region"() ({
      %run_scoped3A_264 = tpu.sem_alloc : memref<!tpu.dma_semaphore, #tpu.memory_space<semaphore_mem>>
      %dma_start3A_265 = arith.constant 0 : i32
      %dma_start3A_266 = arith.constant 0 : i32
      %dma_start3A_267 = tpu.memref_slice %arg5[%add3A, %dma_start3A_265, %dma_start3A_266] : memref<32x157x64xi32, #tpu.memory_space<hbm>> -> memref<1x157x64xi32, #tpu.memory_space<hbm>>
      %dma_start3A_268 = tpu.memref_squeeze %dma_start3A_267 : memref<1x157x64xi32, #tpu.memory_space<hbm>> -> memref<157x64xi32, #tpu.memory_space<hbm>>
      %dma_start3A_269 = arith.constant 0 : i32
      %dma_start3A_270 = arith.constant 0 : i32
      %dma_start3A_271 = tpu.memref_slice %arg5[%add3A, %dma_start3A_269, %dma_start3A_270] : memref<32x157x64xi32, #tpu.memory_space<hbm>> -> memref<1x157x64xi32, #tpu.memory_space<hbm>>
      %dma_start3A_272 = tpu.memref_squeeze %dma_start3A_271 : memref<1x157x64xi32, #tpu.memory_space<hbm>> -> memref<157x64xi32, #tpu.memory_space<hbm>>
      tpu.enqueue_dma source(%dma_start3A_272 : memref<157x64xi32, #tpu.memory_space<hbm>>) target(%arg10 : memref<157x64xi32, #tpu.memory_space<vmem>>) target_semaphore(%run_scoped3A_264 : memref<!tpu.dma_semaphore, #tpu.memory_space<semaphore_mem>>)
      %dma_wait3A_273 = arith.constant 0 : i32
      %dma_wait3A_274 = arith.constant 0 : i32
      %dma_wait3A_275 = tpu.memref_slice %arg5[%add3A, %dma_wait3A_273, %dma_wait3A_274] : memref<32x157x64xi32, #tpu.memory_space<hbm>> -> memref<1x157x64xi32, #tpu.memory_space<hbm>>
      %dma_wait3A_276 = tpu.memref_squeeze %dma_wait3A_275 : memref<1x157x64xi32, #tpu.memory_space<hbm>> -> memref<157x64xi32, #tpu.memory_space<hbm>>
      %dma_wait3A_277 = arith.constant 0 : i32
      %dma_wait3A_278 = arith.constant 0 : i32
      %dma_wait3A_279 = tpu.memref_slice %arg5[%add3A, %dma_wait3A_277, %dma_wait3A_278] : memref<32x157x64xi32, #tpu.memory_space<hbm>> -> memref<1x157x64xi32, #tpu.memory_space<hbm>>
      %dma_wait3A_280 = tpu.memref_squeeze %dma_wait3A_279 : memref<1x157x64xi32, #tpu.memory_space<hbm>> -> memref<157x64xi32, #tpu.memory_space<hbm>>
      tpu.wait_dma2 semaphore(%run_scoped3A_264 : memref<!tpu.dma_semaphore, #tpu.memory_space<semaphore_mem>>) src(%dma_wait3A_280 : memref<157x64xi32, #tpu.memory_space<hbm>>) dst(%arg10 : memref<157x64xi32, #tpu.memory_space<vmem>>)
      tpu.yield
    }) : () -> ()
    %scan3A = arith.constant 0 : i32
    %scan3A_1 = arith.constant 0 : i32
    %scan3A_2 = arith.constant 32 : i32
    %scan3A_3 = arith.addi %scan3A_1, %scan3A_2 : i32
    %scan3A_4 = arith.constant 1 : i32
    scf.for %scan3A_264 = %scan3A_1 to %scan3A_3 step %scan3A_4  : i32 {
      %broadcast_in_dim3A = arith.constant 0.000000e+00 : f32
      %broadcast_in_dim3A_265 = vector.broadcast %broadcast_in_dim3A : f32 to vector<16xf32>
      %swap3A = arith.index_cast %scan3A_264 : i32 to index
      %swap3A_266 = arith.constant 0 : index
      %swap3A_267 = tpu.vector_load %arg12[%swap3A, %swap3A_266] {strides = array<i32>} : memref<32x64xf32, #tpu.memory_space<vmem>>, vector<1x16xf32>,
      %swap3A_268 = vector.shape_cast %swap3A_267 : vector<1x16xf32> to vector<16xf32>
      %swap3A_269 = vector.shape_cast %broadcast_in_dim3A_265 : vector<16xf32> to vector<1x16xf32>
      tpu.vector_store %arg12[%swap3A, %swap3A_266], %swap3A_269 {strides = array<i32>} : memref<32x64xf32, #tpu.memory_space<vmem>>, vector<1x16xf32>,
      %broadcast_in_dim3A_270 = arith.constant 0.000000e+00 : f32
      %broadcast_in_dim3A_271 = vector.broadcast %broadcast_in_dim3A_270 : f32 to vector<16xf32>
      %swap3A_272 = arith.index_cast %scan3A_264 : i32 to index
      %swap3A_273 = arith.constant 16 : index
      %swap3A_274 = tpu.vector_load %arg12[%swap3A_272, %swap3A_273] {strides = array<i32>} : memref<32x64xf32, #tpu.memory_space<vmem>>, vector<1x16xf32>,
      %swap3A_275 = vector.shape_cast %swap3A_274 : vector<1x16xf32> to vector<16xf32>
      %swap3A_276 = vector.shape_cast %broadcast_in_dim3A_271 : vector<16xf32> to vector<1x16xf32>
      tpu.vector_store %arg12[%swap3A_272, %swap3A_273], %swap3A_276 {strides = array<i32>} : memref<32x64xf32, #tpu.memory_space<vmem>>, vector<1x16xf32>,
      %broadcast_in_dim3A_277 = arith.constant 0.000000e+00 : f32
      %broadcast_in_dim3A_278 = vector.broadcast %broadcast_in_dim3A_277 : f32 to vector<16xf32>
      %swap3A_279 = arith.index_cast %scan3A_264 : i32 to index
      %swap3A_280 = arith.constant 32 : index
      %swap3A_281 = tpu.vector_load %arg12[%swap3A_279, %swap3A_280] {strides = array<i32>} : memref<32x64xf32, #tpu.memory_space<vmem>>, vector<1x16xf32>,
      %swap3A_282 = vector.shape_cast %swap3A_281 : vector<1x16xf32> to vector<16xf32>
      %swap3A_283 = vector.shape_cast %broadcast_in_dim3A_278 : vector<16xf32> to vector<1x16xf32>
      tpu.vector_store %arg12[%swap3A_279, %swap3A_280], %swap3A_283 {strides = array<i32>} : memref<32x64xf32, #tpu.memory_space<vmem>>, vector<1x16xf32>,
      %broadcast_in_dim3A_284 = arith.constant 0.000000e+00 : f32
      %broadcast_in_dim3A_285 = vector.broadcast %broadcast_in_dim3A_284 : f32 to vector<16xf32>
      %swap3A_286 = arith.index_cast %scan3A_264 : i32 to index
      %swap3A_287 = arith.constant 48 : index
      %swap3A_288 = tpu.vector_load %arg12[%swap3A_286, %swap3A_287] {strides = array<i32>} : memref<32x64xf32, #tpu.memory_space<vmem>>, vector<1x16xf32>,
      %swap3A_289 = vector.shape_cast %swap3A_288 : vector<1x16xf32> to vector<16xf32>
      %swap3A_290 = vector.shape_cast %broadcast_in_dim3A_285 : vector<16xf32> to vector<1x16xf32>
      tpu.vector_store %arg12[%swap3A_286, %swap3A_287], %swap3A_290 {strides = array<i32>} : memref<32x64xf32, #tpu.memory_space<vmem>>, vector<1x16xf32>,
    }
    %scan3A_5 = arith.constant 32 : i32
    %scan3A_6 = arith.constant 0 : i32
    %scan3A_7 = arith.constant 0 : i32
    %scan3A_8 = arith.constant 40 : i32
    %scan3A_9 = arith.addi %scan3A_7, %scan3A_8 : i32
    %scan3A_10 = arith.constant 1 : i32
    scf.for %scan3A_264 = %scan3A_7 to %scan3A_9 step %scan3A_10  : i32 {
      %broadcast_in_dim3A = arith.constant 0.000000e+00 : f32
      %broadcast_in_dim3A_265 = vector.broadcast %broadcast_in_dim3A : f32 to vector<16xf32>
      %mul3A_266 = arith.constant 16 : i32
      %mul3A_267 = arith.muli %scan3A_264, %mul3A_266 : i32
      %swap3A = arith.index_cast %mul3A_267 : i32 to index
      %swap3A_268 = tpu.vector_load %arg14[%swap3A] {strides = array<i32>} : memref<640xf32, #tpu.memory_space<vmem>>, vector<16xf32>,
      %swap3A_269 = vector.shape_cast %swap3A_268 : vector<16xf32> to vector<16xf32>
      %swap3A_270 = vector.shape_cast %broadcast_in_dim3A_265 : vector<16xf32> to vector<16xf32>
      tpu.vector_store %arg14[%swap3A], %swap3A_270 {strides = array<i32>} : memref<640xf32, #tpu.memory_space<vmem>>, vector<16xf32>,
    }
    %scan3A_11 = arith.constant 40 : i32
    %scan3A_12 = arith.constant 0 : i32
    %scan3A_13 = arith.constant 0 : i32
    %scan3A_14 = arith.constant 4 : i32
    %scan3A_15 = arith.addi %scan3A_13, %scan3A_14 : i32
    %scan3A_16 = arith.constant 1 : i32
    scf.for %scan3A_264 = %scan3A_13 to %scan3A_15 step %scan3A_16  : i32 {
      %broadcast_in_dim3A = arith.constant 1.000000e+00 : f32
      %broadcast_in_dim3A_265 = vector.broadcast %broadcast_in_dim3A : f32 to vector<16xf32>
      %mul3A_266 = arith.constant 16 : i32
      %mul3A_267 = arith.muli %scan3A_264, %mul3A_266 : i32
      %swap3A = arith.index_cast %mul3A_267 : i32 to index
      %swap3A_268 = tpu.vector_load %arg13[%swap3A] {strides = array<i32>} : memref<64xf32, #tpu.memory_space<vmem>>, vector<16xf32>,
      %swap3A_269 = vector.shape_cast %swap3A_268 : vector<16xf32> to vector<16xf32>
      %swap3A_270 = vector.shape_cast %broadcast_in_dim3A_265 : vector<16xf32> to vector<16xf32>
      tpu.vector_store %arg13[%swap3A], %swap3A_270 {strides = array<i32>} : memref<64xf32, #tpu.memory_space<vmem>>, vector<16xf32>,
    }
    %scan3A_17 = arith.constant 4 : i32
    %mul3A_18 = arith.constant 640 : i32
    %mul3A_19 = arith.muli %arg1, %mul3A_18 : i32
    %add3A_20 = arith.constant 0 : i32
    %add3A_21 = arith.addi %mul3A_19, %add3A_20 : i32
    "tpu.region"() ({
      %run_scoped3A_264 = tpu.sem_alloc : memref<!tpu.dma_semaphore, #tpu.memory_space<semaphore_mem>>
      %dma_start3A_265 = arith.constant 0 : i32
      %dma_start3A_266 = tpu.memref_slice %arg15[%add3A_21, %dma_start3A_265] : memref<10240x64xf32, #tpu.memory_space<vmem_shared>> -> memref<32x64xf32, #tpu.memory_space<vmem_shared>>
      %dma_start3A_267 = arith.constant 0 : i32
      %dma_start3A_268 = tpu.memref_slice %arg15[%add3A_21, %dma_start3A_267] : memref<10240x64xf32, #tpu.memory_space<vmem_shared>> -> memref<32x64xf32, #tpu.memory_space<vmem_shared>>
      tpu.enqueue_dma source(%arg12 : memref<32x64xf32, #tpu.memory_space<vmem>>) target(%dma_start3A_268 : memref<32x64xf32, #tpu.memory_space<vmem_shared>>) target_semaphore(%run_scoped3A_264 : memref<!tpu.dma_semaphore, #tpu.memory_space<semaphore_mem>>)
      %dma_wait3A_269 = arith.constant 0 : i32
      %dma_wait3A_270 = tpu.memref_slice %arg15[%add3A_21, %dma_wait3A_269] : memref<10240x64xf32, #tpu.memory_space<vmem_shared>> -> memref<32x64xf32, #tpu.memory_space<vmem_shared>>
      %dma_wait3A_271 = arith.constant 0 : i32
      %dma_wait3A_272 = tpu.memref_slice %arg15[%add3A_21, %dma_wait3A_271] : memref<10240x64xf32, #tpu.memory_space<vmem_shared>> -> memref<32x64xf32, #tpu.memory_space<vmem_shared>>
      tpu.wait_dma2 semaphore(%run_scoped3A_264 : memref<!tpu.dma_semaphore, #tpu.memory_space<semaphore_mem>>) src(%arg12 : memref<32x64xf32, #tpu.memory_space<vmem>>) dst(%dma_wait3A_272 : memref<32x64xf32, #tpu.memory_space<vmem_shared>>)
      tpu.yield
    }) : () -> ()
    %mul3A_22 = arith.constant 640 : i32
    %mul3A_23 = arith.muli %arg1, %mul3A_22 : i32
    %add3A_24 = arith.constant 32 : i32
    %add3A_25 = arith.addi %mul3A_23, %add3A_24 : i32
    "tpu.region"() ({
      %run_scoped3A_264 = tpu.sem_alloc : memref<!tpu.dma_semaphore, #tpu.memory_space<semaphore_mem>>
      %dma_start3A_265 = arith.constant 0 : i32
      %dma_start3A_266 = tpu.memref_slice %arg15[%add3A_25, %dma_start3A_265] : memref<10240x64xf32, #tpu.memory_space<vmem_shared>> -> memref<32x64xf32, #tpu.memory_space<vmem_shared>>
      %dma_start3A_267 = arith.constant 0 : i32
      %dma_start3A_268 = tpu.memref_slice %arg15[%add3A_25, %dma_start3A_267] : memref<10240x64xf32, #tpu.memory_space<vmem_shared>> -> memref<32x64xf32, #tpu.memory_space<vmem_shared>>
      tpu.enqueue_dma source(%arg12 : memref<32x64xf32, #tpu.memory_space<vmem>>) target(%dma_start3A_268 : memref<32x64xf32, #tpu.memory_space<vmem_shared>>) target_semaphore(%run_scoped3A_264 : memref<!tpu.dma_semaphore, #tpu.memory_space<semaphore_mem>>)
      %dma_wait3A_269 = arith.constant 0 : i32
      %dma_wait3A_270 = tpu.memref_slice %arg15[%add3A_25, %dma_wait3A_269] : memref<10240x64xf32, #tpu.memory_space<vmem_shared>> -> memref<32x64xf32, #tpu.memory_space<vmem_shared>>
      %dma_wait3A_271 = arith.constant 0 : i32
      %dma_wait3A_272 = tpu.memref_slice %arg15[%add3A_25, %dma_wait3A_271] : memref<10240x64xf32, #tpu.memory_space<vmem_shared>> -> memref<32x64xf32, #tpu.memory_space<vmem_shared>>
      tpu.wait_dma2 semaphore(%run_scoped3A_264 : memref<!tpu.dma_semaphore, #tpu.memory_space<semaphore_mem>>) src(%arg12 : memref<32x64xf32, #tpu.memory_space<vmem>>) dst(%dma_wait3A_272 : memref<32x64xf32, #tpu.memory_space<vmem_shared>>)
      tpu.yield
    }) : () -> ()
    %mul3A_26 = arith.constant 640 : i32
    %mul3A_27 = arith.muli %arg1, %mul3A_26 : i32
    %add3A_28 = arith.constant 64 : i32
    %add3A_29 = arith.addi %mul3A_27, %add3A_28 : i32
    "tpu.region"() ({
      %run_scoped3A_264 = tpu.sem_alloc : memref<!tpu.dma_semaphore, #tpu.memory_space<semaphore_mem>>
      %dma_start3A_265 = arith.constant 0 : i32
      %dma_start3A_266 = tpu.memref_slice %arg15[%add3A_29, %dma_start3A_265] : memref<10240x64xf32, #tpu.memory_space<vmem_shared>> -> memref<32x64xf32, #tpu.memory_space<vmem_shared>>
      %dma_start3A_267 = arith.constant 0 : i32
      %dma_start3A_268 = tpu.memref_slice %arg15[%add3A_29, %dma_start3A_267] : memref<10240x64xf32, #tpu.memory_space<vmem_shared>> -> memref<32x64xf32, #tpu.memory_space<vmem_shared>>
      tpu.enqueue_dma source(%arg12 : memref<32x64xf32, #tpu.memory_space<vmem>>) target(%dma_start3A_268 : memref<32x64xf32, #tpu.memory_space<vmem_shared>>) target_semaphore(%run_scoped3A_264 : memref<!tpu.dma_semaphore, #tpu.memory_space<semaphore_mem>>)
      %dma_wait3A_269 = arith.constant 0 : i32
      %dma_wait3A_270 = tpu.memref_slice %arg15[%add3A_29, %dma_wait3A_269] : memref<10240x64xf32, #tpu.memory_space<vmem_shared>> -> memref<32x64xf32, #tpu.memory_space<vmem_shared>>
      %dma_wait3A_271 = arith.constant 0 : i32
      %dma_wait3A_272 = tpu.memref_slice %arg15[%add3A_29, %dma_wait3A_271] : memref<10240x64xf32, #tpu.memory_space<vmem_shared>> -> memref<32x64xf32, #tpu.memory_space<vmem_shared>>
      tpu.wait_dma2 semaphore(%run_scoped3A_264 : memref<!tpu.dma_semaphore, #tpu.memory_space<semaphore_mem>>) src(%arg12 : memref<32x64xf32, #tpu.memory_space<vmem>>) dst(%dma_wait3A_272 : memref<32x64xf32, #tpu.memory_space<vmem_shared>>)
      tpu.yield
    }) : () -> ()
    %mul3A_30 = arith.constant 640 : i32
    %mul3A_31 = arith.muli %arg1, %mul3A_30 : i32
    %add3A_32 = arith.constant 96 : i32
    %add3A_33 = arith.addi %mul3A_31, %add3A_32 : i32
    "tpu.region"() ({
      %run_scoped3A_264 = tpu.sem_alloc : memref<!tpu.dma_semaphore, #tpu.memory_space<semaphore_mem>>
      %dma_start3A_265 = arith.constant 0 : i32
      %dma_start3A_266 = tpu.memref_slice %arg15[%add3A_33, %dma_start3A_265] : memref<10240x64xf32, #tpu.memory_space<vmem_shared>> -> memref<32x64xf32, #tpu.memory_space<vmem_shared>>
      %dma_start3A_267 = arith.constant 0 : i32
      %dma_start3A_268 = tpu.memref_slice %arg15[%add3A_33, %dma_start3A_267] : memref<10240x64xf32, #tpu.memory_space<vmem_shared>> -> memref<32x64xf32, #tpu.memory_space<vmem_shared>>
      tpu.enqueue_dma source(%arg12 : memref<32x64xf32, #tpu.memory_space<vmem>>) target(%dma_start3A_268 : memref<32x64xf32, #tpu.memory_space<vmem_shared>>) target_semaphore(%run_scoped3A_264 : memref<!tpu.dma_semaphore, #tpu.memory_space<semaphore_mem>>)
      %dma_wait3A_269 = arith.constant 0 : i32
      %dma_wait3A_270 = tpu.memref_slice %arg15[%add3A_33, %dma_wait3A_269] : memref<10240x64xf32, #tpu.memory_space<vmem_shared>> -> memref<32x64xf32, #tpu.memory_space<vmem_shared>>
      %dma_wait3A_271 = arith.constant 0 : i32
      %dma_wait3A_272 = tpu.memref_slice %arg15[%add3A_33, %dma_wait3A_271] : memref<10240x64xf32, #tpu.memory_space<vmem_shared>> -> memref<32x64xf32, #tpu.memory_space<vmem_shared>>
      tpu.wait_dma2 semaphore(%run_scoped3A_264 : memref<!tpu.dma_semaphore, #tpu.memory_space<semaphore_mem>>) src(%arg12 : memref<32x64xf32, #tpu.memory_space<vmem>>) dst(%dma_wait3A_272 : memref<32x64xf32, #tpu.memory_space<vmem_shared>>)
      tpu.yield
    }) : () -> ()
    %mul3A_34 = arith.constant 640 : i32
    %mul3A_35 = arith.muli %arg1, %mul3A_34 : i32
    %add3A_36 = arith.constant 128 : i32
    %add3A_37 = arith.addi %mul3A_35, %add3A_36 : i32
    "tpu.region"() ({
      %run_scoped3A_264 = tpu.sem_alloc : memref<!tpu.dma_semaphore, #tpu.memory_space<semaphore_mem>>
      %dma_start3A_265 = arith.constant 0 : i32
      %dma_start3A_266 = tpu.memref_slice %arg15[%add3A_37, %dma_start3A_265] : memref<10240x64xf32, #tpu.memory_space<vmem_shared>> -> memref<32x64xf32, #tpu.memory_space<vmem_shared>>
      %dma_start3A_267 = arith.constant 0 : i32
      %dma_start3A_268 = tpu.memref_slice %arg15[%add3A_37, %dma_start3A_267] : memref<10240x64xf32, #tpu.memory_space<vmem_shared>> -> memref<32x64xf32, #tpu.memory_space<vmem_shared>>
      tpu.enqueue_dma source(%arg12 : memref<32x64xf32, #tpu.memory_space<vmem>>) target(%dma_start3A_268 : memref<32x64xf32, #tpu.memory_space<vmem_shared>>) target_semaphore(%run_scoped3A_264 : memref<!tpu.dma_semaphore, #tpu.memory_space<semaphore_mem>>)
      %dma_wait3A_269 = arith.constant 0 : i32
      %dma_wait3A_270 = tpu.memref_slice %arg15[%add3A_37, %dma_wait3A_269] : memref<10240x64xf32, #tpu.memory_space<vmem_shared>> -> memref<32x64xf32, #tpu.memory_space<vmem_shared>>
      %dma_wait3A_271 = arith.constant 0 : i32
      %dma_wait3A_272 = tpu.memref_slice %arg15[%add3A_37, %dma_wait3A_271] : memref<10240x64xf32, #tpu.memory_space<vmem_shared>> -> memref<32x64xf32, #tpu.memory_space<vmem_shared>>
      tpu.wait_dma2 semaphore(%run_scoped3A_264 : memref<!tpu.dma_semaphore, #tpu.memory_space<semaphore_mem>>) src(%arg12 : memref<32x64xf32, #tpu.memory_space<vmem>>) dst(%dma_wait3A_272 : memref<32x64xf32, #tpu.memory_space<vmem_shared>>)
      tpu.yield
    }) : () -> ()
    %mul3A_38 = arith.constant 640 : i32
    %mul3A_39 = arith.muli %arg1, %mul3A_38 : i32
    %add3A_40 = arith.constant 160 : i32
    %add3A_41 = arith.addi %mul3A_39, %add3A_40 : i32
    "tpu.region"() ({
      %run_scoped3A_264 = tpu.sem_alloc : memref<!tpu.dma_semaphore, #tpu.memory_space<semaphore_mem>>
      %dma_start3A_265 = arith.constant 0 : i32
      %dma_start3A_266 = tpu.memref_slice %arg15[%add3A_41, %dma_start3A_265] : memref<10240x64xf32, #tpu.memory_space<vmem_shared>> -> memref<32x64xf32, #tpu.memory_space<vmem_shared>>
      %dma_start3A_267 = arith.constant 0 : i32
      %dma_start3A_268 = tpu.memref_slice %arg15[%add3A_41, %dma_start3A_267] : memref<10240x64xf32, #tpu.memory_space<vmem_shared>> -> memref<32x64xf32, #tpu.memory_space<vmem_shared>>
      tpu.enqueue_dma source(%arg12 : memref<32x64xf32, #tpu.memory_space<vmem>>) target(%dma_start3A_268 : memref<32x64xf32, #tpu.memory_space<vmem_shared>>) target_semaphore(%run_scoped3A_264 : memref<!tpu.dma_semaphore, #tpu.memory_space<semaphore_mem>>)
      %dma_wait3A_269 = arith.constant 0 : i32
      %dma_wait3A_270 = tpu.memref_slice %arg15[%add3A_41, %dma_wait3A_269] : memref<10240x64xf32, #tpu.memory_space<vmem_shared>> -> memref<32x64xf32, #tpu.memory_space<vmem_shared>>
      %dma_wait3A_271 = arith.constant 0 : i32
      %dma_wait3A_272 = tpu.memref_slice %arg15[%add3A_41, %dma_wait3A_271] : memref<10240x64xf32, #tpu.memory_space<vmem_shared>> -> memref<32x64xf32, #tpu.memory_space<vmem_shared>>
      tpu.wait_dma2 semaphore(%run_scoped3A_264 : memref<!tpu.dma_semaphore, #tpu.memory_space<semaphore_mem>>) src(%arg12 : memref<32x64xf32, #tpu.memory_space<vmem>>) dst(%dma_wait3A_272 : memref<32x64xf32, #tpu.memory_space<vmem_shared>>)
      tpu.yield
    }) : () -> ()
    %mul3A_42 = arith.constant 640 : i32
    %mul3A_43 = arith.muli %arg1, %mul3A_42 : i32
    %add3A_44 = arith.constant 192 : i32
    %add3A_45 = arith.addi %mul3A_43, %add3A_44 : i32
    "tpu.region"() ({
      %run_scoped3A_264 = tpu.sem_alloc : memref<!tpu.dma_semaphore, #tpu.memory_space<semaphore_mem>>
      %dma_start3A_265 = arith.constant 0 : i32
      %dma_start3A_266 = tpu.memref_slice %arg15[%add3A_45, %dma_start3A_265] : memref<10240x64xf32, #tpu.memory_space<vmem_shared>> -> memref<32x64xf32, #tpu.memory_space<vmem_shared>>
      %dma_start3A_267 = arith.constant 0 : i32
      %dma_start3A_268 = tpu.memref_slice %arg15[%add3A_45, %dma_start3A_267] : memref<10240x64xf32, #tpu.memory_space<vmem_shared>> -> memref<32x64xf32, #tpu.memory_space<vmem_shared>>
      tpu.enqueue_dma source(%arg12 : memref<32x64xf32, #tpu.memory_space<vmem>>) target(%dma_start3A_268 : memref<32x64xf32, #tpu.memory_space<vmem_shared>>) target_semaphore(%run_scoped3A_264 : memref<!tpu.dma_semaphore, #tpu.memory_space<semaphore_mem>>)
      %dma_wait3A_269 = arith.constant 0 : i32
      %dma_wait3A_270 = tpu.memref_slice %arg15[%add3A_45, %dma_wait3A_269] : memref<10240x64xf32, #tpu.memory_space<vmem_shared>> -> memref<32x64xf32, #tpu.memory_space<vmem_shared>>
      %dma_wait3A_271 = arith.constant 0 : i32
      %dma_wait3A_272 = tpu.memref_slice %arg15[%add3A_45, %dma_wait3A_271] : memref<10240x64xf32, #tpu.memory_space<vmem_shared>> -> memref<32x64xf32, #tpu.memory_space<vmem_shared>>
      tpu.wait_dma2 semaphore(%run_scoped3A_264 : memref<!tpu.dma_semaphore, #tpu.memory_space<semaphore_mem>>) src(%arg12 : memref<32x64xf32, #tpu.memory_space<vmem>>) dst(%dma_wait3A_272 : memref<32x64xf32, #tpu.memory_space<vmem_shared>>)
      tpu.yield
    }) : () -> ()
    %mul3A_46 = arith.constant 640 : i32
    %mul3A_47 = arith.muli %arg1, %mul3A_46 : i32
    %add3A_48 = arith.constant 224 : i32
    %add3A_49 = arith.addi %mul3A_47, %add3A_48 : i32
    "tpu.region"() ({
      %run_scoped3A_264 = tpu.sem_alloc : memref<!tpu.dma_semaphore, #tpu.memory_space<semaphore_mem>>
      %dma_start3A_265 = arith.constant 0 : i32
      %dma_start3A_266 = tpu.memref_slice %arg15[%add3A_49, %dma_start3A_265] : memref<10240x64xf32, #tpu.memory_space<vmem_shared>> -> memref<32x64xf32, #tpu.memory_space<vmem_shared>>
      %dma_start3A_267 = arith.constant 0 : i32
      %dma_start3A_268 = tpu.memref_slice %arg15[%add3A_49, %dma_start3A_267] : memref<10240x64xf32, #tpu.memory_space<vmem_shared>> -> memref<32x64xf32, #tpu.memory_space<vmem_shared>>
      tpu.enqueue_dma source(%arg12 : memref<32x64xf32, #tpu.memory_space<vmem>>) target(%dma_start3A_268 : memref<32x64xf32, #tpu.memory_space<vmem_shared>>) target_semaphore(%run_scoped3A_264 : memref<!tpu.dma_semaphore, #tpu.memory_space<semaphore_mem>>)
      %dma_wait3A_269 = arith.constant 0 : i32
      %dma_wait3A_270 = tpu.memref_slice %arg15[%add3A_49, %dma_wait3A_269] : memref<10240x64xf32, #tpu.memory_space<vmem_shared>> -> memref<32x64xf32, #tpu.memory_space<vmem_shared>>
      %dma_wait3A_271 = arith.constant 0 : i32
      %dma_wait3A_272 = tpu.memref_slice %arg15[%add3A_49, %dma_wait3A_271] : memref<10240x64xf32, #tpu.memory_space<vmem_shared>> -> memref<32x64xf32, #tpu.memory_space<vmem_shared>>
      tpu.wait_dma2 semaphore(%run_scoped3A_264 : memref<!tpu.dma_semaphore, #tpu.memory_space<semaphore_mem>>) src(%arg12 : memref<32x64xf32, #tpu.memory_space<vmem>>) dst(%dma_wait3A_272 : memref<32x64xf32, #tpu.memory_space<vmem_shared>>)
      tpu.yield
    }) : () -> ()
    %mul3A_50 = arith.constant 640 : i32
    %mul3A_51 = arith.muli %arg1, %mul3A_50 : i32
    %add3A_52 = arith.constant 256 : i32
    %add3A_53 = arith.addi %mul3A_51, %add3A_52 : i32
    "tpu.region"() ({
      %run_scoped3A_264 = tpu.sem_alloc : memref<!tpu.dma_semaphore, #tpu.memory_space<semaphore_mem>>
      %dma_start3A_265 = arith.constant 0 : i32
      %dma_start3A_266 = tpu.memref_slice %arg15[%add3A_53, %dma_start3A_265] : memref<10240x64xf32, #tpu.memory_space<vmem_shared>> -> memref<32x64xf32, #tpu.memory_space<vmem_shared>>
      %dma_start3A_267 = arith.constant 0 : i32
      %dma_start3A_268 = tpu.memref_slice %arg15[%add3A_53, %dma_start3A_267] : memref<10240x64xf32, #tpu.memory_space<vmem_shared>> -> memref<32x64xf32, #tpu.memory_space<vmem_shared>>
      tpu.enqueue_dma source(%arg12 : memref<32x64xf32, #tpu.memory_space<vmem>>) target(%dma_start3A_268 : memref<32x64xf32, #tpu.memory_space<vmem_shared>>) target_semaphore(%run_scoped3A_264 : memref<!tpu.dma_semaphore, #tpu.memory_space<semaphore_mem>>)
      %dma_wait3A_269 = arith.constant 0 : i32
      %dma_wait3A_270 = tpu.memref_slice %arg15[%add3A_53, %dma_wait3A_269] : memref<10240x64xf32, #tpu.memory_space<vmem_shared>> -> memref<32x64xf32, #tpu.memory_space<vmem_shared>>
      %dma_wait3A_271 = arith.constant 0 : i32
      %dma_wait3A_272 = tpu.memref_slice %arg15[%add3A_53, %dma_wait3A_271] : memref<10240x64xf32, #tpu.memory_space<vmem_shared>> -> memref<32x64xf32, #tpu.memory_space<vmem_shared>>
      tpu.wait_dma2 semaphore(%run_scoped3A_264 : memref<!tpu.dma_semaphore, #tpu.memory_space<semaphore_mem>>) src(%arg12 : memref<32x64xf32, #tpu.memory_space<vmem>>) dst(%dma_wait3A_272 : memref<32x64xf32, #tpu.memory_space<vmem_shared>>)
      tpu.yield
    }) : () -> ()
    %mul3A_54 = arith.constant 640 : i32
    %mul3A_55 = arith.muli %arg1, %mul3A_54 : i32
    %add3A_56 = arith.constant 288 : i32
    %add3A_57 = arith.addi %mul3A_55, %add3A_56 : i32
    "tpu.region"() ({
      %run_scoped3A_264 = tpu.sem_alloc : memref<!tpu.dma_semaphore, #tpu.memory_space<semaphore_mem>>
      %dma_start3A_265 = arith.constant 0 : i32
      %dma_start3A_266 = tpu.memref_slice %arg15[%add3A_57, %dma_start3A_265] : memref<10240x64xf32, #tpu.memory_space<vmem_shared>> -> memref<32x64xf32, #tpu.memory_space<vmem_shared>>
      %dma_start3A_267 = arith.constant 0 : i32
      %dma_start3A_268 = tpu.memref_slice %arg15[%add3A_57, %dma_start3A_267] : memref<10240x64xf32, #tpu.memory_space<vmem_shared>> -> memref<32x64xf32, #tpu.memory_space<vmem_shared>>
      tpu.enqueue_dma source(%arg12 : memref<32x64xf32, #tpu.memory_space<vmem>>) target(%dma_start3A_268 : memref<32x64xf32, #tpu.memory_space<vmem_shared>>) target_semaphore(%run_scoped3A_264 : memref<!tpu.dma_semaphore, #tpu.memory_space<semaphore_mem>>)
      %dma_wait3A_269 = arith.constant 0 : i32
      %dma_wait3A_270 = tpu.memref_slice %arg15[%add3A_57, %dma_wait3A_269] : memref<10240x64xf32, #tpu.memory_space<vmem_shared>> -> memref<32x64xf32, #tpu.memory_space<vmem_shared>>
      %dma_wait3A_271 = arith.constant 0 : i32
      %dma_wait3A_272 = tpu.memref_slice %arg15[%add3A_57, %dma_wait3A_271] : memref<10240x64xf32, #tpu.memory_space<vmem_shared>> -> memref<32x64xf32, #tpu.memory_space<vmem_shared>>
      tpu.wait_dma2 semaphore(%run_scoped3A_264 : memref<!tpu.dma_semaphore, #tpu.memory_space<semaphore_mem>>) src(%arg12 : memref<32x64xf32, #tpu.memory_space<vmem>>) dst(%dma_wait3A_272 : memref<32x64xf32, #tpu.memory_space<vmem_shared>>)
      tpu.yield
    }) : () -> ()
    %mul3A_58 = arith.constant 640 : i32
    %mul3A_59 = arith.muli %arg1, %mul3A_58 : i32
    %add3A_60 = arith.constant 320 : i32
    %add3A_61 = arith.addi %mul3A_59, %add3A_60 : i32
    "tpu.region"() ({
      %run_scoped3A_264 = tpu.sem_alloc : memref<!tpu.dma_semaphore, #tpu.memory_space<semaphore_mem>>
      %dma_start3A_265 = arith.constant 0 : i32
      %dma_start3A_266 = tpu.memref_slice %arg15[%add3A_61, %dma_start3A_265] : memref<10240x64xf32, #tpu.memory_space<vmem_shared>> -> memref<32x64xf32, #tpu.memory_space<vmem_shared>>
      %dma_start3A_267 = arith.constant 0 : i32
      %dma_start3A_268 = tpu.memref_slice %arg15[%add3A_61, %dma_start3A_267] : memref<10240x64xf32, #tpu.memory_space<vmem_shared>> -> memref<32x64xf32, #tpu.memory_space<vmem_shared>>
      tpu.enqueue_dma source(%arg12 : memref<32x64xf32, #tpu.memory_space<vmem>>) target(%dma_start3A_268 : memref<32x64xf32, #tpu.memory_space<vmem_shared>>) target_semaphore(%run_scoped3A_264 : memref<!tpu.dma_semaphore, #tpu.memory_space<semaphore_mem>>)
      %dma_wait3A_269 = arith.constant 0 : i32
      %dma_wait3A_270 = tpu.memref_slice %arg15[%add3A_61, %dma_wait3A_269] : memref<10240x64xf32, #tpu.memory_space<vmem_shared>> -> memref<32x64xf32, #tpu.memory_space<vmem_shared>>
      %dma_wait3A_271 = arith.constant 0 : i32
      %dma_wait3A_272 = tpu.memref_slice %arg15[%add3A_61, %dma_wait3A_271] : memref<10240x64xf32, #tpu.memory_space<vmem_shared>> -> memref<32x64xf32, #tpu.memory_space<vmem_shared>>
      tpu.wait_dma2 semaphore(%run_scoped3A_264 : memref<!tpu.dma_semaphore, #tpu.memory_space<semaphore_mem>>) src(%arg12 : memref<32x64xf32, #tpu.memory_space<vmem>>) dst(%dma_wait3A_272 : memref<32x64xf32, #tpu.memory_space<vmem_shared>>)
      tpu.yield
    }) : () -> ()
    %mul3A_62 = arith.constant 640 : i32
    %mul3A_63 = arith.muli %arg1, %mul3A_62 : i32
    %add3A_64 = arith.constant 352 : i32
    %add3A_65 = arith.addi %mul3A_63, %add3A_64 : i32
    "tpu.region"() ({
      %run_scoped3A_264 = tpu.sem_alloc : memref<!tpu.dma_semaphore, #tpu.memory_space<semaphore_mem>>
      %dma_start3A_265 = arith.constant 0 : i32
      %dma_start3A_266 = tpu.memref_slice %arg15[%add3A_65, %dma_start3A_265] : memref<10240x64xf32, #tpu.memory_space<vmem_shared>> -> memref<32x64xf32, #tpu.memory_space<vmem_shared>>
      %dma_start3A_267 = arith.constant 0 : i32
      %dma_start3A_268 = tpu.memref_slice %arg15[%add3A_65, %dma_start3A_267] : memref<10240x64xf32, #tpu.memory_space<vmem_shared>> -> memref<32x64xf32, #tpu.memory_space<vmem_shared>>
      tpu.enqueue_dma source(%arg12 : memref<32x64xf32, #tpu.memory_space<vmem>>) target(%dma_start3A_268 : memref<32x64xf32, #tpu.memory_space<vmem_shared>>) target_semaphore(%run_scoped3A_264 : memref<!tpu.dma_semaphore, #tpu.memory_space<semaphore_mem>>)
      %dma_wait3A_269 = arith.constant 0 : i32
      %dma_wait3A_270 = tpu.memref_slice %arg15[%add3A_65, %dma_wait3A_269] : memref<10240x64xf32, #tpu.memory_space<vmem_shared>> -> memref<32x64xf32, #tpu.memory_space<vmem_shared>>
      %dma_wait3A_271 = arith.constant 0 : i32
      %dma_wait3A_272 = tpu.memref_slice %arg15[%add3A_65, %dma_wait3A_271] : memref<10240x64xf32, #tpu.memory_space<vmem_shared>> -> memref<32x64xf32, #tpu.memory_space<vmem_shared>>
      tpu.wait_dma2 semaphore(%run_scoped3A_264 : memref<!tpu.dma_semaphore, #tpu.memory_space<semaphore_mem>>) src(%arg12 : memref<32x64xf32, #tpu.memory_space<vmem>>) dst(%dma_wait3A_272 : memref<32x64xf32, #tpu.memory_space<vmem_shared>>)
      tpu.yield
    }) : () -> ()
    %mul3A_66 = arith.constant 640 : i32
    %mul3A_67 = arith.muli %arg1, %mul3A_66 : i32
    %add3A_68 = arith.constant 384 : i32
    %add3A_69 = arith.addi %mul3A_67, %add3A_68 : i32
    "tpu.region"() ({
      %run_scoped3A_264 = tpu.sem_alloc : memref<!tpu.dma_semaphore, #tpu.memory_space<semaphore_mem>>
      %dma_start3A_265 = arith.constant 0 : i32
      %dma_start3A_266 = tpu.memref_slice %arg15[%add3A_69, %dma_start3A_265] : memref<10240x64xf32, #tpu.memory_space<vmem_shared>> -> memref<32x64xf32, #tpu.memory_space<vmem_shared>>
      %dma_start3A_267 = arith.constant 0 : i32
      %dma_start3A_268 = tpu.memref_slice %arg15[%add3A_69, %dma_start3A_267] : memref<10240x64xf32, #tpu.memory_space<vmem_shared>> -> memref<32x64xf32, #tpu.memory_space<vmem_shared>>
      tpu.enqueue_dma source(%arg12 : memref<32x64xf32, #tpu.memory_space<vmem>>) target(%dma_start3A_268 : memref<32x64xf32, #tpu.memory_space<vmem_shared>>) target_semaphore(%run_scoped3A_264 : memref<!tpu.dma_semaphore, #tpu.memory_space<semaphore_mem>>)
      %dma_wait3A_269 = arith.constant 0 : i32
      %dma_wait3A_270 = tpu.memref_slice %arg15[%add3A_69, %dma_wait3A_269] : memref<10240x64xf32, #tpu.memory_space<vmem_shared>> -> memref<32x64xf32, #tpu.memory_space<vmem_shared>>
      %dma_wait3A_271 = arith.constant 0 : i32
      %dma_wait3A_272 = tpu.memref_slice %arg15[%add3A_69, %dma_wait3A_271] : memref<10240x64xf32, #tpu.memory_space<vmem_shared>> -> memref<32x64xf32, #tpu.memory_space<vmem_shared>>
      tpu.wait_dma2 semaphore(%run_scoped3A_264 : memref<!tpu.dma_semaphore, #tpu.memory_space<semaphore_mem>>) src(%arg12 : memref<32x64xf32, #tpu.memory_space<vmem>>) dst(%dma_wait3A_272 : memref<32x64xf32, #tpu.memory_space<vmem_shared>>)
      tpu.yield
    }) : () -> ()
    %mul3A_70 = arith.constant 640 : i32
    %mul3A_71 = arith.muli %arg1, %mul3A_70 : i32
    %add3A_72 = arith.constant 416 : i32
    %add3A_73 = arith.addi %mul3A_71, %add3A_72 : i32
    "tpu.region"() ({
      %run_scoped3A_264 = tpu.sem_alloc : memref<!tpu.dma_semaphore, #tpu.memory_space<semaphore_mem>>
      %dma_start3A_265 = arith.constant 0 : i32
      %dma_start3A_266 = tpu.memref_slice %arg15[%add3A_73, %dma_start3A_265] : memref<10240x64xf32, #tpu.memory_space<vmem_shared>> -> memref<32x64xf32, #tpu.memory_space<vmem_shared>>
      %dma_start3A_267 = arith.constant 0 : i32
      %dma_start3A_268 = tpu.memref_slice %arg15[%add3A_73, %dma_start3A_267] : memref<10240x64xf32, #tpu.memory_space<vmem_shared>> -> memref<32x64xf32, #tpu.memory_space<vmem_shared>>
      tpu.enqueue_dma source(%arg12 : memref<32x64xf32, #tpu.memory_space<vmem>>) target(%dma_start3A_268 : memref<32x64xf32, #tpu.memory_space<vmem_shared>>) target_semaphore(%run_scoped3A_264 : memref<!tpu.dma_semaphore, #tpu.memory_space<semaphore_mem>>)
      %dma_wait3A_269 = arith.constant 0 : i32
      %dma_wait3A_270 = tpu.memref_slice %arg15[%add3A_73, %dma_wait3A_269] : memref<10240x64xf32, #tpu.memory_space<vmem_shared>> -> memref<32x64xf32, #tpu.memory_space<vmem_shared>>
      %dma_wait3A_271 = arith.constant 0 : i32
      %dma_wait3A_272 = tpu.memref_slice %arg15[%add3A_73, %dma_wait3A_271] : memref<10240x64xf32, #tpu.memory_space<vmem_shared>> -> memref<32x64xf32, #tpu.memory_space<vmem_shared>>
      tpu.wait_dma2 semaphore(%run_scoped3A_264 : memref<!tpu.dma_semaphore, #tpu.memory_space<semaphore_mem>>) src(%arg12 : memref<32x64xf32, #tpu.memory_space<vmem>>) dst(%dma_wait3A_272 : memref<32x64xf32, #tpu.memory_space<vmem_shared>>)
      tpu.yield
    }) : () -> ()
    %mul3A_74 = arith.constant 640 : i32
    %mul3A_75 = arith.muli %arg1, %mul3A_74 : i32
    %add3A_76 = arith.constant 448 : i32
    %add3A_77 = arith.addi %mul3A_75, %add3A_76 : i32
    "tpu.region"() ({
      %run_scoped3A_264 = tpu.sem_alloc : memref<!tpu.dma_semaphore, #tpu.memory_space<semaphore_mem>>
      %dma_start3A_265 = arith.constant 0 : i32
      %dma_start3A_266 = tpu.memref_slice %arg15[%add3A_77, %dma_start3A_265] : memref<10240x64xf32, #tpu.memory_space<vmem_shared>> -> memref<32x64xf32, #tpu.memory_space<vmem_shared>>
      %dma_start3A_267 = arith.constant 0 : i32
      %dma_start3A_268 = tpu.memref_slice %arg15[%add3A_77, %dma_start3A_267] : memref<10240x64xf32, #tpu.memory_space<vmem_shared>> -> memref<32x64xf32, #tpu.memory_space<vmem_shared>>
      tpu.enqueue_dma source(%arg12 : memref<32x64xf32, #tpu.memory_space<vmem>>) target(%dma_start3A_268 : memref<32x64xf32, #tpu.memory_space<vmem_shared>>) target_semaphore(%run_scoped3A_264 : memref<!tpu.dma_semaphore, #tpu.memory_space<semaphore_mem>>)
      %dma_wait3A_269 = arith.constant 0 : i32
      %dma_wait3A_270 = tpu.memref_slice %arg15[%add3A_77, %dma_wait3A_269] : memref<10240x64xf32, #tpu.memory_space<vmem_shared>> -> memref<32x64xf32, #tpu.memory_space<vmem_shared>>
      %dma_wait3A_271 = arith.constant 0 : i32
      %dma_wait3A_272 = tpu.memref_slice %arg15[%add3A_77, %dma_wait3A_271] : memref<10240x64xf32, #tpu.memory_space<vmem_shared>> -> memref<32x64xf32, #tpu.memory_space<vmem_shared>>
      tpu.wait_dma2 semaphore(%run_scoped3A_264 : memref<!tpu.dma_semaphore, #tpu.memory_space<semaphore_mem>>) src(%arg12 : memref<32x64xf32, #tpu.memory_space<vmem>>) dst(%dma_wait3A_272 : memref<32x64xf32, #tpu.memory_space<vmem_shared>>)
      tpu.yield
    }) : () -> ()
    %mul3A_78 = arith.constant 640 : i32
    %mul3A_79 = arith.muli %arg1, %mul3A_78 : i32
    %add3A_80 = arith.constant 480 : i32
    %add3A_81 = arith.addi %mul3A_79, %add3A_80 : i32
    "tpu.region"() ({
      %run_scoped3A_264 = tpu.sem_alloc : memref<!tpu.dma_semaphore, #tpu.memory_space<semaphore_mem>>
      %dma_start3A_265 = arith.constant 0 : i32
      %dma_start3A_266 = tpu.memref_slice %arg15[%add3A_81, %dma_start3A_265] : memref<10240x64xf32, #tpu.memory_space<vmem_shared>> -> memref<32x64xf32, #tpu.memory_space<vmem_shared>>
      %dma_start3A_267 = arith.constant 0 : i32
      %dma_start3A_268 = tpu.memref_slice %arg15[%add3A_81, %dma_start3A_267] : memref<10240x64xf32, #tpu.memory_space<vmem_shared>> -> memref<32x64xf32, #tpu.memory_space<vmem_shared>>
      tpu.enqueue_dma source(%arg12 : memref<32x64xf32, #tpu.memory_space<vmem>>) target(%dma_start3A_268 : memref<32x64xf32, #tpu.memory_space<vmem_shared>>) target_semaphore(%run_scoped3A_264 : memref<!tpu.dma_semaphore, #tpu.memory_space<semaphore_mem>>)
      %dma_wait3A_269 = arith.constant 0 : i32
      %dma_wait3A_270 = tpu.memref_slice %arg15[%add3A_81, %dma_wait3A_269] : memref<10240x64xf32, #tpu.memory_space<vmem_shared>> -> memref<32x64xf32, #tpu.memory_space<vmem_shared>>
      %dma_wait3A_271 = arith.constant 0 : i32
      %dma_wait3A_272 = tpu.memref_slice %arg15[%add3A_81, %dma_wait3A_271] : memref<10240x64xf32, #tpu.memory_space<vmem_shared>> -> memref<32x64xf32, #tpu.memory_space<vmem_shared>>
      tpu.wait_dma2 semaphore(%run_scoped3A_264 : memref<!tpu.dma_semaphore, #tpu.memory_space<semaphore_mem>>) src(%arg12 : memref<32x64xf32, #tpu.memory_space<vmem>>) dst(%dma_wait3A_272 : memref<32x64xf32, #tpu.memory_space<vmem_shared>>)
      tpu.yield
    }) : () -> ()
    %mul3A_82 = arith.constant 640 : i32
    %mul3A_83 = arith.muli %arg1, %mul3A_82 : i32
    %add3A_84 = arith.constant 512 : i32
    %add3A_85 = arith.addi %mul3A_83, %add3A_84 : i32
    "tpu.region"() ({
      %run_scoped3A_264 = tpu.sem_alloc : memref<!tpu.dma_semaphore, #tpu.memory_space<semaphore_mem>>
      %dma_start3A_265 = arith.constant 0 : i32
      %dma_start3A_266 = tpu.memref_slice %arg15[%add3A_85, %dma_start3A_265] : memref<10240x64xf32, #tpu.memory_space<vmem_shared>> -> memref<32x64xf32, #tpu.memory_space<vmem_shared>>
      %dma_start3A_267 = arith.constant 0 : i32
      %dma_start3A_268 = tpu.memref_slice %arg15[%add3A_85, %dma_start3A_267] : memref<10240x64xf32, #tpu.memory_space<vmem_shared>> -> memref<32x64xf32, #tpu.memory_space<vmem_shared>>
      tpu.enqueue_dma source(%arg12 : memref<32x64xf32, #tpu.memory_space<vmem>>) target(%dma_start3A_268 : memref<32x64xf32, #tpu.memory_space<vmem_shared>>) target_semaphore(%run_scoped3A_264 : memref<!tpu.dma_semaphore, #tpu.memory_space<semaphore_mem>>)
      %dma_wait3A_269 = arith.constant 0 : i32
      %dma_wait3A_270 = tpu.memref_slice %arg15[%add3A_85, %dma_wait3A_269] : memref<10240x64xf32, #tpu.memory_space<vmem_shared>> -> memref<32x64xf32, #tpu.memory_space<vmem_shared>>
      %dma_wait3A_271 = arith.constant 0 : i32
      %dma_wait3A_272 = tpu.memref_slice %arg15[%add3A_85, %dma_wait3A_271] : memref<10240x64xf32, #tpu.memory_space<vmem_shared>> -> memref<32x64xf32, #tpu.memory_space<vmem_shared>>
      tpu.wait_dma2 semaphore(%run_scoped3A_264 : memref<!tpu.dma_semaphore, #tpu.memory_space<semaphore_mem>>) src(%arg12 : memref<32x64xf32, #tpu.memory_space<vmem>>) dst(%dma_wait3A_272 : memref<32x64xf32, #tpu.memory_space<vmem_shared>>)
      tpu.yield
    }) : () -> ()
    %mul3A_86 = arith.constant 640 : i32
    %mul3A_87 = arith.muli %arg1, %mul3A_86 : i32
    %add3A_88 = arith.constant 544 : i32
    %add3A_89 = arith.addi %mul3A_87, %add3A_88 : i32
    "tpu.region"() ({
      %run_scoped3A_264 = tpu.sem_alloc : memref<!tpu.dma_semaphore, #tpu.memory_space<semaphore_mem>>
      %dma_start3A_265 = arith.constant 0 : i32
      %dma_start3A_266 = tpu.memref_slice %arg15[%add3A_89, %dma_start3A_265] : memref<10240x64xf32, #tpu.memory_space<vmem_shared>> -> memref<32x64xf32, #tpu.memory_space<vmem_shared>>
      %dma_start3A_267 = arith.constant 0 : i32
      %dma_start3A_268 = tpu.memref_slice %arg15[%add3A_89, %dma_start3A_267] : memref<10240x64xf32, #tpu.memory_space<vmem_shared>> -> memref<32x64xf32, #tpu.memory_space<vmem_shared>>
      tpu.enqueue_dma source(%arg12 : memref<32x64xf32, #tpu.memory_space<vmem>>) target(%dma_start3A_268 : memref<32x64xf32, #tpu.memory_space<vmem_shared>>) target_semaphore(%run_scoped3A_264 : memref<!tpu.dma_semaphore, #tpu.memory_space<semaphore_mem>>)
      %dma_wait3A_269 = arith.constant 0 : i32
      %dma_wait3A_270 = tpu.memref_slice %arg15[%add3A_89, %dma_wait3A_269] : memref<10240x64xf32, #tpu.memory_space<vmem_shared>> -> memref<32x64xf32, #tpu.memory_space<vmem_shared>>
      %dma_wait3A_271 = arith.constant 0 : i32
      %dma_wait3A_272 = tpu.memref_slice %arg15[%add3A_89, %dma_wait3A_271] : memref<10240x64xf32, #tpu.memory_space<vmem_shared>> -> memref<32x64xf32, #tpu.memory_space<vmem_shared>>
      tpu.wait_dma2 semaphore(%run_scoped3A_264 : memref<!tpu.dma_semaphore, #tpu.memory_space<semaphore_mem>>) src(%arg12 : memref<32x64xf32, #tpu.memory_space<vmem>>) dst(%dma_wait3A_272 : memref<32x64xf32, #tpu.memory_space<vmem_shared>>)
      tpu.yield
    }) : () -> ()
    %mul3A_90 = arith.constant 640 : i32
    %mul3A_91 = arith.muli %arg1, %mul3A_90 : i32
    %add3A_92 = arith.constant 576 : i32
    %add3A_93 = arith.addi %mul3A_91, %add3A_92 : i32
    "tpu.region"() ({
      %run_scoped3A_264 = tpu.sem_alloc : memref<!tpu.dma_semaphore, #tpu.memory_space<semaphore_mem>>
      %dma_start3A_265 = arith.constant 0 : i32
      %dma_start3A_266 = tpu.memref_slice %arg15[%add3A_93, %dma_start3A_265] : memref<10240x64xf32, #tpu.memory_space<vmem_shared>> -> memref<32x64xf32, #tpu.memory_space<vmem_shared>>
      %dma_start3A_267 = arith.constant 0 : i32
      %dma_start3A_268 = tpu.memref_slice %arg15[%add3A_93, %dma_start3A_267] : memref<10240x64xf32, #tpu.memory_space<vmem_shared>> -> memref<32x64xf32, #tpu.memory_space<vmem_shared>>
      tpu.enqueue_dma source(%arg12 : memref<32x64xf32, #tpu.memory_space<vmem>>) target(%dma_start3A_268 : memref<32x64xf32, #tpu.memory_space<vmem_shared>>) target_semaphore(%run_scoped3A_264 : memref<!tpu.dma_semaphore, #tpu.memory_space<semaphore_mem>>)
      %dma_wait3A_269 = arith.constant 0 : i32
      %dma_wait3A_270 = tpu.memref_slice %arg15[%add3A_93, %dma_wait3A_269] : memref<10240x64xf32, #tpu.memory_space<vmem_shared>> -> memref<32x64xf32, #tpu.memory_space<vmem_shared>>
      %dma_wait3A_271 = arith.constant 0 : i32
      %dma_wait3A_272 = tpu.memref_slice %arg15[%add3A_93, %dma_wait3A_271] : memref<10240x64xf32, #tpu.memory_space<vmem_shared>> -> memref<32x64xf32, #tpu.memory_space<vmem_shared>>
      tpu.wait_dma2 semaphore(%run_scoped3A_264 : memref<!tpu.dma_semaphore, #tpu.memory_space<semaphore_mem>>) src(%arg12 : memref<32x64xf32, #tpu.memory_space<vmem>>) dst(%dma_wait3A_272 : memref<32x64xf32, #tpu.memory_space<vmem_shared>>)
      tpu.yield
    }) : () -> ()
    %mul3A_94 = arith.constant 640 : i32
    %mul3A_95 = arith.muli %arg1, %mul3A_94 : i32
    %add3A_96 = arith.constant 608 : i32
    %add3A_97 = arith.addi %mul3A_95, %add3A_96 : i32
    "tpu.region"() ({
      %run_scoped3A_264 = tpu.sem_alloc : memref<!tpu.dma_semaphore, #tpu.memory_space<semaphore_mem>>
      %dma_start3A_265 = arith.constant 0 : i32
      %dma_start3A_266 = tpu.memref_slice %arg15[%add3A_97, %dma_start3A_265] : memref<10240x64xf32, #tpu.memory_space<vmem_shared>> -> memref<32x64xf32, #tpu.memory_space<vmem_shared>>
      %dma_start3A_267 = arith.constant 0 : i32
      %dma_start3A_268 = tpu.memref_slice %arg15[%add3A_97, %dma_start3A_267] : memref<10240x64xf32, #tpu.memory_space<vmem_shared>> -> memref<32x64xf32, #tpu.memory_space<vmem_shared>>
      tpu.enqueue_dma source(%arg12 : memref<32x64xf32, #tpu.memory_space<vmem>>) target(%dma_start3A_268 : memref<32x64xf32, #tpu.memory_space<vmem_shared>>) target_semaphore(%run_scoped3A_264 : memref<!tpu.dma_semaphore, #tpu.memory_space<semaphore_mem>>)
      %dma_wait3A_269 = arith.constant 0 : i32
      %dma_wait3A_270 = tpu.memref_slice %arg15[%add3A_97, %dma_wait3A_269] : memref<10240x64xf32, #tpu.memory_space<vmem_shared>> -> memref<32x64xf32, #tpu.memory_space<vmem_shared>>
      %dma_wait3A_271 = arith.constant 0 : i32
      %dma_wait3A_272 = tpu.memref_slice %arg15[%add3A_97, %dma_wait3A_271] : memref<10240x64xf32, #tpu.memory_space<vmem_shared>> -> memref<32x64xf32, #tpu.memory_space<vmem_shared>>
      tpu.wait_dma2 semaphore(%run_scoped3A_264 : memref<!tpu.dma_semaphore, #tpu.memory_space<semaphore_mem>>) src(%arg12 : memref<32x64xf32, #tpu.memory_space<vmem>>) dst(%dma_wait3A_272 : memref<32x64xf32, #tpu.memory_space<vmem_shared>>)
      tpu.yield
    }) : () -> ()
    %mul3A_98 = arith.constant 640 : i32
    %mul3A_99 = arith.muli %arg1, %mul3A_98 : i32
    "tpu.region"() ({
      %run_scoped3A_264 = tpu.sem_alloc : memref<!tpu.dma_semaphore, #tpu.memory_space<semaphore_mem>>
      %dma_start3A_265 = tpu.memref_slice %arg16[%mul3A_99] : memref<10240xf32, #tpu.memory_space<vmem_shared>> -> memref<640xf32, #tpu.memory_space<vmem_shared>>
      %dma_start3A_266 = tpu.memref_slice %arg16[%mul3A_99] : memref<10240xf32, #tpu.memory_space<vmem_shared>> -> memref<640xf32, #tpu.memory_space<vmem_shared>>
      tpu.enqueue_dma source(%arg14 : memref<640xf32, #tpu.memory_space<vmem>>) target(%dma_start3A_266 : memref<640xf32, #tpu.memory_space<vmem_shared>>) target_semaphore(%run_scoped3A_264 : memref<!tpu.dma_semaphore, #tpu.memory_space<semaphore_mem>>)
      %dma_wait3A_267 = tpu.memref_slice %arg16[%mul3A_99] : memref<10240xf32, #tpu.memory_space<vmem_shared>> -> memref<640xf32, #tpu.memory_space<vmem_shared>>
      %dma_wait3A_268 = tpu.memref_slice %arg16[%mul3A_99] : memref<10240xf32, #tpu.memory_space<vmem_shared>> -> memref<640xf32, #tpu.memory_space<vmem_shared>>
      tpu.wait_dma2 semaphore(%run_scoped3A_264 : memref<!tpu.dma_semaphore, #tpu.memory_space<semaphore_mem>>) src(%arg14 : memref<640xf32, #tpu.memory_space<vmem>>) dst(%dma_wait3A_268 : memref<640xf32, #tpu.memory_space<vmem_shared>>)
      tpu.yield
    }) : () -> ()
    %barrier3A = arith.constant 0 : index
    tpu.barrier barrier_id(%barrier3A)
    %dma_start3A = arith.constant 0 : i32
    %dma_start3A_100 = arith.constant 0 : i32
    %dma_start3A_101 = arith.constant 0 : i32
    %dma_start3A_102 = arith.constant 0 : i32
    %dma_start3A_103 = tpu.memref_slice %arg11[%dma_start3A_100, %dma_start3A_101, %dma_start3A_102] : memref<2x64x64xf32, #tpu.memory_space<vmem>> -> memref<1x64x64xf32, #tpu.memory_space<vmem>>
    %dma_start3A_104 = tpu.memref_squeeze %dma_start3A_103 : memref<1x64x64xf32, #tpu.memory_space<vmem>> -> memref<64x64xf32, #tpu.memory_space<vmem>>
    %dma_start3A_105 = arith.constant 0 : i32
    %dma_start3A_106 = tpu.memref_slice %arg9[%dma_start3A, %dma_start3A_105] : memref<157x64xi32, #tpu.memory_space<vmem>> -> memref<1x64xi32, #tpu.memory_space<vmem>>
    %dma_start3A_107 = tpu.memref_squeeze %dma_start3A_106 : memref<1x64xi32, #tpu.memory_space<vmem>> -> memref<64xi32, #tpu.memory_space<vmem>>
    %dma_start3A_108 = arith.constant 0 : i32
    %dma_start3A_109 = arith.constant 0 : i32
    %dma_start3A_110 = tpu.memref_slice %arg2[%dma_start3A_108, %dma_start3A_109] : memref<10240x64xf32, #tpu.memory_space<hbm>> -> memref<10240x64xf32, #tpu.memory_space<hbm>>
    tpu.enqueue_indirect_dma source(%dma_start3A_110 : memref<10240x64xf32, #tpu.memory_space<hbm>>) target(%dma_start3A_104 : memref<64x64xf32, #tpu.memory_space<vmem>>) offsets(%dma_start3A_107 : memref<64xi32, #tpu.memory_space<vmem>>) semaphore(%arg17 : memref<!tpu.dma_semaphore, #tpu.memory_space<semaphore_mem>>)
    %scan3A_111 = arith.constant 0 : i32
    %scan3A_112 = arith.constant 0 : i32
    %scan3A_113 = arith.constant 156 : i32
    %scan3A_114 = arith.addi %scan3A_112, %scan3A_113 : i32
    %scan3A_115 = arith.constant 1 : i32
    scf.for %scan3A_264 = %scan3A_112 to %scan3A_114 step %scan3A_115  : i32 {
      %add3A_265 = arith.constant 1 : i32
      %add3A_266 = arith.addi %scan3A_264, %add3A_265 : i32
      %add3A_267 = arith.constant 1 : i32
      %add3A_268 = arith.addi %scan3A_264, %add3A_267 : i32
      %rem3A_269 = arith.constant 2 : i32
      %rem3A_270 = arith.remsi %add3A_268, %rem3A_269 : i32
      %dma_start3A_271 = arith.constant 0 : i32
      %dma_start3A_272 = arith.constant 0 : i32
      %dma_start3A_273 = tpu.memref_slice %arg11[%rem3A_270, %dma_start3A_271, %dma_start3A_272] : memref<2x64x64xf32, #tpu.memory_space<vmem>> -> memref<1x64x64xf32, #tpu.memory_space<vmem>>
      %dma_start3A_274 = tpu.memref_squeeze %dma_start3A_273 : memref<1x64x64xf32, #tpu.memory_space<vmem>> -> memref<64x64xf32, #tpu.memory_space<vmem>>
      %dma_start3A_275 = arith.constant 0 : i32
      %dma_start3A_276 = tpu.memref_slice %arg9[%add3A_266, %dma_start3A_275] : memref<157x64xi32, #tpu.memory_space<vmem>> -> memref<1x64xi32, #tpu.memory_space<vmem>>
      %dma_start3A_277 = tpu.memref_squeeze %dma_start3A_276 : memref<1x64xi32, #tpu.memory_space<vmem>> -> memref<64xi32, #tpu.memory_space<vmem>>
      %dma_start3A_278 = arith.constant 0 : i32
      %dma_start3A_279 = arith.constant 0 : i32
      %dma_start3A_280 = tpu.memref_slice %arg2[%dma_start3A_278, %dma_start3A_279] : memref<10240x64xf32, #tpu.memory_space<hbm>> -> memref<10240x64xf32, #tpu.memory_space<hbm>>
      tpu.enqueue_indirect_dma source(%dma_start3A_280 : memref<10240x64xf32, #tpu.memory_space<hbm>>) target(%dma_start3A_274 : memref<64x64xf32, #tpu.memory_space<vmem>>) offsets(%dma_start3A_277 : memref<64xi32, #tpu.memory_space<vmem>>) semaphore(%arg17 : memref<!tpu.dma_semaphore, #tpu.memory_space<semaphore_mem>>)
      %rem3A_281 = arith.constant 2 : i32
      %rem3A_282 = arith.remsi %scan3A_264, %rem3A_281 : i32
      %dma_wait3A_283 = arith.constant 0 : i32
      %dma_wait3A_284 = arith.constant 0 : i32
      %dma_wait3A_285 = tpu.memref_slice %arg11[%rem3A_282, %dma_wait3A_283, %dma_wait3A_284] : memref<2x64x64xf32, #tpu.memory_space<vmem>> -> memref<1x64x64xf32, #tpu.memory_space<vmem>>
      %dma_wait3A_286 = tpu.memref_squeeze %dma_wait3A_285 : memref<1x64x64xf32, #tpu.memory_space<vmem>> -> memref<64x64xf32, #tpu.memory_space<vmem>>
      %dma_wait3A_287 = arith.constant 0 : i32
      %dma_wait3A_288 = tpu.memref_slice %arg9[%scan3A_264, %dma_wait3A_287] : memref<157x64xi32, #tpu.memory_space<vmem>> -> memref<1x64xi32, #tpu.memory_space<vmem>>
      %dma_wait3A_289 = tpu.memref_squeeze %dma_wait3A_288 : memref<1x64xi32, #tpu.memory_space<vmem>> -> memref<64xi32, #tpu.memory_space<vmem>>
      %dma_wait3A_290 = arith.constant 0 : i32
      %dma_wait3A_291 = arith.constant 0 : i32
      %dma_wait3A_292 = tpu.memref_slice %arg2[%dma_wait3A_290, %dma_wait3A_291] : memref<10240x64xf32, #tpu.memory_space<hbm>> -> memref<10240x64xf32, #tpu.memory_space<hbm>>
      tpu.wait_indirect_dma semaphore(%arg17 : memref<!tpu.dma_semaphore, #tpu.memory_space<semaphore_mem>>) src(%dma_wait3A_292 : memref<10240x64xf32, #tpu.memory_space<hbm>>) dst(%dma_wait3A_286 : memref<64x64xf32, #tpu.memory_space<vmem>>)
      %rem3A_293 = arith.constant 2 : i32
      %rem3A_294 = arith.remsi %scan3A_264, %rem3A_293 : i32
      "tpu.region"() ({
        %run_scoped3A_295 = tpu.sem_alloc : memref<!tpu.dma_semaphore, #tpu.memory_space<semaphore_mem>>
        %dma_start3A_296 = arith.constant 0 : i32
        %dma_start3A_297 = arith.constant 0 : i32
        %dma_start3A_298 = tpu.memref_slice %arg11[%rem3A_294, %dma_start3A_296, %dma_start3A_297] : memref<2x64x64xf32, #tpu.memory_space<vmem>> -> memref<1x64x64xf32, #tpu.memory_space<vmem>>
        %dma_start3A_299 = tpu.memref_squeeze %dma_start3A_298 : memref<1x64x64xf32, #tpu.memory_space<vmem>> -> memref<64x64xf32, #tpu.memory_space<vmem>>
        %dma_start3A_300 = arith.constant 0 : i32
        %dma_start3A_301 = tpu.memref_slice %arg10[%scan3A_264, %dma_start3A_300] : memref<157x64xi32, #tpu.memory_space<vmem>> -> memref<1x64xi32, #tpu.memory_space<vmem>>
        %dma_start3A_302 = tpu.memref_squeeze %dma_start3A_301 : memref<1x64xi32, #tpu.memory_space<vmem>> -> memref<64xi32, #tpu.memory_space<vmem>>
        %dma_start3A_303 = arith.constant 0 : i32
        %dma_start3A_304 = arith.constant 0 : i32
        %dma_start3A_305 = tpu.memref_slice %arg15[%dma_start3A_303, %dma_start3A_304] : memref<10240x64xf32, #tpu.memory_space<vmem_shared>> -> memref<10240x64xf32, #tpu.memory_space<vmem_shared>>
        tpu.enqueue_indirect_dma source(%dma_start3A_299 : memref<64x64xf32, #tpu.memory_space<vmem>>) target(%dma_start3A_305 : memref<10240x64xf32, #tpu.memory_space<vmem_shared>>) offsets(%dma_start3A_302 : memref<64xi32, #tpu.memory_space<vmem>>) semaphore(%run_scoped3A_295 : memref<!tpu.dma_semaphore, #tpu.memory_space<semaphore_mem>>) {add = true}
        %dma_wait3A_306 = arith.constant 0 : i32
        %dma_wait3A_307 = arith.constant 0 : i32
        %dma_wait3A_308 = tpu.memref_slice %arg11[%rem3A_294, %dma_wait3A_306, %dma_wait3A_307] : memref<2x64x64xf32, #tpu.memory_space<vmem>> -> memref<1x64x64xf32, #tpu.memory_space<vmem>>
        %dma_wait3A_309 = tpu.memref_squeeze %dma_wait3A_308 : memref<1x64x64xf32, #tpu.memory_space<vmem>> -> memref<64x64xf32, #tpu.memory_space<vmem>>
        %dma_wait3A_310 = arith.constant 0 : i32
        %dma_wait3A_311 = tpu.memref_slice %arg10[%scan3A_264, %dma_wait3A_310] : memref<157x64xi32, #tpu.memory_space<vmem>> -> memref<1x64xi32, #tpu.memory_space<vmem>>
        %dma_wait3A_312 = tpu.memref_squeeze %dma_wait3A_311 : memref<1x64xi32, #tpu.memory_space<vmem>> -> memref<64xi32, #tpu.memory_space<vmem>>
        %dma_wait3A_313 = arith.constant 0 : i32
        %dma_wait3A_314 = arith.constant 0 : i32
        %dma_wait3A_315 = tpu.memref_slice %arg15[%dma_wait3A_313, %dma_wait3A_314] : memref<10240x64xf32, #tpu.memory_space<vmem_shared>> -> memref<10240x64xf32, #tpu.memory_space<vmem_shared>>
        tpu.wait_indirect_dma semaphore(%run_scoped3A_295 : memref<!tpu.dma_semaphore, #tpu.memory_space<semaphore_mem>>) src(%dma_wait3A_309 : memref<64x64xf32, #tpu.memory_space<vmem>>) dst(%dma_wait3A_315 : memref<10240x64xf32, #tpu.memory_space<vmem_shared>>)
        tpu.yield
      }) : () -> ()
      "tpu.region"() ({
        %run_scoped3A_295 = tpu.sem_alloc : memref<!tpu.dma_semaphore, #tpu.memory_space<semaphore_mem>>
        %dma_start3A_296 = arith.constant 0 : i32
        %dma_start3A_297 = tpu.memref_slice %arg10[%scan3A_264, %dma_start3A_296] : memref<157x64xi32, #tpu.memory_space<vmem>> -> memref<1x64xi32, #tpu.memory_space<vmem>>
        %dma_start3A_298 = tpu.memref_squeeze %dma_start3A_297 : memref<1x64xi32, #tpu.memory_space<vmem>> -> memref<64xi32, #tpu.memory_space<vmem>>
        %dma_start3A_299 = arith.constant 0 : i32
        %dma_start3A_300 = tpu.memref_slice %arg16[%dma_start3A_299] : memref<10240xf32, #tpu.memory_space<vmem_shared>> -> memref<10240xf32, #tpu.memory_space<vmem_shared>>
        tpu.enqueue_indirect_dma source(%arg13 : memref<64xf32, #tpu.memory_space<vmem>>) target(%dma_start3A_300 : memref<10240xf32, #tpu.memory_space<vmem_shared>>) offsets(%dma_start3A_298 : memref<64xi32, #tpu.memory_space<vmem>>) semaphore(%run_scoped3A_295 : memref<!tpu.dma_semaphore, #tpu.memory_space<semaphore_mem>>) {add = true}
        %dma_wait3A_301 = arith.constant 0 : i32
        %dma_wait3A_302 = tpu.memref_slice %arg10[%scan3A_264, %dma_wait3A_301] : memref<157x64xi32, #tpu.memory_space<vmem>> -> memref<1x64xi32, #tpu.memory_space<vmem>>
        %dma_wait3A_303 = tpu.memref_squeeze %dma_wait3A_302 : memref<1x64xi32, #tpu.memory_space<vmem>> -> memref<64xi32, #tpu.memory_space<vmem>>
        %dma_wait3A_304 = arith.constant 0 : i32
        %dma_wait3A_305 = tpu.memref_slice %arg16[%dma_wait3A_304] : memref<10240xf32, #tpu.memory_space<vmem_shared>> -> memref<10240xf32, #tpu.memory_space<vmem_shared>>
        tpu.wait_indirect_dma semaphore(%run_scoped3A_295 : memref<!tpu.dma_semaphore, #tpu.memory_space<semaphore_mem>>) src(%arg13 : memref<64xf32, #tpu.memory_space<vmem>>) dst(%dma_wait3A_305 : memref<10240xf32, #tpu.memory_space<vmem_shared>>)
        tpu.yield
      }) : () -> ()
    }
    %scan3A_116 = arith.constant 156 : i32
    %rem3A = arith.constant 156 : i32
    %rem3A_117 = arith.constant 2 : i32
    %rem3A_118 = arith.remsi %rem3A, %rem3A_117 : i32
    %dma_wait3A = arith.constant 156 : i32
    %dma_wait3A_119 = arith.constant 0 : i32
    %dma_wait3A_120 = arith.constant 0 : i32
    %dma_wait3A_121 = tpu.memref_slice %arg11[%rem3A_118, %dma_wait3A_119, %dma_wait3A_120] : memref<2x64x64xf32, #tpu.memory_space<vmem>> -> memref<1x64x64xf32, #tpu.memory_space<vmem>>
    %dma_wait3A_122 = tpu.memref_squeeze %dma_wait3A_121 : memref<1x64x64xf32, #tpu.memory_space<vmem>> -> memref<64x64xf32, #tpu.memory_space<vmem>>
    %dma_wait3A_123 = arith.constant 0 : i32
    %dma_wait3A_124 = tpu.memref_slice %arg9[%dma_wait3A, %dma_wait3A_123] : memref<157x64xi32, #tpu.memory_space<vmem>> -> memref<1x64xi32, #tpu.memory_space<vmem>>
    %dma_wait3A_125 = tpu.memref_squeeze %dma_wait3A_124 : memref<1x64xi32, #tpu.memory_space<vmem>> -> memref<64xi32, #tpu.memory_space<vmem>>
    %dma_wait3A_126 = arith.constant 0 : i32
    %dma_wait3A_127 = arith.constant 0 : i32
    %dma_wait3A_128 = tpu.memref_slice %arg2[%dma_wait3A_126, %dma_wait3A_127] : memref<10240x64xf32, #tpu.memory_space<hbm>> -> memref<10240x64xf32, #tpu.memory_space<hbm>>
    tpu.wait_indirect_dma semaphore(%arg17 : memref<!tpu.dma_semaphore, #tpu.memory_space<semaphore_mem>>) src(%dma_wait3A_128 : memref<10240x64xf32, #tpu.memory_space<hbm>>) dst(%dma_wait3A_122 : memref<64x64xf32, #tpu.memory_space<vmem>>)
    %rem3A_129 = arith.constant 156 : i32
    %rem3A_130 = arith.constant 2 : i32
    %rem3A_131 = arith.remsi %rem3A_129, %rem3A_130 : i32
    %run_scoped3A = arith.constant 156 : i32
    "tpu.region"() ({
      %run_scoped3A_264 = tpu.sem_alloc : memref<!tpu.dma_semaphore, #tpu.memory_space<semaphore_mem>>
      %dma_start3A_265 = arith.constant 0 : i32
      %dma_start3A_266 = arith.constant 0 : i32
      %dma_start3A_267 = tpu.memref_slice %arg11[%rem3A_131, %dma_start3A_265, %dma_start3A_266] : memref<2x64x64xf32, #tpu.memory_space<vmem>> -> memref<1x64x64xf32, #tpu.memory_space<vmem>>
      %dma_start3A_268 = tpu.memref_squeeze %dma_start3A_267 : memref<1x64x64xf32, #tpu.memory_space<vmem>> -> memref<64x64xf32, #tpu.memory_space<vmem>>
      %dma_start3A_269 = arith.constant 0 : i32
      %dma_start3A_270 = tpu.memref_slice %arg10[%run_scoped3A, %dma_start3A_269] : memref<157x64xi32, #tpu.memory_space<vmem>> -> memref<1x64xi32, #tpu.memory_space<vmem>>
      %dma_start3A_271 = tpu.memref_squeeze %dma_start3A_270 : memref<1x64xi32, #tpu.memory_space<vmem>> -> memref<64xi32, #tpu.memory_space<vmem>>
      %dma_start3A_272 = arith.constant 0 : i32
      %dma_start3A_273 = arith.constant 0 : i32
      %dma_start3A_274 = tpu.memref_slice %arg15[%dma_start3A_272, %dma_start3A_273] : memref<10240x64xf32, #tpu.memory_space<vmem_shared>> -> memref<10240x64xf32, #tpu.memory_space<vmem_shared>>
      tpu.enqueue_indirect_dma source(%dma_start3A_268 : memref<64x64xf32, #tpu.memory_space<vmem>>) target(%dma_start3A_274 : memref<10240x64xf32, #tpu.memory_space<vmem_shared>>) offsets(%dma_start3A_271 : memref<64xi32, #tpu.memory_space<vmem>>) semaphore(%run_scoped3A_264 : memref<!tpu.dma_semaphore, #tpu.memory_space<semaphore_mem>>) {add = true}
      %dma_wait3A_275 = arith.constant 0 : i32
      %dma_wait3A_276 = arith.constant 0 : i32
      %dma_wait3A_277 = tpu.memref_slice %arg11[%rem3A_131, %dma_wait3A_275, %dma_wait3A_276] : memref<2x64x64xf32, #tpu.memory_space<vmem>> -> memref<1x64x64xf32, #tpu.memory_space<vmem>>
      %dma_wait3A_278 = tpu.memref_squeeze %dma_wait3A_277 : memref<1x64x64xf32, #tpu.memory_space<vmem>> -> memref<64x64xf32, #tpu.memory_space<vmem>>
      %dma_wait3A_279 = arith.constant 0 : i32
      %dma_wait3A_280 = tpu.memref_slice %arg10[%run_scoped3A, %dma_wait3A_279] : memref<157x64xi32, #tpu.memory_space<vmem>> -> memref<1x64xi32, #tpu.memory_space<vmem>>
      %dma_wait3A_281 = tpu.memref_squeeze %dma_wait3A_280 : memref<1x64xi32, #tpu.memory_space<vmem>> -> memref<64xi32, #tpu.memory_space<vmem>>
      %dma_wait3A_282 = arith.constant 0 : i32
      %dma_wait3A_283 = arith.constant 0 : i32
      %dma_wait3A_284 = tpu.memref_slice %arg15[%dma_wait3A_282, %dma_wait3A_283] : memref<10240x64xf32, #tpu.memory_space<vmem_shared>> -> memref<10240x64xf32, #tpu.memory_space<vmem_shared>>
      tpu.wait_indirect_dma semaphore(%run_scoped3A_264 : memref<!tpu.dma_semaphore, #tpu.memory_space<semaphore_mem>>) src(%dma_wait3A_278 : memref<64x64xf32, #tpu.memory_space<vmem>>) dst(%dma_wait3A_284 : memref<10240x64xf32, #tpu.memory_space<vmem_shared>>)
      tpu.yield
    }) : () -> ()
    %run_scoped3A_132 = arith.constant 156 : i32
    "tpu.region"() ({
      %run_scoped3A_264 = tpu.sem_alloc : memref<!tpu.dma_semaphore, #tpu.memory_space<semaphore_mem>>
      %dma_start3A_265 = arith.constant 0 : i32
      %dma_start3A_266 = tpu.memref_slice %arg10[%run_scoped3A_132, %dma_start3A_265] : memref<157x64xi32, #tpu.memory_space<vmem>> -> memref<1x64xi32, #tpu.memory_space<vmem>>
      %dma_start3A_267 = tpu.memref_squeeze %dma_start3A_266 : memref<1x64xi32, #tpu.memory_space<vmem>> -> memref<64xi32, #tpu.memory_space<vmem>>
      %dma_start3A_268 = arith.constant 0 : i32
      %dma_start3A_269 = tpu.memref_slice %arg16[%dma_start3A_268] : memref<10240xf32, #tpu.memory_space<vmem_shared>> -> memref<10240xf32, #tpu.memory_space<vmem_shared>>
      tpu.enqueue_indirect_dma source(%arg13 : memref<64xf32, #tpu.memory_space<vmem>>) target(%dma_start3A_269 : memref<10240xf32, #tpu.memory_space<vmem_shared>>) offsets(%dma_start3A_267 : memref<64xi32, #tpu.memory_space<vmem>>) semaphore(%run_scoped3A_264 : memref<!tpu.dma_semaphore, #tpu.memory_space<semaphore_mem>>) {add = true}
      %dma_wait3A_270 = arith.constant 0 : i32
      %dma_wait3A_271 = tpu.memref_slice %arg10[%run_scoped3A_132, %dma_wait3A_270] : memref<157x64xi32, #tpu.memory_space<vmem>> -> memref<1x64xi32, #tpu.memory_space<vmem>>
      %dma_wait3A_272 = tpu.memref_squeeze %dma_wait3A_271 : memref<1x64xi32, #tpu.memory_space<vmem>> -> memref<64xi32, #tpu.memory_space<vmem>>
      %dma_wait3A_273 = arith.constant 0 : i32
      %dma_wait3A_274 = tpu.memref_slice %arg16[%dma_wait3A_273] : memref<10240xf32, #tpu.memory_space<vmem_shared>> -> memref<10240xf32, #tpu.memory_space<vmem_shared>>
      tpu.wait_indirect_dma semaphore(%run_scoped3A_264 : memref<!tpu.dma_semaphore, #tpu.memory_space<semaphore_mem>>) src(%arg13 : memref<64xf32, #tpu.memory_space<vmem>>) dst(%dma_wait3A_274 : memref<10240xf32, #tpu.memory_space<vmem_shared>>)
      tpu.yield
    }) : () -> ()
    %barrier3A_133 = arith.constant 0 : index
    tpu.barrier barrier_id(%barrier3A_133)
    %mul3A_134 = arith.constant 640 : i32
    %mul3A_135 = arith.muli %arg1, %mul3A_134 : i32
    %mul3A_136 = arith.constant 640 : i32
    %mul3A_137 = arith.muli %arg1, %mul3A_136 : i32
    "tpu.region"() ({
      %run_scoped3A_264 = tpu.sem_alloc : memref<!tpu.dma_semaphore, #tpu.memory_space<semaphore_mem>>
      %dma_start3A_265 = arith.constant 0 : i32
      %dma_start3A_266 = tpu.memref_slice %arg6[%arg0, %mul3A_137, %dma_start3A_265] : memref<2x10240x64xf32, #tpu.memory_space<hbm>> -> memref<1x640x64xf32, #tpu.memory_space<hbm>>
      %dma_start3A_267 = tpu.memref_squeeze %dma_start3A_266 : memref<1x640x64xf32, #tpu.memory_space<hbm>> -> memref<640x64xf32, #tpu.memory_space<hbm>>
      %dma_start3A_268 = arith.constant 0 : i32
      %dma_start3A_269 = tpu.memref_slice %arg15[%mul3A_135, %dma_start3A_268] : memref<10240x64xf32, #tpu.memory_space<vmem_shared>> -> memref<640x64xf32, #tpu.memory_space<vmem_shared>>
      tpu.enqueue_dma source(%dma_start3A_269 : memref<640x64xf32, #tpu.memory_space<vmem_shared>>) target(%dma_start3A_267 : memref<640x64xf32, #tpu.memory_space<hbm>>) target_semaphore(%run_scoped3A_264 : memref<!tpu.dma_semaphore, #tpu.memory_space<semaphore_mem>>)
      %dma_wait3A_270 = arith.constant 0 : i32
      %dma_wait3A_271 = tpu.memref_slice %arg6[%arg0, %mul3A_137, %dma_wait3A_270] : memref<2x10240x64xf32, #tpu.memory_space<hbm>> -> memref<1x640x64xf32, #tpu.memory_space<hbm>>
      %dma_wait3A_272 = tpu.memref_squeeze %dma_wait3A_271 : memref<1x640x64xf32, #tpu.memory_space<hbm>> -> memref<640x64xf32, #tpu.memory_space<hbm>>
      %dma_wait3A_273 = arith.constant 0 : i32
      %dma_wait3A_274 = tpu.memref_slice %arg15[%mul3A_135, %dma_wait3A_273] : memref<10240x64xf32, #tpu.memory_space<vmem_shared>> -> memref<640x64xf32, #tpu.memory_space<vmem_shared>>
      tpu.wait_dma2 semaphore(%run_scoped3A_264 : memref<!tpu.dma_semaphore, #tpu.memory_space<semaphore_mem>>) src(%dma_wait3A_274 : memref<640x64xf32, #tpu.memory_space<vmem_shared>>) dst(%dma_wait3A_272 : memref<640x64xf32, #tpu.memory_space<hbm>>)
      tpu.yield
    }) : () -> ()
    %mul3A_138 = arith.constant 640 : i32
    %mul3A_139 = arith.muli %arg1, %mul3A_138 : i32
    %mul3A_140 = arith.constant 640 : i32
    %mul3A_141 = arith.muli %arg1, %mul3A_140 : i32
    "tpu.region"() ({
      %run_scoped3A_264 = tpu.sem_alloc : memref<!tpu.dma_semaphore, #tpu.memory_space<semaphore_mem>>
      %dma_start3A_265 = tpu.memref_slice %arg8[%arg0, %mul3A_141] : memref<2x10240xf32, #tpu.memory_space<hbm>> -> memref<1x640xf32, #tpu.memory_space<hbm>>
      %dma_start3A_266 = tpu.memref_squeeze %dma_start3A_265 : memref<1x640xf32, #tpu.memory_space<hbm>> -> memref<640xf32, #tpu.memory_space<hbm>>
      %dma_start3A_267 = tpu.memref_slice %arg16[%mul3A_139] : memref<10240xf32, #tpu.memory_space<vmem_shared>> -> memref<640xf32, #tpu.memory_space<vmem_shared>>
      tpu.enqueue_dma source(%dma_start3A_267 : memref<640xf32, #tpu.memory_space<vmem_shared>>) target(%dma_start3A_266 : memref<640xf32, #tpu.memory_space<hbm>>) target_semaphore(%run_scoped3A_264 : memref<!tpu.dma_semaphore, #tpu.memory_space<semaphore_mem>>)
      %dma_wait3A_268 = tpu.memref_slice %arg8[%arg0, %mul3A_141] : memref<2x10240xf32, #tpu.memory_space<hbm>> -> memref<1x640xf32, #tpu.memory_space<hbm>>
      %dma_wait3A_269 = tpu.memref_squeeze %dma_wait3A_268 : memref<1x640xf32, #tpu.memory_space<hbm>> -> memref<640xf32, #tpu.memory_space<hbm>>
      %dma_wait3A_270 = tpu.memref_slice %arg16[%mul3A_139] : memref<10240xf32, #tpu.memory_space<vmem_shared>> -> memref<640xf32, #tpu.memory_space<vmem_shared>>
      tpu.wait_dma2 semaphore(%run_scoped3A_264 : memref<!tpu.dma_semaphore, #tpu.memory_space<semaphore_mem>>) src(%dma_wait3A_270 : memref<640xf32, #tpu.memory_space<vmem_shared>>) dst(%dma_wait3A_269 : memref<640xf32, #tpu.memory_space<hbm>>)
      tpu.yield
    }) : () -> ()
    %mul3A_142 = arith.constant 640 : i32
    %mul3A_143 = arith.muli %arg1, %mul3A_142 : i32
    %add3A_144 = arith.constant 0 : i32
    %add3A_145 = arith.addi %mul3A_143, %add3A_144 : i32
    "tpu.region"() ({
      %run_scoped3A_264 = tpu.sem_alloc : memref<!tpu.dma_semaphore, #tpu.memory_space<semaphore_mem>>
      %dma_start3A_265 = arith.constant 0 : i32
      %dma_start3A_266 = tpu.memref_slice %arg15[%add3A_145, %dma_start3A_265] : memref<10240x64xf32, #tpu.memory_space<vmem_shared>> -> memref<32x64xf32, #tpu.memory_space<vmem_shared>>
      %dma_start3A_267 = arith.constant 0 : i32
      %dma_start3A_268 = tpu.memref_slice %arg15[%add3A_145, %dma_start3A_267] : memref<10240x64xf32, #tpu.memory_space<vmem_shared>> -> memref<32x64xf32, #tpu.memory_space<vmem_shared>>
      tpu.enqueue_dma source(%arg12 : memref<32x64xf32, #tpu.memory_space<vmem>>) target(%dma_start3A_268 : memref<32x64xf32, #tpu.memory_space<vmem_shared>>) target_semaphore(%run_scoped3A_264 : memref<!tpu.dma_semaphore, #tpu.memory_space<semaphore_mem>>)
      %dma_wait3A_269 = arith.constant 0 : i32
      %dma_wait3A_270 = tpu.memref_slice %arg15[%add3A_145, %dma_wait3A_269] : memref<10240x64xf32, #tpu.memory_space<vmem_shared>> -> memref<32x64xf32, #tpu.memory_space<vmem_shared>>
      %dma_wait3A_271 = arith.constant 0 : i32
      %dma_wait3A_272 = tpu.memref_slice %arg15[%add3A_145, %dma_wait3A_271] : memref<10240x64xf32, #tpu.memory_space<vmem_shared>> -> memref<32x64xf32, #tpu.memory_space<vmem_shared>>
      tpu.wait_dma2 semaphore(%run_scoped3A_264 : memref<!tpu.dma_semaphore, #tpu.memory_space<semaphore_mem>>) src(%arg12 : memref<32x64xf32, #tpu.memory_space<vmem>>) dst(%dma_wait3A_272 : memref<32x64xf32, #tpu.memory_space<vmem_shared>>)
      tpu.yield
    }) : () -> ()
    %mul3A_146 = arith.constant 640 : i32
    %mul3A_147 = arith.muli %arg1, %mul3A_146 : i32
    %add3A_148 = arith.constant 32 : i32
    %add3A_149 = arith.addi %mul3A_147, %add3A_148 : i32
    "tpu.region"() ({
      %run_scoped3A_264 = tpu.sem_alloc : memref<!tpu.dma_semaphore, #tpu.memory_space<semaphore_mem>>
      %dma_start3A_265 = arith.constant 0 : i32
      %dma_start3A_266 = tpu.memref_slice %arg15[%add3A_149, %dma_start3A_265] : memref<10240x64xf32, #tpu.memory_space<vmem_shared>> -> memref<32x64xf32, #tpu.memory_space<vmem_shared>>
      %dma_start3A_267 = arith.constant 0 : i32
      %dma_start3A_268 = tpu.memref_slice %arg15[%add3A_149, %dma_start3A_267] : memref<10240x64xf32, #tpu.memory_space<vmem_shared>> -> memref<32x64xf32, #tpu.memory_space<vmem_shared>>
      tpu.enqueue_dma source(%arg12 : memref<32x64xf32, #tpu.memory_space<vmem>>) target(%dma_start3A_268 : memref<32x64xf32, #tpu.memory_space<vmem_shared>>) target_semaphore(%run_scoped3A_264 : memref<!tpu.dma_semaphore, #tpu.memory_space<semaphore_mem>>)
      %dma_wait3A_269 = arith.constant 0 : i32
      %dma_wait3A_270 = tpu.memref_slice %arg15[%add3A_149, %dma_wait3A_269] : memref<10240x64xf32, #tpu.memory_space<vmem_shared>> -> memref<32x64xf32, #tpu.memory_space<vmem_shared>>
      %dma_wait3A_271 = arith.constant 0 : i32
      %dma_wait3A_272 = tpu.memref_slice %arg15[%add3A_149, %dma_wait3A_271] : memref<10240x64xf32, #tpu.memory_space<vmem_shared>> -> memref<32x64xf32, #tpu.memory_space<vmem_shared>>
      tpu.wait_dma2 semaphore(%run_scoped3A_264 : memref<!tpu.dma_semaphore, #tpu.memory_space<semaphore_mem>>) src(%arg12 : memref<32x64xf32, #tpu.memory_space<vmem>>) dst(%dma_wait3A_272 : memref<32x64xf32, #tpu.memory_space<vmem_shared>>)
      tpu.yield
    }) : () -> ()
    %mul3A_150 = arith.constant 640 : i32
    %mul3A_151 = arith.muli %arg1, %mul3A_150 : i32
    %add3A_152 = arith.constant 64 : i32
    %add3A_153 = arith.addi %mul3A_151, %add3A_152 : i32
    "tpu.region"() ({
      %run_scoped3A_264 = tpu.sem_alloc : memref<!tpu.dma_semaphore, #tpu.memory_space<semaphore_mem>>
      %dma_start3A_265 = arith.constant 0 : i32
      %dma_start3A_266 = tpu.memref_slice %arg15[%add3A_153, %dma_start3A_265] : memref<10240x64xf32, #tpu.memory_space<vmem_shared>> -> memref<32x64xf32, #tpu.memory_space<vmem_shared>>
      %dma_start3A_267 = arith.constant 0 : i32
      %dma_start3A_268 = tpu.memref_slice %arg15[%add3A_153, %dma_start3A_267] : memref<10240x64xf32, #tpu.memory_space<vmem_shared>> -> memref<32x64xf32, #tpu.memory_space<vmem_shared>>
      tpu.enqueue_dma source(%arg12 : memref<32x64xf32, #tpu.memory_space<vmem>>) target(%dma_start3A_268 : memref<32x64xf32, #tpu.memory_space<vmem_shared>>) target_semaphore(%run_scoped3A_264 : memref<!tpu.dma_semaphore, #tpu.memory_space<semaphore_mem>>)
      %dma_wait3A_269 = arith.constant 0 : i32
      %dma_wait3A_270 = tpu.memref_slice %arg15[%add3A_153, %dma_wait3A_269] : memref<10240x64xf32, #tpu.memory_space<vmem_shared>> -> memref<32x64xf32, #tpu.memory_space<vmem_shared>>
      %dma_wait3A_271 = arith.constant 0 : i32
      %dma_wait3A_272 = tpu.memref_slice %arg15[%add3A_153, %dma_wait3A_271] : memref<10240x64xf32, #tpu.memory_space<vmem_shared>> -> memref<32x64xf32, #tpu.memory_space<vmem_shared>>
      tpu.wait_dma2 semaphore(%run_scoped3A_264 : memref<!tpu.dma_semaphore, #tpu.memory_space<semaphore_mem>>) src(%arg12 : memref<32x64xf32, #tpu.memory_space<vmem>>) dst(%dma_wait3A_272 : memref<32x64xf32, #tpu.memory_space<vmem_shared>>)
      tpu.yield
    }) : () -> ()
    %mul3A_154 = arith.constant 640 : i32
    %mul3A_155 = arith.muli %arg1, %mul3A_154 : i32
    %add3A_156 = arith.constant 96 : i32
    %add3A_157 = arith.addi %mul3A_155, %add3A_156 : i32
    "tpu.region"() ({
      %run_scoped3A_264 = tpu.sem_alloc : memref<!tpu.dma_semaphore, #tpu.memory_space<semaphore_mem>>
      %dma_start3A_265 = arith.constant 0 : i32
      %dma_start3A_266 = tpu.memref_slice %arg15[%add3A_157, %dma_start3A_265] : memref<10240x64xf32, #tpu.memory_space<vmem_shared>> -> memref<32x64xf32, #tpu.memory_space<vmem_shared>>
      %dma_start3A_267 = arith.constant 0 : i32
      %dma_start3A_268 = tpu.memref_slice %arg15[%add3A_157, %dma_start3A_267] : memref<10240x64xf32, #tpu.memory_space<vmem_shared>> -> memref<32x64xf32, #tpu.memory_space<vmem_shared>>
      tpu.enqueue_dma source(%arg12 : memref<32x64xf32, #tpu.memory_space<vmem>>) target(%dma_start3A_268 : memref<32x64xf32, #tpu.memory_space<vmem_shared>>) target_semaphore(%run_scoped3A_264 : memref<!tpu.dma_semaphore, #tpu.memory_space<semaphore_mem>>)
      %dma_wait3A_269 = arith.constant 0 : i32
      %dma_wait3A_270 = tpu.memref_slice %arg15[%add3A_157, %dma_wait3A_269] : memref<10240x64xf32, #tpu.memory_space<vmem_shared>> -> memref<32x64xf32, #tpu.memory_space<vmem_shared>>
      %dma_wait3A_271 = arith.constant 0 : i32
      %dma_wait3A_272 = tpu.memref_slice %arg15[%add3A_157, %dma_wait3A_271] : memref<10240x64xf32, #tpu.memory_space<vmem_shared>> -> memref<32x64xf32, #tpu.memory_space<vmem_shared>>
      tpu.wait_dma2 semaphore(%run_scoped3A_264 : memref<!tpu.dma_semaphore, #tpu.memory_space<semaphore_mem>>) src(%arg12 : memref<32x64xf32, #tpu.memory_space<vmem>>) dst(%dma_wait3A_272 : memref<32x64xf32, #tpu.memory_space<vmem_shared>>)
      tpu.yield
    }) : () -> ()
    %mul3A_158 = arith.constant 640 : i32
    %mul3A_159 = arith.muli %arg1, %mul3A_158 : i32
    %add3A_160 = arith.constant 128 : i32
    %add3A_161 = arith.addi %mul3A_159, %add3A_160 : i32
    "tpu.region"() ({
      %run_scoped3A_264 = tpu.sem_alloc : memref<!tpu.dma_semaphore, #tpu.memory_space<semaphore_mem>>
      %dma_start3A_265 = arith.constant 0 : i32
      %dma_start3A_266 = tpu.memref_slice %arg15[%add3A_161, %dma_start3A_265] : memref<10240x64xf32, #tpu.memory_space<vmem_shared>> -> memref<32x64xf32, #tpu.memory_space<vmem_shared>>
      %dma_start3A_267 = arith.constant 0 : i32
      %dma_start3A_268 = tpu.memref_slice %arg15[%add3A_161, %dma_start3A_267] : memref<10240x64xf32, #tpu.memory_space<vmem_shared>> -> memref<32x64xf32, #tpu.memory_space<vmem_shared>>
      tpu.enqueue_dma source(%arg12 : memref<32x64xf32, #tpu.memory_space<vmem>>) target(%dma_start3A_268 : memref<32x64xf32, #tpu.memory_space<vmem_shared>>) target_semaphore(%run_scoped3A_264 : memref<!tpu.dma_semaphore, #tpu.memory_space<semaphore_mem>>)
      %dma_wait3A_269 = arith.constant 0 : i32
      %dma_wait3A_270 = tpu.memref_slice %arg15[%add3A_161, %dma_wait3A_269] : memref<10240x64xf32, #tpu.memory_space<vmem_shared>> -> memref<32x64xf32, #tpu.memory_space<vmem_shared>>
      %dma_wait3A_271 = arith.constant 0 : i32
      %dma_wait3A_272 = tpu.memref_slice %arg15[%add3A_161, %dma_wait3A_271] : memref<10240x64xf32, #tpu.memory_space<vmem_shared>> -> memref<32x64xf32, #tpu.memory_space<vmem_shared>>
      tpu.wait_dma2 semaphore(%run_scoped3A_264 : memref<!tpu.dma_semaphore, #tpu.memory_space<semaphore_mem>>) src(%arg12 : memref<32x64xf32, #tpu.memory_space<vmem>>) dst(%dma_wait3A_272 : memref<32x64xf32, #tpu.memory_space<vmem_shared>>)
      tpu.yield
    }) : () -> ()
    %mul3A_162 = arith.constant 640 : i32
    %mul3A_163 = arith.muli %arg1, %mul3A_162 : i32
    %add3A_164 = arith.constant 160 : i32
    %add3A_165 = arith.addi %mul3A_163, %add3A_164 : i32
    "tpu.region"() ({
      %run_scoped3A_264 = tpu.sem_alloc : memref<!tpu.dma_semaphore, #tpu.memory_space<semaphore_mem>>
      %dma_start3A_265 = arith.constant 0 : i32
      %dma_start3A_266 = tpu.memref_slice %arg15[%add3A_165, %dma_start3A_265] : memref<10240x64xf32, #tpu.memory_space<vmem_shared>> -> memref<32x64xf32, #tpu.memory_space<vmem_shared>>
      %dma_start3A_267 = arith.constant 0 : i32
      %dma_start3A_268 = tpu.memref_slice %arg15[%add3A_165, %dma_start3A_267] : memref<10240x64xf32, #tpu.memory_space<vmem_shared>> -> memref<32x64xf32, #tpu.memory_space<vmem_shared>>
      tpu.enqueue_dma source(%arg12 : memref<32x64xf32, #tpu.memory_space<vmem>>) target(%dma_start3A_268 : memref<32x64xf32, #tpu.memory_space<vmem_shared>>) target_semaphore(%run_scoped3A_264 : memref<!tpu.dma_semaphore, #tpu.memory_space<semaphore_mem>>)
      %dma_wait3A_269 = arith.constant 0 : i32
      %dma_wait3A_270 = tpu.memref_slice %arg15[%add3A_165, %dma_wait3A_269] : memref<10240x64xf32, #tpu.memory_space<vmem_shared>> -> memref<32x64xf32, #tpu.memory_space<vmem_shared>>
      %dma_wait3A_271 = arith.constant 0 : i32
      %dma_wait3A_272 = tpu.memref_slice %arg15[%add3A_165, %dma_wait3A_271] : memref<10240x64xf32, #tpu.memory_space<vmem_shared>> -> memref<32x64xf32, #tpu.memory_space<vmem_shared>>
      tpu.wait_dma2 semaphore(%run_scoped3A_264 : memref<!tpu.dma_semaphore, #tpu.memory_space<semaphore_mem>>) src(%arg12 : memref<32x64xf32, #tpu.memory_space<vmem>>) dst(%dma_wait3A_272 : memref<32x64xf32, #tpu.memory_space<vmem_shared>>)
      tpu.yield
    }) : () -> ()
    %mul3A_166 = arith.constant 640 : i32
    %mul3A_167 = arith.muli %arg1, %mul3A_166 : i32
    %add3A_168 = arith.constant 192 : i32
    %add3A_169 = arith.addi %mul3A_167, %add3A_168 : i32
    "tpu.region"() ({
      %run_scoped3A_264 = tpu.sem_alloc : memref<!tpu.dma_semaphore, #tpu.memory_space<semaphore_mem>>
      %dma_start3A_265 = arith.constant 0 : i32
      %dma_start3A_266 = tpu.memref_slice %arg15[%add3A_169, %dma_start3A_265] : memref<10240x64xf32, #tpu.memory_space<vmem_shared>> -> memref<32x64xf32, #tpu.memory_space<vmem_shared>>
      %dma_start3A_267 = arith.constant 0 : i32
      %dma_start3A_268 = tpu.memref_slice %arg15[%add3A_169, %dma_start3A_267] : memref<10240x64xf32, #tpu.memory_space<vmem_shared>> -> memref<32x64xf32, #tpu.memory_space<vmem_shared>>
      tpu.enqueue_dma source(%arg12 : memref<32x64xf32, #tpu.memory_space<vmem>>) target(%dma_start3A_268 : memref<32x64xf32, #tpu.memory_space<vmem_shared>>) target_semaphore(%run_scoped3A_264 : memref<!tpu.dma_semaphore, #tpu.memory_space<semaphore_mem>>)
      %dma_wait3A_269 = arith.constant 0 : i32
      %dma_wait3A_270 = tpu.memref_slice %arg15[%add3A_169, %dma_wait3A_269] : memref<10240x64xf32, #tpu.memory_space<vmem_shared>> -> memref<32x64xf32, #tpu.memory_space<vmem_shared>>
      %dma_wait3A_271 = arith.constant 0 : i32
      %dma_wait3A_272 = tpu.memref_slice %arg15[%add3A_169, %dma_wait3A_271] : memref<10240x64xf32, #tpu.memory_space<vmem_shared>> -> memref<32x64xf32, #tpu.memory_space<vmem_shared>>
      tpu.wait_dma2 semaphore(%run_scoped3A_264 : memref<!tpu.dma_semaphore, #tpu.memory_space<semaphore_mem>>) src(%arg12 : memref<32x64xf32, #tpu.memory_space<vmem>>) dst(%dma_wait3A_272 : memref<32x64xf32, #tpu.memory_space<vmem_shared>>)
      tpu.yield
    }) : () -> ()
    %mul3A_170 = arith.constant 640 : i32
    %mul3A_171 = arith.muli %arg1, %mul3A_170 : i32
    %add3A_172 = arith.constant 224 : i32
    %add3A_173 = arith.addi %mul3A_171, %add3A_172 : i32
    "tpu.region"() ({
      %run_scoped3A_264 = tpu.sem_alloc : memref<!tpu.dma_semaphore, #tpu.memory_space<semaphore_mem>>
      %dma_start3A_265 = arith.constant 0 : i32
      %dma_start3A_266 = tpu.memref_slice %arg15[%add3A_173, %dma_start3A_265] : memref<10240x64xf32, #tpu.memory_space<vmem_shared>> -> memref<32x64xf32, #tpu.memory_space<vmem_shared>>
      %dma_start3A_267 = arith.constant 0 : i32
      %dma_start3A_268 = tpu.memref_slice %arg15[%add3A_173, %dma_start3A_267] : memref<10240x64xf32, #tpu.memory_space<vmem_shared>> -> memref<32x64xf32, #tpu.memory_space<vmem_shared>>
      tpu.enqueue_dma source(%arg12 : memref<32x64xf32, #tpu.memory_space<vmem>>) target(%dma_start3A_268 : memref<32x64xf32, #tpu.memory_space<vmem_shared>>) target_semaphore(%run_scoped3A_264 : memref<!tpu.dma_semaphore, #tpu.memory_space<semaphore_mem>>)
      %dma_wait3A_269 = arith.constant 0 : i32
      %dma_wait3A_270 = tpu.memref_slice %arg15[%add3A_173, %dma_wait3A_269] : memref<10240x64xf32, #tpu.memory_space<vmem_shared>> -> memref<32x64xf32, #tpu.memory_space<vmem_shared>>
      %dma_wait3A_271 = arith.constant 0 : i32
      %dma_wait3A_272 = tpu.memref_slice %arg15[%add3A_173, %dma_wait3A_271] : memref<10240x64xf32, #tpu.memory_space<vmem_shared>> -> memref<32x64xf32, #tpu.memory_space<vmem_shared>>
      tpu.wait_dma2 semaphore(%run_scoped3A_264 : memref<!tpu.dma_semaphore, #tpu.memory_space<semaphore_mem>>) src(%arg12 : memref<32x64xf32, #tpu.memory_space<vmem>>) dst(%dma_wait3A_272 : memref<32x64xf32, #tpu.memory_space<vmem_shared>>)
      tpu.yield
    }) : () -> ()
    %mul3A_174 = arith.constant 640 : i32
    %mul3A_175 = arith.muli %arg1, %mul3A_174 : i32
    %add3A_176 = arith.constant 256 : i32
    %add3A_177 = arith.addi %mul3A_175, %add3A_176 : i32
    "tpu.region"() ({
      %run_scoped3A_264 = tpu.sem_alloc : memref<!tpu.dma_semaphore, #tpu.memory_space<semaphore_mem>>
      %dma_start3A_265 = arith.constant 0 : i32
      %dma_start3A_266 = tpu.memref_slice %arg15[%add3A_177, %dma_start3A_265] : memref<10240x64xf32, #tpu.memory_space<vmem_shared>> -> memref<32x64xf32, #tpu.memory_space<vmem_shared>>
      %dma_start3A_267 = arith.constant 0 : i32
      %dma_start3A_268 = tpu.memref_slice %arg15[%add3A_177, %dma_start3A_267] : memref<10240x64xf32, #tpu.memory_space<vmem_shared>> -> memref<32x64xf32, #tpu.memory_space<vmem_shared>>
      tpu.enqueue_dma source(%arg12 : memref<32x64xf32, #tpu.memory_space<vmem>>) target(%dma_start3A_268 : memref<32x64xf32, #tpu.memory_space<vmem_shared>>) target_semaphore(%run_scoped3A_264 : memref<!tpu.dma_semaphore, #tpu.memory_space<semaphore_mem>>)
      %dma_wait3A_269 = arith.constant 0 : i32
      %dma_wait3A_270 = tpu.memref_slice %arg15[%add3A_177, %dma_wait3A_269] : memref<10240x64xf32, #tpu.memory_space<vmem_shared>> -> memref<32x64xf32, #tpu.memory_space<vmem_shared>>
      %dma_wait3A_271 = arith.constant 0 : i32
      %dma_wait3A_272 = tpu.memref_slice %arg15[%add3A_177, %dma_wait3A_271] : memref<10240x64xf32, #tpu.memory_space<vmem_shared>> -> memref<32x64xf32, #tpu.memory_space<vmem_shared>>
      tpu.wait_dma2 semaphore(%run_scoped3A_264 : memref<!tpu.dma_semaphore, #tpu.memory_space<semaphore_mem>>) src(%arg12 : memref<32x64xf32, #tpu.memory_space<vmem>>) dst(%dma_wait3A_272 : memref<32x64xf32, #tpu.memory_space<vmem_shared>>)
      tpu.yield
    }) : () -> ()
    %mul3A_178 = arith.constant 640 : i32
    %mul3A_179 = arith.muli %arg1, %mul3A_178 : i32
    %add3A_180 = arith.constant 288 : i32
    %add3A_181 = arith.addi %mul3A_179, %add3A_180 : i32
    "tpu.region"() ({
      %run_scoped3A_264 = tpu.sem_alloc : memref<!tpu.dma_semaphore, #tpu.memory_space<semaphore_mem>>
      %dma_start3A_265 = arith.constant 0 : i32
      %dma_start3A_266 = tpu.memref_slice %arg15[%add3A_181, %dma_start3A_265] : memref<10240x64xf32, #tpu.memory_space<vmem_shared>> -> memref<32x64xf32, #tpu.memory_space<vmem_shared>>
      %dma_start3A_267 = arith.constant 0 : i32
      %dma_start3A_268 = tpu.memref_slice %arg15[%add3A_181, %dma_start3A_267] : memref<10240x64xf32, #tpu.memory_space<vmem_shared>> -> memref<32x64xf32, #tpu.memory_space<vmem_shared>>
      tpu.enqueue_dma source(%arg12 : memref<32x64xf32, #tpu.memory_space<vmem>>) target(%dma_start3A_268 : memref<32x64xf32, #tpu.memory_space<vmem_shared>>) target_semaphore(%run_scoped3A_264 : memref<!tpu.dma_semaphore, #tpu.memory_space<semaphore_mem>>)
      %dma_wait3A_269 = arith.constant 0 : i32
      %dma_wait3A_270 = tpu.memref_slice %arg15[%add3A_181, %dma_wait3A_269] : memref<10240x64xf32, #tpu.memory_space<vmem_shared>> -> memref<32x64xf32, #tpu.memory_space<vmem_shared>>
      %dma_wait3A_271 = arith.constant 0 : i32
      %dma_wait3A_272 = tpu.memref_slice %arg15[%add3A_181, %dma_wait3A_271] : memref<10240x64xf32, #tpu.memory_space<vmem_shared>> -> memref<32x64xf32, #tpu.memory_space<vmem_shared>>
      tpu.wait_dma2 semaphore(%run_scoped3A_264 : memref<!tpu.dma_semaphore, #tpu.memory_space<semaphore_mem>>) src(%arg12 : memref<32x64xf32, #tpu.memory_space<vmem>>) dst(%dma_wait3A_272 : memref<32x64xf32, #tpu.memory_space<vmem_shared>>)
      tpu.yield
    }) : () -> ()
    %mul3A_182 = arith.constant 640 : i32
    %mul3A_183 = arith.muli %arg1, %mul3A_182 : i32
    %add3A_184 = arith.constant 320 : i32
    %add3A_185 = arith.addi %mul3A_183, %add3A_184 : i32
    "tpu.region"() ({
      %run_scoped3A_264 = tpu.sem_alloc : memref<!tpu.dma_semaphore, #tpu.memory_space<semaphore_mem>>
      %dma_start3A_265 = arith.constant 0 : i32
      %dma_start3A_266 = tpu.memref_slice %arg15[%add3A_185, %dma_start3A_265] : memref<10240x64xf32, #tpu.memory_space<vmem_shared>> -> memref<32x64xf32, #tpu.memory_space<vmem_shared>>
      %dma_start3A_267 = arith.constant 0 : i32
      %dma_start3A_268 = tpu.memref_slice %arg15[%add3A_185, %dma_start3A_267] : memref<10240x64xf32, #tpu.memory_space<vmem_shared>> -> memref<32x64xf32, #tpu.memory_space<vmem_shared>>
      tpu.enqueue_dma source(%arg12 : memref<32x64xf32, #tpu.memory_space<vmem>>) target(%dma_start3A_268 : memref<32x64xf32, #tpu.memory_space<vmem_shared>>) target_semaphore(%run_scoped3A_264 : memref<!tpu.dma_semaphore, #tpu.memory_space<semaphore_mem>>)
      %dma_wait3A_269 = arith.constant 0 : i32
      %dma_wait3A_270 = tpu.memref_slice %arg15[%add3A_185, %dma_wait3A_269] : memref<10240x64xf32, #tpu.memory_space<vmem_shared>> -> memref<32x64xf32, #tpu.memory_space<vmem_shared>>
      %dma_wait3A_271 = arith.constant 0 : i32
      %dma_wait3A_272 = tpu.memref_slice %arg15[%add3A_185, %dma_wait3A_271] : memref<10240x64xf32, #tpu.memory_space<vmem_shared>> -> memref<32x64xf32, #tpu.memory_space<vmem_shared>>
      tpu.wait_dma2 semaphore(%run_scoped3A_264 : memref<!tpu.dma_semaphore, #tpu.memory_space<semaphore_mem>>) src(%arg12 : memref<32x64xf32, #tpu.memory_space<vmem>>) dst(%dma_wait3A_272 : memref<32x64xf32, #tpu.memory_space<vmem_shared>>)
      tpu.yield
    }) : () -> ()
    %mul3A_186 = arith.constant 640 : i32
    %mul3A_187 = arith.muli %arg1, %mul3A_186 : i32
    %add3A_188 = arith.constant 352 : i32
    %add3A_189 = arith.addi %mul3A_187, %add3A_188 : i32
    "tpu.region"() ({
      %run_scoped3A_264 = tpu.sem_alloc : memref<!tpu.dma_semaphore, #tpu.memory_space<semaphore_mem>>
      %dma_start3A_265 = arith.constant 0 : i32
      %dma_start3A_266 = tpu.memref_slice %arg15[%add3A_189, %dma_start3A_265] : memref<10240x64xf32, #tpu.memory_space<vmem_shared>> -> memref<32x64xf32, #tpu.memory_space<vmem_shared>>
      %dma_start3A_267 = arith.constant 0 : i32
      %dma_start3A_268 = tpu.memref_slice %arg15[%add3A_189, %dma_start3A_267] : memref<10240x64xf32, #tpu.memory_space<vmem_shared>> -> memref<32x64xf32, #tpu.memory_space<vmem_shared>>
      tpu.enqueue_dma source(%arg12 : memref<32x64xf32, #tpu.memory_space<vmem>>) target(%dma_start3A_268 : memref<32x64xf32, #tpu.memory_space<vmem_shared>>) target_semaphore(%run_scoped3A_264 : memref<!tpu.dma_semaphore, #tpu.memory_space<semaphore_mem>>)
      %dma_wait3A_269 = arith.constant 0 : i32
      %dma_wait3A_270 = tpu.memref_slice %arg15[%add3A_189, %dma_wait3A_269] : memref<10240x64xf32, #tpu.memory_space<vmem_shared>> -> memref<32x64xf32, #tpu.memory_space<vmem_shared>>
      %dma_wait3A_271 = arith.constant 0 : i32
      %dma_wait3A_272 = tpu.memref_slice %arg15[%add3A_189, %dma_wait3A_271] : memref<10240x64xf32, #tpu.memory_space<vmem_shared>> -> memref<32x64xf32, #tpu.memory_space<vmem_shared>>
      tpu.wait_dma2 semaphore(%run_scoped3A_264 : memref<!tpu.dma_semaphore, #tpu.memory_space<semaphore_mem>>) src(%arg12 : memref<32x64xf32, #tpu.memory_space<vmem>>) dst(%dma_wait3A_272 : memref<32x64xf32, #tpu.memory_space<vmem_shared>>)
      tpu.yield
    }) : () -> ()
    %mul3A_190 = arith.constant 640 : i32
    %mul3A_191 = arith.muli %arg1, %mul3A_190 : i32
    %add3A_192 = arith.constant 384 : i32
    %add3A_193 = arith.addi %mul3A_191, %add3A_192 : i32
    "tpu.region"() ({
      %run_scoped3A_264 = tpu.sem_alloc : memref<!tpu.dma_semaphore, #tpu.memory_space<semaphore_mem>>
      %dma_start3A_265 = arith.constant 0 : i32
      %dma_start3A_266 = tpu.memref_slice %arg15[%add3A_193, %dma_start3A_265] : memref<10240x64xf32, #tpu.memory_space<vmem_shared>> -> memref<32x64xf32, #tpu.memory_space<vmem_shared>>
      %dma_start3A_267 = arith.constant 0 : i32
      %dma_start3A_268 = tpu.memref_slice %arg15[%add3A_193, %dma_start3A_267] : memref<10240x64xf32, #tpu.memory_space<vmem_shared>> -> memref<32x64xf32, #tpu.memory_space<vmem_shared>>
      tpu.enqueue_dma source(%arg12 : memref<32x64xf32, #tpu.memory_space<vmem>>) target(%dma_start3A_268 : memref<32x64xf32, #tpu.memory_space<vmem_shared>>) target_semaphore(%run_scoped3A_264 : memref<!tpu.dma_semaphore, #tpu.memory_space<semaphore_mem>>)
      %dma_wait3A_269 = arith.constant 0 : i32
      %dma_wait3A_270 = tpu.memref_slice %arg15[%add3A_193, %dma_wait3A_269] : memref<10240x64xf32, #tpu.memory_space<vmem_shared>> -> memref<32x64xf32, #tpu.memory_space<vmem_shared>>
      %dma_wait3A_271 = arith.constant 0 : i32
      %dma_wait3A_272 = tpu.memref_slice %arg15[%add3A_193, %dma_wait3A_271] : memref<10240x64xf32, #tpu.memory_space<vmem_shared>> -> memref<32x64xf32, #tpu.memory_space<vmem_shared>>
      tpu.wait_dma2 semaphore(%run_scoped3A_264 : memref<!tpu.dma_semaphore, #tpu.memory_space<semaphore_mem>>) src(%arg12 : memref<32x64xf32, #tpu.memory_space<vmem>>) dst(%dma_wait3A_272 : memref<32x64xf32, #tpu.memory_space<vmem_shared>>)
      tpu.yield
    }) : () -> ()
    %mul3A_194 = arith.constant 640 : i32
    %mul3A_195 = arith.muli %arg1, %mul3A_194 : i32
    %add3A_196 = arith.constant 416 : i32
    %add3A_197 = arith.addi %mul3A_195, %add3A_196 : i32
    "tpu.region"() ({
      %run_scoped3A_264 = tpu.sem_alloc : memref<!tpu.dma_semaphore, #tpu.memory_space<semaphore_mem>>
      %dma_start3A_265 = arith.constant 0 : i32
      %dma_start3A_266 = tpu.memref_slice %arg15[%add3A_197, %dma_start3A_265] : memref<10240x64xf32, #tpu.memory_space<vmem_shared>> -> memref<32x64xf32, #tpu.memory_space<vmem_shared>>
      %dma_start3A_267 = arith.constant 0 : i32
      %dma_start3A_268 = tpu.memref_slice %arg15[%add3A_197, %dma_start3A_267] : memref<10240x64xf32, #tpu.memory_space<vmem_shared>> -> memref<32x64xf32, #tpu.memory_space<vmem_shared>>
      tpu.enqueue_dma source(%arg12 : memref<32x64xf32, #tpu.memory_space<vmem>>) target(%dma_start3A_268 : memref<32x64xf32, #tpu.memory_space<vmem_shared>>) target_semaphore(%run_scoped3A_264 : memref<!tpu.dma_semaphore, #tpu.memory_space<semaphore_mem>>)
      %dma_wait3A_269 = arith.constant 0 : i32
      %dma_wait3A_270 = tpu.memref_slice %arg15[%add3A_197, %dma_wait3A_269] : memref<10240x64xf32, #tpu.memory_space<vmem_shared>> -> memref<32x64xf32, #tpu.memory_space<vmem_shared>>
      %dma_wait3A_271 = arith.constant 0 : i32
      %dma_wait3A_272 = tpu.memref_slice %arg15[%add3A_197, %dma_wait3A_271] : memref<10240x64xf32, #tpu.memory_space<vmem_shared>> -> memref<32x64xf32, #tpu.memory_space<vmem_shared>>
      tpu.wait_dma2 semaphore(%run_scoped3A_264 : memref<!tpu.dma_semaphore, #tpu.memory_space<semaphore_mem>>) src(%arg12 : memref<32x64xf32, #tpu.memory_space<vmem>>) dst(%dma_wait3A_272 : memref<32x64xf32, #tpu.memory_space<vmem_shared>>)
      tpu.yield
    }) : () -> ()
    %mul3A_198 = arith.constant 640 : i32
    %mul3A_199 = arith.muli %arg1, %mul3A_198 : i32
    %add3A_200 = arith.constant 448 : i32
    %add3A_201 = arith.addi %mul3A_199, %add3A_200 : i32
    "tpu.region"() ({
      %run_scoped3A_264 = tpu.sem_alloc : memref<!tpu.dma_semaphore, #tpu.memory_space<semaphore_mem>>
      %dma_start3A_265 = arith.constant 0 : i32
      %dma_start3A_266 = tpu.memref_slice %arg15[%add3A_201, %dma_start3A_265] : memref<10240x64xf32, #tpu.memory_space<vmem_shared>> -> memref<32x64xf32, #tpu.memory_space<vmem_shared>>
      %dma_start3A_267 = arith.constant 0 : i32
      %dma_start3A_268 = tpu.memref_slice %arg15[%add3A_201, %dma_start3A_267] : memref<10240x64xf32, #tpu.memory_space<vmem_shared>> -> memref<32x64xf32, #tpu.memory_space<vmem_shared>>
      tpu.enqueue_dma source(%arg12 : memref<32x64xf32, #tpu.memory_space<vmem>>) target(%dma_start3A_268 : memref<32x64xf32, #tpu.memory_space<vmem_shared>>) target_semaphore(%run_scoped3A_264 : memref<!tpu.dma_semaphore, #tpu.memory_space<semaphore_mem>>)
      %dma_wait3A_269 = arith.constant 0 : i32
      %dma_wait3A_270 = tpu.memref_slice %arg15[%add3A_201, %dma_wait3A_269] : memref<10240x64xf32, #tpu.memory_space<vmem_shared>> -> memref<32x64xf32, #tpu.memory_space<vmem_shared>>
      %dma_wait3A_271 = arith.constant 0 : i32
      %dma_wait3A_272 = tpu.memref_slice %arg15[%add3A_201, %dma_wait3A_271] : memref<10240x64xf32, #tpu.memory_space<vmem_shared>> -> memref<32x64xf32, #tpu.memory_space<vmem_shared>>
      tpu.wait_dma2 semaphore(%run_scoped3A_264 : memref<!tpu.dma_semaphore, #tpu.memory_space<semaphore_mem>>) src(%arg12 : memref<32x64xf32, #tpu.memory_space<vmem>>) dst(%dma_wait3A_272 : memref<32x64xf32, #tpu.memory_space<vmem_shared>>)
      tpu.yield
    }) : () -> ()
    %mul3A_202 = arith.constant 640 : i32
    %mul3A_203 = arith.muli %arg1, %mul3A_202 : i32
    %add3A_204 = arith.constant 480 : i32
    %add3A_205 = arith.addi %mul3A_203, %add3A_204 : i32
    "tpu.region"() ({
      %run_scoped3A_264 = tpu.sem_alloc : memref<!tpu.dma_semaphore, #tpu.memory_space<semaphore_mem>>
      %dma_start3A_265 = arith.constant 0 : i32
      %dma_start3A_266 = tpu.memref_slice %arg15[%add3A_205, %dma_start3A_265] : memref<10240x64xf32, #tpu.memory_space<vmem_shared>> -> memref<32x64xf32, #tpu.memory_space<vmem_shared>>
      %dma_start3A_267 = arith.constant 0 : i32
      %dma_start3A_268 = tpu.memref_slice %arg15[%add3A_205, %dma_start3A_267] : memref<10240x64xf32, #tpu.memory_space<vmem_shared>> -> memref<32x64xf32, #tpu.memory_space<vmem_shared>>
      tpu.enqueue_dma source(%arg12 : memref<32x64xf32, #tpu.memory_space<vmem>>) target(%dma_start3A_268 : memref<32x64xf32, #tpu.memory_space<vmem_shared>>) target_semaphore(%run_scoped3A_264 : memref<!tpu.dma_semaphore, #tpu.memory_space<semaphore_mem>>)
      %dma_wait3A_269 = arith.constant 0 : i32
      %dma_wait3A_270 = tpu.memref_slice %arg15[%add3A_205, %dma_wait3A_269] : memref<10240x64xf32, #tpu.memory_space<vmem_shared>> -> memref<32x64xf32, #tpu.memory_space<vmem_shared>>
      %dma_wait3A_271 = arith.constant 0 : i32
      %dma_wait3A_272 = tpu.memref_slice %arg15[%add3A_205, %dma_wait3A_271] : memref<10240x64xf32, #tpu.memory_space<vmem_shared>> -> memref<32x64xf32, #tpu.memory_space<vmem_shared>>
      tpu.wait_dma2 semaphore(%run_scoped3A_264 : memref<!tpu.dma_semaphore, #tpu.memory_space<semaphore_mem>>) src(%arg12 : memref<32x64xf32, #tpu.memory_space<vmem>>) dst(%dma_wait3A_272 : memref<32x64xf32, #tpu.memory_space<vmem_shared>>)
      tpu.yield
    }) : () -> ()
    %mul3A_206 = arith.constant 640 : i32
    %mul3A_207 = arith.muli %arg1, %mul3A_206 : i32
    %add3A_208 = arith.constant 512 : i32
    %add3A_209 = arith.addi %mul3A_207, %add3A_208 : i32
    "tpu.region"() ({
      %run_scoped3A_264 = tpu.sem_alloc : memref<!tpu.dma_semaphore, #tpu.memory_space<semaphore_mem>>
      %dma_start3A_265 = arith.constant 0 : i32
      %dma_start3A_266 = tpu.memref_slice %arg15[%add3A_209, %dma_start3A_265] : memref<10240x64xf32, #tpu.memory_space<vmem_shared>> -> memref<32x64xf32, #tpu.memory_space<vmem_shared>>
      %dma_start3A_267 = arith.constant 0 : i32
      %dma_start3A_268 = tpu.memref_slice %arg15[%add3A_209, %dma_start3A_267] : memref<10240x64xf32, #tpu.memory_space<vmem_shared>> -> memref<32x64xf32, #tpu.memory_space<vmem_shared>>
      tpu.enqueue_dma source(%arg12 : memref<32x64xf32, #tpu.memory_space<vmem>>) target(%dma_start3A_268 : memref<32x64xf32, #tpu.memory_space<vmem_shared>>) target_semaphore(%run_scoped3A_264 : memref<!tpu.dma_semaphore, #tpu.memory_space<semaphore_mem>>)
      %dma_wait3A_269 = arith.constant 0 : i32
      %dma_wait3A_270 = tpu.memref_slice %arg15[%add3A_209, %dma_wait3A_269] : memref<10240x64xf32, #tpu.memory_space<vmem_shared>> -> memref<32x64xf32, #tpu.memory_space<vmem_shared>>
      %dma_wait3A_271 = arith.constant 0 : i32
      %dma_wait3A_272 = tpu.memref_slice %arg15[%add3A_209, %dma_wait3A_271] : memref<10240x64xf32, #tpu.memory_space<vmem_shared>> -> memref<32x64xf32, #tpu.memory_space<vmem_shared>>
      tpu.wait_dma2 semaphore(%run_scoped3A_264 : memref<!tpu.dma_semaphore, #tpu.memory_space<semaphore_mem>>) src(%arg12 : memref<32x64xf32, #tpu.memory_space<vmem>>) dst(%dma_wait3A_272 : memref<32x64xf32, #tpu.memory_space<vmem_shared>>)
      tpu.yield
    }) : () -> ()
    %mul3A_210 = arith.constant 640 : i32
    %mul3A_211 = arith.muli %arg1, %mul3A_210 : i32
    %add3A_212 = arith.constant 544 : i32
    %add3A_213 = arith.addi %mul3A_211, %add3A_212 : i32
    "tpu.region"() ({
      %run_scoped3A_264 = tpu.sem_alloc : memref<!tpu.dma_semaphore, #tpu.memory_space<semaphore_mem>>
      %dma_start3A_265 = arith.constant 0 : i32
      %dma_start3A_266 = tpu.memref_slice %arg15[%add3A_213, %dma_start3A_265] : memref<10240x64xf32, #tpu.memory_space<vmem_shared>> -> memref<32x64xf32, #tpu.memory_space<vmem_shared>>
      %dma_start3A_267 = arith.constant 0 : i32
      %dma_start3A_268 = tpu.memref_slice %arg15[%add3A_213, %dma_start3A_267] : memref<10240x64xf32, #tpu.memory_space<vmem_shared>> -> memref<32x64xf32, #tpu.memory_space<vmem_shared>>
      tpu.enqueue_dma source(%arg12 : memref<32x64xf32, #tpu.memory_space<vmem>>) target(%dma_start3A_268 : memref<32x64xf32, #tpu.memory_space<vmem_shared>>) target_semaphore(%run_scoped3A_264 : memref<!tpu.dma_semaphore, #tpu.memory_space<semaphore_mem>>)
      %dma_wait3A_269 = arith.constant 0 : i32
      %dma_wait3A_270 = tpu.memref_slice %arg15[%add3A_213, %dma_wait3A_269] : memref<10240x64xf32, #tpu.memory_space<vmem_shared>> -> memref<32x64xf32, #tpu.memory_space<vmem_shared>>
      %dma_wait3A_271 = arith.constant 0 : i32
      %dma_wait3A_272 = tpu.memref_slice %arg15[%add3A_213, %dma_wait3A_271] : memref<10240x64xf32, #tpu.memory_space<vmem_shared>> -> memref<32x64xf32, #tpu.memory_space<vmem_shared>>
      tpu.wait_dma2 semaphore(%run_scoped3A_264 : memref<!tpu.dma_semaphore, #tpu.memory_space<semaphore_mem>>) src(%arg12 : memref<32x64xf32, #tpu.memory_space<vmem>>) dst(%dma_wait3A_272 : memref<32x64xf32, #tpu.memory_space<vmem_shared>>)
      tpu.yield
    }) : () -> ()
    %mul3A_214 = arith.constant 640 : i32
    %mul3A_215 = arith.muli %arg1, %mul3A_214 : i32
    %add3A_216 = arith.constant 576 : i32
    %add3A_217 = arith.addi %mul3A_215, %add3A_216 : i32
    "tpu.region"() ({
      %run_scoped3A_264 = tpu.sem_alloc : memref<!tpu.dma_semaphore, #tpu.memory_space<semaphore_mem>>
      %dma_start3A_265 = arith.constant 0 : i32
      %dma_start3A_266 = tpu.memref_slice %arg15[%add3A_217, %dma_start3A_265] : memref<10240x64xf32, #tpu.memory_space<vmem_shared>> -> memref<32x64xf32, #tpu.memory_space<vmem_shared>>
      %dma_start3A_267 = arith.constant 0 : i32
      %dma_start3A_268 = tpu.memref_slice %arg15[%add3A_217, %dma_start3A_267] : memref<10240x64xf32, #tpu.memory_space<vmem_shared>> -> memref<32x64xf32, #tpu.memory_space<vmem_shared>>
      tpu.enqueue_dma source(%arg12 : memref<32x64xf32, #tpu.memory_space<vmem>>) target(%dma_start3A_268 : memref<32x64xf32, #tpu.memory_space<vmem_shared>>) target_semaphore(%run_scoped3A_264 : memref<!tpu.dma_semaphore, #tpu.memory_space<semaphore_mem>>)
      %dma_wait3A_269 = arith.constant 0 : i32
      %dma_wait3A_270 = tpu.memref_slice %arg15[%add3A_217, %dma_wait3A_269] : memref<10240x64xf32, #tpu.memory_space<vmem_shared>> -> memref<32x64xf32, #tpu.memory_space<vmem_shared>>
      %dma_wait3A_271 = arith.constant 0 : i32
      %dma_wait3A_272 = tpu.memref_slice %arg15[%add3A_217, %dma_wait3A_271] : memref<10240x64xf32, #tpu.memory_space<vmem_shared>> -> memref<32x64xf32, #tpu.memory_space<vmem_shared>>
      tpu.wait_dma2 semaphore(%run_scoped3A_264 : memref<!tpu.dma_semaphore, #tpu.memory_space<semaphore_mem>>) src(%arg12 : memref<32x64xf32, #tpu.memory_space<vmem>>) dst(%dma_wait3A_272 : memref<32x64xf32, #tpu.memory_space<vmem_shared>>)
      tpu.yield
    }) : () -> ()
    %mul3A_218 = arith.constant 640 : i32
    %mul3A_219 = arith.muli %arg1, %mul3A_218 : i32
    %add3A_220 = arith.constant 608 : i32
    %add3A_221 = arith.addi %mul3A_219, %add3A_220 : i32
    "tpu.region"() ({
      %run_scoped3A_264 = tpu.sem_alloc : memref<!tpu.dma_semaphore, #tpu.memory_space<semaphore_mem>>
      %dma_start3A_265 = arith.constant 0 : i32
      %dma_start3A_266 = tpu.memref_slice %arg15[%add3A_221, %dma_start3A_265] : memref<10240x64xf32, #tpu.memory_space<vmem_shared>> -> memref<32x64xf32, #tpu.memory_space<vmem_shared>>
      %dma_start3A_267 = arith.constant 0 : i32
      %dma_start3A_268 = tpu.memref_slice %arg15[%add3A_221, %dma_start3A_267] : memref<10240x64xf32, #tpu.memory_space<vmem_shared>> -> memref<32x64xf32, #tpu.memory_space<vmem_shared>>
      tpu.enqueue_dma source(%arg12 : memref<32x64xf32, #tpu.memory_space<vmem>>) target(%dma_start3A_268 : memref<32x64xf32, #tpu.memory_space<vmem_shared>>) target_semaphore(%run_scoped3A_264 : memref<!tpu.dma_semaphore, #tpu.memory_space<semaphore_mem>>)
      %dma_wait3A_269 = arith.constant 0 : i32
      %dma_wait3A_270 = tpu.memref_slice %arg15[%add3A_221, %dma_wait3A_269] : memref<10240x64xf32, #tpu.memory_space<vmem_shared>> -> memref<32x64xf32, #tpu.memory_space<vmem_shared>>
      %dma_wait3A_271 = arith.constant 0 : i32
      %dma_wait3A_272 = tpu.memref_slice %arg15[%add3A_221, %dma_wait3A_271] : memref<10240x64xf32, #tpu.memory_space<vmem_shared>> -> memref<32x64xf32, #tpu.memory_space<vmem_shared>>
      tpu.wait_dma2 semaphore(%run_scoped3A_264 : memref<!tpu.dma_semaphore, #tpu.memory_space<semaphore_mem>>) src(%arg12 : memref<32x64xf32, #tpu.memory_space<vmem>>) dst(%dma_wait3A_272 : memref<32x64xf32, #tpu.memory_space<vmem_shared>>)
      tpu.yield
    }) : () -> ()
    %barrier3A_222 = arith.constant 0 : index
    tpu.barrier barrier_id(%barrier3A_222)
    %dma_start3A_223 = arith.constant 0 : i32
    %dma_start3A_224 = arith.constant 0 : i32
    %dma_start3A_225 = arith.constant 0 : i32
    %dma_start3A_226 = arith.constant 0 : i32
    %dma_start3A_227 = tpu.memref_slice %arg11[%dma_start3A_224, %dma_start3A_225, %dma_start3A_226] : memref<2x64x64xf32, #tpu.memory_space<vmem>> -> memref<1x64x64xf32, #tpu.memory_space<vmem>>
    %dma_start3A_228 = tpu.memref_squeeze %dma_start3A_227 : memref<1x64x64xf32, #tpu.memory_space<vmem>> -> memref<64x64xf32, #tpu.memory_space<vmem>>
    %dma_start3A_229 = arith.constant 0 : i32
    %dma_start3A_230 = tpu.memref_slice %arg9[%dma_start3A_223, %dma_start3A_229] : memref<157x64xi32, #tpu.memory_space<vmem>> -> memref<1x64xi32, #tpu.memory_space<vmem>>
    %dma_start3A_231 = tpu.memref_squeeze %dma_start3A_230 : memref<1x64xi32, #tpu.memory_space<vmem>> -> memref<64xi32, #tpu.memory_space<vmem>>
    %dma_start3A_232 = arith.constant 0 : i32
    %dma_start3A_233 = arith.constant 0 : i32
    %dma_start3A_234 = tpu.memref_slice %arg3[%dma_start3A_232, %dma_start3A_233] : memref<10240x64xf32, #tpu.memory_space<hbm>> -> memref<10240x64xf32, #tpu.memory_space<hbm>>
    tpu.enqueue_indirect_dma source(%dma_start3A_234 : memref<10240x64xf32, #tpu.memory_space<hbm>>) target(%dma_start3A_228 : memref<64x64xf32, #tpu.memory_space<vmem>>) offsets(%dma_start3A_231 : memref<64xi32, #tpu.memory_space<vmem>>) semaphore(%arg17 : memref<!tpu.dma_semaphore, #tpu.memory_space<semaphore_mem>>)
    %scan3A_235 = arith.constant 0 : i32
    %scan3A_236 = arith.constant 0 : i32
    %scan3A_237 = arith.constant 156 : i32
    %scan3A_238 = arith.addi %scan3A_236, %scan3A_237 : i32
    %scan3A_239 = arith.constant 1 : i32
    scf.for %scan3A_264 = %scan3A_236 to %scan3A_238 step %scan3A_239  : i32 {
      %add3A_265 = arith.constant 1 : i32
      %add3A_266 = arith.addi %scan3A_264, %add3A_265 : i32
      %add3A_267 = arith.constant 1 : i32
      %add3A_268 = arith.addi %scan3A_264, %add3A_267 : i32
      %rem3A_269 = arith.constant 2 : i32
      %rem3A_270 = arith.remsi %add3A_268, %rem3A_269 : i32
      %dma_start3A_271 = arith.constant 0 : i32
      %dma_start3A_272 = arith.constant 0 : i32
      %dma_start3A_273 = tpu.memref_slice %arg11[%rem3A_270, %dma_start3A_271, %dma_start3A_272] : memref<2x64x64xf32, #tpu.memory_space<vmem>> -> memref<1x64x64xf32, #tpu.memory_space<vmem>>
      %dma_start3A_274 = tpu.memref_squeeze %dma_start3A_273 : memref<1x64x64xf32, #tpu.memory_space<vmem>> -> memref<64x64xf32, #tpu.memory_space<vmem>>
      %dma_start3A_275 = arith.constant 0 : i32
      %dma_start3A_276 = tpu.memref_slice %arg9[%add3A_266, %dma_start3A_275] : memref<157x64xi32, #tpu.memory_space<vmem>> -> memref<1x64xi32, #tpu.memory_space<vmem>>
      %dma_start3A_277 = tpu.memref_squeeze %dma_start3A_276 : memref<1x64xi32, #tpu.memory_space<vmem>> -> memref<64xi32, #tpu.memory_space<vmem>>
      %dma_start3A_278 = arith.constant 0 : i32
      %dma_start3A_279 = arith.constant 0 : i32
      %dma_start3A_280 = tpu.memref_slice %arg3[%dma_start3A_278, %dma_start3A_279] : memref<10240x64xf32, #tpu.memory_space<hbm>> -> memref<10240x64xf32, #tpu.memory_space<hbm>>
      tpu.enqueue_indirect_dma source(%dma_start3A_280 : memref<10240x64xf32, #tpu.memory_space<hbm>>) target(%dma_start3A_274 : memref<64x64xf32, #tpu.memory_space<vmem>>) offsets(%dma_start3A_277 : memref<64xi32, #tpu.memory_space<vmem>>) semaphore(%arg17 : memref<!tpu.dma_semaphore, #tpu.memory_space<semaphore_mem>>)
      %rem3A_281 = arith.constant 2 : i32
      %rem3A_282 = arith.remsi %scan3A_264, %rem3A_281 : i32
      %dma_wait3A_283 = arith.constant 0 : i32
      %dma_wait3A_284 = arith.constant 0 : i32
      %dma_wait3A_285 = tpu.memref_slice %arg11[%rem3A_282, %dma_wait3A_283, %dma_wait3A_284] : memref<2x64x64xf32, #tpu.memory_space<vmem>> -> memref<1x64x64xf32, #tpu.memory_space<vmem>>
      %dma_wait3A_286 = tpu.memref_squeeze %dma_wait3A_285 : memref<1x64x64xf32, #tpu.memory_space<vmem>> -> memref<64x64xf32, #tpu.memory_space<vmem>>
      %dma_wait3A_287 = arith.constant 0 : i32
      %dma_wait3A_288 = tpu.memref_slice %arg9[%scan3A_264, %dma_wait3A_287] : memref<157x64xi32, #tpu.memory_space<vmem>> -> memref<1x64xi32, #tpu.memory_space<vmem>>
      %dma_wait3A_289 = tpu.memref_squeeze %dma_wait3A_288 : memref<1x64xi32, #tpu.memory_space<vmem>> -> memref<64xi32, #tpu.memory_space<vmem>>
      %dma_wait3A_290 = arith.constant 0 : i32
      %dma_wait3A_291 = arith.constant 0 : i32
      %dma_wait3A_292 = tpu.memref_slice %arg3[%dma_wait3A_290, %dma_wait3A_291] : memref<10240x64xf32, #tpu.memory_space<hbm>> -> memref<10240x64xf32, #tpu.memory_space<hbm>>
      tpu.wait_indirect_dma semaphore(%arg17 : memref<!tpu.dma_semaphore, #tpu.memory_space<semaphore_mem>>) src(%dma_wait3A_292 : memref<10240x64xf32, #tpu.memory_space<hbm>>) dst(%dma_wait3A_286 : memref<64x64xf32, #tpu.memory_space<vmem>>)
      %rem3A_293 = arith.constant 2 : i32
      %rem3A_294 = arith.remsi %scan3A_264, %rem3A_293 : i32
      "tpu.region"() ({
        %run_scoped3A_295 = tpu.sem_alloc : memref<!tpu.dma_semaphore, #tpu.memory_space<semaphore_mem>>
        %dma_start3A_296 = arith.constant 0 : i32
        %dma_start3A_297 = arith.constant 0 : i32
        %dma_start3A_298 = tpu.memref_slice %arg11[%rem3A_294, %dma_start3A_296, %dma_start3A_297] : memref<2x64x64xf32, #tpu.memory_space<vmem>> -> memref<1x64x64xf32, #tpu.memory_space<vmem>>
        %dma_start3A_299 = tpu.memref_squeeze %dma_start3A_298 : memref<1x64x64xf32, #tpu.memory_space<vmem>> -> memref<64x64xf32, #tpu.memory_space<vmem>>
        %dma_start3A_300 = arith.constant 0 : i32
        %dma_start3A_301 = tpu.memref_slice %arg10[%scan3A_264, %dma_start3A_300] : memref<157x64xi32, #tpu.memory_space<vmem>> -> memref<1x64xi32, #tpu.memory_space<vmem>>
        %dma_start3A_302 = tpu.memref_squeeze %dma_start3A_301 : memref<1x64xi32, #tpu.memory_space<vmem>> -> memref<64xi32, #tpu.memory_space<vmem>>
        %dma_start3A_303 = arith.constant 0 : i32
        %dma_start3A_304 = arith.constant 0 : i32
        %dma_start3A_305 = tpu.memref_slice %arg15[%dma_start3A_303, %dma_start3A_304] : memref<10240x64xf32, #tpu.memory_space<vmem_shared>> -> memref<10240x64xf32, #tpu.memory_space<vmem_shared>>
        tpu.enqueue_indirect_dma source(%dma_start3A_299 : memref<64x64xf32, #tpu.memory_space<vmem>>) target(%dma_start3A_305 : memref<10240x64xf32, #tpu.memory_space<vmem_shared>>) offsets(%dma_start3A_302 : memref<64xi32, #tpu.memory_space<vmem>>) semaphore(%run_scoped3A_295 : memref<!tpu.dma_semaphore, #tpu.memory_space<semaphore_mem>>) {add = true}
        %dma_wait3A_306 = arith.constant 0 : i32
        %dma_wait3A_307 = arith.constant 0 : i32
        %dma_wait3A_308 = tpu.memref_slice %arg11[%rem3A_294, %dma_wait3A_306, %dma_wait3A_307] : memref<2x64x64xf32, #tpu.memory_space<vmem>> -> memref<1x64x64xf32, #tpu.memory_space<vmem>>
        %dma_wait3A_309 = tpu.memref_squeeze %dma_wait3A_308 : memref<1x64x64xf32, #tpu.memory_space<vmem>> -> memref<64x64xf32, #tpu.memory_space<vmem>>
        %dma_wait3A_310 = arith.constant 0 : i32
        %dma_wait3A_311 = tpu.memref_slice %arg10[%scan3A_264, %dma_wait3A_310] : memref<157x64xi32, #tpu.memory_space<vmem>> -> memref<1x64xi32, #tpu.memory_space<vmem>>
        %dma_wait3A_312 = tpu.memref_squeeze %dma_wait3A_311 : memref<1x64xi32, #tpu.memory_space<vmem>> -> memref<64xi32, #tpu.memory_space<vmem>>
        %dma_wait3A_313 = arith.constant 0 : i32
        %dma_wait3A_314 = arith.constant 0 : i32
        %dma_wait3A_315 = tpu.memref_slice %arg15[%dma_wait3A_313, %dma_wait3A_314] : memref<10240x64xf32, #tpu.memory_space<vmem_shared>> -> memref<10240x64xf32, #tpu.memory_space<vmem_shared>>
        tpu.wait_indirect_dma semaphore(%run_scoped3A_295 : memref<!tpu.dma_semaphore, #tpu.memory_space<semaphore_mem>>) src(%dma_wait3A_309 : memref<64x64xf32, #tpu.memory_space<vmem>>) dst(%dma_wait3A_315 : memref<10240x64xf32, #tpu.memory_space<vmem_shared>>)
        tpu.yield
      }) : () -> ()
    }
    %scan3A_240 = arith.constant 156 : i32
    %rem3A_241 = arith.constant 156 : i32
    %rem3A_242 = arith.constant 2 : i32
    %rem3A_243 = arith.remsi %rem3A_241, %rem3A_242 : i32
    %dma_wait3A_244 = arith.constant 156 : i32
    %dma_wait3A_245 = arith.constant 0 : i32
    %dma_wait3A_246 = arith.constant 0 : i32
    %dma_wait3A_247 = tpu.memref_slice %arg11[%rem3A_243, %dma_wait3A_245, %dma_wait3A_246] : memref<2x64x64xf32, #tpu.memory_space<vmem>> -> memref<1x64x64xf32, #tpu.memory_space<vmem>>
    %dma_wait3A_248 = tpu.memref_squeeze %dma_wait3A_247 : memref<1x64x64xf32, #tpu.memory_space<vmem>> -> memref<64x64xf32, #tpu.memory_space<vmem>>
    %dma_wait3A_249 = arith.constant 0 : i32
    %dma_wait3A_250 = tpu.memref_slice %arg9[%dma_wait3A_244, %dma_wait3A_249] : memref<157x64xi32, #tpu.memory_space<vmem>> -> memref<1x64xi32, #tpu.memory_space<vmem>>
    %dma_wait3A_251 = tpu.memref_squeeze %dma_wait3A_250 : memref<1x64xi32, #tpu.memory_space<vmem>> -> memref<64xi32, #tpu.memory_space<vmem>>
    %dma_wait3A_252 = arith.constant 0 : i32
    %dma_wait3A_253 = arith.constant 0 : i32
    %dma_wait3A_254 = tpu.memref_slice %arg3[%dma_wait3A_252, %dma_wait3A_253] : memref<10240x64xf32, #tpu.memory_space<hbm>> -> memref<10240x64xf32, #tpu.memory_space<hbm>>
    tpu.wait_indirect_dma semaphore(%arg17 : memref<!tpu.dma_semaphore, #tpu.memory_space<semaphore_mem>>) src(%dma_wait3A_254 : memref<10240x64xf32, #tpu.memory_space<hbm>>) dst(%dma_wait3A_248 : memref<64x64xf32, #tpu.memory_space<vmem>>)
    %rem3A_255 = arith.constant 156 : i32
    %rem3A_256 = arith.constant 2 : i32
    %rem3A_257 = arith.remsi %rem3A_255, %rem3A_256 : i32
    %run_scoped3A_258 = arith.constant 156 : i32
    "tpu.region"() ({
      %run_scoped3A_264 = tpu.sem_alloc : memref<!tpu.dma_semaphore, #tpu.memory_space<semaphore_mem>>
      %dma_start3A_265 = arith.constant 0 : i32
      %dma_start3A_266 = arith.constant 0 : i32
      %dma_start3A_267 = tpu.memref_slice %arg11[%rem3A_257, %dma_start3A_265, %dma_start3A_266] : memref<2x64x64xf32, #tpu.memory_space<vmem>> -> memref<1x64x64xf32, #tpu.memory_space<vmem>>
      %dma_start3A_268 = tpu.memref_squeeze %dma_start3A_267 : memref<1x64x64xf32, #tpu.memory_space<vmem>> -> memref<64x64xf32, #tpu.memory_space<vmem>>
      %dma_start3A_269 = arith.constant 0 : i32
      %dma_start3A_270 = tpu.memref_slice %arg10[%run_scoped3A_258, %dma_start3A_269] : memref<157x64xi32, #tpu.memory_space<vmem>> -> memref<1x64xi32, #tpu.memory_space<vmem>>
      %dma_start3A_271 = tpu.memref_squeeze %dma_start3A_270 : memref<1x64xi32, #tpu.memory_space<vmem>> -> memref<64xi32, #tpu.memory_space<vmem>>
      %dma_start3A_272 = arith.constant 0 : i32
      %dma_start3A_273 = arith.constant 0 : i32
      %dma_start3A_274 = tpu.memref_slice %arg15[%dma_start3A_272, %dma_start3A_273] : memref<10240x64xf32, #tpu.memory_space<vmem_shared>> -> memref<10240x64xf32, #tpu.memory_space<vmem_shared>>
      tpu.enqueue_indirect_dma source(%dma_start3A_268 : memref<64x64xf32, #tpu.memory_space<vmem>>) target(%dma_start3A_274 : memref<10240x64xf32, #tpu.memory_space<vmem_shared>>) offsets(%dma_start3A_271 : memref<64xi32, #tpu.memory_space<vmem>>) semaphore(%run_scoped3A_264 : memref<!tpu.dma_semaphore, #tpu.memory_space<semaphore_mem>>) {add = true}
      %dma_wait3A_275 = arith.constant 0 : i32
      %dma_wait3A_276 = arith.constant 0 : i32
      %dma_wait3A_277 = tpu.memref_slice %arg11[%rem3A_257, %dma_wait3A_275, %dma_wait3A_276] : memref<2x64x64xf32, #tpu.memory_space<vmem>> -> memref<1x64x64xf32, #tpu.memory_space<vmem>>
      %dma_wait3A_278 = tpu.memref_squeeze %dma_wait3A_277 : memref<1x64x64xf32, #tpu.memory_space<vmem>> -> memref<64x64xf32, #tpu.memory_space<vmem>>
      %dma_wait3A_279 = arith.constant 0 : i32
      %dma_wait3A_280 = tpu.memref_slice %arg10[%run_scoped3A_258, %dma_wait3A_279] : memref<157x64xi32, #tpu.memory_space<vmem>> -> memref<1x64xi32, #tpu.memory_space<vmem>>
      %dma_wait3A_281 = tpu.memref_squeeze %dma_wait3A_280 : memref<1x64xi32, #tpu.memory_space<vmem>> -> memref<64xi32, #tpu.memory_space<vmem>>
      %dma_wait3A_282 = arith.constant 0 : i32
      %dma_wait3A_283 = arith.constant 0 : i32
      %dma_wait3A_284 = tpu.memref_slice %arg15[%dma_wait3A_282, %dma_wait3A_283] : memref<10240x64xf32, #tpu.memory_space<vmem_shared>> -> memref<10240x64xf32, #tpu.memory_space<vmem_shared>>
      tpu.wait_indirect_dma semaphore(%run_scoped3A_264 : memref<!tpu.dma_semaphore, #tpu.memory_space<semaphore_mem>>) src(%dma_wait3A_278 : memref<64x64xf32, #tpu.memory_space<vmem>>) dst(%dma_wait3A_284 : memref<10240x64xf32, #tpu.memory_space<vmem_shared>>)
      tpu.yield
    }) : () -> ()
    %barrier3A_259 = arith.constant 0 : index
    tpu.barrier barrier_id(%barrier3A_259)
    %mul3A_260 = arith.constant 640 : i32
    %mul3A_261 = arith.muli %arg1, %mul3A_260 : i32
    %mul3A_262 = arith.constant 640 : i32
    %mul3A_263 = arith.muli %arg1, %mul3A_262 : i32
    "tpu.region"() ({
      %run_scoped3A_264 = tpu.sem_alloc : memref<!tpu.dma_semaphore, #tpu.memory_space<semaphore_mem>>
      %dma_start3A_265 = arith.constant 0 : i32
      %dma_start3A_266 = tpu.memref_slice %arg7[%arg0, %mul3A_263, %dma_start3A_265] : memref<2x10240x64xf32, #tpu.memory_space<hbm>> -> memref<1x640x64xf32, #tpu.memory_space<hbm>>
      %dma_start3A_267 = tpu.memref_squeeze %dma_start3A_266 : memref<1x640x64xf32, #tpu.memory_space<hbm>> -> memref<640x64xf32, #tpu.memory_space<hbm>>
      %dma_start3A_268 = arith.constant 0 : i32
      %dma_start3A_269 = tpu.memref_slice %arg15[%mul3A_261, %dma_start3A_268] : memref<10240x64xf32, #tpu.memory_space<vmem_shared>> -> memref<640x64xf32, #tpu.memory_space<vmem_shared>>
      tpu.enqueue_dma source(%dma_start3A_269 : memref<640x64xf32, #tpu.memory_space<vmem_shared>>) target(%dma_start3A_267 : memref<640x64xf32, #tpu.memory_space<hbm>>) target_semaphore(%run_scoped3A_264 : memref<!tpu.dma_semaphore, #tpu.memory_space<semaphore_mem>>)
      %dma_wait3A_270 = arith.constant 0 : i32
      %dma_wait3A_271 = tpu.memref_slice %arg7[%arg0, %mul3A_263, %dma_wait3A_270] : memref<2x10240x64xf32, #tpu.memory_space<hbm>> -> memref<1x640x64xf32, #tpu.memory_space<hbm>>
      %dma_wait3A_272 = tpu.memref_squeeze %dma_wait3A_271 : memref<1x640x64xf32, #tpu.memory_space<hbm>> -> memref<640x64xf32, #tpu.memory_space<hbm>>
      %dma_wait3A_273 = arith.constant 0 : i32
      %dma_wait3A_274 = tpu.memref_slice %arg15[%mul3A_261, %dma_wait3A_273] : memref<10240x64xf32, #tpu.memory_space<vmem_shared>> -> memref<640x64xf32, #tpu.memory_space<vmem_shared>>
      tpu.wait_dma2 semaphore(%run_scoped3A_264 : memref<!tpu.dma_semaphore, #tpu.memory_space<semaphore_mem>>) src(%dma_wait3A_274 : memref<640x64xf32, #tpu.memory_space<vmem_shared>>) dst(%dma_wait3A_272 : memref<640x64xf32, #tpu.memory_space<hbm>>)
      tpu.yield
    }) : () -> ()
    return
  }
}

module attributes {stable_mosaic.version = 14 : i64} {
  func.func @body(%arg0: i32, %arg1: memref<2048x128xf32, #tpu.memory_space<vmem>>, %arg2: memref<2x2048x64xf32, #tpu.memory_space<vmem>>, %arg3: memref<2x2048x64xf32, #tpu.memory_space<vmem>>, %arg4: memref<2x2048x1xf32, #tpu.memory_space<vmem>>, %arg5: memref<128x128xf32, #tpu.memory_space<vmem>>, %arg6: memref<128x128xf32, #tpu.memory_space<vmem>>, %arg7: memref<1x128xf32, #tpu.memory_space<vmem>>, %arg8: memref<2048x64xf32, #tpu.memory_space<vmem>>, %arg9: memref<2048x64xf32, #tpu.memory_space<vmem>>) attributes {dimension_semantics = [#tpu.dimension_semantics<arbitrary>], iteration_bounds = array<i64: 5>, scalar_prefetch = 0 : i64, scratch_operands = 0 : i64, tpu.core_type = #tpu.core_type<tc>, window_params = [{transform_indices = @transform_0, window_bounds = array<i64: 2048, 128>}, {transform_indices = @transform_1, window_bounds = array<i64: 2, 2048, 64>}, {transform_indices = @transform_2, window_bounds = array<i64: 2, 2048, 64>}, {transform_indices = @transform_3, window_bounds = array<i64: 2, 2048, 1>}, {pipeline_mode = #tpu.pipeline_mode<synchronous>, transform_indices = @transform_4, window_bounds = array<i64: 128, 128>}, {pipeline_mode = #tpu.pipeline_mode<synchronous>, transform_indices = @transform_5, window_bounds = array<i64: 128, 128>}, {pipeline_mode = #tpu.pipeline_mode<synchronous>, transform_indices = @transform_6, window_bounds = array<i64: 1, 128>}, {transform_indices = @transform_7, window_bounds = array<i64: 2048, 64>}, {transform_indices = @transform_8, window_bounds = array<i64: 2048, 64>}]} {
    %get3A = arith.constant 0 : index
    %get3A_0 = arith.constant 0 : index
    %get3A_1 = vector.load %arg1[%get3A, %get3A_0] : memref<2048x128xf32, #tpu.memory_space<vmem>>, vector<2048x128xf32>
    %get3A_2 = arith.constant 0 : index
    %get3A_3 = arith.constant 0 : index
    %get3A_4 = arith.constant 0 : index
    %get3A_5 = vector.load %arg4[%get3A_2, %get3A_3, %get3A_4] : memref<2x2048x1xf32, #tpu.memory_space<vmem>>, vector<1x2048x1xf32>
    %get3A_6 = vector.shape_cast %get3A_5 : vector<1x2048x1xf32> to vector<2048x1xf32>
    %get3A_7 = arith.constant 1 : index
    %get3A_8 = arith.constant 0 : index
    %get3A_9 = arith.constant 0 : index
    %get3A_10 = vector.load %arg4[%get3A_7, %get3A_8, %get3A_9] : memref<2x2048x1xf32, #tpu.memory_space<vmem>>, vector<1x2048x1xf32>
    %get3A_11 = vector.shape_cast %get3A_10 : vector<1x2048x1xf32> to vector<2048x1xf32>
    %add3A = arith.addf %get3A_6, %get3A_11 : vector<2048x1xf32>
    %max3A = arith.constant 1.000000e+00 : f32
    %max3A_12 = vector.broadcast %max3A : f32 to vector<2048x1xf32>
    %max3A_13 = arith.maximumf %add3A, %max3A_12 : vector<2048x1xf32>
    %div3A = arith.constant 1.000000e+00 : f32
    %div3A_14 = vector.broadcast %div3A : f32 to vector<2048x1xf32>
    %div3A_15 = arith.divf %div3A_14, %max3A_13 : vector<2048x1xf32>
    %get3A_16 = arith.constant 0 : index
    %get3A_17 = arith.constant 0 : index
    %get3A_18 = arith.constant 0 : index
    %get3A_19 = vector.load %arg2[%get3A_16, %get3A_17, %get3A_18] : memref<2x2048x64xf32, #tpu.memory_space<vmem>>, vector<1x2048x64xf32>
    %get3A_20 = vector.shape_cast %get3A_19 : vector<1x2048x64xf32> to vector<2048x64xf32>
    %get3A_21 = arith.constant 1 : index
    %get3A_22 = arith.constant 0 : index
    %get3A_23 = arith.constant 0 : index
    %get3A_24 = vector.load %arg2[%get3A_21, %get3A_22, %get3A_23] : memref<2x2048x64xf32, #tpu.memory_space<vmem>>, vector<1x2048x64xf32>
    %get3A_25 = vector.shape_cast %get3A_24 : vector<1x2048x64xf32> to vector<2048x64xf32>
    %add3A_26 = arith.addf %get3A_20, %get3A_25 : vector<2048x64xf32>
    %get3A_27 = arith.constant 0 : index
    %get3A_28 = arith.constant 0 : index
    %get3A_29 = arith.constant 0 : index
    %get3A_30 = vector.load %arg3[%get3A_27, %get3A_28, %get3A_29] : memref<2x2048x64xf32, #tpu.memory_space<vmem>>, vector<1x2048x64xf32>
    %get3A_31 = vector.shape_cast %get3A_30 : vector<1x2048x64xf32> to vector<2048x64xf32>
    %get3A_32 = arith.constant 1 : index
    %get3A_33 = arith.constant 0 : index
    %get3A_34 = arith.constant 0 : index
    %get3A_35 = vector.load %arg3[%get3A_32, %get3A_33, %get3A_34] : memref<2x2048x64xf32, #tpu.memory_space<vmem>>, vector<1x2048x64xf32>
    %get3A_36 = vector.shape_cast %get3A_35 : vector<1x2048x64xf32> to vector<2048x64xf32>
    %add3A_37 = arith.addf %get3A_31, %get3A_36 : vector<2048x64xf32>
    %concatenate3A = tpu.concatenate %add3A_26, %add3A_37 in 1 : vector<2048x64xf32>, vector<2048x64xf32> -> vector<2048x128xf32>
    %mul3A = vector.broadcast %div3A_15 : vector<2048x1xf32> to vector<2048x128xf32>
    %mul3A_38 = arith.mulf %concatenate3A, %mul3A : vector<2048x128xf32>
    %get3A_39 = arith.constant 0 : index
    %get3A_40 = arith.constant 0 : index
    %get3A_41 = vector.load %arg5[%get3A_39, %get3A_40] : memref<128x128xf32, #tpu.memory_space<vmem>>, vector<128x128xf32>
    %dot_general3A = arith.constant dense<0.000000e+00> : vector<2048x128xf32>
    %dot_general3A_42 = tpu.matmul %get3A_1, %get3A_41, %dot_general3A {dimension_numbers = #tpu.dot_dimension_numbers<[1], [0], [0], [1], [0, 0, 1, 1], [], []>, transpose_lhs_hint = false} : vector<2048x128xf32>, vector<128x128xf32>, vector<2048x128xf32> -> vector<2048x128xf32>
    %get3A_43 = arith.constant 0 : index
    %get3A_44 = arith.constant 0 : index
    %get3A_45 = vector.load %arg6[%get3A_43, %get3A_44] : memref<128x128xf32, #tpu.memory_space<vmem>>, vector<128x128xf32>
    %dot_general3A_46 = arith.constant dense<0.000000e+00> : vector<2048x128xf32>
    %dot_general3A_47 = tpu.matmul %mul3A_38, %get3A_45, %dot_general3A_46 {dimension_numbers = #tpu.dot_dimension_numbers<[1], [0], [0], [1], [0, 0, 1, 1], [], []>, transpose_lhs_hint = false} : vector<2048x128xf32>, vector<128x128xf32>, vector<2048x128xf32> -> vector<2048x128xf32>
    %add3A_48 = arith.addf %dot_general3A_42, %dot_general3A_47 : vector<2048x128xf32>
    %get3A_49 = arith.constant 0 : index
    %get3A_50 = arith.constant 0 : index
    %get3A_51 = vector.load %arg7[%get3A_49, %get3A_50] : memref<1x128xf32, #tpu.memory_space<vmem>>, vector<1x128xf32>
    %add3A_52 = vector.broadcast %get3A_51 : vector<1x128xf32> to vector<2048x128xf32>
    %add3A_53 = arith.addf %add3A_48, %add3A_52 : vector<2048x128xf32>
    %max3A_54 = arith.constant 0.000000e+00 : f32
    %max3A_55 = vector.broadcast %max3A_54 : f32 to vector<2048x128xf32>
    %max3A_56 = arith.maximumf %add3A_53, %max3A_55 : vector<2048x128xf32>
    %slice3A = vector.extract_strided_slice %max3A_56 {offsets = [0, 0], sizes = [2048, 64], strides = [1, 1]} : vector<2048x128xf32> to vector<2048x64xf32>
    %swap3A = arith.constant 0 : index
    %swap3A_57 = arith.constant 0 : index
    %swap3A_58 = vector.load %arg8[%swap3A, %swap3A_57] : memref<2048x64xf32, #tpu.memory_space<vmem>>, vector<2048x64xf32>
    tpu.vector_store %arg8[%swap3A, %swap3A_57], %slice3A {strides = array<i32>} : memref<2048x64xf32, #tpu.memory_space<vmem>>, vector<2048x64xf32>,
    %slice3A_59 = vector.extract_strided_slice %max3A_56 {offsets = [0, 64], sizes = [2048, 64], strides = [1, 1]} : vector<2048x128xf32> to vector<2048x64xf32>
    %swap3A_60 = arith.constant 0 : index
    %swap3A_61 = arith.constant 0 : index
    %swap3A_62 = vector.load %arg9[%swap3A_60, %swap3A_61] : memref<2048x64xf32, #tpu.memory_space<vmem>>, vector<2048x64xf32>
    tpu.vector_store %arg9[%swap3A_60, %swap3A_61], %slice3A_59 {strides = array<i32>} : memref<2048x64xf32, #tpu.memory_space<vmem>>, vector<2048x64xf32>,
    return
  }
  func.func @transform_0(%arg0: i32) -> (i32, i32) {
    %c0_i32 = arith.constant 0 : i32
    %c0_i32_0 = arith.constant 0 : i32
    return %arg0, %c0_i32 : i32, i32
  }
  func.func @transform_1(%arg0: i32) -> (i32, i32, i32) {
    %c0_i32 = arith.constant 0 : i32
    %c0_i32_0 = arith.constant 0 : i32
    %c0_i32_1 = arith.constant 0 : i32
    return %c0_i32, %arg0, %c0_i32_0 : i32, i32, i32
  }
  func.func @transform_2(%arg0: i32) -> (i32, i32, i32) {
    %c0_i32 = arith.constant 0 : i32
    %c0_i32_0 = arith.constant 0 : i32
    %c0_i32_1 = arith.constant 0 : i32
    return %c0_i32, %arg0, %c0_i32_0 : i32, i32, i32
  }
  func.func @transform_3(%arg0: i32) -> (i32, i32, i32) {
    %c0_i32 = arith.constant 0 : i32
    %c0_i32_0 = arith.constant 0 : i32
    %c0_i32_1 = arith.constant 0 : i32
    return %c0_i32, %arg0, %c0_i32_0 : i32, i32, i32
  }
  func.func @transform_4(%arg0: i32) -> (i32, i32) {
    %c0_i32 = arith.constant 0 : i32
    %c0_i32_0 = arith.constant 0 : i32
    %c0_i32_1 = arith.constant 0 : i32
    return %c0_i32, %c0_i32_0 : i32, i32
  }
  func.func @transform_5(%arg0: i32) -> (i32, i32) {
    %c0_i32 = arith.constant 0 : i32
    %c0_i32_0 = arith.constant 0 : i32
    %c0_i32_1 = arith.constant 0 : i32
    return %c0_i32, %c0_i32_0 : i32, i32
  }
  func.func @transform_6(%arg0: i32) -> (i32, i32) {
    %c0_i32 = arith.constant 0 : i32
    %c0_i32_0 = arith.constant 0 : i32
    %c0_i32_1 = arith.constant 0 : i32
    return %c0_i32, %c0_i32_0 : i32, i32
  }
  func.func @transform_7(%arg0: i32) -> (i32, i32) {
    %c0_i32 = arith.constant 0 : i32
    %c0_i32_0 = arith.constant 0 : i32
    return %arg0, %c0_i32 : i32, i32
  }
  func.func @transform_8(%arg0: i32) -> (i32, i32) {
    %c0_i32 = arith.constant 0 : i32
    %c0_i32_0 = arith.constant 0 : i32
    return %arg0, %c0_i32 : i32, i32
  }
}

module attributes {stable_mosaic.version = 14 : i64} {
  func.func @body(%arg0: i32, %arg1: memref<2048x64xf32, #tpu.memory_space<vmem>>, %arg2: memref<2048x64xf32, #tpu.memory_space<vmem>>, %arg3: memref<2x2048x64xf32, #tpu.memory_space<vmem>>, %arg4: memref<2x2048x64xf32, #tpu.memory_space<vmem>>, %arg5: memref<2x2048x1xf32, #tpu.memory_space<vmem>>, %arg6: memref<128x128xf32, #tpu.memory_space<vmem>>, %arg7: memref<128x128xf32, #tpu.memory_space<vmem>>, %arg8: memref<1x128xf32, #tpu.memory_space<vmem>>, %arg9: memref<2048x128xf32, #tpu.memory_space<vmem>>) attributes {dimension_semantics = [#tpu.dimension_semantics<arbitrary>], iteration_bounds = array<i64: 5>, scalar_prefetch = 0 : i64, scratch_operands = 0 : i64, tpu.core_type = #tpu.core_type<tc>, window_params = [{transform_indices = @transform_0, window_bounds = array<i64: 2048, 64>}, {transform_indices = @transform_1, window_bounds = array<i64: 2048, 64>}, {transform_indices = @transform_2, window_bounds = array<i64: 2, 2048, 64>}, {transform_indices = @transform_3, window_bounds = array<i64: 2, 2048, 64>}, {transform_indices = @transform_4, window_bounds = array<i64: 2, 2048, 1>}, {pipeline_mode = #tpu.pipeline_mode<synchronous>, transform_indices = @transform_5, window_bounds = array<i64: 128, 128>}, {pipeline_mode = #tpu.pipeline_mode<synchronous>, transform_indices = @transform_6, window_bounds = array<i64: 128, 128>}, {pipeline_mode = #tpu.pipeline_mode<synchronous>, transform_indices = @transform_7, window_bounds = array<i64: 1, 128>}, {transform_indices = @transform_8, window_bounds = array<i64: 2048, 128>}]} {
    %get3A = arith.constant 0 : index
    %get3A_0 = arith.constant 0 : index
    %get3A_1 = vector.load %arg1[%get3A, %get3A_0] : memref<2048x64xf32, #tpu.memory_space<vmem>>, vector<2048x64xf32>
    %get3A_2 = arith.constant 0 : index
    %get3A_3 = arith.constant 0 : index
    %get3A_4 = vector.load %arg2[%get3A_2, %get3A_3] : memref<2048x64xf32, #tpu.memory_space<vmem>>, vector<2048x64xf32>
    %concatenate3A = tpu.concatenate %get3A_1, %get3A_4 in 1 : vector<2048x64xf32>, vector<2048x64xf32> -> vector<2048x128xf32>
    %get3A_5 = arith.constant 0 : index
    %get3A_6 = arith.constant 0 : index
    %get3A_7 = arith.constant 0 : index
    %get3A_8 = vector.load %arg5[%get3A_5, %get3A_6, %get3A_7] : memref<2x2048x1xf32, #tpu.memory_space<vmem>>, vector<1x2048x1xf32>
    %get3A_9 = vector.shape_cast %get3A_8 : vector<1x2048x1xf32> to vector<2048x1xf32>
    %get3A_10 = arith.constant 1 : index
    %get3A_11 = arith.constant 0 : index
    %get3A_12 = arith.constant 0 : index
    %get3A_13 = vector.load %arg5[%get3A_10, %get3A_11, %get3A_12] : memref<2x2048x1xf32, #tpu.memory_space<vmem>>, vector<1x2048x1xf32>
    %get3A_14 = vector.shape_cast %get3A_13 : vector<1x2048x1xf32> to vector<2048x1xf32>
    %add3A = arith.addf %get3A_9, %get3A_14 : vector<2048x1xf32>
    %max3A = arith.constant 1.000000e+00 : f32
    %max3A_15 = vector.broadcast %max3A : f32 to vector<2048x1xf32>
    %max3A_16 = arith.maximumf %add3A, %max3A_15 : vector<2048x1xf32>
    %div3A = arith.constant 1.000000e+00 : f32
    %div3A_17 = vector.broadcast %div3A : f32 to vector<2048x1xf32>
    %div3A_18 = arith.divf %div3A_17, %max3A_16 : vector<2048x1xf32>
    %get3A_19 = arith.constant 0 : index
    %get3A_20 = arith.constant 0 : index
    %get3A_21 = arith.constant 0 : index
    %get3A_22 = vector.load %arg3[%get3A_19, %get3A_20, %get3A_21] : memref<2x2048x64xf32, #tpu.memory_space<vmem>>, vector<1x2048x64xf32>
    %get3A_23 = vector.shape_cast %get3A_22 : vector<1x2048x64xf32> to vector<2048x64xf32>
    %get3A_24 = arith.constant 1 : index
    %get3A_25 = arith.constant 0 : index
    %get3A_26 = arith.constant 0 : index
    %get3A_27 = vector.load %arg3[%get3A_24, %get3A_25, %get3A_26] : memref<2x2048x64xf32, #tpu.memory_space<vmem>>, vector<1x2048x64xf32>
    %get3A_28 = vector.shape_cast %get3A_27 : vector<1x2048x64xf32> to vector<2048x64xf32>
    %add3A_29 = arith.addf %get3A_23, %get3A_28 : vector<2048x64xf32>
    %get3A_30 = arith.constant 0 : index
    %get3A_31 = arith.constant 0 : index
    %get3A_32 = arith.constant 0 : index
    %get3A_33 = vector.load %arg4[%get3A_30, %get3A_31, %get3A_32] : memref<2x2048x64xf32, #tpu.memory_space<vmem>>, vector<1x2048x64xf32>
    %get3A_34 = vector.shape_cast %get3A_33 : vector<1x2048x64xf32> to vector<2048x64xf32>
    %get3A_35 = arith.constant 1 : index
    %get3A_36 = arith.constant 0 : index
    %get3A_37 = arith.constant 0 : index
    %get3A_38 = vector.load %arg4[%get3A_35, %get3A_36, %get3A_37] : memref<2x2048x64xf32, #tpu.memory_space<vmem>>, vector<1x2048x64xf32>
    %get3A_39 = vector.shape_cast %get3A_38 : vector<1x2048x64xf32> to vector<2048x64xf32>
    %add3A_40 = arith.addf %get3A_34, %get3A_39 : vector<2048x64xf32>
    %concatenate3A_41 = tpu.concatenate %add3A_29, %add3A_40 in 1 : vector<2048x64xf32>, vector<2048x64xf32> -> vector<2048x128xf32>
    %mul3A = vector.broadcast %div3A_18 : vector<2048x1xf32> to vector<2048x128xf32>
    %mul3A_42 = arith.mulf %concatenate3A_41, %mul3A : vector<2048x128xf32>
    %get3A_43 = arith.constant 0 : index
    %get3A_44 = arith.constant 0 : index
    %get3A_45 = vector.load %arg6[%get3A_43, %get3A_44] : memref<128x128xf32, #tpu.memory_space<vmem>>, vector<128x128xf32>
    %dot_general3A = arith.constant dense<0.000000e+00> : vector<2048x128xf32>
    %dot_general3A_46 = tpu.matmul %concatenate3A, %get3A_45, %dot_general3A {dimension_numbers = #tpu.dot_dimension_numbers<[1], [0], [0], [1], [0, 0, 1, 1], [], []>, transpose_lhs_hint = false} : vector<2048x128xf32>, vector<128x128xf32>, vector<2048x128xf32> -> vector<2048x128xf32>
    %get3A_47 = arith.constant 0 : index
    %get3A_48 = arith.constant 0 : index
    %get3A_49 = vector.load %arg7[%get3A_47, %get3A_48] : memref<128x128xf32, #tpu.memory_space<vmem>>, vector<128x128xf32>
    %dot_general3A_50 = arith.constant dense<0.000000e+00> : vector<2048x128xf32>
    %dot_general3A_51 = tpu.matmul %mul3A_42, %get3A_49, %dot_general3A_50 {dimension_numbers = #tpu.dot_dimension_numbers<[1], [0], [0], [1], [0, 0, 1, 1], [], []>, transpose_lhs_hint = false} : vector<2048x128xf32>, vector<128x128xf32>, vector<2048x128xf32> -> vector<2048x128xf32>
    %add3A_52 = arith.addf %dot_general3A_46, %dot_general3A_51 : vector<2048x128xf32>
    %get3A_53 = arith.constant 0 : index
    %get3A_54 = arith.constant 0 : index
    %get3A_55 = vector.load %arg8[%get3A_53, %get3A_54] : memref<1x128xf32, #tpu.memory_space<vmem>>, vector<1x128xf32>
    %add3A_56 = vector.broadcast %get3A_55 : vector<1x128xf32> to vector<2048x128xf32>
    %add3A_57 = arith.addf %add3A_52, %add3A_56 : vector<2048x128xf32>
    %swap3A = arith.constant 0 : index
    %swap3A_58 = arith.constant 0 : index
    %swap3A_59 = vector.load %arg9[%swap3A, %swap3A_58] : memref<2048x128xf32, #tpu.memory_space<vmem>>, vector<2048x128xf32>
    tpu.vector_store %arg9[%swap3A, %swap3A_58], %add3A_57 {strides = array<i32>} : memref<2048x128xf32, #tpu.memory_space<vmem>>, vector<2048x128xf32>,
    return
  }
  func.func @transform_0(%arg0: i32) -> (i32, i32) {
    %c0_i32 = arith.constant 0 : i32
    %c0_i32_0 = arith.constant 0 : i32
    return %arg0, %c0_i32 : i32, i32
  }
  func.func @transform_1(%arg0: i32) -> (i32, i32) {
    %c0_i32 = arith.constant 0 : i32
    %c0_i32_0 = arith.constant 0 : i32
    return %arg0, %c0_i32 : i32, i32
  }
  func.func @transform_2(%arg0: i32) -> (i32, i32, i32) {
    %c0_i32 = arith.constant 0 : i32
    %c0_i32_0 = arith.constant 0 : i32
    %c0_i32_1 = arith.constant 0 : i32
    return %c0_i32, %arg0, %c0_i32_0 : i32, i32, i32
  }
  func.func @transform_3(%arg0: i32) -> (i32, i32, i32) {
    %c0_i32 = arith.constant 0 : i32
    %c0_i32_0 = arith.constant 0 : i32
    %c0_i32_1 = arith.constant 0 : i32
    return %c0_i32, %arg0, %c0_i32_0 : i32, i32, i32
  }
  func.func @transform_4(%arg0: i32) -> (i32, i32, i32) {
    %c0_i32 = arith.constant 0 : i32
    %c0_i32_0 = arith.constant 0 : i32
    %c0_i32_1 = arith.constant 0 : i32
    return %c0_i32, %arg0, %c0_i32_0 : i32, i32, i32
  }
  func.func @transform_5(%arg0: i32) -> (i32, i32) {
    %c0_i32 = arith.constant 0 : i32
    %c0_i32_0 = arith.constant 0 : i32
    %c0_i32_1 = arith.constant 0 : i32
    return %c0_i32, %c0_i32_0 : i32, i32
  }
  func.func @transform_6(%arg0: i32) -> (i32, i32) {
    %c0_i32 = arith.constant 0 : i32
    %c0_i32_0 = arith.constant 0 : i32
    %c0_i32_1 = arith.constant 0 : i32
    return %c0_i32, %c0_i32_0 : i32, i32
  }
  func.func @transform_7(%arg0: i32) -> (i32, i32) {
    %c0_i32 = arith.constant 0 : i32
    %c0_i32_0 = arith.constant 0 : i32
    %c0_i32_1 = arith.constant 0 : i32
    return %c0_i32, %c0_i32_0 : i32, i32
  }
  func.func @transform_8(%arg0: i32) -> (i32, i32) {
    %c0_i32 = arith.constant 0 : i32
    %c0_i32_0 = arith.constant 0 : i32
    return %arg0, %c0_i32 : i32, i32
  }
}

</mosaic_0001>

<sc_bundles>
// kernel: kernel.6.cloned.1.call-start
scs
__scs_entry_jumppad:
0x0: {  	(pc) =	sbr.rel $0x88, $3  }
0x1: {  	(tag) =	ssettag $0x0;
	lr =	simm.s32 $0x1  }
0x2: {  	[smem:$0x3F99] =	sst lr;
	_ =	strace $0xD0000000  }
0x3: {  	_ = 	snop  }
0x4: {  	_ = 	snop  }
0x5: {  	_ = 	snop  }
0x6: {  	_ = 	snop  }
0x7: {  	_ = 	snop  }
__scs_overlays_trampoline_lowered:
0x8: {  	[smem:$0x3FA8] =	sst s0  }
0x9: {  	[smem:$0x3FA9] =	sst s1  }
0xa: {  	[smem:$0x3FAA] =	sst s2  }
0xb: {  	[smem:$0x3FAB] =	sst s3  }
0xc: {  	[smem:$0x3FAC] =	sst s4  }
0xd: {  	[smem:$0x3FAD] =	sst s5  }
0xe: {  	[smem:$0x3FAE] =	sst s6  }
0xf: {  	[smem:$0x3FAF] =	sst s7  }
0x10: {  	[smem:$0x3FB0] =	sst s8  }
0x11: {  	[smem:$0x3FB1] =	sst s9;
	s0 =	simm.s32 @!p0 $0x0  }
0x12: {  	s1 =	sld [smem:$0x3F97];
	s0 =	simm.s32 @p0 $0x1  }
0x13: {  	[smem:$0x3FB2] =	sst s0;
	s0 =	simm.s32 @!p1 $0x0  }
0x14: {  	s2 =	sld [smem:$0x3F96];
	s0 =	simm.s32 @p1 $0x1  }
0x15: {  	[smem:$0x3FB3] =	sst s0;
	s0 =	simm.s32 @!p2 $0x0  }
0x16: {  	s3 =	sld [smem:$0x3FDB];
	s0 =	simm.s32 @p2 $0x1  }
0x17: {  	s4 =	simm.s32 $0x1BF5;
	[smem:$0x3FB5] =	sst s0  }
0x18: {  	s0 =	sld [smem:$0x3F98];
	_ =	swait.ge [sflag:s4], $0x0  }
0x19: {  	s7 =	sld [smem:$0x3F99]  }
0x1a: {  	s8 =	sadd.s32 $0xFFFFE003, lr  }
0x1b: {  	s9 =	sadd.s32 $0xFFFFFEF7, lr;
	s5 =	simm.s32 $0xFFFFFFFF;
	p2 =	slt.u32 s8, $0xFFFFF086  }
0x1c: {  	p1 =	slt.u32 s9, $0xF7A;
	s5 =	simm.s32 @!p2 $0x0  }
0x1d: {  	s5 =	simm.s32 @p1 $0x1;
	p0 =	seq.s32 s7, s2  }
0x1e: {  	s7 =	smul.u32 @!p0 $0xF7A, s2;
	p2 =	seq.s32 @!p0 s5, $0x0  }
0x1f: {  	s9 =	smul.u32 $0xF7A, s1;
	s8 =	simm.s32 @!p0 $0x1BF5;
	p2 =	por !p2, p0  }
0x20: {  	[sflag:s8] =	ssyncset.s32 @!p0 $0xFFFFF086;
	s6 =	sadd.s32 @!p0 s3, s7;
	s7 =	simm.s32 @!p0 $0x108  }
0x21: {  	s3 =	sadd.s32 s3, s9;
	s6 =	sadd.s32 @!p0 $0x88, s6;
	s7 =	simm.s32 @p2 $0x1082  }
0x22: {  	[simem:s7], [sflag:s8] =	dma.local @!p0 [hbm:s6], $0xF7A  }
0x23: {  	s9 =	sor.u32 $0xD0000000, s2;
	s6 =	simm.s32 $0x108;
	_ =	swait.ge @!p0 [sflag:s8], $0x0  }
0x24: {  	s3 =	sadd.s32 $0x88, s3;
	s6 =	simm.s32 @!p1 $0x1082;
	[sflag:s4] =	ssyncset.s32 $0xFFFFF086  }
0x25: {  	[simem:s6], [sflag:s4] =	dma.local [hbm:s3], $0xF7A  }
0x26: {  	[smem:$0x3F99] =	sst s1;
	(tag) =	ssettag s2;
	_ =	strace s9  }
0x27: {  	s1 =	sld [smem:$0x3FA9]  }
0x28: {  	s2 =	sld [smem:$0x3FAA]  }
0x29: {  	s4 =	sld [smem:$0x3FAC]  }
0x2a: {  	p0 =	seq.s32 s5, $0x0;
	s5 =	sld [smem:$0x3FAD]  }
0x2b: {  	s6 =	sld [smem:$0x3FAE]  }
0x2c: {  	s7 =	sld [smem:$0x3FAF]  }
0x2d: {  	s3 =	simm.s32 $0x108;
	s8 =	sld [smem:$0x3FB0]  }
0x2e: {  	s3 =	simm.s32 @!p0 $0x1082;
	s9 =	sld [smem:$0x3FB1]  }
0x2f: {  	lr =	sadd.s32 s0, s3;
	s0 =	sld [smem:$0x3FA8]  }
0x30: {  	s3 =	sld [smem:$0x3FAB]  }
0x31: {  	[smem:$0x3FB4] =	sst s10  }
0x32: {  	s10 =	sld [smem:$0x3FB2];
	_ =	sdelay $0x3  }
0x33: {  	p0 =	seq.s32 s10, $0x1;
	s10 =	sld [smem:$0x3FB4];
	_ =	sdelay $0x3  }
0x34: {  	[smem:$0x3FB4] =	sst s10  }
0x35: {  	s10 =	sld [smem:$0x3FB3];
	_ =	sdelay $0x3  }
0x36: {  	p1 =	seq.s32 s10, $0x1;
	s10 =	sld [smem:$0x3FB4];
	_ =	sdelay $0x3  }
0x37: {  	[smem:$0x3FB4] =	sst s10  }
0x38: {  	s10 =	sld [smem:$0x3FB5]  }
0x39: {  	_ = 	snop;
	(pc) =	sbr.ind lr, $3  }
0x3a: {  	_ = 	snop  }
0x3b: {  	_ = 	snop  }
0x3c: {  	p2 =	seq.s32 s10, $0x1;
	s10 =	sld [smem:$0x3FB4]  }
0x3d: {  	_ =	shalt  }
0x3e: {  	_ =	shalt  }
0x3f: {  	_ =	shalt  }
0x40: {  	_ =	shalt  }
0x41: {  	_ =	shalt  }
0x42: {  	_ =	shalt  }
0x43: {  	_ =	shalt  }
0x44: {  	_ =	shalt  }
0x45: {  	_ =	shalt  }
0x46: {  	_ =	shalt  }
0x47: {  	_ =	shalt  }
0x48: {  	_ =	shalt  }
0x49: {  	_ =	shalt  }
0x4a: {  	_ =	shalt  }
0x4b: {  	_ =	shalt  }
0x4c: {  	_ =	shalt  }
0x4d: {  	_ =	shalt  }
0x4e: {  	_ =	shalt  }
0x4f: {  	_ =	shalt  }
0x50: {  	_ =	shalt  }
0x51: {  	_ =	shalt  }
0x52: {  	_ =	shalt  }
0x53: {  	_ =	shalt  }
0x54: {  	_ =	shalt  }
0x55: {  	_ =	shalt  }
0x56: {  	_ =	shalt  }
0x57: {  	_ =	shalt  }
0x58: {  	_ =	shalt  }
0x59: {  	_ =	shalt  }
0x5a: {  	_ =	shalt  }
0x5b: {  	_ =	shalt  }
0x5c: {  	_ =	shalt  }
0x5d: {  	_ =	shalt  }
0x5e: {  	_ =	shalt  }
0x5f: {  	_ =	shalt  }
0x60: {  	_ =	shalt  }
0x61: {  	_ =	shalt  }
0x62: {  	_ =	shalt  }
0x63: {  	_ =	shalt  }
0x64: {  	_ =	shalt  }
0x65: {  	_ =	shalt  }
0x66: {  	_ =	shalt  }
0x67: {  	_ =	shalt  }
0x68: {  	_ =	shalt  }
0x69: {  	_ =	shalt  }
0x6a: {  	_ =	shalt  }
0x6b: {  	_ =	shalt  }
0x6c: {  	_ =	shalt  }
0x6d: {  	_ =	shalt  }
0x6e: {  	_ =	shalt  }
0x6f: {  	_ =	shalt  }
0x70: {  	_ =	shalt  }
0x71: {  	_ =	shalt  }
0x72: {  	_ =	shalt  }
0x73: {  	_ =	shalt  }
0x74: {  	_ =	shalt  }
0x75: {  	_ =	shalt  }
0x76: {  	_ =	shalt  }
0x77: {  	_ =	shalt  }
0x78: {  	_ =	shalt  }
0x79: {  	_ =	shalt  }
0x7a: {  	_ =	shalt  }
0x7b: {  	_ =	shalt  }
0x7c: {  	_ =	shalt  }
0x7d: {  	_ =	shalt  }
0x7e: {  	_ =	shalt  }
0x7f: {  	_ =	shalt  }
0x80: {  	_ =	shalt  }
0x81: {  	_ =	shalt  }
0x82: {  	_ =	shalt  }
0x83: {  	_ =	shalt  }
0x84: {  	_ =	shalt  }
0x85: {  	_ =	shalt  }
0x86: {  	_ =	shalt  }
0x87: {  	_ =	shalt  }
.Lfunc_end0:
.L_simem_size_0:
called_computation_lowered:
.L_overlay_start_0:
0x88: {  	s2 =	sld [smem:$0x3FD9]  }
0x89: {  	s3 =	sld [smem:$0x3FFE];
	_ =	sdelay $0x1  }
0x8a: {  	s1 =	srdreg.scid  }
0x8b: {  	s0 =	sand.u32 $0x1, s1  }
0x8c: {  	s17 =	sshll.u32 s0, $0xA;
	s2 =	sadd.s32 s3, s2  }
0x8d: {  	s2 =	sadd.s32 s2, s17  }
0x8e: {  	[smem:$0x3FC0] =	sst s2  }
0x8f: {  	_ = 	snop  }
0x90: {  	s2 =	sld [smem:$0x3FD0];
	(tm) =	ssettm $0x1  }
0x91: {  	s18 =	sld [smem:$0x3FFB];
	_ =	sdelay $0x3  }
0x92: {  	_ =	strace s18  }
0x93: {  	s3 =	sld [smem:$0x3FFC];
	_ =	sdelay $0x3  }
0x94: {  	_ =	strace s3  }
0x95: {  	s3 =	sld [smem:$0x3FFD];
	_ =	sdelay $0x3  }
0x96: {  	_ =	strace s3  }
0x97: {  	_ =	strace $0x8FFFFFFF  }
0x98: {  	s19 =	sld [smem:$0x3FDB];
	_ =	sdelay $0x1  }
0x99: {  	s4 =	simm.s32 $_scs_section_size  }
0x9a: {  	s5 =	simm.s32 $_size__tile_overlayer_lowered;
	s6 =	simm.s32 $_tile_overlayer_lowered  }
0x9b: {  	s22 =	simm.s32 $0x1BFF;
	s21 =	sshll.u32 s6, $0x1;
	s3 =	sadd.s32 s4, s19  }
0x9c: {  	s7 =	simm.s32 $0x0;
	s20 =	sshll.u32 s5, $0x1;
	s5 =	sadd.s32 s21, s3  }
0x9d: {  	[timem:s7], [sflag:s22] =	dma.local [hbm:s5], s20  }
0x9e: {  	_ =	swait.ge [sflag:s22], s20  }
0x9f: {  	s4 =	ssub.s32 $0x0, s20;
	[sflag:s22] =	ssyncset.done $0x0  }
0xa0: {  	[sflag:s22] =	ssyncadd.s32 s4;
	_ =	sdelay $0x1  }
0xa1: {  	s23 =	simm.s32 $0x1B8B  }
0xa2: {  	_ =	swait.ge [sflag:s23], $0x1  }
0xa3: {  	[sflag:s23] =	ssyncset.done $0x0  }
0xa4: {  	s25 =	simm.s32 $0x1B8E;
	s24 =	sld [smem:$0x3FFE];
	[sflag:s23] =	ssyncadd.s32 $0xFFFFFFFF  }
0xa5: {  	s26 =	simm.s32 $execute0_lowered;
	[smem:$0x3FD2] =	sst s25  }
0xa6: {  	s5 =	sshll.u32 s26, $0x1;
	_ =	strace $0x80000046;
	[dreg:$0x1] =	wrdreg $0xFFFFFFFF  }
0xa7: {  	s28 =	simm.s32 $_size_execute0_lowered;
	s3 =	sadd.s32 s3, s5;
	[dreg:$0x0] =	wrdreg $0x0  }
0xa8: {  	s5 =	sshll.u32 s28, $0x1;
	[dreg:$0x2] =	wrdreg s3  }
0xa9: {  	[dreg:$0x3] =	wrdreg s5  }
0xaa: {  	[dreg:$0x4] =	wrdreg $0xC0  }
0xab: {  	_ =	task [dreg:s7], $0x5FFFF  }
0xac: {  	[dreg:$0x1] =	wrdreg $0xFFFFFFFF  }
0xad: {  	[dreg:$0x0] =	wrdreg $0x60  }
0xae: {  	[dreg:$0x2] =	wrdreg s2  }
0xaf: {  	[dreg:$0x3] =	wrdreg s24  }
0xb0: {  	[dreg:$0x4] =	wrdreg $0x79400  }
0xb1: {  	[dreg:$0x5] =	wrdreg $0x119400  }
0xb2: {  	[dreg:$0x6] =	wrdreg $0x9  }
0xb3: {  	_ =	task.clear_ibuf [dreg:s7], $0x7FFFF;
	_ =	strace $0x90000046  }
0xb4: {  	s29 =	simm.s32 $0x9;
	_ =	strace $0x80000048  }
0xb5: {  	_ =	swait.ge [sflag:s29], $0x1  }
0xb6: {  	[sflag:s29] =	ssyncadd.s32 $0xFFFFFFFF  }
0xb7: {  	_ =	strace $0x90000048  }
0xb8: {  	_ =	sfence  }
0xb9: {  	s30 =	sld [smem:$0x0];
	_ =	sdelay $0x2  }
0xba: {  	s31 =	sshll.u32 s1, $0xD;
	s1 =	sshrl.u32 s1, $0x2  }
0xbb: {  	s3 =	sand.u32 $0x4000, s31;
	s1 =	sadd.s32 s1, s30  }
0xbc: {  	s0 =	sor.u32 s3, s0;
	s1 =	sshll.u32 s1, $0x11  }
0xbd: {  	s0 =	sor.u32 s1, s0  }
0xbe: {  	s0 =	sadd.s32 $0x8F2B, s0  }
0xbf: {  	[sflag:s0] =	ssyncadd.remote.s32 $0x1  }
0xc0: {  	_ =	sfence.sel $0xFFFF  }
0xc1: {  	[dreg:$0x0] =	wrdreg $0xFFFFFFFF;
	(pc) =	sbr.abs _section_cstart, $3  }
0xc2: {  	[dreg:$0x1] =	wrdreg $0xFFFFFFFF  }
0xc3: {  	_ =	task.clear_ibuf [dreg:s7], $0x2FFFF;
	_ =	strace $0x9FFFFFFF  }
0xc4: {  	(tm) =	ssettm $0x7FFFFFFF  }
0xc5: {  	_ =	shalt  }
tec
execute0_lowered:
.L_overlay_start_1:
0x0: {  	(tag) =	ssettag $0x1  }
0x1: {  	s1 =	rddreg [dreg:$0x0]  }
0x2: {  	s0 =	srdreg.scid;
	s5 =	rddreg [dreg:$0x1]  }
0x3: {  	s11 =	stileid.u32;
	s3 =	rddreg [dreg:$0x2]  }
0x4: {  	s4 =	rddreg [dreg:$0x3];
	s18 =	simm.s32 $0x0;
	s7 =	smul.u32 $0xA000, s11  }
0x5: {  	s31 =	simm.s32 $0x6E80;
	s0 =	sand.u32 $0x1, s0;
	s10 =	smul.u32 $0x280, s11  }
0x6: {  	[smem:$0x7FF] =	sst s18;
	s6 =	sadd.s32 $0x2000, s5;
	s8 =	smul.u32 $0xA0000, s0  }
0x7: {  	s2 =	sshll.u32 s0, $0x4;
	_ =	strace $0x80000047;
	s9 =	smul.u32 $0x2800, s0  }
0x8: {  	s0 =	ssub.s32 $0x2, s0;
	s2 =	sor.u32 s11, s2;
	s11 =	smul.u32 $0x28000, s11  }
0x9: {  	s20 =	sshrl.u32 s0, $0x1;
	s30 =	sadd.s32 s10, s4;
	s2 =	smul.u32 $0x4E8, s2  }
0xa: {  	s8 =	sadd.s32 s7, s8;
	s9 =	sadd.s32 s10, s9;
	s0 =	ssub.s32 s0, s20  }
0xb: {  	s10 =	simm.s32 $0x0;
	s0 =	smax.u32 s0, $0x1;
	s2 =	sadd.s32 s2, s5  }
0xc: {  	s11 =	sshrl.u32 s11, $0x2;
	[dreg:$0x14] =	wrdreg s0;
	s21 =	sadd.s32 $0x16000, s2  }
0xd: {  	s11 =	sadd.s32 s11, s3;
	s2 =	sadd.s32 $0x1FE00, s2;
	[dreg:$0x5] =	wrdreg s21  }
0xe: {  	s8 =	sshrl.u32 s8, $0x3;
	s22 =	sadd.s32 $0x1000, s11;
	[dreg:$0x6] =	wrdreg s2  }
0xf: {  	s9 =	sshrl.u32 s9, $0x3;
	s23 =	sadd.s32 $0x1800, s11;
	[dreg:$0x7] =	wrdreg s22  }
0x10: {  	s8 =	sadd.s32 s8, s5;
	s24 =	sadd.s32 $0x2000, s11;
	[dreg:$0x8] =	wrdreg s23  }
0x11: {  	s5 =	sadd.s32 s9, s5;
	s25 =	sadd.s32 $0x2800, s11;
	[dreg:$0x9] =	wrdreg s24  }
0x12: {  	s9 =	sadd.s32 s7, s3;
	s26 =	sadd.s32 $0x3000, s11;
	[dreg:$0xa] =	wrdreg s25  }
0x13: {  	s0 =	simm.s32 $0x40;
	s7 =	sadd.s32 $0x3800, s11;
	[dreg:$0xb] =	wrdreg s26  }
0x14: {  	s19 =	sadd.s32 $0x800, s11;
	s12 =	sadd.s32 $0x4000, s11;
	[dreg:$0xc] =	wrdreg s7  }
0x15: {  	s13 =	sadd.s32 $0x4800, s11;
	s14 =	sadd.s32 $0x5000, s11;
	[dreg:$0xd] =	wrdreg s12  }
0x16: {  	s15 =	sadd.s32 $0x5800, s11;
	s16 =	sadd.s32 $0x6000, s11;
	[dreg:$0xe] =	wrdreg s13  }
0x17: {  	s28 =	sadd.s32 $0x9000, s11;
	s29 =	sadd.s32 $0x9800, s11;
	[dreg:$0xf] =	wrdreg s14  }
0x18: {  	s17 =	sadd.s32 $0x29C00, s5;
	s20 =	sadd.s32 $0x2A600, s8;
	[dreg:$0x10] =	wrdreg s15  }
0x19: {  	s5 =	simm.s32 $0x7680;
	[dreg:$0x15] =	wrdreg s16;
	s22 =	sadd.s32 $0x6800, s11  }
0x1a: {  	s23 =	sadd.s32 $0x7000, s11;
	s24 =	sadd.s32 $0x7800, s11;
	[dreg:$0x11] =	wrdreg s17  }
0x1b: {  	s25 =	sadd.s32 $0x8000, s11;
	s26 =	sadd.s32 $0x8800, s11;
	[dreg:$0x12] =	wrdreg s20  }
0x1c: {  	s21 =	sadd.s32 $0x52600, s8;
	s8 =	simm.s32 $0x2;
	s2 =	simm.s32 $0x4E80  }
0x1d: {  	v0 =	vimm.f32 $0.0e+00;
	v1 =	vimm.f32 $1.000000000e+00;
	s7 =	simm.s32 $0x1;
	[dreg:$0x13] =	wrdreg s21;
	s21 =	simm.s32 $0x4E40  }
.LBB2_1:
0x1e: {  	s11 =	rddreg [dreg:$0x5]  }
0x1f: {  	[tilespmem:s18], [sflag:$0x2] =	stream.linear.gather [hbm4b:s11+s18], $0x2740, $0x38;
	[tilespmem:$0x11BC0] =	vst v63  }
0x20: {  	_ =	swait.ge [sflag:s8], $0x2740  }
0x21: {  	[sflag:s8] =	ssyncset.done $0x0  }
0x22: {  	s12 =	simm.s32 $0x2740;
	s20 =	rddreg [dreg:$0x6];
	[sflag:s8] =	ssyncadd.s32 $0xFFFFD8C0  }
0x23: {  	[tilespmem:s12], [sflag:$0x2] =	stream.linear.gather [hbm4b:s20+s18], $0x2740, $0x38;
	[tilespmem:$0x11BC0] =	vst v63  }
0x24: {  	_ =	swait.ge [sflag:s8], $0x2740  }
0x25: {  	[sflag:s8] =	ssyncset.done $0x0  }
0x26: {  	s11 =	simm.s32 $0x0;
	s12 =	simm.s32 $0x100;
	[sflag:s8] =	ssyncadd.s32 $0xFFFFD8C0  }
.LBB2_2:
0x27: {  	p0 =	sne.s32 s12, $0x1F00;
	[tilespmem:s11+$0x6EB0] =	vst v0;
	s13 =	smov.u32 s12;
	s12 =	sadd.s32 $0x100, s12  }
.Ltmp0:
0x28: {  	[tilespmem:s11+$0x6EA0] =	vst v0;
	(pc) =	sbr.rel @p0 .LBB2_2-.Ltmp0, $3  }
0x29: {  	[tilespmem:s11+$0x6E80] =	vst v0  }
0x2a: {  	[tilespmem:s11+$0x6E90] =	vst v0;
	_ =	sdelay $0x1  }
0x2b: {  	s11 =	sshra.s32 s13, $0x2  }
0x2c: {  	[tilespmem:s11+$0x6EB0] =	vst v0  }
0x2d: {  	[tilespmem:s11+$0x6EA0] =	vst v0  }
0x2e: {  	[tilespmem:s11+$0x6E80] =	vst v0  }
0x2f: {  	[tilespmem:s11+$0x6E90] =	vst v0  }
0x30: {  	[tilespmem:$0x76C0] =	vst v0  }
0x31: {  	[tilespmem:$0x76D0] =	vst v0  }
0x32: {  	[tilespmem:$0x76E0] =	vst v0  }
0x33: {  	[tilespmem:$0x76F0] =	vst v0  }
0x34: {  	[tilespmem:$0x7700] =	vst v0  }
0x35: {  	[tilespmem:$0x7710] =	vst v0  }
0x36: {  	[tilespmem:$0x7720] =	vst v0  }
0x37: {  	[tilespmem:$0x7730] =	vst v0  }
0x38: {  	[tilespmem:$0x7740] =	vst v0  }
0x39: {  	[tilespmem:$0x7750] =	vst v0  }
0x3a: {  	[tilespmem:$0x7760] =	vst v0  }
0x3b: {  	[tilespmem:$0x7770] =	vst v0  }
0x3c: {  	[tilespmem:$0x7780] =	vst v0  }
0x3d: {  	[tilespmem:$0x7790] =	vst v0  }
0x3e: {  	[tilespmem:$0x77A0] =	vst v0  }
0x3f: {  	[tilespmem:$0x77B0] =	vst v0  }
0x40: {  	[tilespmem:$0x77C0] =	vst v0  }
0x41: {  	[tilespmem:$0x77D0] =	vst v0  }
0x42: {  	[tilespmem:$0x77E0] =	vst v0  }
0x43: {  	[tilespmem:$0x77F0] =	vst v0  }
0x44: {  	[tilespmem:$0x7800] =	vst v0  }
0x45: {  	[tilespmem:$0x7810] =	vst v0  }
0x46: {  	[tilespmem:$0x7820] =	vst v0  }
0x47: {  	[tilespmem:$0x7830] =	vst v0  }
0x48: {  	[tilespmem:$0x7840] =	vst v0  }
0x49: {  	[tilespmem:$0x7850] =	vst v0  }
0x4a: {  	[tilespmem:$0x7860] =	vst v0  }
0x4b: {  	[tilespmem:$0x7870] =	vst v0  }
0x4c: {  	[tilespmem:$0x7880] =	vst v0  }
0x4d: {  	[tilespmem:$0x7890] =	vst v0  }
0x4e: {  	[tilespmem:$0x78A0] =	vst v0  }
0x4f: {  	[tilespmem:$0x78B0] =	vst v0  }
0x50: {  	[tilespmem:$0x78C0] =	vst v0  }
0x51: {  	[tilespmem:$0x78D0] =	vst v0  }
0x52: {  	[tilespmem:$0x78E0] =	vst v0  }
0x53: {  	[tilespmem:$0x78F0] =	vst v0  }
0x54: {  	[tilespmem:$0x7900] =	vst v0  }
0x55: {  	[tilespmem:$0x7910] =	vst v0  }
0x56: {  	[tilespmem:$0x7920] =	vst v0  }
0x57: {  	[tilespmem:$0x7930] =	vst v0  }
0x58: {  	[tilespmem:$0x7680] =	vst v1  }
0x59: {  	[tilespmem:$0x7690] =	vst v1  }
0x5a: {  	[tilespmem:$0x76A0] =	vst v1  }
0x5b: {  	[tilespmem:$0x76B0] =	vst v1  }
0x5c: {  	[spmem:s9] =	stream.linear.scatter [tilespmem:s31], [sflag:$0x2], $0x800, $0x38;
	[tilespmem:$0x11BC0] =	vst v63  }
0x5d: {  	_ =	swait.ge [sflag:s8], $0x800  }
0x5e: {  	[sflag:s8] =	ssyncset.done $0x0  }
0x5f: {  	[sflag:s8] =	ssyncadd.s32 $0xFFFFF800  }
0x60: {  	[spmem:s19] =	stream.linear.scatter [tilespmem:s31], [sflag:$0x2], $0x800, $0x38;
	[tilespmem:$0x11BC0] =	vst v63  }
0x61: {  	_ =	swait.ge [sflag:s8], $0x800  }
0x62: {  	[sflag:s8] =	ssyncset.done $0x0  }
0x63: {  	s17 =	rddreg [dreg:$0x7];
	[sflag:s8] =	ssyncadd.s32 $0xFFFFF800  }
0x64: {  	[spmem:s17] =	stream.linear.scatter [tilespmem:s31], [sflag:$0x2], $0x800, $0x38;
	[tilespmem:$0x11BC0] =	vst v63  }
0x65: {  	_ =	swait.ge [sflag:s8], $0x800  }
0x66: {  	[sflag:s8] =	ssyncset.done $0x0  }
0x67: {  	s20 =	rddreg [dreg:$0x8];
	[sflag:s8] =	ssyncadd.s32 $0xFFFFF800  }
0x68: {  	[spmem:s20] =	stream.linear.scatter [tilespmem:s31], [sflag:$0x2], $0x800, $0x38;
	[tilespmem:$0x11BC0] =	vst v63  }
0x69: {  	_ =	swait.ge [sflag:s8], $0x800  }
0x6a: {  	[sflag:s8] =	ssyncset.done $0x0  }
0x6b: {  	s12 =	rddreg [dreg:$0x9];
	[sflag:s8] =	ssyncadd.s32 $0xFFFFF800  }
0x6c: {  	[spmem:s12] =	stream.linear.scatter [tilespmem:s31], [sflag:$0x2], $0x800, $0x38;
	[tilespmem:$0x11BC0] =	vst v63  }
0x6d: {  	_ =	swait.ge [sflag:s8], $0x800  }
0x6e: {  	[sflag:s8] =	ssyncset.done $0x0  }
0x6f: {  	s13 =	rddreg [dreg:$0xa];
	[sflag:s8] =	ssyncadd.s32 $0xFFFFF800  }
0x70: {  	[spmem:s13] =	stream.linear.scatter [tilespmem:s31], [sflag:$0x2], $0x800, $0x38;
	[tilespmem:$0x11BC0] =	vst v63  }
0x71: {  	_ =	swait.ge [sflag:s8], $0x800  }
0x72: {  	[sflag:s8] =	ssyncset.done $0x0  }
0x73: {  	s14 =	rddreg [dreg:$0xb];
	[sflag:s8] =	ssyncadd.s32 $0xFFFFF800  }
0x74: {  	[spmem:s14] =	stream.linear.scatter [tilespmem:s31], [sflag:$0x2], $0x800, $0x38;
	[tilespmem:$0x11BC0] =	vst v63  }
0x75: {  	_ =	swait.ge [sflag:s8], $0x800  }
0x76: {  	[sflag:s8] =	ssyncset.done $0x0  }
0x77: {  	s15 =	rddreg [dreg:$0xc];
	[sflag:s8] =	ssyncadd.s32 $0xFFFFF800  }
0x78: {  	[spmem:s15] =	stream.linear.scatter [tilespmem:s31], [sflag:$0x2], $0x800, $0x38;
	[tilespmem:$0x11BC0] =	vst v63  }
0x79: {  	_ =	swait.ge [sflag:s8], $0x800  }
0x7a: {  	[sflag:s8] =	ssyncset.done $0x0  }
0x7b: {  	s16 =	rddreg [dreg:$0xd];
	[sflag:s8] =	ssyncadd.s32 $0xFFFFF800  }
0x7c: {  	[spmem:s16] =	stream.linear.scatter [tilespmem:s31], [sflag:$0x2], $0x800, $0x38;
	[tilespmem:$0x11BC0] =	vst v63  }
0x7d: {  	_ =	swait.ge [sflag:s8], $0x800  }
0x7e: {  	[sflag:s8] =	ssyncset.done $0x0  }
0x7f: {  	s17 =	rddreg [dreg:$0xe];
	[sflag:s8] =	ssyncadd.s32 $0xFFFFF800  }
0x80: {  	[spmem:s17] =	stream.linear.scatter [tilespmem:s31], [sflag:$0x2], $0x800, $0x38;
	[tilespmem:$0x11BC0] =	vst v63  }
0x81: {  	_ =	swait.ge [sflag:s8], $0x800  }
0x82: {  	[sflag:s8] =	ssyncset.done $0x0  }
0x83: {  	s20 =	rddreg [dreg:$0xf];
	[sflag:s8] =	ssyncadd.s32 $0xFFFFF800  }
0x84: {  	[spmem:s20] =	stream.linear.scatter [tilespmem:s31], [sflag:$0x2], $0x800, $0x38;
	[tilespmem:$0x11BC0] =	vst v63  }
0x85: {  	_ =	swait.ge [sflag:s8], $0x800  }
0x86: {  	[sflag:s8] =	ssyncset.done $0x0  }
0x87: {  	s12 =	rddreg [dreg:$0x10];
	[sflag:s8] =	ssyncadd.s32 $0xFFFFF800  }
0x88: {  	[spmem:s12] =	stream.linear.scatter [tilespmem:s31], [sflag:$0x2], $0x800, $0x38;
	[tilespmem:$0x11BC0] =	vst v63  }
0x89: {  	_ =	swait.ge [sflag:s8], $0x800  }
0x8a: {  	[sflag:s8] =	ssyncset.done $0x0  }
0x8b: {  	s13 =	rddreg [dreg:$0x15];
	[sflag:s8] =	ssyncadd.s32 $0xFFFFF800  }
0x8c: {  	[spmem:s13] =	stream.linear.scatter [tilespmem:s31], [sflag:$0x2], $0x800, $0x38;
	[tilespmem:$0x11BC0] =	vst v63  }
0x8d: {  	_ =	swait.ge [sflag:s8], $0x800  }
0x8e: {  	[sflag:s8] =	ssyncset.done $0x0  }
0x8f: {  	[sflag:s8] =	ssyncadd.s32 $0xFFFFF800  }
0x90: {  	[spmem:s22] =	stream.linear.scatter [tilespmem:s31], [sflag:$0x2], $0x800, $0x38;
	[tilespmem:$0x11BC0] =	vst v63  }
0x91: {  	_ =	swait.ge [sflag:s8], $0x800  }
0x92: {  	[sflag:s8] =	ssyncset.done $0x0  }
0x93: {  	[sflag:s8] =	ssyncadd.s32 $0xFFFFF800  }
0x94: {  	[spmem:s23] =	stream.linear.scatter [tilespmem:s31], [sflag:$0x2], $0x800, $0x38;
	[tilespmem:$0x11BC0] =	vst v63  }
0x95: {  	_ =	swait.ge [sflag:s8], $0x800  }
0x96: {  	[sflag:s8] =	ssyncset.done $0x0  }
0x97: {  	[sflag:s8] =	ssyncadd.s32 $0xFFFFF800  }
0x98: {  	[spmem:s24] =	stream.linear.scatter [tilespmem:s31], [sflag:$0x2], $0x800, $0x38;
	[tilespmem:$0x11BC0] =	vst v63  }
0x99: {  	_ =	swait.ge [sflag:s8], $0x800  }
0x9a: {  	[sflag:s8] =	ssyncset.done $0x0  }
0x9b: {  	[sflag:s8] =	ssyncadd.s32 $0xFFFFF800  }
0x9c: {  	[spmem:s25] =	stream.linear.scatter [tilespmem:s31], [sflag:$0x2], $0x800, $0x38;
	[tilespmem:$0x11BC0] =	vst v63  }
0x9d: {  	_ =	swait.ge [sflag:s8], $0x800  }
0x9e: {  	[sflag:s8] =	ssyncset.done $0x0  }
0x9f: {  	[sflag:s8] =	ssyncadd.s32 $0xFFFFF800  }
0xa0: {  	[spmem:s26] =	stream.linear.scatter [tilespmem:s31], [sflag:$0x2], $0x800, $0x38;
	[tilespmem:$0x11BC0] =	vst v63  }
0xa1: {  	_ =	swait.ge [sflag:s8], $0x800  }
0xa2: {  	[sflag:s8] =	ssyncset.done $0x0  }
0xa3: {  	[sflag:s8] =	ssyncadd.s32 $0xFFFFF800  }
0xa4: {  	[spmem:s28] =	stream.linear.scatter [tilespmem:s31], [sflag:$0x2], $0x800, $0x38;
	[tilespmem:$0x11BC0] =	vst v63  }
0xa5: {  	_ =	swait.ge [sflag:s8], $0x800  }
0xa6: {  	[sflag:s8] =	ssyncset.done $0x0  }
0xa7: {  	[sflag:s8] =	ssyncadd.s32 $0xFFFFF800  }
0xa8: {  	[spmem:s29] =	stream.linear.scatter [tilespmem:s31], [sflag:$0x2], $0x800, $0x38;
	[tilespmem:$0x11BC0] =	vst v63  }
0xa9: {  	_ =	swait.ge [sflag:s8], $0x800  }
0xaa: {  	[sflag:s8] =	ssyncset.done $0x0  }
0xab: {  	s14 =	simm.s32 $0x76C0;
	[sflag:s8] =	ssyncadd.s32 $0xFFFFF800  }
0xac: {  	[spmem:s30] =	stream.linear.scatter [tilespmem:s14], [sflag:$0x2], $0x280, $0x38;
	[tilespmem:$0x11BC0] =	vst v63  }
0xad: {  	_ =	swait.ge [sflag:s8], $0x280  }
0xae: {  	s12 =	simm.s32 $0x4000;
	[sflag:s8] =	ssyncset.done $0x0  }
0xaf: {  	s12 =	sand.u32 $0x4000, s12;
	[sflag:s8] =	ssyncadd.s32 $0xFFFFFD80  }
0xb0: {  	s15 =	simm.s32 $0x40;
	s12 =	sshrl.u32 s12, $0x2;
	[bflag:$0x0] =	sbarrier.arrive $0xFFFF  }
0xb1: {  	[tilespmem:s2], [sflag:$0x1] =	stream.indirect.gather [hbm4b:s1+s15], $0x40, s18, s15, $0xb8;
	[tilespmem:$0x11BC0] =	vst v63  }
0xb2: {  	s12 =	sor.u32 $0x4E80, s12;
	s13 =	simm.s32 $0x0  }
0xb3: {  	[tilespmem:s12], [sflag:$0x1] =	stream.indirect.gather [hbm4b:s1+s0], $0x40, s15, s0, $0xb8;
	[tilespmem:$0x11BC0] =	vst v63  }
0xb4: {  	s16 =	sand.u32 $0x4000, s13;
	_ =	swait.ge [sflag:s7], $0x1000  }
0xb5: {  	s11 =	sshrl.u32 s16, $0x2;
	[sflag:s7] =	ssyncset.done $0x0  }
0xb6: {  	s17 =	simm.s32 $0x2740;
	s11 =	sor.u32 $0x4E80, s11;
	[sflag:s7] =	ssyncadd.s32 $0xFFFFF000  }
0xb7: {  	[spmem:s3] =	stream.indirect.scatter.add.f32 [tilespmem:s11], [sflag:$0x2], $0x40, s17, s0, $0xb8;
	[tilespmem:$0x11BC0] =	vst v63  }
0xb8: {  	_ =	swait.ge [sflag:s8], $0x1000  }
0xb9: {  	[sflag:s8] =	ssyncset.done $0x0  }
0xba: {  	s13 =	simm.s32 $0x80;
	s12 =	simm.s32 $0x8000;
	[sflag:s8] =	ssyncadd.s32 $0xFFFFF000  }
0xbb: {  	[spmem:s4] =	stream.indirect.scatter.add.f32 [tilespmem:s5], [sflag:$0x2], $0x1, s17, s0, $0xb8;
	[tilespmem:$0x11BC0] =	vst v63  }
0xbc: {  	s14 =	simm.s32 $0xC000;
	s20 =	sand.u32 $0x4000, s12;
	_ =	swait.ge [sflag:s8], $0x40  }
0xbd: {  	s15 =	sshrl.u32 s20, $0x2;
	s11 =	simm.s32 $0x2780;
	[sflag:s8] =	ssyncset.done $0x0  }
.LBB2_4:
0xbe: {  	s15 =	sor.u32 $0x4E80, s15  }
0xbf: {  	s16 =	sadd.s32 $0xFFFFC000, s12;
	[sflag:s8] =	ssyncadd.s32 $0xFFFFFFC0;
	s12 =	smov.u32 s14  }
0xc0: {  	[tilespmem:s15], [sflag:$0x1] =	stream.indirect.gather [hbm4b:s1+s0], $0x40, s13, s0, $0xb8;
	[tilespmem:$0x11BC0] =	vst v63  }
0xc1: {  	s17 =	sadd.s32 $0x4000, s14;
	s15 =	sand.u32 $0x4000, s16;
	_ =	swait.ge [sflag:s7], $0x1000  }
0xc2: {  	p0 =	sne.s32 s14, $0x270000;
	s14 =	sshrl.u32 s15, $0x2;
	[sflag:s7] =	ssyncset.done $0x0  }
0xc3: {  	s14 =	sor.u32 $0x4E80, s14;
	[sflag:s7] =	ssyncadd.s32 $0xFFFFF000  }
0xc4: {  	[spmem:s3] =	stream.indirect.scatter.add.f32 [tilespmem:s14], [sflag:$0x2], $0x40, s11, s0, $0xb8;
	[tilespmem:$0x11BC0] =	vst v63  }
0xc5: {  	_ =	swait.ge [sflag:s8], $0x1000  }
.Ltmp1:
0xc6: {  	[sflag:s8] =	ssyncset.done $0x0;
	(pc) =	sbr.rel @p0 .LBB2_4-.Ltmp1, $4  }
0xc7: {  	s14 =	sand.u32 $0x4000, s12;
	[sflag:s8] =	ssyncadd.s32 $0xFFFFF000  }
0xc8: {  	[spmem:s4] =	stream.indirect.scatter.add.f32 [tilespmem:s5], [sflag:$0x2], $0x1, s11, s0, $0xb8;
	[tilespmem:$0x11BC0] =	vst v63  }
0xc9: {  	s13 =	sadd.s32 $0x40, s13;
	s15 =	sshrl.u32 s14, $0x2;
	_ =	swait.ge [sflag:s8], $0x40  }
0xca: {  	s14 =	smov.u32 s17;
	s11 =	sadd.s32 $0x40, s11;
	[sflag:s8] =	ssyncset.done $0x0  }
0xcb: {  	s14 =	sor.u32 $0x4E80, s15;
	s12 =	sadd.s32 $0xFFFFC000, s12;
	[sflag:s8] =	ssyncadd.s32 $0xFFFFFFC0  }
0xcc: {  	[tilespmem:s14], [sflag:$0x1] =	stream.indirect.gather [hbm4b:s1+s0], $0x40, s13, s0, $0xb8;
	[tilespmem:$0x11BC0] =	vst v63  }
0xcd: {  	s12 =	sand.u32 $0x4000, s12;
	_ =	swait.ge [sflag:s7], $0x1000  }
0xce: {  	s12 =	sshrl.u32 s12, $0x2;
	[sflag:s7] =	ssyncset.done $0x0  }
0xcf: {  	s12 =	sor.u32 $0x4E80, s12;
	[sflag:s7] =	ssyncadd.s32 $0xFFFFF000  }
0xd0: {  	[spmem:s3] =	stream.indirect.scatter.add.f32 [tilespmem:s12], [sflag:$0x2], $0x40, s11, s0, $0xb8;
	[tilespmem:$0x11BC0] =	vst v63  }
0xd1: {  	_ =	swait.ge [sflag:s8], $0x1000  }
0xd2: {  	[sflag:s8] =	ssyncset.done $0x0  }
0xd3: {  	[sflag:s8] =	ssyncadd.s32 $0xFFFFF000  }
0xd4: {  	[spmem:s4] =	stream.indirect.scatter.add.f32 [tilespmem:s5], [sflag:$0x2], $0x1, s11, s0, $0xb8;
	[tilespmem:$0x11BC0] =	vst v63  }
0xd5: {  	_ =	swait.ge [sflag:s8], $0x40  }
0xd6: {  	[sflag:s8] =	ssyncset.done $0x0  }
0xd7: {  	[sflag:s8] =	ssyncadd.s32 $0xFFFFFFC0  }
0xd8: {  	_ =	swait.ge [sflag:s7], $0x1000  }
0xd9: {  	[sflag:s7] =	ssyncset.done $0x0  }
0xda: {  	s16 =	simm.s32 $0x4E40;
	s13 =	simm.s32 $0x40;
	[sflag:s7] =	ssyncadd.s32 $0xFFFFF000  }
0xdb: {  	[spmem:s3] =	stream.indirect.scatter.add.f32 [tilespmem:s2], [sflag:$0x2], $0x40, s16, s13, $0xb8;
	[tilespmem:$0x11BC0] =	vst v63  }
0xdc: {  	_ =	swait.ge [sflag:s8], $0x1000  }
0xdd: {  	[sflag:s8] =	ssyncset.done $0x0  }
0xde: {  	[sflag:s8] =	ssyncadd.s32 $0xFFFFF000  }
0xdf: {  	[spmem:s4] =	stream.indirect.scatter.add.f32 [tilespmem:s5], [sflag:$0x2], $0x1, s16, s13, $0xb8;
	[tilespmem:$0x11BC0] =	vst v63  }
0xe0: {  	_ =	swait.ge [sflag:s8], $0x40  }
0xe1: {  	[sflag:s8] =	ssyncset.done $0x0  }
0xe2: {  	s17 =	stileid.u32;
	[sflag:s8] =	ssyncadd.s32 $0xFFFFFFC0  }
0xe3: {  	s11 =	sshll.u32 s17, $0x6;
	[bflag:$0x0] =	sbarrier.arrive $0xFFFF  }
0xe4: {  	s12 =	sshrl.u32 s9, $0x3;
	s11 =	sor.u32 $0x1C02, s11;
	s20 =	rddreg [dreg:$0x12]  }
0xe5: {  	[hbm:s20], [sflag:s11] =	dma.local [spmem:s12], $0x1400  }
0xe6: {  	_ =	swait.ge [sflag:s8], $0x1400  }
0xe7: {  	[sflag:s8] =	ssyncset.done $0x0  }
0xe8: {  	s15 =	sshrl.u32 s30, $0x3;
	s16 =	rddreg [dreg:$0x11];
	[sflag:s8] =	ssyncadd.s32 $0xFFFFEC00  }
0xe9: {  	[hbm:s16], [sflag:s11] =	dma.local [spmem:s15], $0x50  }
0xea: {  	_ =	swait.ge [sflag:s8], $0x50  }
0xeb: {  	[sflag:s8] =	ssyncset.done $0x0  }
0xec: {  	[sflag:s8] =	ssyncadd.s32 $0xFFFFFFB0  }
0xed: {  	[spmem:s9] =	stream.linear.scatter [tilespmem:s31], [sflag:$0x2], $0x800, $0x38;
	[tilespmem:$0x11BC0] =	vst v63  }
0xee: {  	_ =	swait.ge [sflag:s8], $0x800  }
0xef: {  	[sflag:s8] =	ssyncset.done $0x0  }
0xf0: {  	[sflag:s8] =	ssyncadd.s32 $0xFFFFF800  }
0xf1: {  	[spmem:s19] =	stream.linear.scatter [tilespmem:s31], [sflag:$0x2], $0x800, $0x38;
	[tilespmem:$0x11BC0] =	vst v63  }
0xf2: {  	_ =	swait.ge [sflag:s8], $0x800  }
0xf3: {  	[sflag:s8] =	ssyncset.done $0x0  }
0xf4: {  	s17 =	rddreg [dreg:$0x7];
	[sflag:s8] =	ssyncadd.s32 $0xFFFFF800  }
0xf5: {  	[spmem:s17] =	stream.linear.scatter [tilespmem:s31], [sflag:$0x2], $0x800, $0x38;
	[tilespmem:$0x11BC0] =	vst v63  }
0xf6: {  	_ =	swait.ge [sflag:s8], $0x800  }
0xf7: {  	[sflag:s8] =	ssyncset.done $0x0  }
0xf8: {  	s20 =	smov.u32 s19;
	s19 =	rddreg [dreg:$0x8];
	[sflag:s8] =	ssyncadd.s32 $0xFFFFF800  }
0xf9: {  	[spmem:s19] =	stream.linear.scatter [tilespmem:s31], [sflag:$0x2], $0x800, $0x38;
	[tilespmem:$0x11BC0] =	vst v63  }
0xfa: {  	_ =	swait.ge [sflag:s8], $0x800  }
0xfb: {  	[sflag:s8] =	ssyncset.done $0x0  }
0xfc: {  	s15 =	rddreg [dreg:$0x9];
	[sflag:s8] =	ssyncadd.s32 $0xFFFFF800  }
0xfd: {  	[spmem:s15] =	stream.linear.scatter [tilespmem:s31], [sflag:$0x2], $0x800, $0x38;
	[tilespmem:$0x11BC0] =	vst v63  }
0xfe: {  	_ =	swait.ge [sflag:s8], $0x800  }
0xff: {  	[sflag:s8] =	ssyncset.done $0x0  }
0x100: {  	s16 =	rddreg [dreg:$0xa];
	[sflag:s8] =	ssyncadd.s32 $0xFFFFF800  }
0x101: {  	[spmem:s16] =	stream.linear.scatter [tilespmem:s31], [sflag:$0x2], $0x800, $0x38;
	[tilespmem:$0x11BC0] =	vst v63  }
0x102: {  	_ =	swait.ge [sflag:s8], $0x800  }
0x103: {  	[sflag:s8] =	ssyncset.done $0x0  }
0x104: {  	s17 =	rddreg [dreg:$0xb];
	[sflag:s8] =	ssyncadd.s32 $0xFFFFF800  }
0x105: {  	[spmem:s17] =	stream.linear.scatter [tilespmem:s31], [sflag:$0x2], $0x800, $0x38;
	[tilespmem:$0x11BC0] =	vst v63  }
0x106: {  	_ =	swait.ge [sflag:s8], $0x800  }
0x107: {  	[sflag:s8] =	ssyncset.done $0x0  }
0x108: {  	s19 =	rddreg [dreg:$0xc];
	[sflag:s8] =	ssyncadd.s32 $0xFFFFF800  }
0x109: {  	[spmem:s19] =	stream.linear.scatter [tilespmem:s31], [sflag:$0x2], $0x800, $0x38;
	[tilespmem:$0x11BC0] =	vst v63  }
0x10a: {  	_ =	swait.ge [sflag:s8], $0x800  }
0x10b: {  	[sflag:s8] =	ssyncset.done $0x0  }
0x10c: {  	s15 =	rddreg [dreg:$0xd];
	[sflag:s8] =	ssyncadd.s32 $0xFFFFF800  }
0x10d: {  	[spmem:s15] =	stream.linear.scatter [tilespmem:s31], [sflag:$0x2], $0x800, $0x38;
	[tilespmem:$0x11BC0] =	vst v63  }
0x10e: {  	_ =	swait.ge [sflag:s8], $0x800  }
0x10f: {  	[sflag:s8] =	ssyncset.done $0x0  }
0x110: {  	s16 =	rddreg [dreg:$0xe];
	[sflag:s8] =	ssyncadd.s32 $0xFFFFF800  }
0x111: {  	[spmem:s16] =	stream.linear.scatter [tilespmem:s31], [sflag:$0x2], $0x800, $0x38;
	[tilespmem:$0x11BC0] =	vst v63  }
0x112: {  	_ =	swait.ge [sflag:s8], $0x800  }
0x113: {  	[sflag:s8] =	ssyncset.done $0x0  }
0x114: {  	s17 =	rddreg [dreg:$0xf];
	[sflag:s8] =	ssyncadd.s32 $0xFFFFF800  }
0x115: {  	[spmem:s17] =	stream.linear.scatter [tilespmem:s31], [sflag:$0x2], $0x800, $0x38;
	[tilespmem:$0x11BC0] =	vst v63  }
0x116: {  	_ =	swait.ge [sflag:s8], $0x800  }
0x117: {  	[sflag:s8] =	ssyncset.done $0x0  }
0x118: {  	s19 =	rddreg [dreg:$0x10];
	[sflag:s8] =	ssyncadd.s32 $0xFFFFF800  }
0x119: {  	[spmem:s19] =	stream.linear.scatter [tilespmem:s31], [sflag:$0x2], $0x800, $0x38;
	[tilespmem:$0x11BC0] =	vst v63  }
0x11a: {  	_ =	swait.ge [sflag:s8], $0x800  }
0x11b: {  	[sflag:s8] =	ssyncset.done $0x0  }
0x11c: {  	s15 =	rddreg [dreg:$0x15];
	[sflag:s8] =	ssyncadd.s32 $0xFFFFF800  }
0x11d: {  	[spmem:s15] =	stream.linear.scatter [tilespmem:s31], [sflag:$0x2], $0x800, $0x38;
	[tilespmem:$0x11BC0] =	vst v63  }
0x11e: {  	_ =	swait.ge [sflag:s8], $0x800  }
0x11f: {  	[sflag:s8] =	ssyncset.done $0x0  }
0x120: {  	[sflag:s8] =	ssyncadd.s32 $0xFFFFF800  }
0x121: {  	[spmem:s22] =	stream.linear.scatter [tilespmem:s31], [sflag:$0x2], $0x800, $0x38;
	[tilespmem:$0x11BC0] =	vst v63  }
0x122: {  	_ =	swait.ge [sflag:s8], $0x800  }
0x123: {  	[sflag:s8] =	ssyncset.done $0x0  }
0x124: {  	[sflag:s8] =	ssyncadd.s32 $0xFFFFF800  }
0x125: {  	[spmem:s23] =	stream.linear.scatter [tilespmem:s31], [sflag:$0x2], $0x800, $0x38;
	[tilespmem:$0x11BC0] =	vst v63  }
0x126: {  	_ =	swait.ge [sflag:s8], $0x800  }
0x127: {  	[sflag:s8] =	ssyncset.done $0x0  }
0x128: {  	[sflag:s8] =	ssyncadd.s32 $0xFFFFF800  }
0x129: {  	[spmem:s24] =	stream.linear.scatter [tilespmem:s31], [sflag:$0x2], $0x800, $0x38;
	[tilespmem:$0x11BC0] =	vst v63  }
0x12a: {  	_ =	swait.ge [sflag:s8], $0x800  }
0x12b: {  	[sflag:s8] =	ssyncset.done $0x0  }
0x12c: {  	[sflag:s8] =	ssyncadd.s32 $0xFFFFF800  }
0x12d: {  	[spmem:s25] =	stream.linear.scatter [tilespmem:s31], [sflag:$0x2], $0x800, $0x38;
	[tilespmem:$0x11BC0] =	vst v63  }
0x12e: {  	_ =	swait.ge [sflag:s8], $0x800  }
0x12f: {  	[sflag:s8] =	ssyncset.done $0x0  }
0x130: {  	[sflag:s8] =	ssyncadd.s32 $0xFFFFF800  }
0x131: {  	[spmem:s26] =	stream.linear.scatter [tilespmem:s31], [sflag:$0x2], $0x800, $0x38;
	[tilespmem:$0x11BC0] =	vst v63  }
0x132: {  	_ =	swait.ge [sflag:s8], $0x800  }
0x133: {  	[sflag:s8] =	ssyncset.done $0x0  }
0x134: {  	[sflag:s8] =	ssyncadd.s32 $0xFFFFF800  }
0x135: {  	[spmem:s28] =	stream.linear.scatter [tilespmem:s31], [sflag:$0x2], $0x800, $0x38;
	[tilespmem:$0x11BC0] =	vst v63  }
0x136: {  	_ =	swait.ge [sflag:s8], $0x800  }
0x137: {  	[sflag:s8] =	ssyncset.done $0x0  }
0x138: {  	[sflag:s8] =	ssyncadd.s32 $0xFFFFF800  }
0x139: {  	[spmem:s29] =	stream.linear.scatter [tilespmem:s31], [sflag:$0x2], $0x800, $0x38;
	[tilespmem:$0x11BC0] =	vst v63  }
0x13a: {  	_ =	swait.ge [sflag:s8], $0x800  }
0x13b: {  	s16 =	simm.s32 $0x4000;
	[sflag:s8] =	ssyncset.done $0x0  }
0x13c: {  	s14 =	sand.u32 $0x4000, s16;
	[sflag:s8] =	ssyncadd.s32 $0xFFFFF800  }
0x13d: {  	s14 =	sshrl.u32 s14, $0x2;
	s17 =	simm.s32 $0x0;
	[bflag:$0x0] =	sbarrier.arrive $0xFFFF  }
0x13e: {  	[tilespmem:s2], [sflag:$0x1] =	stream.indirect.gather [hbm4b:s6+s13], $0x40, s18, s13, $0xb8;
	[tilespmem:$0x11BC0] =	vst v63  }
0x13f: {  	s14 =	sor.u32 $0x4E80, s14;
	s15 =	sand.u32 $0x4000, s17  }
0x140: {  	[tilespmem:s14], [sflag:$0x1] =	stream.indirect.gather [hbm4b:s6+s0], $0x40, s13, s0, $0xb8;
	[tilespmem:$0x11BC0] =	vst v63  }
0x141: {  	s15 =	sshrl.u32 s15, $0x2;
	_ =	swait.ge [sflag:s7], $0x1000  }
0x142: {  	s16 =	simm.s32 $0xC000;
	s15 =	sor.u32 $0x4E80, s15;
	[sflag:s7] =	ssyncset.done $0x0  }
0x143: {  	s18 =	simm.s32 $0x2740;
	s13 =	simm.s32 $0x8000;
	[sflag:s7] =	ssyncadd.s32 $0xFFFFF000  }
0x144: {  	[spmem:s3] =	stream.indirect.scatter.add.f32 [tilespmem:s15], [sflag:$0x2], $0x40, s18, s0, $0xb8;
	[tilespmem:$0x11BC0] =	vst v63  }
0x145: {  	s14 =	simm.s32 $0x2780;
	s19 =	sand.u32 $0x4000, s13;
	_ =	swait.ge [sflag:s8], $0x1000  }
0x146: {  	s17 =	sshrl.u32 s19, $0x2;
	s15 =	simm.s32 $0x80;
	[sflag:s8] =	ssyncset.done $0x0  }
.LBB2_6:
0x147: {  	s17 =	sor.u32 $0x4E80, s17;
	s18 =	sadd.s32 $0xFFFFC000, s13  }
0x148: {  	[sflag:s8] =	ssyncadd.s32 $0xFFFFF000;
	s13 =	smov.u32 s16;
	s19 =	sadd.s32 $0x4000, s16  }
0x149: {  	[tilespmem:s17], [sflag:$0x1] =	stream.indirect.gather [hbm4b:s6+s0], $0x40, s15, s0, $0xb8;
	[tilespmem:$0x11BC0] =	vst v63  }
0x14a: {  	p0 =	sne.s32 s16, $0x270000;
	s17 =	sand.u32 $0x4000, s18;
	_ =	swait.ge [sflag:s7], $0x1000  }
.Ltmp2:
0x14b: {  	s17 =	sshrl.u32 s17, $0x2;
	[sflag:s7] =	ssyncset.done $0x0;
	(pc) =	sbr.rel @p0 .LBB2_6-.Ltmp2, $4  }
0x14c: {  	s15 =	sadd.s32 $0x40, s15;
	s16 =	sor.u32 $0x4E80, s17;
	[sflag:s7] =	ssyncadd.s32 $0xFFFFF000  }
0x14d: {  	[spmem:s3] =	stream.indirect.scatter.add.f32 [tilespmem:s16], [sflag:$0x2], $0x40, s14, s0, $0xb8;
	[tilespmem:$0x11BC0] =	vst v63  }
0x14e: {  	s16 =	sand.u32 $0x4000, s13;
	s14 =	sadd.s32 $0x40, s14;
	_ =	swait.ge [sflag:s8], $0x1000  }
0x14f: {  	s17 =	sshrl.u32 s16, $0x2;
	s16 =	smov.u32 s19;
	[sflag:s8] =	ssyncset.done $0x0  }
0x150: {  	s16 =	sor.u32 $0x4E80, s17;
	s13 =	sadd.s32 $0xFFFFC000, s13;
	[sflag:s8] =	ssyncadd.s32 $0xFFFFF000  }
0x151: {  	[tilespmem:s16], [sflag:$0x1] =	stream.indirect.gather [hbm4b:s6+s0], $0x40, s15, s0, $0xb8;
	[tilespmem:$0x11BC0] =	vst v63  }
0x152: {  	s13 =	sand.u32 $0x4000, s13;
	_ =	swait.ge [sflag:s7], $0x1000  }
0x153: {  	s13 =	sshrl.u32 s13, $0x2;
	[sflag:s7] =	ssyncset.done $0x0  }
0x154: {  	s13 =	sor.u32 $0x4E80, s13;
	[sflag:s7] =	ssyncadd.s32 $0xFFFFF000  }
0x155: {  	[spmem:s3] =	stream.indirect.scatter.add.f32 [tilespmem:s13], [sflag:$0x2], $0x40, s14, s0, $0xb8;
	[tilespmem:$0x11BC0] =	vst v63  }
0x156: {  	_ =	swait.ge [sflag:s8], $0x1000  }
0x157: {  	[sflag:s8] =	ssyncset.done $0x0  }
0x158: {  	[sflag:s8] =	ssyncadd.s32 $0xFFFFF000  }
0x159: {  	_ =	swait.ge [sflag:s7], $0x1000  }
0x15a: {  	[sflag:s7] =	ssyncset.done $0x0  }
0x15b: {  	[sflag:s7] =	ssyncadd.s32 $0xFFFFF000  }
0x15c: {  	[spmem:s3] =	stream.indirect.scatter.add.f32 [tilespmem:s2], [sflag:$0x2], $0x40, s21, s0, $0xb8;
	[tilespmem:$0x11BC0] =	vst v63  }
0x15d: {  	_ =	swait.ge [sflag:s8], $0x1000  }
0x15e: {  	[sflag:s8] =	ssyncset.done $0x0  }
0x15f: {  	[sflag:s8] =	ssyncadd.s32 $0xFFFFF000  }
0x160: {  	[bflag:$0x0] =	sbarrier.arrive $0xFFFF  }
0x161: {  	s18 =	rddreg [dreg:$0x13]  }
0x162: {  	[hbm:s18], [sflag:s11] =	dma.local [spmem:s12], $0x1400  }
0x163: {  	_ =	swait.ge [sflag:s8], $0x1400  }
0x164: {  	s10 =	sadd.s32 $0x1, s10;
	s19 =	rddreg [dreg:$0x14]  }
0x165: {  	p0 =	sne.s32 s10, s19  }
.Ltmp3:
0x166: {  	_ = 	snop;
	(pc) =	sbr.rel @p0 .LBB2_1-.Ltmp3, $3  }
0x167: {  	_ =	sdelay $0x1  }
0x168: {  	[sflag:s8] =	ssyncset.done $0x0  }
0x169: {  	s18 =	simm.s32 $0x0;
	[sflag:s8] =	ssyncadd.s32 $0xFFFFEC00;
	s19 =	smov.u32 s20  }
0x16a: {  	_ =	sfence.sel $0x180000  }
0x16b: {  	[bflag:$0x0] =	sbarrier.arrive $0xFFFF  }
0x16c: {  	_ =	strace $0x90000047  }
0x16d: {  	s0 =	stileid.u32;
	[bflag:$0x2] =	sbarrier.arrive $0xFFFF  }
0x16e: {  	p0 =	sne.s32 s0, $0x0;
	s0 =	rddreg [dreg:$0x4]  }
0x16f: {  	s0 =	sadd.s32 @!p0 $0x100000, s0  }
0x170: {  	[sflag:s0] =	ssyncadd.tile.s32 @!p0 $0x1;
	_ =	shalt  }
.Lfunc_end2:
_tile_overlayer_lowered:
.L_overlay_start_2:
0x171: {  	(tag) =	ssettag $0x2  }
0x172: {  	s0 =	rddreg [dreg:$0x0];
	s2 =	stileid.u32  }
0x173: {  	s1 =	rddreg [dreg:$0x1];
	p0 =	sne.s32 s2, $0x0  }
0x174: {  	s3 =	rddreg [dreg:$0x2];
	[bflag:$0x3] =	sbarrier.arrive $0xFFFF;
	s2 =	simm.s32 @!p0 $0x1C02  }
0x175: {  	[timem:s3], [sflag:s2] =	dma.local @!p0 [hbm:s0], s1  }
0x176: {  	s0 =	simm.s32 @!p0 $0x2  }
0x177: {  	_ =	swait.ge @!p0 [sflag:s0], s1  }
0x178: {  	s1 =	ssub.s32 @!p0 $0x0, s1;
	[sflag:s0] =	ssyncset.done @!p0 $0x0  }
0x179: {  	[sflag:s0] =	ssyncadd.s32 @!p0 s1  }
0x17a: {  	[bflag:$0x3] =	sbarrier.arrive $0xFFFF  }
0x17b: {  	_ =	shalt  }

// kernel: kernel.9.cloned.1.call-start
scs
__scs_entry_jumppad:
0x0: {  	(pc) =	sbr.rel $0x88, $3  }
0x1: {  	(tag) =	ssettag $0x0;
	lr =	simm.s32 $0x1  }
0x2: {  	[smem:$0x3F99] =	sst lr;
	_ =	strace $0xD0000000  }
0x3: {  	_ = 	snop  }
0x4: {  	_ = 	snop  }
0x5: {  	_ = 	snop  }
0x6: {  	_ = 	snop  }
0x7: {  	_ = 	snop  }
__scs_overlays_trampoline_lowered:
0x8: {  	[smem:$0x3FA8] =	sst s0  }
0x9: {  	[smem:$0x3FA9] =	sst s1  }
0xa: {  	[smem:$0x3FAA] =	sst s2  }
0xb: {  	[smem:$0x3FAB] =	sst s3  }
0xc: {  	[smem:$0x3FAC] =	sst s4  }
0xd: {  	[smem:$0x3FAD] =	sst s5  }
0xe: {  	[smem:$0x3FAE] =	sst s6  }
0xf: {  	[smem:$0x3FAF] =	sst s7  }
0x10: {  	[smem:$0x3FB0] =	sst s8  }
0x11: {  	[smem:$0x3FB1] =	sst s9;
	s0 =	simm.s32 @!p0 $0x0  }
0x12: {  	s1 =	sld [smem:$0x3F97];
	s0 =	simm.s32 @p0 $0x1  }
0x13: {  	[smem:$0x3FB2] =	sst s0;
	s0 =	simm.s32 @!p1 $0x0  }
0x14: {  	s2 =	sld [smem:$0x3F96];
	s0 =	simm.s32 @p1 $0x1  }
0x15: {  	[smem:$0x3FB3] =	sst s0;
	s0 =	simm.s32 @!p2 $0x0  }
0x16: {  	s3 =	sld [smem:$0x3FDB];
	s0 =	simm.s32 @p2 $0x1  }
0x17: {  	s4 =	simm.s32 $0x1BF5;
	[smem:$0x3FB5] =	sst s0  }
0x18: {  	s0 =	sld [smem:$0x3F98];
	_ =	swait.ge [sflag:s4], $0x0  }
0x19: {  	s7 =	sld [smem:$0x3F99]  }
0x1a: {  	s8 =	sadd.s32 $0xFFFFE003, lr  }
0x1b: {  	s9 =	sadd.s32 $0xFFFFFEF7, lr;
	s5 =	simm.s32 $0xFFFFFFFF;
	p2 =	slt.u32 s8, $0xFFFFF086  }
0x1c: {  	p1 =	slt.u32 s9, $0xF7A;
	s5 =	simm.s32 @!p2 $0x0  }
0x1d: {  	s5 =	simm.s32 @p1 $0x1;
	p0 =	seq.s32 s7, s2  }
0x1e: {  	s7 =	smul.u32 @!p0 $0xF7A, s2;
	p2 =	seq.s32 @!p0 s5, $0x0  }
0x1f: {  	s9 =	smul.u32 $0xF7A, s1;
	s8 =	simm.s32 @!p0 $0x1BF5;
	p2 =	por !p2, p0  }
0x20: {  	[sflag:s8] =	ssyncset.s32 @!p0 $0xFFFFF086;
	s6 =	sadd.s32 @!p0 s3, s7;
	s7 =	simm.s32 @!p0 $0x108  }
0x21: {  	s3 =	sadd.s32 s3, s9;
	s6 =	sadd.s32 @!p0 $0x88, s6;
	s7 =	simm.s32 @p2 $0x1082  }
0x22: {  	[simem:s7], [sflag:s8] =	dma.local @!p0 [hbm:s6], $0xF7A  }
0x23: {  	s9 =	sor.u32 $0xD0000000, s2;
	s6 =	simm.s32 $0x108;
	_ =	swait.ge @!p0 [sflag:s8], $0x0  }
0x24: {  	s3 =	sadd.s32 $0x88, s3;
	s6 =	simm.s32 @!p1 $0x1082;
	[sflag:s4] =	ssyncset.s32 $0xFFFFF086  }
0x25: {  	[simem:s6], [sflag:s4] =	dma.local [hbm:s3], $0xF7A  }
0x26: {  	[smem:$0x3F99] =	sst s1;
	(tag) =	ssettag s2;
	_ =	strace s9  }
0x27: {  	s1 =	sld [smem:$0x3FA9]  }
0x28: {  	s2 =	sld [smem:$0x3FAA]  }
0x29: {  	s4 =	sld [smem:$0x3FAC]  }
0x2a: {  	p0 =	seq.s32 s5, $0x0;
	s5 =	sld [smem:$0x3FAD]  }
0x2b: {  	s6 =	sld [smem:$0x3FAE]  }
0x2c: {  	s7 =	sld [smem:$0x3FAF]  }
0x2d: {  	s3 =	simm.s32 $0x108;
	s8 =	sld [smem:$0x3FB0]  }
0x2e: {  	s3 =	simm.s32 @!p0 $0x1082;
	s9 =	sld [smem:$0x3FB1]  }
0x2f: {  	lr =	sadd.s32 s0, s3;
	s0 =	sld [smem:$0x3FA8]  }
0x30: {  	s3 =	sld [smem:$0x3FAB]  }
0x31: {  	[smem:$0x3FB4] =	sst s10  }
0x32: {  	s10 =	sld [smem:$0x3FB2];
	_ =	sdelay $0x3  }
0x33: {  	p0 =	seq.s32 s10, $0x1;
	s10 =	sld [smem:$0x3FB4];
	_ =	sdelay $0x3  }
0x34: {  	[smem:$0x3FB4] =	sst s10  }
0x35: {  	s10 =	sld [smem:$0x3FB3];
	_ =	sdelay $0x3  }
0x36: {  	p1 =	seq.s32 s10, $0x1;
	s10 =	sld [smem:$0x3FB4];
	_ =	sdelay $0x3  }
0x37: {  	[smem:$0x3FB4] =	sst s10  }
0x38: {  	s10 =	sld [smem:$0x3FB5]  }
0x39: {  	_ = 	snop;
	(pc) =	sbr.ind lr, $3  }
0x3a: {  	_ = 	snop  }
0x3b: {  	_ = 	snop  }
0x3c: {  	p2 =	seq.s32 s10, $0x1;
	s10 =	sld [smem:$0x3FB4]  }
0x3d: {  	_ =	shalt  }
0x3e: {  	_ =	shalt  }
0x3f: {  	_ =	shalt  }
0x40: {  	_ =	shalt  }
0x41: {  	_ =	shalt  }
0x42: {  	_ =	shalt  }
0x43: {  	_ =	shalt  }
0x44: {  	_ =	shalt  }
0x45: {  	_ =	shalt  }
0x46: {  	_ =	shalt  }
0x47: {  	_ =	shalt  }
0x48: {  	_ =	shalt  }
0x49: {  	_ =	shalt  }
0x4a: {  	_ =	shalt  }
0x4b: {  	_ =	shalt  }
0x4c: {  	_ =	shalt  }
0x4d: {  	_ =	shalt  }
0x4e: {  	_ =	shalt  }
0x4f: {  	_ =	shalt  }
0x50: {  	_ =	shalt  }
0x51: {  	_ =	shalt  }
0x52: {  	_ =	shalt  }
0x53: {  	_ =	shalt  }
0x54: {  	_ =	shalt  }
0x55: {  	_ =	shalt  }
0x56: {  	_ =	shalt  }
0x57: {  	_ =	shalt  }
0x58: {  	_ =	shalt  }
0x59: {  	_ =	shalt  }
0x5a: {  	_ =	shalt  }
0x5b: {  	_ =	shalt  }
0x5c: {  	_ =	shalt  }
0x5d: {  	_ =	shalt  }
0x5e: {  	_ =	shalt  }
0x5f: {  	_ =	shalt  }
0x60: {  	_ =	shalt  }
0x61: {  	_ =	shalt  }
0x62: {  	_ =	shalt  }
0x63: {  	_ =	shalt  }
0x64: {  	_ =	shalt  }
0x65: {  	_ =	shalt  }
0x66: {  	_ =	shalt  }
0x67: {  	_ =	shalt  }
0x68: {  	_ =	shalt  }
0x69: {  	_ =	shalt  }
0x6a: {  	_ =	shalt  }
0x6b: {  	_ =	shalt  }
0x6c: {  	_ =	shalt  }
0x6d: {  	_ =	shalt  }
0x6e: {  	_ =	shalt  }
0x6f: {  	_ =	shalt  }
0x70: {  	_ =	shalt  }
0x71: {  	_ =	shalt  }
0x72: {  	_ =	shalt  }
0x73: {  	_ =	shalt  }
0x74: {  	_ =	shalt  }
0x75: {  	_ =	shalt  }
0x76: {  	_ =	shalt  }
0x77: {  	_ =	shalt  }
0x78: {  	_ =	shalt  }
0x79: {  	_ =	shalt  }
0x7a: {  	_ =	shalt  }
0x7b: {  	_ =	shalt  }
0x7c: {  	_ =	shalt  }
0x7d: {  	_ =	shalt  }
0x7e: {  	_ =	shalt  }
0x7f: {  	_ =	shalt  }
0x80: {  	_ =	shalt  }
0x81: {  	_ =	shalt  }
0x82: {  	_ =	shalt  }
0x83: {  	_ =	shalt  }
0x84: {  	_ =	shalt  }
0x85: {  	_ =	shalt  }
0x86: {  	_ =	shalt  }
0x87: {  	_ =	shalt  }
.Lfunc_end0:
.L_simem_size_0:
called_computation.1_lowered:
.L_overlay_start_0:
0x88: {  	s2 =	sld [smem:$0x3FD9]  }
0x89: {  	s3 =	sld [smem:$0x3FFE];
	_ =	sdelay $0x1  }
0x8a: {  	s1 =	srdreg.scid  }
0x8b: {  	s0 =	sand.u32 $0x1, s1  }
0x8c: {  	s17 =	sshll.u32 s0, $0xA;
	s2 =	sadd.s32 s3, s2  }
0x8d: {  	s2 =	sadd.s32 s2, s17  }
0x8e: {  	[smem:$0x3FC0] =	sst s2  }
0x8f: {  	_ = 	snop  }
0x90: {  	s2 =	sld [smem:$0x3FD0];
	(tm) =	ssettm $0x1  }
0x91: {  	s18 =	sld [smem:$0x3FFB];
	_ =	sdelay $0x3  }
0x92: {  	_ =	strace s18  }
0x93: {  	s3 =	sld [smem:$0x3FFC];
	_ =	sdelay $0x3  }
0x94: {  	_ =	strace s3  }
0x95: {  	s3 =	sld [smem:$0x3FFD];
	_ =	sdelay $0x3  }
0x96: {  	_ =	strace s3  }
0x97: {  	_ =	strace $0x8FFFFFFF  }
0x98: {  	s19 =	sld [smem:$0x3FDB];
	_ =	sdelay $0x1  }
0x99: {  	s4 =	simm.s32 $_scs_section_size  }
0x9a: {  	s5 =	simm.s32 $_size__tile_overlayer_lowered;
	s6 =	simm.s32 $_tile_overlayer_lowered  }
0x9b: {  	s22 =	simm.s32 $0x1BFF;
	s21 =	sshll.u32 s6, $0x1;
	s3 =	sadd.s32 s4, s19  }
0x9c: {  	s7 =	simm.s32 $0x0;
	s20 =	sshll.u32 s5, $0x1;
	s5 =	sadd.s32 s21, s3  }
0x9d: {  	[timem:s7], [sflag:s22] =	dma.local [hbm:s5], s20  }
0x9e: {  	_ =	swait.ge [sflag:s22], s20  }
0x9f: {  	s4 =	ssub.s32 $0x0, s20;
	[sflag:s22] =	ssyncset.done $0x0  }
0xa0: {  	[sflag:s22] =	ssyncadd.s32 s4;
	_ =	sdelay $0x1  }
0xa1: {  	s23 =	simm.s32 $0x1B8B  }
0xa2: {  	_ =	swait.ge [sflag:s23], $0x1  }
0xa3: {  	[sflag:s23] =	ssyncset.done $0x0  }
0xa4: {  	s25 =	simm.s32 $0x1B8E;
	s24 =	sld [smem:$0x3FFE];
	[sflag:s23] =	ssyncadd.s32 $0xFFFFFFFF  }
0xa5: {  	s26 =	simm.s32 $execute0_lowered;
	[smem:$0x3FD2] =	sst s25  }
0xa6: {  	s5 =	sshll.u32 s26, $0x1;
	_ =	strace $0x80000049;
	[dreg:$0x1] =	wrdreg $0xFFFFFFFF  }
0xa7: {  	s28 =	simm.s32 $_size_execute0_lowered;
	s3 =	sadd.s32 s3, s5;
	[dreg:$0x0] =	wrdreg $0x0  }
0xa8: {  	s5 =	sshll.u32 s28, $0x1;
	[dreg:$0x2] =	wrdreg s3  }
0xa9: {  	[dreg:$0x3] =	wrdreg s5  }
0xaa: {  	[dreg:$0x4] =	wrdreg $0xC0  }
0xab: {  	_ =	task [dreg:s7], $0x5FFFF  }
0xac: {  	[dreg:$0x1] =	wrdreg $0xFFFFFFFF  }
0xad: {  	[dreg:$0x0] =	wrdreg $0x60  }
0xae: {  	[dreg:$0x2] =	wrdreg s2  }
0xaf: {  	[dreg:$0x3] =	wrdreg s24  }
0xb0: {  	[dreg:$0x4] =	wrdreg $0x76800  }
0xb1: {  	[dreg:$0x5] =	wrdreg $0x9  }
0xb2: {  	_ =	task.clear_ibuf [dreg:s7], $0x6FFFF;
	_ =	strace $0x90000049  }
0xb3: {  	s29 =	simm.s32 $0x9;
	_ =	strace $0x8000004B  }
0xb4: {  	_ =	swait.ge [sflag:s29], $0x1  }
0xb5: {  	[sflag:s29] =	ssyncadd.s32 $0xFFFFFFFF  }
0xb6: {  	_ =	strace $0x9000004B  }
0xb7: {  	_ =	sfence  }
0xb8: {  	s30 =	sld [smem:$0x0];
	_ =	sdelay $0x2  }
0xb9: {  	s31 =	sshll.u32 s1, $0xD;
	s1 =	sshrl.u32 s1, $0x2  }
0xba: {  	s3 =	sand.u32 $0x4000, s31;
	s1 =	sadd.s32 s1, s30  }
0xbb: {  	s0 =	sor.u32 s3, s0;
	s1 =	sshll.u32 s1, $0x11  }
0xbc: {  	s0 =	sor.u32 s1, s0  }
0xbd: {  	s0 =	sadd.s32 $0x8F2B, s0  }
0xbe: {  	[sflag:s0] =	ssyncadd.remote.s32 $0x1  }
0xbf: {  	_ =	sfence.sel $0xFFFF  }
0xc0: {  	[dreg:$0x0] =	wrdreg $0xFFFFFFFF;
	(pc) =	sbr.abs _section_cstart, $3  }
0xc1: {  	[dreg:$0x1] =	wrdreg $0xFFFFFFFF  }
0xc2: {  	_ =	task.clear_ibuf [dreg:s7], $0x2FFFF;
	_ =	strace $0x9FFFFFFF  }
0xc3: {  	(tm) =	ssettm $0x7FFFFFFF  }
tec
execute0_lowered:
.L_overlay_start_1:
0x0: {  	(tag) =	ssettag $0x1  }
0x1: {  	s1 =	rddreg [dreg:$0x0]  }
0x2: {  	s0 =	rddreg [dreg:$0x1]  }
0x3: {  	s3 =	rddreg [dreg:$0x2]  }
0x4: {  	s2 =	srdreg.scid;
	s8 =	stileid.u32  }
0x5: {  	s14 =	simm.s32 $0x0;
	s29 =	simm.s32 $0x1;
	s31 =	simm.s32 $0x0  }
0x6: {  	s2 =	sand.u32 $0x1, s2;
	s4 =	smul.u32 $0xA000, s8;
	[smem:$0x7FF] =	sst s14  }
0x7: {  	s5 =	sshll.u32 s2, $0x4;
	s6 =	smul.u32 $0xA0000, s2;
	_ =	strace $0x8000004A  }
0x8: {  	s2 =	ssub.s32 $0x2, s2;
	s7 =	sor.u32 s8, s5;
	s8 =	smul.u32 $0x28000, s8  }
0x9: {  	s24 =	sshrl.u32 s2, $0x1;
	s7 =	smul.u32 $0x4E8, s7;
	s6 =	sadd.s32 s4, s6  }
0xa: {  	s5 =	sadd.s32 $0x2000, s0;
	s2 =	ssub.s32 s2, s24;
	s6 =	sshrl.u32 s6, $0x3  }
0xb: {  	s26 =	sshrl.u32 s8, $0x2;
	s8 =	sadd.s32 s4, s3;
	s7 =	sadd.s32 s7, s0  }
0xc: {  	s0 =	sadd.s32 s6, s0;
	s30 =	sadd.s32 s26, s3;
	s25 =	sadd.s32 $0x16000, s7  }
0xd: {  	s7 =	sadd.s32 $0x1FE00, s7;
	s15 =	sadd.s32 $0x800, s30;
	s6 =	sadd.s32 $0x1000, s30  }
0xe: {  	s9 =	sadd.s32 $0x2000, s30;
	s10 =	sadd.s32 $0x2800, s30;
	[dreg:$0x4] =	wrdreg s25  }
0xf: {  	s11 =	sadd.s32 $0x3000, s30;
	s12 =	sadd.s32 $0x3800, s30;
	[dreg:$0x5] =	wrdreg s7  }
0x10: {  	s13 =	sadd.s32 $0x4000, s30;
	s17 =	sadd.s32 $0x4800, s30;
	[dreg:$0x6] =	wrdreg s6  }
0x11: {  	s18 =	sadd.s32 $0x5000, s30;
	s19 =	sadd.s32 $0x5800, s30;
	[dreg:$0x8] =	wrdreg s9  }
0x12: {  	s20 =	sadd.s32 $0x6000, s30;
	s21 =	sadd.s32 $0x6800, s30;
	[dreg:$0x9] =	wrdreg s10  }
0x13: {  	s22 =	sadd.s32 $0x7000, s30;
	s23 =	sadd.s32 $0x7800, s30;
	[dreg:$0xa] =	wrdreg s11  }
0x14: {  	s24 =	sadd.s32 $0x8000, s30;
	s26 =	sadd.s32 $0x9000, s30;
	[dreg:$0xb] =	wrdreg s12  }
0x15: {  	s28 =	sadd.s32 $0x9800, s30;
	s16 =	sadd.s32 $0x51C00, s0;
	[dreg:$0xc] =	wrdreg s13  }
0x16: {  	s0 =	sadd.s32 $0x29C00, s0;
	s7 =	sadd.s32 $0x1800, s30;
	[dreg:$0xd] =	wrdreg s16  }
0x17: {  	s25 =	sadd.s32 $0x8800, s30;
	[dreg:$0xe] =	wrdreg s0;
	s30 =	smax.u32 s2, $0x1  }
0x18: {  	s0 =	simm.s32 $0x2;
	s2 =	simm.s32 $0x6E80;
	[dreg:$0x7] =	wrdreg s7  }
0x19: {  	v0 =	vimm.f32 $0.0e+00;
	s6 =	simm.s32 $0x4E80;
	[dreg:$0xf] =	wrdreg s30;
	s7 =	simm.s32 $0x40  }
.LBB2_1:
0x1a: {  	s4 =	rddreg [dreg:$0x4]  }
0x1b: {  	[tilespmem:s14], [sflag:$0x2] =	stream.linear.gather [hbm4b:s4+s14], $0x2740, $0x38;
	[tilespmem:$0x11680] =	vst v63  }
0x1c: {  	_ =	swait.ge [sflag:s0], $0x2740  }
0x1d: {  	[sflag:s0] =	ssyncset.done $0x0  }
0x1e: {  	s9 =	simm.s32 $0x2740;
	s30 =	rddreg [dreg:$0x5];
	[sflag:s0] =	ssyncadd.s32 $0xFFFFD8C0  }
0x1f: {  	[tilespmem:s9], [sflag:$0x2] =	stream.linear.gather [hbm4b:s30+s14], $0x2740, $0x38;
	[tilespmem:$0x11680] =	vst v63  }
0x20: {  	_ =	swait.ge [sflag:s0], $0x2740  }
0x21: {  	[sflag:s0] =	ssyncset.done $0x0  }
0x22: {  	s4 =	simm.s32 $0x0;
	s9 =	simm.s32 $0x100;
	[sflag:s0] =	ssyncadd.s32 $0xFFFFD8C0  }
.LBB2_2:
0x23: {  	p0 =	sne.s32 s9, $0x1F00;
	[tilespmem:s4+$0x6EB0] =	vst v0;
	s10 =	smov.u32 s9;
	s9 =	sadd.s32 $0x100, s9  }
.Ltmp0:
0x24: {  	[tilespmem:s4+$0x6EA0] =	vst v0;
	(pc) =	sbr.rel @p0 .LBB2_2-.Ltmp0, $3  }
0x25: {  	[tilespmem:s4+$0x6E80] =	vst v0  }
0x26: {  	[tilespmem:s4+$0x6E90] =	vst v0;
	_ =	sdelay $0x1  }
0x27: {  	s4 =	sshra.s32 s10, $0x2  }
0x28: {  	[tilespmem:s4+$0x6EB0] =	vst v0  }
0x29: {  	[tilespmem:s4+$0x6EA0] =	vst v0  }
0x2a: {  	[tilespmem:s4+$0x6E80] =	vst v0  }
0x2b: {  	[tilespmem:s4+$0x6E90] =	vst v0  }
0x2c: {  	[spmem:s8] =	stream.linear.scatter [tilespmem:s2], [sflag:$0x2], $0x800, $0x38;
	[tilespmem:$0x11680] =	vst v63  }
0x2d: {  	_ =	swait.ge [sflag:s0], $0x800  }
0x2e: {  	[sflag:s0] =	ssyncset.done $0x0  }
0x2f: {  	[sflag:s0] =	ssyncadd.s32 $0xFFFFF800  }
0x30: {  	[spmem:s15] =	stream.linear.scatter [tilespmem:s2], [sflag:$0x2], $0x800, $0x38;
	[tilespmem:$0x11680] =	vst v63  }
0x31: {  	_ =	swait.ge [sflag:s0], $0x800  }
0x32: {  	[sflag:s0] =	ssyncset.done $0x0  }
0x33: {  	s13 =	rddreg [dreg:$0x6];
	[sflag:s0] =	ssyncadd.s32 $0xFFFFF800  }
0x34: {  	[spmem:s13] =	stream.linear.scatter [tilespmem:s2], [sflag:$0x2], $0x800, $0x38;
	[tilespmem:$0x11680] =	vst v63  }
0x35: {  	_ =	swait.ge [sflag:s0], $0x800  }
0x36: {  	[sflag:s0] =	ssyncset.done $0x0  }
0x37: {  	s16 =	rddreg [dreg:$0x7];
	[sflag:s0] =	ssyncadd.s32 $0xFFFFF800  }
0x38: {  	[spmem:s16] =	stream.linear.scatter [tilespmem:s2], [sflag:$0x2], $0x800, $0x38;
	[tilespmem:$0x11680] =	vst v63  }
0x39: {  	_ =	swait.ge [sflag:s0], $0x800  }
0x3a: {  	[sflag:s0] =	ssyncset.done $0x0  }
0x3b: {  	s30 =	rddreg [dreg:$0x8];
	[sflag:s0] =	ssyncadd.s32 $0xFFFFF800  }
0x3c: {  	[spmem:s30] =	stream.linear.scatter [tilespmem:s2], [sflag:$0x2], $0x800, $0x38;
	[tilespmem:$0x11680] =	vst v63  }
0x3d: {  	_ =	swait.ge [sflag:s0], $0x800  }
0x3e: {  	[sflag:s0] =	ssyncset.done $0x0  }
0x3f: {  	s9 =	rddreg [dreg:$0x9];
	[sflag:s0] =	ssyncadd.s32 $0xFFFFF800  }
0x40: {  	[spmem:s9] =	stream.linear.scatter [tilespmem:s2], [sflag:$0x2], $0x800, $0x38;
	[tilespmem:$0x11680] =	vst v63  }
0x41: {  	_ =	swait.ge [sflag:s0], $0x800  }
0x42: {  	[sflag:s0] =	ssyncset.done $0x0  }
0x43: {  	s10 =	rddreg [dreg:$0xa];
	[sflag:s0] =	ssyncadd.s32 $0xFFFFF800  }
0x44: {  	[spmem:s10] =	stream.linear.scatter [tilespmem:s2], [sflag:$0x2], $0x800, $0x38;
	[tilespmem:$0x11680] =	vst v63  }
0x45: {  	_ =	swait.ge [sflag:s0], $0x800  }
0x46: {  	[sflag:s0] =	ssyncset.done $0x0  }
0x47: {  	s11 =	rddreg [dreg:$0xb];
	[sflag:s0] =	ssyncadd.s32 $0xFFFFF800  }
0x48: {  	[spmem:s11] =	stream.linear.scatter [tilespmem:s2], [sflag:$0x2], $0x800, $0x38;
	[tilespmem:$0x11680] =	vst v63  }
0x49: {  	_ =	swait.ge [sflag:s0], $0x800  }
0x4a: {  	[sflag:s0] =	ssyncset.done $0x0  }
0x4b: {  	s12 =	rddreg [dreg:$0xc];
	[sflag:s0] =	ssyncadd.s32 $0xFFFFF800  }
0x4c: {  	[spmem:s12] =	stream.linear.scatter [tilespmem:s2], [sflag:$0x2], $0x800, $0x38;
	[tilespmem:$0x11680] =	vst v63  }
0x4d: {  	_ =	swait.ge [sflag:s0], $0x800  }
0x4e: {  	[sflag:s0] =	ssyncset.done $0x0  }
0x4f: {  	[sflag:s0] =	ssyncadd.s32 $0xFFFFF800  }
0x50: {  	[spmem:s17] =	stream.linear.scatter [tilespmem:s2], [sflag:$0x2], $0x800, $0x38;
	[tilespmem:$0x11680] =	vst v63  }
0x51: {  	_ =	swait.ge [sflag:s0], $0x800  }
0x52: {  	[sflag:s0] =	ssyncset.done $0x0  }
0x53: {  	[sflag:s0] =	ssyncadd.s32 $0xFFFFF800  }
0x54: {  	[spmem:s18] =	stream.linear.scatter [tilespmem:s2], [sflag:$0x2], $0x800, $0x38;
	[tilespmem:$0x11680] =	vst v63  }
0x55: {  	_ =	swait.ge [sflag:s0], $0x800  }
0x56: {  	[sflag:s0] =	ssyncset.done $0x0  }
0x57: {  	[sflag:s0] =	ssyncadd.s32 $0xFFFFF800  }
0x58: {  	[spmem:s19] =	stream.linear.scatter [tilespmem:s2], [sflag:$0x2], $0x800, $0x38;
	[tilespmem:$0x11680] =	vst v63  }
0x59: {  	_ =	swait.ge [sflag:s0], $0x800  }
0x5a: {  	[sflag:s0] =	ssyncset.done $0x0  }
0x5b: {  	[sflag:s0] =	ssyncadd.s32 $0xFFFFF800  }
0x5c: {  	[spmem:s20] =	stream.linear.scatter [tilespmem:s2], [sflag:$0x2], $0x800, $0x38;
	[tilespmem:$0x11680] =	vst v63  }
0x5d: {  	_ =	swait.ge [sflag:s0], $0x800  }
0x5e: {  	[sflag:s0] =	ssyncset.done $0x0  }
0x5f: {  	[sflag:s0] =	ssyncadd.s32 $0xFFFFF800  }
0x60: {  	[spmem:s21] =	stream.linear.scatter [tilespmem:s2], [sflag:$0x2], $0x800, $0x38;
	[tilespmem:$0x11680] =	vst v63  }
0x61: {  	_ =	swait.ge [sflag:s0], $0x800  }
0x62: {  	[sflag:s0] =	ssyncset.done $0x0  }
0x63: {  	[sflag:s0] =	ssyncadd.s32 $0xFFFFF800  }
0x64: {  	[spmem:s22] =	stream.linear.scatter [tilespmem:s2], [sflag:$0x2], $0x800, $0x38;
	[tilespmem:$0x11680] =	vst v63  }
0x65: {  	_ =	swait.ge [sflag:s0], $0x800  }
0x66: {  	[sflag:s0] =	ssyncset.done $0x0  }
0x67: {  	[sflag:s0] =	ssyncadd.s32 $0xFFFFF800  }
0x68: {  	[spmem:s23] =	stream.linear.scatter [tilespmem:s2], [sflag:$0x2], $0x800, $0x38;
	[tilespmem:$0x11680] =	vst v63  }
0x69: {  	_ =	swait.ge [sflag:s0], $0x800  }
0x6a: {  	[sflag:s0] =	ssyncset.done $0x0  }
0x6b: {  	[sflag:s0] =	ssyncadd.s32 $0xFFFFF800  }
0x6c: {  	[spmem:s24] =	stream.linear.scatter [tilespmem:s2], [sflag:$0x2], $0x800, $0x38;
	[tilespmem:$0x11680] =	vst v63  }
0x6d: {  	_ =	swait.ge [sflag:s0], $0x800  }
0x6e: {  	[sflag:s0] =	ssyncset.done $0x0  }
0x6f: {  	[sflag:s0] =	ssyncadd.s32 $0xFFFFF800  }
0x70: {  	[spmem:s25] =	stream.linear.scatter [tilespmem:s2], [sflag:$0x2], $0x800, $0x38;
	[tilespmem:$0x11680] =	vst v63  }
0x71: {  	_ =	swait.ge [sflag:s0], $0x800  }
0x72: {  	[sflag:s0] =	ssyncset.done $0x0  }
0x73: {  	[sflag:s0] =	ssyncadd.s32 $0xFFFFF800  }
0x74: {  	[spmem:s26] =	stream.linear.scatter [tilespmem:s2], [sflag:$0x2], $0x800, $0x38;
	[tilespmem:$0x11680] =	vst v63  }
0x75: {  	_ =	swait.ge [sflag:s0], $0x800  }
0x76: {  	[sflag:s0] =	ssyncset.done $0x0  }
0x77: {  	[sflag:s0] =	ssyncadd.s32 $0xFFFFF800  }
0x78: {  	[spmem:s28] =	stream.linear.scatter [tilespmem:s2], [sflag:$0x2], $0x800, $0x38;
	[tilespmem:$0x11680] =	vst v63  }
0x79: {  	_ =	swait.ge [sflag:s0], $0x800  }
0x7a: {  	s9 =	simm.s32 $0x4000;
	[sflag:s0] =	ssyncset.done $0x0  }
0x7b: {  	s9 =	sand.u32 $0x4000, s9;
	[sflag:s0] =	ssyncadd.s32 $0xFFFFF800  }
0x7c: {  	s13 =	simm.s32 $0x40;
	s9 =	sshrl.u32 s9, $0x2;
	[bflag:$0x0] =	sbarrier.arrive $0xFFFF  }
0x7d: {  	[tilespmem:s6], [sflag:$0x1] =	stream.indirect.gather [hbm4b:s1+s13], $0x40, s14, s13, $0xb8;
	[tilespmem:$0x11680] =	vst v63  }
0x7e: {  	s9 =	sor.u32 $0x4E80, s9;
	s10 =	simm.s32 $0x0  }
0x7f: {  	[tilespmem:s9], [sflag:$0x1] =	stream.indirect.gather [hbm4b:s1+s7], $0x40, s13, s7, $0xb8;
	[tilespmem:$0x11680] =	vst v63  }
0x80: {  	s4 =	simm.s32 $0x8000;
	s10 =	sand.u32 $0x4000, s10;
	_ =	swait.ge [sflag:s29], $0x1000  }
0x81: {  	s16 =	simm.s32 $0x2740;
	s10 =	sshrl.u32 s10, $0x2;
	[sflag:s29] =	ssyncset.done $0x0  }
0x82: {  	s30 =	sand.u32 $0x4000, s4;
	s10 =	sor.u32 $0x4E80, s10;
	[sflag:s29] =	ssyncadd.s32 $0xFFFFF000  }
0x83: {  	[spmem:s3] =	stream.indirect.scatter.add.f32 [tilespmem:s10], [sflag:$0x2], $0x40, s16, s7, $0xb8;
	[tilespmem:$0x11680] =	vst v63  }
0x84: {  	s11 =	simm.s32 $0xC000;
	s12 =	sshrl.u32 s30, $0x2;
	_ =	swait.ge [sflag:s0], $0x1000  }
0x85: {  	s9 =	simm.s32 $0x2780;
	s10 =	simm.s32 $0x80;
	[sflag:s0] =	ssyncset.done $0x0  }
.LBB2_4:
0x86: {  	s12 =	sor.u32 $0x4E80, s12;
	s13 =	sadd.s32 $0xFFFFC000, s4  }
0x87: {  	[sflag:s0] =	ssyncadd.s32 $0xFFFFF000;
	s4 =	smov.u32 s11;
	s30 =	sadd.s32 $0x4000, s11  }
0x88: {  	[tilespmem:s12], [sflag:$0x1] =	stream.indirect.gather [hbm4b:s1+s7], $0x40, s10, s7, $0xb8;
	[tilespmem:$0x11680] =	vst v63  }
0x89: {  	p0 =	sne.s32 s11, $0x270000;
	s12 =	sand.u32 $0x4000, s13;
	_ =	swait.ge [sflag:s29], $0x1000  }
.Ltmp1:
0x8a: {  	s12 =	sshrl.u32 s12, $0x2;
	[sflag:s29] =	ssyncset.done $0x0;
	(pc) =	sbr.rel @p0 .LBB2_4-.Ltmp1, $4  }
0x8b: {  	s10 =	sadd.s32 $0x40, s10;
	s11 =	sor.u32 $0x4E80, s12;
	[sflag:s29] =	ssyncadd.s32 $0xFFFFF000  }
0x8c: {  	[spmem:s3] =	stream.indirect.scatter.add.f32 [tilespmem:s11], [sflag:$0x2], $0x40, s9, s7, $0xb8;
	[tilespmem:$0x11680] =	vst v63  }
0x8d: {  	s11 =	sand.u32 $0x4000, s4;
	s9 =	sadd.s32 $0x40, s9;
	_ =	swait.ge [sflag:s0], $0x1000  }
0x8e: {  	s12 =	sshrl.u32 s11, $0x2;
	s11 =	smov.u32 s30;
	[sflag:s0] =	ssyncset.done $0x0  }
0x8f: {  	s11 =	sor.u32 $0x4E80, s12;
	s4 =	sadd.s32 $0xFFFFC000, s4;
	[sflag:s0] =	ssyncadd.s32 $0xFFFFF000  }
0x90: {  	[tilespmem:s11], [sflag:$0x1] =	stream.indirect.gather [hbm4b:s1+s7], $0x40, s10, s7, $0xb8;
	[tilespmem:$0x11680] =	vst v63  }
0x91: {  	s4 =	sand.u32 $0x4000, s4;
	_ =	swait.ge [sflag:s29], $0x1000  }
0x92: {  	s4 =	sshrl.u32 s4, $0x2;
	[sflag:s29] =	ssyncset.done $0x0  }
0x93: {  	s4 =	sor.u32 $0x4E80, s4;
	[sflag:s29] =	ssyncadd.s32 $0xFFFFF000  }
0x94: {  	[spmem:s3] =	stream.indirect.scatter.add.f32 [tilespmem:s4], [sflag:$0x2], $0x40, s9, s7, $0xb8;
	[tilespmem:$0x11680] =	vst v63  }
0x95: {  	_ =	swait.ge [sflag:s0], $0x1000  }
0x96: {  	[sflag:s0] =	ssyncset.done $0x0  }
0x97: {  	[sflag:s0] =	ssyncadd.s32 $0xFFFFF000  }
0x98: {  	_ =	swait.ge [sflag:s29], $0x1000  }
0x99: {  	[sflag:s29] =	ssyncset.done $0x0  }
0x9a: {  	s10 =	simm.s32 $0x4E40;
	s9 =	simm.s32 $0x40;
	[sflag:s29] =	ssyncadd.s32 $0xFFFFF000  }
0x9b: {  	[spmem:s3] =	stream.indirect.scatter.add.f32 [tilespmem:s6], [sflag:$0x2], $0x40, s10, s9, $0xb8;
	[tilespmem:$0x11680] =	vst v63  }
0x9c: {  	_ =	swait.ge [sflag:s0], $0x1000  }
0x9d: {  	[sflag:s0] =	ssyncset.done $0x0  }
0x9e: {  	s11 =	stileid.u32;
	[sflag:s0] =	ssyncadd.s32 $0xFFFFF000  }
0x9f: {  	s4 =	sshll.u32 s11, $0x6;
	[bflag:$0x0] =	sbarrier.arrive $0xFFFF  }
0xa0: {  	s30 =	sor.u32 $0x1C02, s4;
	s4 =	sshrl.u32 s8, $0x3;
	s12 =	rddreg [dreg:$0xd]  }
0xa1: {  	[hbm:s12], [sflag:s30] =	dma.local [spmem:s4], $0x1400  }
0xa2: {  	_ =	swait.ge [sflag:s0], $0x1400  }
0xa3: {  	[sflag:s0] =	ssyncset.done $0x0  }
0xa4: {  	[sflag:s0] =	ssyncadd.s32 $0xFFFFEC00  }
0xa5: {  	[spmem:s8] =	stream.linear.scatter [tilespmem:s2], [sflag:$0x2], $0x800, $0x38;
	[tilespmem:$0x11680] =	vst v63  }
0xa6: {  	_ =	swait.ge [sflag:s0], $0x800  }
0xa7: {  	[sflag:s0] =	ssyncset.done $0x0  }
0xa8: {  	[sflag:s0] =	ssyncadd.s32 $0xFFFFF800  }
0xa9: {  	[spmem:s15] =	stream.linear.scatter [tilespmem:s2], [sflag:$0x2], $0x800, $0x38;
	[tilespmem:$0x11680] =	vst v63  }
0xaa: {  	_ =	swait.ge [sflag:s0], $0x800  }
0xab: {  	[sflag:s0] =	ssyncset.done $0x0  }
0xac: {  	s13 =	rddreg [dreg:$0x6];
	[sflag:s0] =	ssyncadd.s32 $0xFFFFF800  }
0xad: {  	[spmem:s13] =	stream.linear.scatter [tilespmem:s2], [sflag:$0x2], $0x800, $0x38;
	[tilespmem:$0x11680] =	vst v63  }
0xae: {  	_ =	swait.ge [sflag:s0], $0x800  }
0xaf: {  	[sflag:s0] =	ssyncset.done $0x0  }
0xb0: {  	s16 =	smov.u32 s15;
	s15 =	rddreg [dreg:$0x7];
	[sflag:s0] =	ssyncadd.s32 $0xFFFFF800  }
0xb1: {  	[spmem:s15] =	stream.linear.scatter [tilespmem:s2], [sflag:$0x2], $0x800, $0x38;
	[tilespmem:$0x11680] =	vst v63  }
0xb2: {  	_ =	swait.ge [sflag:s0], $0x800  }
0xb3: {  	[sflag:s0] =	ssyncset.done $0x0  }
0xb4: {  	s11 =	rddreg [dreg:$0x8];
	[sflag:s0] =	ssyncadd.s32 $0xFFFFF800  }
0xb5: {  	[spmem:s11] =	stream.linear.scatter [tilespmem:s2], [sflag:$0x2], $0x800, $0x38;
	[tilespmem:$0x11680] =	vst v63  }
0xb6: {  	_ =	swait.ge [sflag:s0], $0x800  }
0xb7: {  	[sflag:s0] =	ssyncset.done $0x0  }
0xb8: {  	s12 =	rddreg [dreg:$0x9];
	[sflag:s0] =	ssyncadd.s32 $0xFFFFF800  }
0xb9: {  	[spmem:s12] =	stream.linear.scatter [tilespmem:s2], [sflag:$0x2], $0x800, $0x38;
	[tilespmem:$0x11680] =	vst v63  }
0xba: {  	_ =	swait.ge [sflag:s0], $0x800  }
0xbb: {  	[sflag:s0] =	ssyncset.done $0x0  }
0xbc: {  	s13 =	rddreg [dreg:$0xa];
	[sflag:s0] =	ssyncadd.s32 $0xFFFFF800  }
0xbd: {  	[spmem:s13] =	stream.linear.scatter [tilespmem:s2], [sflag:$0x2], $0x800, $0x38;
	[tilespmem:$0x11680] =	vst v63  }
0xbe: {  	_ =	swait.ge [sflag:s0], $0x800  }
0xbf: {  	[sflag:s0] =	ssyncset.done $0x0  }
0xc0: {  	s15 =	rddreg [dreg:$0xb];
	[sflag:s0] =	ssyncadd.s32 $0xFFFFF800  }
0xc1: {  	[spmem:s15] =	stream.linear.scatter [tilespmem:s2], [sflag:$0x2], $0x800, $0x38;
	[tilespmem:$0x11680] =	vst v63  }
0xc2: {  	_ =	swait.ge [sflag:s0], $0x800  }
0xc3: {  	[sflag:s0] =	ssyncset.done $0x0  }
0xc4: {  	s11 =	rddreg [dreg:$0xc];
	[sflag:s0] =	ssyncadd.s32 $0xFFFFF800  }
0xc5: {  	[spmem:s11] =	stream.linear.scatter [tilespmem:s2], [sflag:$0x2], $0x800, $0x38;
	[tilespmem:$0x11680] =	vst v63  }
0xc6: {  	_ =	swait.ge [sflag:s0], $0x800  }
0xc7: {  	[sflag:s0] =	ssyncset.done $0x0  }
0xc8: {  	[sflag:s0] =	ssyncadd.s32 $0xFFFFF800  }
0xc9: {  	[spmem:s17] =	stream.linear.scatter [tilespmem:s2], [sflag:$0x2], $0x800, $0x38;
	[tilespmem:$0x11680] =	vst v63  }
0xca: {  	_ =	swait.ge [sflag:s0], $0x800  }
0xcb: {  	[sflag:s0] =	ssyncset.done $0x0  }
0xcc: {  	[sflag:s0] =	ssyncadd.s32 $0xFFFFF800  }
0xcd: {  	[spmem:s18] =	stream.linear.scatter [tilespmem:s2], [sflag:$0x2], $0x800, $0x38;
	[tilespmem:$0x11680] =	vst v63  }
0xce: {  	_ =	swait.ge [sflag:s0], $0x800  }
0xcf: {  	[sflag:s0] =	ssyncset.done $0x0  }
0xd0: {  	[sflag:s0] =	ssyncadd.s32 $0xFFFFF800  }
0xd1: {  	[spmem:s19] =	stream.linear.scatter [tilespmem:s2], [sflag:$0x2], $0x800, $0x38;
	[tilespmem:$0x11680] =	vst v63  }
0xd2: {  	_ =	swait.ge [sflag:s0], $0x800  }
0xd3: {  	[sflag:s0] =	ssyncset.done $0x0  }
0xd4: {  	[sflag:s0] =	ssyncadd.s32 $0xFFFFF800  }
0xd5: {  	[spmem:s20] =	stream.linear.scatter [tilespmem:s2], [sflag:$0x2], $0x800, $0x38;
	[tilespmem:$0x11680] =	vst v63  }
0xd6: {  	_ =	swait.ge [sflag:s0], $0x800  }
0xd7: {  	[sflag:s0] =	ssyncset.done $0x0  }
0xd8: {  	[sflag:s0] =	ssyncadd.s32 $0xFFFFF800  }
0xd9: {  	[spmem:s21] =	stream.linear.scatter [tilespmem:s2], [sflag:$0x2], $0x800, $0x38;
	[tilespmem:$0x11680] =	vst v63  }
0xda: {  	_ =	swait.ge [sflag:s0], $0x800  }
0xdb: {  	[sflag:s0] =	ssyncset.done $0x0  }
0xdc: {  	[sflag:s0] =	ssyncadd.s32 $0xFFFFF800  }
0xdd: {  	[spmem:s22] =	stream.linear.scatter [tilespmem:s2], [sflag:$0x2], $0x800, $0x38;
	[tilespmem:$0x11680] =	vst v63  }
0xde: {  	_ =	swait.ge [sflag:s0], $0x800  }
0xdf: {  	[sflag:s0] =	ssyncset.done $0x0  }
0xe0: {  	[sflag:s0] =	ssyncadd.s32 $0xFFFFF800  }
0xe1: {  	[spmem:s23] =	stream.linear.scatter [tilespmem:s2], [sflag:$0x2], $0x800, $0x38;
	[tilespmem:$0x11680] =	vst v63  }
0xe2: {  	_ =	swait.ge [sflag:s0], $0x800  }
0xe3: {  	[sflag:s0] =	ssyncset.done $0x0  }
0xe4: {  	[sflag:s0] =	ssyncadd.s32 $0xFFFFF800  }
0xe5: {  	[spmem:s24] =	stream.linear.scatter [tilespmem:s2], [sflag:$0x2], $0x800, $0x38;
	[tilespmem:$0x11680] =	vst v63  }
0xe6: {  	_ =	swait.ge [sflag:s0], $0x800  }
0xe7: {  	[sflag:s0] =	ssyncset.done $0x0  }
0xe8: {  	[sflag:s0] =	ssyncadd.s32 $0xFFFFF800  }
0xe9: {  	[spmem:s25] =	stream.linear.scatter [tilespmem:s2], [sflag:$0x2], $0x800, $0x38;
	[tilespmem:$0x11680] =	vst v63  }
0xea: {  	_ =	swait.ge [sflag:s0], $0x800  }
0xeb: {  	[sflag:s0] =	ssyncset.done $0x0  }
0xec: {  	[sflag:s0] =	ssyncadd.s32 $0xFFFFF800  }
0xed: {  	[spmem:s26] =	stream.linear.scatter [tilespmem:s2], [sflag:$0x2], $0x800, $0x38;
	[tilespmem:$0x11680] =	vst v63  }
0xee: {  	_ =	swait.ge [sflag:s0], $0x800  }
0xef: {  	[sflag:s0] =	ssyncset.done $0x0  }
0xf0: {  	[sflag:s0] =	ssyncadd.s32 $0xFFFFF800  }
0xf1: {  	[spmem:s28] =	stream.linear.scatter [tilespmem:s2], [sflag:$0x2], $0x800, $0x38;
	[tilespmem:$0x11680] =	vst v63  }
0xf2: {  	_ =	swait.ge [sflag:s0], $0x800  }
0xf3: {  	s12 =	simm.s32 $0x4000;
	[sflag:s0] =	ssyncset.done $0x0  }
0xf4: {  	s10 =	sand.u32 $0x4000, s12;
	[sflag:s0] =	ssyncadd.s32 $0xFFFFF800  }
0xf5: {  	s10 =	sshrl.u32 s10, $0x2;
	s13 =	simm.s32 $0x0;
	[bflag:$0x0] =	sbarrier.arrive $0xFFFF  }
0xf6: {  	[tilespmem:s6], [sflag:$0x1] =	stream.indirect.gather [hbm4b:s5+s9], $0x40, s14, s9, $0xb8;
	[tilespmem:$0x11680] =	vst v63  }
0xf7: {  	s10 =	sor.u32 $0x4E80, s10;
	s11 =	sand.u32 $0x4000, s13  }
0xf8: {  	[tilespmem:s10], [sflag:$0x1] =	stream.indirect.gather [hbm4b:s5+s7], $0x40, s9, s7, $0xb8;
	[tilespmem:$0x11680] =	vst v63  }
0xf9: {  	s11 =	sshrl.u32 s11, $0x2;
	_ =	swait.ge [sflag:s29], $0x1000  }
0xfa: {  	s12 =	simm.s32 $0xC000;
	s11 =	sor.u32 $0x4E80, s11;
	[sflag:s29] =	ssyncset.done $0x0  }
0xfb: {  	s14 =	simm.s32 $0x2740;
	s9 =	simm.s32 $0x8000;
	[sflag:s29] =	ssyncadd.s32 $0xFFFFF000  }
0xfc: {  	[spmem:s3] =	stream.indirect.scatter.add.f32 [tilespmem:s11], [sflag:$0x2], $0x40, s14, s7, $0xb8;
	[tilespmem:$0x11680] =	vst v63  }
0xfd: {  	s10 =	simm.s32 $0x2780;
	s15 =	sand.u32 $0x4000, s9;
	_ =	swait.ge [sflag:s0], $0x1000  }
0xfe: {  	s13 =	sshrl.u32 s15, $0x2;
	s11 =	simm.s32 $0x80;
	[sflag:s0] =	ssyncset.done $0x0  }
.LBB2_6:
0xff: {  	s13 =	sor.u32 $0x4E80, s13;
	s14 =	sadd.s32 $0xFFFFC000, s9  }
0x100: {  	[sflag:s0] =	ssyncadd.s32 $0xFFFFF000;
	s9 =	smov.u32 s12;
	s15 =	sadd.s32 $0x4000, s12  }
0x101: {  	[tilespmem:s13], [sflag:$0x1] =	stream.indirect.gather [hbm4b:s5+s7], $0x40, s11, s7, $0xb8;
	[tilespmem:$0x11680] =	vst v63  }
0x102: {  	p0 =	sne.s32 s12, $0x270000;
	s13 =	sand.u32 $0x4000, s14;
	_ =	swait.ge [sflag:s29], $0x1000  }
.Ltmp2:
0x103: {  	s13 =	sshrl.u32 s13, $0x2;
	[sflag:s29] =	ssyncset.done $0x0;
	(pc) =	sbr.rel @p0 .LBB2_6-.Ltmp2, $4  }
0x104: {  	s11 =	sadd.s32 $0x40, s11;
	s12 =	sor.u32 $0x4E80, s13;
	[sflag:s29] =	ssyncadd.s32 $0xFFFFF000  }
0x105: {  	[spmem:s3] =	stream.indirect.scatter.add.f32 [tilespmem:s12], [sflag:$0x2], $0x40, s10, s7, $0xb8;
	[tilespmem:$0x11680] =	vst v63  }
0x106: {  	s12 =	sand.u32 $0x4000, s9;
	s10 =	sadd.s32 $0x40, s10;
	_ =	swait.ge [sflag:s0], $0x1000  }
0x107: {  	s13 =	sshrl.u32 s12, $0x2;
	s12 =	smov.u32 s15;
	[sflag:s0] =	ssyncset.done $0x0  }
0x108: {  	s12 =	sor.u32 $0x4E80, s13;
	s9 =	sadd.s32 $0xFFFFC000, s9;
	[sflag:s0] =	ssyncadd.s32 $0xFFFFF000  }
0x109: {  	[tilespmem:s12], [sflag:$0x1] =	stream.indirect.gather [hbm4b:s5+s7], $0x40, s11, s7, $0xb8;
	[tilespmem:$0x11680] =	vst v63  }
0x10a: {  	s9 =	sand.u32 $0x4000, s9;
	_ =	swait.ge [sflag:s29], $0x1000  }
0x10b: {  	s9 =	sshrl.u32 s9, $0x2;
	[sflag:s29] =	ssyncset.done $0x0  }
0x10c: {  	s9 =	sor.u32 $0x4E80, s9;
	[sflag:s29] =	ssyncadd.s32 $0xFFFFF000  }
0x10d: {  	[spmem:s3] =	stream.indirect.scatter.add.f32 [tilespmem:s9], [sflag:$0x2], $0x40, s10, s7, $0xb8;
	[tilespmem:$0x11680] =	vst v63  }
0x10e: {  	_ =	swait.ge [sflag:s0], $0x1000  }
0x10f: {  	[sflag:s0] =	ssyncset.done $0x0  }
0x110: {  	[sflag:s0] =	ssyncadd.s32 $0xFFFFF000  }
0x111: {  	_ =	swait.ge [sflag:s29], $0x1000  }
0x112: {  	[sflag:s29] =	ssyncset.done $0x0  }
0x113: {  	s14 =	simm.s32 $0x4E40;
	[sflag:s29] =	ssyncadd.s32 $0xFFFFF000  }
0x114: {  	[spmem:s3] =	stream.indirect.scatter.add.f32 [tilespmem:s6], [sflag:$0x2], $0x40, s14, s7, $0xb8;
	[tilespmem:$0x11680] =	vst v63  }
0x115: {  	_ =	swait.ge [sflag:s0], $0x1000  }
0x116: {  	[sflag:s0] =	ssyncset.done $0x0  }
0x117: {  	[sflag:s0] =	ssyncadd.s32 $0xFFFFF000  }
0x118: {  	[bflag:$0x0] =	sbarrier.arrive $0xFFFF  }
0x119: {  	s15 =	rddreg [dreg:$0xe]  }
0x11a: {  	[hbm:s15], [sflag:s30] =	dma.local [spmem:s4], $0x1400  }
0x11b: {  	_ =	swait.ge [sflag:s0], $0x1400  }
0x11c: {  	s31 =	sadd.s32 $0x1, s31;
	s30 =	rddreg [dreg:$0xf]  }
0x11d: {  	p0 =	sne.s32 s31, s30  }
.Ltmp3:
0x11e: {  	_ = 	snop;
	(pc) =	sbr.rel @p0 .LBB2_1-.Ltmp3, $3  }
0x11f: {  	_ =	sdelay $0x1  }
0x120: {  	[sflag:s0] =	ssyncset.done $0x0  }
0x121: {  	s14 =	simm.s32 $0x0;
	s15 =	smov.u32 s16;
	[sflag:s0] =	ssyncadd.s32 $0xFFFFEC00  }
0x122: {  	_ =	sfence.sel $0x180000  }
0x123: {  	[bflag:$0x0] =	sbarrier.arrive $0xFFFF  }
0x124: {  	_ =	strace $0x9000004A  }
0x125: {  	s0 =	stileid.u32;
	[bflag:$0x2] =	sbarrier.arrive $0xFFFF  }
0x126: {  	p0 =	sne.s32 s0, $0x0;
	s0 =	rddreg [dreg:$0x3]  }
0x127: {  	s0 =	sadd.s32 @!p0 $0x100000, s0  }
0x128: {  	[sflag:s0] =	ssyncadd.tile.s32 @!p0 $0x1;
	_ =	shalt  }
.Lfunc_end2:
_tile_overlayer_lowered:
.L_overlay_start_2:
0x129: {  	(tag) =	ssettag $0x2  }
0x12a: {  	s0 =	rddreg [dreg:$0x0];
	s2 =	stileid.u32  }
0x12b: {  	s1 =	rddreg [dreg:$0x1];
	p0 =	sne.s32 s2, $0x0  }
0x12c: {  	s3 =	rddreg [dreg:$0x2];
	[bflag:$0x3] =	sbarrier.arrive $0xFFFF;
	s2 =	simm.s32 @!p0 $0x1C02  }
0x12d: {  	[timem:s3], [sflag:s2] =	dma.local @!p0 [hbm:s0], s1  }
0x12e: {  	s0 =	simm.s32 @!p0 $0x2  }
0x12f: {  	_ =	swait.ge @!p0 [sflag:s0], s1  }
0x130: {  	s1 =	ssub.s32 @!p0 $0x0, s1;
	[sflag:s0] =	ssyncset.done @!p0 $0x0  }
0x131: {  	[sflag:s0] =	ssyncadd.s32 @!p0 s1  }
0x132: {  	[bflag:$0x3] =	sbarrier.arrive $0xFFFF  }
0x133: {  	_ =	shalt  }

</sc_bundles>
